<compile_context>
chip_gen: v7x
topology: tpu7x:2x2x1
jax: 0.10.2.dev20260603
libtpu: 0.0.44.dev20260713+nightly
codegen_flags: <defaults>
</compile_context>

<pallas_src>
import functools

import jax
import jax.numpy as jnp
from jax import lax
from jax.experimental import pallas as pl
from jax.experimental.pallas import tpu as pltpu
from jax.experimental.pallas import tpu_sc as plsc

N = 49152
E = 442368
C_IN = 128
C_OUT = 128
G = 16
EPS = 1e-5

NCH = 4
CW = C_IN // NCH
NC = 2
NS = 16
EPT = E // NS
BE = 512
NBLK = EPT // BE
RPT = N // NS

BN = 2048
NBN = N // BN


def _make_lap(src_mul, chunk_mul):
    mesh = plsc.VectorSubcoreMesh(core_axis_name="c", subcore_axis_name="s")

    @functools.partial(
        pl.kernel,
        out_type=jax.ShapeDtypeStruct((NCH * N, CW), jnp.float32),
        mesh=mesh,
        compiler_params=pltpu.CompilerParams(use_tc_tiling_on_sc=False),
        scratch_types=[
            pltpu.VMEM((BE,), jnp.int32),
            pltpu.VMEM((BE,), jnp.int32),
            pltpu.VMEM((BE // 128, 128), jnp.int32),
            pltpu.VMEM((BE,), jnp.float32),
            pltpu.VMEM((BE, CW), jnp.float32),
            pltpu.VMEM_SHARED((N, CW), jnp.float32),
            pltpu.SemaphoreType.DMA,
        ],
    )
    def lap(table, src, dst2, w, zeros, out,
            src_v, idx_v, dst_v, w_v, rows_v, acc, sem):
        c = lax.axis_index("c")
        s = lax.axis_index("s")
        for cc in range(NCH // NC):
            chunk = c * (NCH // NC) + cc
            off = chunk * chunk_mul
            pltpu.sync_copy(zeros, acc.at[pl.ds(s * RPT, RPT)])
            plsc.subcore_barrier()

            def blk(b, carry):
                base = s * EPT + b * BE
                pltpu.sync_copy(src.at[pl.ds(base, BE)], src_v)
                pltpu.sync_copy(dst2.at[pl.ds(s * (EPT // 128) + b * (BE // 128), BE // 128)], dst_v)
                pltpu.sync_copy(w.at[pl.ds(base, BE)], w_v)

                def idxg(g, carry2):
                    sl = pl.ds(g * 16, 16)
                    idx_v[sl] = src_v[sl] * src_mul + off
                    return carry2
                lax.fori_loop(0, BE // 16, idxg, 0)

                pltpu.async_copy(table.at[idx_v], rows_v, sem).wait()

                def sgrp(g, carry2):
                    w16 = w_v[pl.ds(g * 16, 16)]
                    for t in range(16):
                        e = g * 16 + t
                        wt = w16[t]
                        rows_v[e, pl.ds(0, 16)] = rows_v[e, pl.ds(0, 16)] * wt
                        rows_v[e, pl.ds(16, 16)] = rows_v[e, pl.ds(16, 16)] * wt
                    return carry2
                lax.fori_loop(0, BE // 16, sgrp, 0)

                for j in range(BE // 128):
                    pltpu.sync_copy(rows_v.at[pl.ds(j * 128, 128)],
                                    acc.at[dst_v.at[j]], add=True)
                return carry
            lax.fori_loop(0, NBLK, blk, 0)
            plsc.subcore_barrier()
            pltpu.sync_copy(acc.at[pl.ds(s * RPT, RPT)],
                            out.at[pl.ds(chunk * N + s * RPT, RPT)])
            plsc.subcore_barrier()

    return lap


_lap1 = _make_lap(NCH, 1)
_lap2 = _make_lap(1, N)


def _mm_body(x_ref, y1_ref, z_ref, wx_ref, w1_ref, w2_ref, b_ref,
             y_ref, sum_ref, ssq_ref):
    i = pl.program_id(0)
    acc = jnp.dot(x_ref[...], wx_ref[...], preferred_element_type=jnp.float32)
    for cidx in range(NCH):
        acc += jnp.dot(y1_ref[cidx], w1_ref[cidx],
                       preferred_element_type=jnp.float32)
        acc += jnp.dot(z_ref[cidx], w2_ref[cidx],
                       preferred_element_type=jnp.float32)
    acc += b_ref[...]
    y_ref[...] = acc

    @pl.when(i == 0)
    def _():
        sum_ref[...] = jnp.zeros_like(sum_ref)
        ssq_ref[...] = jnp.zeros_like(ssq_ref)

    sum_ref[...] += jnp.sum(acc, axis=0, keepdims=True)
    ssq_ref[...] += jnp.sum(acc * acc, axis=0, keepdims=True)


def _gn_body(y_ref, sum_ref, ssq_ref, gamma_ref, beta_ref, o_ref):
    cnt = jnp.float32(N * (C_OUT // G))
    ii = lax.broadcasted_iota(jnp.int32, (C_OUT, C_OUT), 0) // (C_OUT // G)
    jj = lax.broadcasted_iota(jnp.int32, (C_OUT, C_OUT), 1) // (C_OUT // G)
    m = (ii == jj).astype(jnp.float32)
    gs = jnp.dot(sum_ref[...], m, preferred_element_type=jnp.float32)
    gq = jnp.dot(ssq_ref[...], m, preferred_element_type=jnp.float32)
    mean = gs / cnt
    var = gq / cnt - mean * mean
    rstd = lax.rsqrt(var + EPS)
    scale = rstd * gamma_ref[...]
    shift = beta_ref[...] - mean * scale
    o_ref[...] = jnp.maximum(y_ref[...] * scale + shift, 0.0)


def kernel(x, edge_index, edge_weight, W, b, gamma, beta):
    src = edge_index[0]
    dst2 = edge_index[1].reshape(E // 128, 128)
    zeros = jnp.zeros((RPT, CW), jnp.float32)

    x2d = x.reshape(N * NCH, CW)
    y1ch = _lap1(x2d, src, dst2, edge_weight, zeros)
    zch = _lap2(y1ch, src, dst2, edge_weight, zeros)

    w0, w1, w2 = W[:C_IN], W[C_IN:2 * C_IN], W[2 * C_IN:]
    wx = w0 - w2
    w1c = w1.reshape(NCH, CW, C_OUT)
    w2c = (2.0 * w2).reshape(NCH, CW, C_OUT)

    y_raw, ssum, ssq = pl.pallas_call(
        _mm_body,
        grid=(NBN,),
        in_specs=[
            pl.BlockSpec((BN, C_IN), lambda i: (i, 0)),
            pl.BlockSpec((NCH, BN, CW), lambda i: (0, i, 0)),
            pl.BlockSpec((NCH, BN, CW), lambda i: (0, i, 0)),
            pl.BlockSpec((C_IN, C_OUT), lambda i: (0, 0)),
            pl.BlockSpec((NCH, CW, C_OUT), lambda i: (0, 0, 0)),
            pl.BlockSpec((NCH, CW, C_OUT), lambda i: (0, 0, 0)),
            pl.BlockSpec((1, C_OUT), lambda i: (0, 0)),
        ],
        out_specs=[
            pl.BlockSpec((BN, C_OUT), lambda i: (i, 0)),
            pl.BlockSpec((1, C_OUT), lambda i: (0, 0)),
            pl.BlockSpec((1, C_OUT), lambda i: (0, 0)),
        ],
        out_shape=[
            jax.ShapeDtypeStruct((N, C_OUT), jnp.float32),
            jax.ShapeDtypeStruct((1, C_OUT), jnp.float32),
            jax.ShapeDtypeStruct((1, C_OUT), jnp.float32),
        ],
    )(x.reshape(N, C_IN), y1ch.reshape(NCH, N, CW), zch.reshape(NCH, N, CW),
      wx, w1c, w2c, b.reshape(1, C_OUT))

    out = pl.pallas_call(
        _gn_body,
        grid=(NBN,),
        in_specs=[
            pl.BlockSpec((BN, C_OUT), lambda i: (i, 0)),
            pl.BlockSpec((1, C_OUT), lambda i: (0, 0)),
            pl.BlockSpec((1, C_OUT), lambda i: (0, 0)),
            pl.BlockSpec((1, C_OUT), lambda i: (0, 0)),
            pl.BlockSpec((1, C_OUT), lambda i: (0, 0)),
        ],
        out_specs=pl.BlockSpec((BN, C_OUT), lambda i: (i, 0)),
        out_shape=jax.ShapeDtypeStruct((N, C_OUT), jnp.float32),
    )(y_raw, ssum, ssq, gamma.reshape(1, C_OUT), beta.reshape(1, C_OUT))

    return out.reshape(1, N, C_OUT)

# --- scband reference (transcript-rebuilt; emitter-appended) ---
"""Pipeline reference for scband-graph-conv-block-63702954934344 (READ-ONLY COPY).

The authoritative reference and input builder live on the scoring server;
editing this copy changes nothing except your own understanding.
"""

import jax, jax.numpy as jnp
import numpy as np

B = 1
N = 49152
E = 442368
C_IN = 128
C_OUT = 128
K = 3
G = 16
EPS = 1e-5


def setup_inputs(seed: int = 0) -> dict:
    key = jax.random.key(seed)
    k1, k2, k3, k4 = jax.random.split(key, 4)
    x = jax.random.normal(k1, (B, N, C_IN), dtype=jnp.float32)
    edge_index = jax.random.randint(k2, (2, E), 0, N, dtype=jnp.int32)
    # laplacian edge weights (rescaled laplacian entries, roughly in [-1/9, 1/9])
    edge_weight = (jax.random.uniform(k3, (E,), dtype=jnp.float32) * 2.0 - 1.0) / 9.0
    # learned params of SphericalChebConv (weight [K*Cin, Cout], bias [Cout])
    W = jax.random.normal(k4, (K * C_IN, C_OUT), dtype=jnp.float32) * (1.0 / np.sqrt(K * C_IN))
    b = jnp.zeros((C_OUT,), dtype=jnp.float32)
    # GroupNorm affine params
    gamma = jnp.ones((C_OUT,), dtype=jnp.float32)
    beta = jnp.zeros((C_OUT,), dtype=jnp.float32)
    return {"x": x, "edge_index": edge_index, "edge_weight": edge_weight,
            "W": W, "b": b, "gamma": gamma, "beta": beta}


def _lap_matmul(x, edge_index, edge_weight):
    # sparse L @ x for batched x [B, N, C] : gather src rows, scale, scatter-add to dst
    src = edge_index[0]
    dst = edge_index[1]
    gathered = jnp.take(x, src, axis=1) * edge_weight[None, :, None]
    return jnp.zeros_like(x).at[:, dst, :].add(gathered)


def _group_norm(y, gamma, beta):
    # y: [B, N, C]; GroupNorm over (channels-in-group, N) per sample
    yt = jnp.transpose(y, (0, 2, 1))  # [B, C, N]
    yg = yt.reshape(B, G, (C_OUT // G) * N)
    mean = jnp.mean(yg, axis=-1, keepdims=True)
    var = jnp.var(yg, axis=-1, keepdims=True)
    yn = (yg - mean) / jnp.sqrt(var + EPS)
    yn = yn.reshape(B, C_OUT, N)
    yn = yn * gamma[None, :, None] + beta[None, :, None]
    return jnp.transpose(yn, (0, 2, 1))


def reference(x, edge_index, edge_weight, W, b, gamma, beta):
    # Chebyshev recurrence: T0 = x, T1 = L x, Tk = 2 L T_{k-1} - T_{k-2}
    x0 = x
    x1 = _lap_matmul(x0, edge_index, edge_weight)
    terms = [x0, x1]
    for _ in range(2, K):
        terms.append(2.0 * _lap_matmul(terms[-1], edge_index, edge_weight) - terms[-2])
    xc = jnp.concatenate(terms, axis=-1)  # [B, N, K*C_IN]
    y = xc @ W + b  # [B, N, C_OUT]
    y = _group_norm(y, gamma, beta)
    return jax.nn.relu(y)

if __name__ == "__main__":
    import jax
    _d = setup_inputs()
    print(jax.jit(kernel)(*tuple(_d.values())))

</pallas_src>

<mosaic_0001>
#map = affine_map<(d0, d1) -> (0, 0)>
#map1 = affine_map<(d0, d1) -> (0)>
module attributes {stable_mosaic.version = 14 : i64} {
  func.func @lap(%arg0: i32, %arg1: i32, %arg2: memref<196608x32xf32, #tpu.memory_space<hbm>>, %arg3: memref<442368xi32, #tpu.memory_space<hbm>>, %arg4: memref<3456x128xi32, #tpu.memory_space<hbm>>, %arg5: memref<442368xf32, #tpu.memory_space<hbm>>, %arg6: memref<3072x32xf32, #tpu.memory_space<hbm>>, %arg7: memref<196608x32xf32, #tpu.memory_space<hbm>>, %arg8: memref<512xi32, #tpu.memory_space<vmem>>, %arg9: memref<512xi32, #tpu.memory_space<vmem>>, %arg10: memref<4x128xi32, #tpu.memory_space<vmem>>, %arg11: memref<512xf32, #tpu.memory_space<vmem>>, %arg12: memref<512x32xf32, #tpu.memory_space<vmem>>, %arg13: memref<49152x32xf32, #tpu.memory_space<vmem_shared>>, %arg14: memref<!tpu.dma_semaphore, #tpu.memory_space<semaphore_mem>>) attributes {dimension_semantics = [#tpu.dimension_semantics<core_parallel>, #tpu.dimension_semantics<subcore_parallel>], iteration_bounds = array<i64: 2, 16>, scalar_prefetch = 0 : i64, scratch_operands = 7 : i64, tpu.core_type = #tpu.core_type<sc_vector_subcore>, window_params = [{transform_indices = #map}, {transform_indices = #map1}, {transform_indices = #map}, {transform_indices = #map1}, {transform_indices = #map}, {transform_indices = #map}]} {
    %mul3A = arith.constant 2 : i32
    %mul3A_0 = arith.muli %arg0, %mul3A : i32
    %add3A = arith.constant 0 : i32
    %add3A_1 = arith.addi %mul3A_0, %add3A : i32
    %mul3A_2 = arith.constant 1 : i32
    %mul3A_3 = arith.muli %add3A_1, %mul3A_2 : i32
    %mul3A_4 = arith.constant 3072 : i32
    %mul3A_5 = arith.muli %arg1, %mul3A_4 : i32
    "tpu.region"() ({
      %run_scoped3A = tpu.sem_alloc : memref<!tpu.dma_semaphore, #tpu.memory_space<semaphore_mem>>
      %dma_start3A = arith.constant 0 : i32
      %dma_start3A_44 = tpu.memref_slice %arg13[%mul3A_5, %dma_start3A] : memref<49152x32xf32, #tpu.memory_space<vmem_shared>> -> memref<3072x32xf32, #tpu.memory_space<vmem_shared>>
      tpu.enqueue_dma source(%arg6 : memref<3072x32xf32, #tpu.memory_space<hbm>>) target(%dma_start3A_44 : memref<3072x32xf32, #tpu.memory_space<vmem_shared>>) target_semaphore(%run_scoped3A : memref<!tpu.dma_semaphore, #tpu.memory_space<semaphore_mem>>)
      %dma_wait3A = arith.constant 0 : i32
      %dma_wait3A_45 = tpu.memref_slice %arg13[%mul3A_5, %dma_wait3A] : memref<49152x32xf32, #tpu.memory_space<vmem_shared>> -> memref<3072x32xf32, #tpu.memory_space<vmem_shared>>
      tpu.wait_dma2 semaphore(%run_scoped3A : memref<!tpu.dma_semaphore, #tpu.memory_space<semaphore_mem>>) src(%arg6 : memref<3072x32xf32, #tpu.memory_space<hbm>>) dst(%dma_wait3A_45 : memref<3072x32xf32, #tpu.memory_space<vmem_shared>>)
      tpu.yield
    }) : () -> ()
    %barrier3A = arith.constant 0 : index
    tpu.barrier barrier_id(%barrier3A)
    %scan3A = arith.constant 0 : i32
    %scan3A_6 = arith.constant 0 : i32
    %scan3A_7 = arith.constant 54 : i32
    %scan3A_8 = arith.addi %scan3A_6, %scan3A_7 : i32
    %scan3A_9 = arith.constant 1 : i32
    scf.for %scan3A_44 = %scan3A_6 to %scan3A_8 step %scan3A_9  : i32 {
      %mul3A_45 = arith.constant 27648 : i32
      %mul3A_46 = arith.muli %arg1, %mul3A_45 : i32
      %mul3A_47 = arith.constant 512 : i32
      %mul3A_48 = arith.muli %scan3A_44, %mul3A_47 : i32
      %add3A_49 = arith.addi %mul3A_46, %mul3A_48 : i32
      "tpu.region"() ({
        %run_scoped3A_74 = tpu.sem_alloc : memref<!tpu.dma_semaphore, #tpu.memory_space<semaphore_mem>>
        %dma_start3A_75 = tpu.memref_slice %arg3[%add3A_49] : memref<442368xi32, #tpu.memory_space<hbm>> -> memref<512xi32, #tpu.memory_space<hbm>>
        %dma_start3A_76 = tpu.memref_slice %arg3[%add3A_49] : memref<442368xi32, #tpu.memory_space<hbm>> -> memref<512xi32, #tpu.memory_space<hbm>>
        tpu.enqueue_dma source(%dma_start3A_76 : memref<512xi32, #tpu.memory_space<hbm>>) target(%arg8 : memref<512xi32, #tpu.memory_space<vmem>>) target_semaphore(%run_scoped3A_74 : memref<!tpu.dma_semaphore, #tpu.memory_space<semaphore_mem>>)
        %dma_wait3A_77 = tpu.memref_slice %arg3[%add3A_49] : memref<442368xi32, #tpu.memory_space<hbm>> -> memref<512xi32, #tpu.memory_space<hbm>>
        %dma_wait3A_78 = tpu.memref_slice %arg3[%add3A_49] : memref<442368xi32, #tpu.memory_space<hbm>> -> memref<512xi32, #tpu.memory_space<hbm>>
        tpu.wait_dma2 semaphore(%run_scoped3A_74 : memref<!tpu.dma_semaphore, #tpu.memory_space<semaphore_mem>>) src(%dma_wait3A_78 : memref<512xi32, #tpu.memory_space<hbm>>) dst(%arg8 : memref<512xi32, #tpu.memory_space<vmem>>)
        tpu.yield
      }) : () -> ()
      %mul3A_50 = arith.constant 216 : i32
      %mul3A_51 = arith.muli %arg1, %mul3A_50 : i32
      %mul3A_52 = arith.constant 4 : i32
      %mul3A_53 = arith.muli %scan3A_44, %mul3A_52 : i32
      %add3A_54 = arith.addi %mul3A_51, %mul3A_53 : i32
      "tpu.region"() ({
        %run_scoped3A_74 = tpu.sem_alloc : memref<!tpu.dma_semaphore, #tpu.memory_space<semaphore_mem>>
        %dma_start3A_75 = arith.constant 0 : i32
        %dma_start3A_76 = tpu.memref_slice %arg4[%add3A_54, %dma_start3A_75] : memref<3456x128xi32, #tpu.memory_space<hbm>> -> memref<4x128xi32, #tpu.memory_space<hbm>>
        %dma_start3A_77 = arith.constant 0 : i32
        %dma_start3A_78 = tpu.memref_slice %arg4[%add3A_54, %dma_start3A_77] : memref<3456x128xi32, #tpu.memory_space<hbm>> -> memref<4x128xi32, #tpu.memory_space<hbm>>
        tpu.enqueue_dma source(%dma_start3A_78 : memref<4x128xi32, #tpu.memory_space<hbm>>) target(%arg10 : memref<4x128xi32, #tpu.memory_space<vmem>>) target_semaphore(%run_scoped3A_74 : memref<!tpu.dma_semaphore, #tpu.memory_space<semaphore_mem>>)
        %dma_wait3A_79 = arith.constant 0 : i32
        %dma_wait3A_80 = tpu.memref_slice %arg4[%add3A_54, %dma_wait3A_79] : memref<3456x128xi32, #tpu.memory_space<hbm>> -> memref<4x128xi32, #tpu.memory_space<hbm>>
        %dma_wait3A_81 = arith.constant 0 : i32
        %dma_wait3A_82 = tpu.memref_slice %arg4[%add3A_54, %dma_wait3A_81] : memref<3456x128xi32, #tpu.memory_space<hbm>> -> memref<4x128xi32, #tpu.memory_space<hbm>>
        tpu.wait_dma2 semaphore(%run_scoped3A_74 : memref<!tpu.dma_semaphore, #tpu.memory_space<semaphore_mem>>) src(%dma_wait3A_82 : memref<4x128xi32, #tpu.memory_space<hbm>>) dst(%arg10 : memref<4x128xi32, #tpu.memory_space<vmem>>)
        tpu.yield
      }) : () -> ()
      "tpu.region"() ({
        %run_scoped3A_74 = tpu.sem_alloc : memref<!tpu.dma_semaphore, #tpu.memory_space<semaphore_mem>>
        %dma_start3A_75 = tpu.memref_slice %arg5[%add3A_49] : memref<442368xf32, #tpu.memory_space<hbm>> -> memref<512xf32, #tpu.memory_space<hbm>>
        %dma_start3A_76 = tpu.memref_slice %arg5[%add3A_49] : memref<442368xf32, #tpu.memory_space<hbm>> -> memref<512xf32, #tpu.memory_space<hbm>>
        tpu.enqueue_dma source(%dma_start3A_76 : memref<512xf32, #tpu.memory_space<hbm>>) target(%arg11 : memref<512xf32, #tpu.memory_space<vmem>>) target_semaphore(%run_scoped3A_74 : memref<!tpu.dma_semaphore, #tpu.memory_space<semaphore_mem>>)
        %dma_wait3A_77 = tpu.memref_slice %arg5[%add3A_49] : memref<442368xf32, #tpu.memory_space<hbm>> -> memref<512xf32, #tpu.memory_space<hbm>>
        %dma_wait3A_78 = tpu.memref_slice %arg5[%add3A_49] : memref<442368xf32, #tpu.memory_space<hbm>> -> memref<512xf32, #tpu.memory_space<hbm>>
        tpu.wait_dma2 semaphore(%run_scoped3A_74 : memref<!tpu.dma_semaphore, #tpu.memory_space<semaphore_mem>>) src(%dma_wait3A_78 : memref<512xf32, #tpu.memory_space<hbm>>) dst(%arg11 : memref<512xf32, #tpu.memory_space<vmem>>)
        tpu.yield
      }) : () -> ()
      %scan3A_55 = arith.constant 0 : i32
      %scan3A_56 = arith.constant 0 : i32
      %scan3A_57 = arith.constant 32 : i32
      %scan3A_58 = arith.addi %scan3A_56, %scan3A_57 : i32
      %scan3A_59 = arith.constant 1 : i32
      scf.for %scan3A_74 = %scan3A_56 to %scan3A_58 step %scan3A_59  : i32 {
        %mul3A_75 = arith.constant 16 : i32
        %mul3A_76 = arith.muli %scan3A_74, %mul3A_75 : i32
        %get3A = arith.index_cast %mul3A_76 : i32 to index
        %get3A_77 = tpu.vector_load %arg8[%get3A] {strides = array<i32>} : memref<512xi32, #tpu.memory_space<vmem>>, vector<16xi32>,
        %get3A_78 = vector.shape_cast %get3A_77 : vector<16xi32> to vector<16xi32>
        %mul3A_79 = arith.constant 4 : i32
        %mul3A_80 = vector.broadcast %mul3A_79 : i32 to vector<16xi32>
        %mul3A_81 = arith.muli %get3A_78, %mul3A_80 : vector<16xi32>
        %add3A_82 = vector.broadcast %mul3A_3 : i32 to vector<16xi32>
        %add3A_83 = arith.addi %mul3A_81, %add3A_82 : vector<16xi32>
        %swap3A = arith.index_cast %mul3A_76 : i32 to index
        %swap3A_84 = tpu.vector_load %arg9[%swap3A] {strides = array<i32>} : memref<512xi32, #tpu.memory_space<vmem>>, vector<16xi32>,
        %swap3A_85 = vector.shape_cast %swap3A_84 : vector<16xi32> to vector<16xi32>
        %swap3A_86 = vector.shape_cast %add3A_83 : vector<16xi32> to vector<16xi32>
        tpu.vector_store %arg9[%swap3A], %swap3A_86 {strides = array<i32>} : memref<512xi32, #tpu.memory_space<vmem>>, vector<16xi32>,
      }
      %scan3A_60 = arith.constant 32 : i32
      %dma_start3A = arith.constant 0 : i32
      %dma_start3A_61 = arith.constant 0 : i32
      %dma_start3A_62 = tpu.memref_slice %arg2[%dma_start3A, %dma_start3A_61] : memref<196608x32xf32, #tpu.memory_space<hbm>> -> memref<196608x32xf32, #tpu.memory_space<hbm>>
      tpu.enqueue_indirect_dma source(%dma_start3A_62 : memref<196608x32xf32, #tpu.memory_space<hbm>>) target(%arg12 : memref<512x32xf32, #tpu.memory_space<vmem>>) offsets(%arg9 : memref<512xi32, #tpu.memory_space<vmem>>) semaphore(%arg14 : memref<!tpu.dma_semaphore, #tpu.memory_space<semaphore_mem>>)
      %dma_wait3A = arith.constant 0 : i32
      %dma_wait3A_63 = arith.constant 0 : i32
      %dma_wait3A_64 = tpu.memref_slice %arg2[%dma_wait3A, %dma_wait3A_63] : memref<196608x32xf32, #tpu.memory_space<hbm>> -> memref<196608x32xf32, #tpu.memory_space<hbm>>
      tpu.wait_indirect_dma semaphore(%arg14 : memref<!tpu.dma_semaphore, #tpu.memory_space<semaphore_mem>>) src(%dma_wait3A_64 : memref<196608x32xf32, #tpu.memory_space<hbm>>) dst(%arg12 : memref<512x32xf32, #tpu.memory_space<vmem>>)
      %scan3A_65 = arith.constant 0 : i32
      %scan3A_66 = arith.constant 0 : i32
      %scan3A_67 = arith.constant 32 : i32
      %scan3A_68 = arith.addi %scan3A_66, %scan3A_67 : i32
      %scan3A_69 = arith.constant 1 : i32
      scf.for %scan3A_74 = %scan3A_66 to %scan3A_68 step %scan3A_69  : i32 {
        %mul3A_75 = arith.constant 16 : i32
        %mul3A_76 = arith.muli %scan3A_74, %mul3A_75 : i32
        %get3A = arith.index_cast %mul3A_76 : i32 to index
        %get3A_77 = tpu.vector_load %arg11[%get3A] {strides = array<i32>} : memref<512xf32, #tpu.memory_space<vmem>>, vector<16xf32>,
        %get3A_78 = vector.shape_cast %get3A_77 : vector<16xf32> to vector<16xf32>
        %mul3A_79 = arith.constant 16 : i32
        %mul3A_80 = arith.muli %scan3A_74, %mul3A_79 : i32
        %add3A_81 = arith.constant 0 : i32
        %add3A_82 = arith.addi %mul3A_80, %add3A_81 : i32
        %slice3A = vector.extract_strided_slice %get3A_78 {offsets = [0], sizes = [1], strides = [1]} : vector<16xf32> to vector<1xf32>
        %squeeze3A = vector.extract %slice3A[0] : f32 from vector<1xf32>
        %get3A_83 = arith.index_cast %add3A_82 : i32 to index
        %get3A_84 = arith.constant 0 : index
        %get3A_85 = tpu.vector_load %arg12[%get3A_83, %get3A_84] {strides = array<i32>} : memref<512x32xf32, #tpu.memory_space<vmem>>, vector<1x16xf32>,
        %get3A_86 = vector.shape_cast %get3A_85 : vector<1x16xf32> to vector<16xf32>
        %mul3A_87 = vector.broadcast %squeeze3A : f32 to vector<16xf32>
        %mul3A_88 = arith.mulf %get3A_86, %mul3A_87 : vector<16xf32>
        %swap3A = arith.index_cast %add3A_82 : i32 to index
        %swap3A_89 = arith.constant 0 : index
        %swap3A_90 = tpu.vector_load %arg12[%swap3A, %swap3A_89] {strides = array<i32>} : memref<512x32xf32, #tpu.memory_space<vmem>>, vector<1x16xf32>,
        %swap3A_91 = vector.shape_cast %swap3A_90 : vector<1x16xf32> to vector<16xf32>
        %swap3A_92 = vector.shape_cast %mul3A_88 : vector<16xf32> to vector<1x16xf32>
        tpu.vector_store %arg12[%swap3A, %swap3A_89], %swap3A_92 {strides = array<i32>} : memref<512x32xf32, #tpu.memory_space<vmem>>, vector<1x16xf32>,
        %get3A_93 = arith.index_cast %add3A_82 : i32 to index
        %get3A_94 = arith.constant 16 : index
        %get3A_95 = tpu.vector_load %arg12[%get3A_93, %get3A_94] {strides = array<i32>} : memref<512x32xf32, #tpu.memory_space<vmem>>, vector<1x16xf32>,
        %get3A_96 = vector.shape_cast %get3A_95 : vector<1x16xf32> to vector<16xf32>
        %mul3A_97 = vector.broadcast %squeeze3A : f32 to vector<16xf32>
        %mul3A_98 = arith.mulf %get3A_96, %mul3A_97 : vector<16xf32>
        %swap3A_99 = arith.index_cast %add3A_82 : i32 to index
        %swap3A_100 = arith.constant 16 : index
        %swap3A_101 = tpu.vector_load %arg12[%swap3A_99, %swap3A_100] {strides = array<i32>} : memref<512x32xf32, #tpu.memory_space<vmem>>, vector<1x16xf32>,
        %swap3A_102 = vector.shape_cast %swap3A_101 : vector<1x16xf32> to vector<16xf32>
        %swap3A_103 = vector.shape_cast %mul3A_98 : vector<16xf32> to vector<1x16xf32>
        tpu.vector_store %arg12[%swap3A_99, %swap3A_100], %swap3A_103 {strides = array<i32>} : memref<512x32xf32, #tpu.memory_space<vmem>>, vector<1x16xf32>,
        %mul3A_104 = arith.constant 16 : i32
        %mul3A_105 = arith.muli %scan3A_74, %mul3A_104 : i32
        %add3A_106 = arith.constant 1 : i32
        %add3A_107 = arith.addi %mul3A_105, %add3A_106 : i32
        %slice3A_108 = vector.extract_strided_slice %get3A_78 {offsets = [1], sizes = [1], strides = [1]} : vector<16xf32> to vector<1xf32>
        %squeeze3A_109 = vector.extract %slice3A_108[0] : f32 from vector<1xf32>
        %get3A_110 = arith.index_cast %add3A_107 : i32 to index
        %get3A_111 = arith.constant 0 : index
        %get3A_112 = tpu.vector_load %arg12[%get3A_110, %get3A_111] {strides = array<i32>} : memref<512x32xf32, #tpu.memory_space<vmem>>, vector<1x16xf32>,
        %get3A_113 = vector.shape_cast %get3A_112 : vector<1x16xf32> to vector<16xf32>
        %mul3A_114 = vector.broadcast %squeeze3A_109 : f32 to vector<16xf32>
        %mul3A_115 = arith.mulf %get3A_113, %mul3A_114 : vector<16xf32>
        %swap3A_116 = arith.index_cast %add3A_107 : i32 to index
        %swap3A_117 = arith.constant 0 : index
        %swap3A_118 = tpu.vector_load %arg12[%swap3A_116, %swap3A_117] {strides = array<i32>} : memref<512x32xf32, #tpu.memory_space<vmem>>, vector<1x16xf32>,
        %swap3A_119 = vector.shape_cast %swap3A_118 : vector<1x16xf32> to vector<16xf32>
        %swap3A_120 = vector.shape_cast %mul3A_115 : vector<16xf32> to vector<1x16xf32>
        tpu.vector_store %arg12[%swap3A_116, %swap3A_117], %swap3A_120 {strides = array<i32>} : memref<512x32xf32, #tpu.memory_space<vmem>>, vector<1x16xf32>,
        %get3A_121 = arith.index_cast %add3A_107 : i32 to index
        %get3A_122 = arith.constant 16 : index
        %get3A_123 = tpu.vector_load %arg12[%get3A_121, %get3A_122] {strides = array<i32>} : memref<512x32xf32, #tpu.memory_space<vmem>>, vector<1x16xf32>,
        %get3A_124 = vector.shape_cast %get3A_123 : vector<1x16xf32> to vector<16xf32>
        %mul3A_125 = vector.broadcast %squeeze3A_109 : f32 to vector<16xf32>
        %mul3A_126 = arith.mulf %get3A_124, %mul3A_125 : vector<16xf32>
        %swap3A_127 = arith.index_cast %add3A_107 : i32 to index
        %swap3A_128 = arith.constant 16 : index
        %swap3A_129 = tpu.vector_load %arg12[%swap3A_127, %swap3A_128] {strides = array<i32>} : memref<512x32xf32, #tpu.memory_space<vmem>>, vector<1x16xf32>,
        %swap3A_130 = vector.shape_cast %swap3A_129 : vector<1x16xf32> to vector<16xf32>
        %swap3A_131 = vector.shape_cast %mul3A_126 : vector<16xf32> to vector<1x16xf32>
        tpu.vector_store %arg12[%swap3A_127, %swap3A_128], %swap3A_131 {strides = array<i32>} : memref<512x32xf32, #tpu.memory_space<vmem>>, vector<1x16xf32>,
        %mul3A_132 = arith.constant 16 : i32
        %mul3A_133 = arith.muli %scan3A_74, %mul3A_132 : i32
        %add3A_134 = arith.constant 2 : i32
        %add3A_135 = arith.addi %mul3A_133, %add3A_134 : i32
        %slice3A_136 = vector.extract_strided_slice %get3A_78 {offsets = [2], sizes = [1], strides = [1]} : vector<16xf32> to vector<1xf32>
        %squeeze3A_137 = vector.extract %slice3A_136[0] : f32 from vector<1xf32>
        %get3A_138 = arith.index_cast %add3A_135 : i32 to index
        %get3A_139 = arith.constant 0 : index
        %get3A_140 = tpu.vector_load %arg12[%get3A_138, %get3A_139] {strides = array<i32>} : memref<512x32xf32, #tpu.memory_space<vmem>>, vector<1x16xf32>,
        %get3A_141 = vector.shape_cast %get3A_140 : vector<1x16xf32> to vector<16xf32>
        %mul3A_142 = vector.broadcast %squeeze3A_137 : f32 to vector<16xf32>
        %mul3A_143 = arith.mulf %get3A_141, %mul3A_142 : vector<16xf32>
        %swap3A_144 = arith.index_cast %add3A_135 : i32 to index
        %swap3A_145 = arith.constant 0 : index
        %swap3A_146 = tpu.vector_load %arg12[%swap3A_144, %swap3A_145] {strides = array<i32>} : memref<512x32xf32, #tpu.memory_space<vmem>>, vector<1x16xf32>,
        %swap3A_147 = vector.shape_cast %swap3A_146 : vector<1x16xf32> to vector<16xf32>
        %swap3A_148 = vector.shape_cast %mul3A_143 : vector<16xf32> to vector<1x16xf32>
        tpu.vector_store %arg12[%swap3A_144, %swap3A_145], %swap3A_148 {strides = array<i32>} : memref<512x32xf32, #tpu.memory_space<vmem>>, vector<1x16xf32>,
        %get3A_149 = arith.index_cast %add3A_135 : i32 to index
        %get3A_150 = arith.constant 16 : index
        %get3A_151 = tpu.vector_load %arg12[%get3A_149, %get3A_150] {strides = array<i32>} : memref<512x32xf32, #tpu.memory_space<vmem>>, vector<1x16xf32>,
        %get3A_152 = vector.shape_cast %get3A_151 : vector<1x16xf32> to vector<16xf32>
        %mul3A_153 = vector.broadcast %squeeze3A_137 : f32 to vector<16xf32>
        %mul3A_154 = arith.mulf %get3A_152, %mul3A_153 : vector<16xf32>
        %swap3A_155 = arith.index_cast %add3A_135 : i32 to index
        %swap3A_156 = arith.constant 16 : index
        %swap3A_157 = tpu.vector_load %arg12[%swap3A_155, %swap3A_156] {strides = array<i32>} : memref<512x32xf32, #tpu.memory_space<vmem>>, vector<1x16xf32>,
        %swap3A_158 = vector.shape_cast %swap3A_157 : vector<1x16xf32> to vector<16xf32>
        %swap3A_159 = vector.shape_cast %mul3A_154 : vector<16xf32> to vector<1x16xf32>
        tpu.vector_store %arg12[%swap3A_155, %swap3A_156], %swap3A_159 {strides = array<i32>} : memref<512x32xf32, #tpu.memory_space<vmem>>, vector<1x16xf32>,
        %mul3A_160 = arith.constant 16 : i32
        %mul3A_161 = arith.muli %scan3A_74, %mul3A_160 : i32
        %add3A_162 = arith.constant 3 : i32
        %add3A_163 = arith.addi %mul3A_161, %add3A_162 : i32
        %slice3A_164 = vector.extract_strided_slice %get3A_78 {offsets = [3], sizes = [1], strides = [1]} : vector<16xf32> to vector<1xf32>
        %squeeze3A_165 = vector.extract %slice3A_164[0] : f32 from vector<1xf32>
        %get3A_166 = arith.index_cast %add3A_163 : i32 to index
        %get3A_167 = arith.constant 0 : index
        %get3A_168 = tpu.vector_load %arg12[%get3A_166, %get3A_167] {strides = array<i32>} : memref<512x32xf32, #tpu.memory_space<vmem>>, vector<1x16xf32>,
        %get3A_169 = vector.shape_cast %get3A_168 : vector<1x16xf32> to vector<16xf32>
        %mul3A_170 = vector.broadcast %squeeze3A_165 : f32 to vector<16xf32>
        %mul3A_171 = arith.mulf %get3A_169, %mul3A_170 : vector<16xf32>
        %swap3A_172 = arith.index_cast %add3A_163 : i32 to index
        %swap3A_173 = arith.constant 0 : index
        %swap3A_174 = tpu.vector_load %arg12[%swap3A_172, %swap3A_173] {strides = array<i32>} : memref<512x32xf32, #tpu.memory_space<vmem>>, vector<1x16xf32>,
        %swap3A_175 = vector.shape_cast %swap3A_174 : vector<1x16xf32> to vector<16xf32>
        %swap3A_176 = vector.shape_cast %mul3A_171 : vector<16xf32> to vector<1x16xf32>
        tpu.vector_store %arg12[%swap3A_172, %swap3A_173], %swap3A_176 {strides = array<i32>} : memref<512x32xf32, #tpu.memory_space<vmem>>, vector<1x16xf32>,
        %get3A_177 = arith.index_cast %add3A_163 : i32 to index
        %get3A_178 = arith.constant 16 : index
        %get3A_179 = tpu.vector_load %arg12[%get3A_177, %get3A_178] {strides = array<i32>} : memref<512x32xf32, #tpu.memory_space<vmem>>, vector<1x16xf32>,
        %get3A_180 = vector.shape_cast %get3A_179 : vector<1x16xf32> to vector<16xf32>
        %mul3A_181 = vector.broadcast %squeeze3A_165 : f32 to vector<16xf32>
        %mul3A_182 = arith.mulf %get3A_180, %mul3A_181 : vector<16xf32>
        %swap3A_183 = arith.index_cast %add3A_163 : i32 to index
        %swap3A_184 = arith.constant 16 : index
        %swap3A_185 = tpu.vector_load %arg12[%swap3A_183, %swap3A_184] {strides = array<i32>} : memref<512x32xf32, #tpu.memory_space<vmem>>, vector<1x16xf32>,
        %swap3A_186 = vector.shape_cast %swap3A_185 : vector<1x16xf32> to vector<16xf32>
        %swap3A_187 = vector.shape_cast %mul3A_182 : vector<16xf32> to vector<1x16xf32>
        tpu.vector_store %arg12[%swap3A_183, %swap3A_184], %swap3A_187 {strides = array<i32>} : memref<512x32xf32, #tpu.memory_space<vmem>>, vector<1x16xf32>,
        %mul3A_188 = arith.constant 16 : i32
        %mul3A_189 = arith.muli %scan3A_74, %mul3A_188 : i32
        %add3A_190 = arith.constant 4 : i32
        %add3A_191 = arith.addi %mul3A_189, %add3A_190 : i32
        %slice3A_192 = vector.extract_strided_slice %get3A_78 {offsets = [4], sizes = [1], strides = [1]} : vector<16xf32> to vector<1xf32>
        %squeeze3A_193 = vector.extract %slice3A_192[0] : f32 from vector<1xf32>
        %get3A_194 = arith.index_cast %add3A_191 : i32 to index
        %get3A_195 = arith.constant 0 : index
        %get3A_196 = tpu.vector_load %arg12[%get3A_194, %get3A_195] {strides = array<i32>} : memref<512x32xf32, #tpu.memory_space<vmem>>, vector<1x16xf32>,
        %get3A_197 = vector.shape_cast %get3A_196 : vector<1x16xf32> to vector<16xf32>
        %mul3A_198 = vector.broadcast %squeeze3A_193 : f32 to vector<16xf32>
        %mul3A_199 = arith.mulf %get3A_197, %mul3A_198 : vector<16xf32>
        %swap3A_200 = arith.index_cast %add3A_191 : i32 to index
        %swap3A_201 = arith.constant 0 : index
        %swap3A_202 = tpu.vector_load %arg12[%swap3A_200, %swap3A_201] {strides = array<i32>} : memref<512x32xf32, #tpu.memory_space<vmem>>, vector<1x16xf32>,
        %swap3A_203 = vector.shape_cast %swap3A_202 : vector<1x16xf32> to vector<16xf32>
        %swap3A_204 = vector.shape_cast %mul3A_199 : vector<16xf32> to vector<1x16xf32>
        tpu.vector_store %arg12[%swap3A_200, %swap3A_201], %swap3A_204 {strides = array<i32>} : memref<512x32xf32, #tpu.memory_space<vmem>>, vector<1x16xf32>,
        %get3A_205 = arith.index_cast %add3A_191 : i32 to index
        %get3A_206 = arith.constant 16 : index
        %get3A_207 = tpu.vector_load %arg12[%get3A_205, %get3A_206] {strides = array<i32>} : memref<512x32xf32, #tpu.memory_space<vmem>>, vector<1x16xf32>,
        %get3A_208 = vector.shape_cast %get3A_207 : vector<1x16xf32> to vector<16xf32>
        %mul3A_209 = vector.broadcast %squeeze3A_193 : f32 to vector<16xf32>
        %mul3A_210 = arith.mulf %get3A_208, %mul3A_209 : vector<16xf32>
        %swap3A_211 = arith.index_cast %add3A_191 : i32 to index
        %swap3A_212 = arith.constant 16 : index
        %swap3A_213 = tpu.vector_load %arg12[%swap3A_211, %swap3A_212] {strides = array<i32>} : memref<512x32xf32, #tpu.memory_space<vmem>>, vector<1x16xf32>,
        %swap3A_214 = vector.shape_cast %swap3A_213 : vector<1x16xf32> to vector<16xf32>
        %swap3A_215 = vector.shape_cast %mul3A_210 : vector<16xf32> to vector<1x16xf32>
        tpu.vector_store %arg12[%swap3A_211, %swap3A_212], %swap3A_215 {strides = array<i32>} : memref<512x32xf32, #tpu.memory_space<vmem>>, vector<1x16xf32>,
        %mul3A_216 = arith.constant 16 : i32
        %mul3A_217 = arith.muli %scan3A_74, %mul3A_216 : i32
        %add3A_218 = arith.constant 5 : i32
        %add3A_219 = arith.addi %mul3A_217, %add3A_218 : i32
        %slice3A_220 = vector.extract_strided_slice %get3A_78 {offsets = [5], sizes = [1], strides = [1]} : vector<16xf32> to vector<1xf32>
        %squeeze3A_221 = vector.extract %slice3A_220[0] : f32 from vector<1xf32>
        %get3A_222 = arith.index_cast %add3A_219 : i32 to index
        %get3A_223 = arith.constant 0 : index
        %get3A_224 = tpu.vector_load %arg12[%get3A_222, %get3A_223] {strides = array<i32>} : memref<512x32xf32, #tpu.memory_space<vmem>>, vector<1x16xf32>,
        %get3A_225 = vector.shape_cast %get3A_224 : vector<1x16xf32> to vector<16xf32>
        %mul3A_226 = vector.broadcast %squeeze3A_221 : f32 to vector<16xf32>
        %mul3A_227 = arith.mulf %get3A_225, %mul3A_226 : vector<16xf32>
        %swap3A_228 = arith.index_cast %add3A_219 : i32 to index
        %swap3A_229 = arith.constant 0 : index
        %swap3A_230 = tpu.vector_load %arg12[%swap3A_228, %swap3A_229] {strides = array<i32>} : memref<512x32xf32, #tpu.memory_space<vmem>>, vector<1x16xf32>,
        %swap3A_231 = vector.shape_cast %swap3A_230 : vector<1x16xf32> to vector<16xf32>
        %swap3A_232 = vector.shape_cast %mul3A_227 : vector<16xf32> to vector<1x16xf32>
        tpu.vector_store %arg12[%swap3A_228, %swap3A_229], %swap3A_232 {strides = array<i32>} : memref<512x32xf32, #tpu.memory_space<vmem>>, vector<1x16xf32>,
        %get3A_233 = arith.index_cast %add3A_219 : i32 to index
        %get3A_234 = arith.constant 16 : index
        %get3A_235 = tpu.vector_load %arg12[%get3A_233, %get3A_234] {strides = array<i32>} : memref<512x32xf32, #tpu.memory_space<vmem>>, vector<1x16xf32>,
        %get3A_236 = vector.shape_cast %get3A_235 : vector<1x16xf32> to vector<16xf32>
        %mul3A_237 = vector.broadcast %squeeze3A_221 : f32 to vector<16xf32>
        %mul3A_238 = arith.mulf %get3A_236, %mul3A_237 : vector<16xf32>
        %swap3A_239 = arith.index_cast %add3A_219 : i32 to index
        %swap3A_240 = arith.constant 16 : index
        %swap3A_241 = tpu.vector_load %arg12[%swap3A_239, %swap3A_240] {strides = array<i32>} : memref<512x32xf32, #tpu.memory_space<vmem>>, vector<1x16xf32>,
        %swap3A_242 = vector.shape_cast %swap3A_241 : vector<1x16xf32> to vector<16xf32>
        %swap3A_243 = vector.shape_cast %mul3A_238 : vector<16xf32> to vector<1x16xf32>
        tpu.vector_store %arg12[%swap3A_239, %swap3A_240], %swap3A_243 {strides = array<i32>} : memref<512x32xf32, #tpu.memory_space<vmem>>, vector<1x16xf32>,
        %mul3A_244 = arith.constant 16 : i32
        %mul3A_245 = arith.muli %scan3A_74, %mul3A_244 : i32
        %add3A_246 = arith.constant 6 : i32
        %add3A_247 = arith.addi %mul3A_245, %add3A_246 : i32
        %slice3A_248 = vector.extract_strided_slice %get3A_78 {offsets = [6], sizes = [1], strides = [1]} : vector<16xf32> to vector<1xf32>
        %squeeze3A_249 = vector.extract %slice3A_248[0] : f32 from vector<1xf32>
        %get3A_250 = arith.index_cast %add3A_247 : i32 to index
        %get3A_251 = arith.constant 0 : index
        %get3A_252 = tpu.vector_load %arg12[%get3A_250, %get3A_251] {strides = array<i32>} : memref<512x32xf32, #tpu.memory_space<vmem>>, vector<1x16xf32>,
        %get3A_253 = vector.shape_cast %get3A_252 : vector<1x16xf32> to vector<16xf32>
        %mul3A_254 = vector.broadcast %squeeze3A_249 : f32 to vector<16xf32>
        %mul3A_255 = arith.mulf %get3A_253, %mul3A_254 : vector<16xf32>
        %swap3A_256 = arith.index_cast %add3A_247 : i32 to index
        %swap3A_257 = arith.constant 0 : index
        %swap3A_258 = tpu.vector_load %arg12[%swap3A_256, %swap3A_257] {strides = array<i32>} : memref<512x32xf32, #tpu.memory_space<vmem>>, vector<1x16xf32>,
        %swap3A_259 = vector.shape_cast %swap3A_258 : vector<1x16xf32> to vector<16xf32>
        %swap3A_260 = vector.shape_cast %mul3A_255 : vector<16xf32> to vector<1x16xf32>
        tpu.vector_store %arg12[%swap3A_256, %swap3A_257], %swap3A_260 {strides = array<i32>} : memref<512x32xf32, #tpu.memory_space<vmem>>, vector<1x16xf32>,
        %get3A_261 = arith.index_cast %add3A_247 : i32 to index
        %get3A_262 = arith.constant 16 : index
        %get3A_263 = tpu.vector_load %arg12[%get3A_261, %get3A_262] {strides = array<i32>} : memref<512x32xf32, #tpu.memory_space<vmem>>, vector<1x16xf32>,
        %get3A_264 = vector.shape_cast %get3A_263 : vector<1x16xf32> to vector<16xf32>
        %mul3A_265 = vector.broadcast %squeeze3A_249 : f32 to vector<16xf32>
        %mul3A_266 = arith.mulf %get3A_264, %mul3A_265 : vector<16xf32>
        %swap3A_267 = arith.index_cast %add3A_247 : i32 to index
        %swap3A_268 = arith.constant 16 : index
        %swap3A_269 = tpu.vector_load %arg12[%swap3A_267, %swap3A_268] {strides = array<i32>} : memref<512x32xf32, #tpu.memory_space<vmem>>, vector<1x16xf32>,
        %swap3A_270 = vector.shape_cast %swap3A_269 : vector<1x16xf32> to vector<16xf32>
        %swap3A_271 = vector.shape_cast %mul3A_266 : vector<16xf32> to vector<1x16xf32>
        tpu.vector_store %arg12[%swap3A_267, %swap3A_268], %swap3A_271 {strides = array<i32>} : memref<512x32xf32, #tpu.memory_space<vmem>>, vector<1x16xf32>,
        %mul3A_272 = arith.constant 16 : i32
        %mul3A_273 = arith.muli %scan3A_74, %mul3A_272 : i32
        %add3A_274 = arith.constant 7 : i32
        %add3A_275 = arith.addi %mul3A_273, %add3A_274 : i32
        %slice3A_276 = vector.extract_strided_slice %get3A_78 {offsets = [7], sizes = [1], strides = [1]} : vector<16xf32> to vector<1xf32>
        %squeeze3A_277 = vector.extract %slice3A_276[0] : f32 from vector<1xf32>
        %get3A_278 = arith.index_cast %add3A_275 : i32 to index
        %get3A_279 = arith.constant 0 : index
        %get3A_280 = tpu.vector_load %arg12[%get3A_278, %get3A_279] {strides = array<i32>} : memref<512x32xf32, #tpu.memory_space<vmem>>, vector<1x16xf32>,
        %get3A_281 = vector.shape_cast %get3A_280 : vector<1x16xf32> to vector<16xf32>
        %mul3A_282 = vector.broadcast %squeeze3A_277 : f32 to vector<16xf32>
        %mul3A_283 = arith.mulf %get3A_281, %mul3A_282 : vector<16xf32>
        %swap3A_284 = arith.index_cast %add3A_275 : i32 to index
        %swap3A_285 = arith.constant 0 : index
        %swap3A_286 = tpu.vector_load %arg12[%swap3A_284, %swap3A_285] {strides = array<i32>} : memref<512x32xf32, #tpu.memory_space<vmem>>, vector<1x16xf32>,
        %swap3A_287 = vector.shape_cast %swap3A_286 : vector<1x16xf32> to vector<16xf32>
        %swap3A_288 = vector.shape_cast %mul3A_283 : vector<16xf32> to vector<1x16xf32>
        tpu.vector_store %arg12[%swap3A_284, %swap3A_285], %swap3A_288 {strides = array<i32>} : memref<512x32xf32, #tpu.memory_space<vmem>>, vector<1x16xf32>,
        %get3A_289 = arith.index_cast %add3A_275 : i32 to index
        %get3A_290 = arith.constant 16 : index
        %get3A_291 = tpu.vector_load %arg12[%get3A_289, %get3A_290] {strides = array<i32>} : memref<512x32xf32, #tpu.memory_space<vmem>>, vector<1x16xf32>,
        %get3A_292 = vector.shape_cast %get3A_291 : vector<1x16xf32> to vector<16xf32>
        %mul3A_293 = vector.broadcast %squeeze3A_277 : f32 to vector<16xf32>
        %mul3A_294 = arith.mulf %get3A_292, %mul3A_293 : vector<16xf32>
        %swap3A_295 = arith.index_cast %add3A_275 : i32 to index
        %swap3A_296 = arith.constant 16 : index
        %swap3A_297 = tpu.vector_load %arg12[%swap3A_295, %swap3A_296] {strides = array<i32>} : memref<512x32xf32, #tpu.memory_space<vmem>>, vector<1x16xf32>,
        %swap3A_298 = vector.shape_cast %swap3A_297 : vector<1x16xf32> to vector<16xf32>
        %swap3A_299 = vector.shape_cast %mul3A_294 : vector<16xf32> to vector<1x16xf32>
        tpu.vector_store %arg12[%swap3A_295, %swap3A_296], %swap3A_299 {strides = array<i32>} : memref<512x32xf32, #tpu.memory_space<vmem>>, vector<1x16xf32>,
        %mul3A_300 = arith.constant 16 : i32
        %mul3A_301 = arith.muli %scan3A_74, %mul3A_300 : i32
        %add3A_302 = arith.constant 8 : i32
        %add3A_303 = arith.addi %mul3A_301, %add3A_302 : i32
        %slice3A_304 = vector.extract_strided_slice %get3A_78 {offsets = [8], sizes = [1], strides = [1]} : vector<16xf32> to vector<1xf32>
        %squeeze3A_305 = vector.extract %slice3A_304[0] : f32 from vector<1xf32>
        %get3A_306 = arith.index_cast %add3A_303 : i32 to index
        %get3A_307 = arith.constant 0 : index
        %get3A_308 = tpu.vector_load %arg12[%get3A_306, %get3A_307] {strides = array<i32>} : memref<512x32xf32, #tpu.memory_space<vmem>>, vector<1x16xf32>,
        %get3A_309 = vector.shape_cast %get3A_308 : vector<1x16xf32> to vector<16xf32>
        %mul3A_310 = vector.broadcast %squeeze3A_305 : f32 to vector<16xf32>
        %mul3A_311 = arith.mulf %get3A_309, %mul3A_310 : vector<16xf32>
        %swap3A_312 = arith.index_cast %add3A_303 : i32 to index
        %swap3A_313 = arith.constant 0 : index
        %swap3A_314 = tpu.vector_load %arg12[%swap3A_312, %swap3A_313] {strides = array<i32>} : memref<512x32xf32, #tpu.memory_space<vmem>>, vector<1x16xf32>,
        %swap3A_315 = vector.shape_cast %swap3A_314 : vector<1x16xf32> to vector<16xf32>
        %swap3A_316 = vector.shape_cast %mul3A_311 : vector<16xf32> to vector<1x16xf32>
        tpu.vector_store %arg12[%swap3A_312, %swap3A_313], %swap3A_316 {strides = array<i32>} : memref<512x32xf32, #tpu.memory_space<vmem>>, vector<1x16xf32>,
        %get3A_317 = arith.index_cast %add3A_303 : i32 to index
        %get3A_318 = arith.constant 16 : index
        %get3A_319 = tpu.vector_load %arg12[%get3A_317, %get3A_318] {strides = array<i32>} : memref<512x32xf32, #tpu.memory_space<vmem>>, vector<1x16xf32>,
        %get3A_320 = vector.shape_cast %get3A_319 : vector<1x16xf32> to vector<16xf32>
        %mul3A_321 = vector.broadcast %squeeze3A_305 : f32 to vector<16xf32>
        %mul3A_322 = arith.mulf %get3A_320, %mul3A_321 : vector<16xf32>
        %swap3A_323 = arith.index_cast %add3A_303 : i32 to index
        %swap3A_324 = arith.constant 16 : index
        %swap3A_325 = tpu.vector_load %arg12[%swap3A_323, %swap3A_324] {strides = array<i32>} : memref<512x32xf32, #tpu.memory_space<vmem>>, vector<1x16xf32>,
        %swap3A_326 = vector.shape_cast %swap3A_325 : vector<1x16xf32> to vector<16xf32>
        %swap3A_327 = vector.shape_cast %mul3A_322 : vector<16xf32> to vector<1x16xf32>
        tpu.vector_store %arg12[%swap3A_323, %swap3A_324], %swap3A_327 {strides = array<i32>} : memref<512x32xf32, #tpu.memory_space<vmem>>, vector<1x16xf32>,
        %mul3A_328 = arith.constant 16 : i32
        %mul3A_329 = arith.muli %scan3A_74, %mul3A_328 : i32
        %add3A_330 = arith.constant 9 : i32
        %add3A_331 = arith.addi %mul3A_329, %add3A_330 : i32
        %slice3A_332 = vector.extract_strided_slice %get3A_78 {offsets = [9], sizes = [1], strides = [1]} : vector<16xf32> to vector<1xf32>
        %squeeze3A_333 = vector.extract %slice3A_332[0] : f32 from vector<1xf32>
        %get3A_334 = arith.index_cast %add3A_331 : i32 to index
        %get3A_335 = arith.constant 0 : index
        %get3A_336 = tpu.vector_load %arg12[%get3A_334, %get3A_335] {strides = array<i32>} : memref<512x32xf32, #tpu.memory_space<vmem>>, vector<1x16xf32>,
        %get3A_337 = vector.shape_cast %get3A_336 : vector<1x16xf32> to vector<16xf32>
        %mul3A_338 = vector.broadcast %squeeze3A_333 : f32 to vector<16xf32>
        %mul3A_339 = arith.mulf %get3A_337, %mul3A_338 : vector<16xf32>
        %swap3A_340 = arith.index_cast %add3A_331 : i32 to index
        %swap3A_341 = arith.constant 0 : index
        %swap3A_342 = tpu.vector_load %arg12[%swap3A_340, %swap3A_341] {strides = array<i32>} : memref<512x32xf32, #tpu.memory_space<vmem>>, vector<1x16xf32>,
        %swap3A_343 = vector.shape_cast %swap3A_342 : vector<1x16xf32> to vector<16xf32>
        %swap3A_344 = vector.shape_cast %mul3A_339 : vector<16xf32> to vector<1x16xf32>
        tpu.vector_store %arg12[%swap3A_340, %swap3A_341], %swap3A_344 {strides = array<i32>} : memref<512x32xf32, #tpu.memory_space<vmem>>, vector<1x16xf32>,
        %get3A_345 = arith.index_cast %add3A_331 : i32 to index
        %get3A_346 = arith.constant 16 : index
        %get3A_347 = tpu.vector_load %arg12[%get3A_345, %get3A_346] {strides = array<i32>} : memref<512x32xf32, #tpu.memory_space<vmem>>, vector<1x16xf32>,
        %get3A_348 = vector.shape_cast %get3A_347 : vector<1x16xf32> to vector<16xf32>
        %mul3A_349 = vector.broadcast %squeeze3A_333 : f32 to vector<16xf32>
        %mul3A_350 = arith.mulf %get3A_348, %mul3A_349 : vector<16xf32>
        %swap3A_351 = arith.index_cast %add3A_331 : i32 to index
        %swap3A_352 = arith.constant 16 : index
        %swap3A_353 = tpu.vector_load %arg12[%swap3A_351, %swap3A_352] {strides = array<i32>} : memref<512x32xf32, #tpu.memory_space<vmem>>, vector<1x16xf32>,
        %swap3A_354 = vector.shape_cast %swap3A_353 : vector<1x16xf32> to vector<16xf32>
        %swap3A_355 = vector.shape_cast %mul3A_350 : vector<16xf32> to vector<1x16xf32>
        tpu.vector_store %arg12[%swap3A_351, %swap3A_352], %swap3A_355 {strides = array<i32>} : memref<512x32xf32, #tpu.memory_space<vmem>>, vector<1x16xf32>,
        %mul3A_356 = arith.constant 16 : i32
        %mul3A_357 = arith.muli %scan3A_74, %mul3A_356 : i32
        %add3A_358 = arith.constant 10 : i32
        %add3A_359 = arith.addi %mul3A_357, %add3A_358 : i32
        %slice3A_360 = vector.extract_strided_slice %get3A_78 {offsets = [10], sizes = [1], strides = [1]} : vector<16xf32> to vector<1xf32>
        %squeeze3A_361 = vector.extract %slice3A_360[0] : f32 from vector<1xf32>
        %get3A_362 = arith.index_cast %add3A_359 : i32 to index
        %get3A_363 = arith.constant 0 : index
        %get3A_364 = tpu.vector_load %arg12[%get3A_362, %get3A_363] {strides = array<i32>} : memref<512x32xf32, #tpu.memory_space<vmem>>, vector<1x16xf32>,
        %get3A_365 = vector.shape_cast %get3A_364 : vector<1x16xf32> to vector<16xf32>
        %mul3A_366 = vector.broadcast %squeeze3A_361 : f32 to vector<16xf32>
        %mul3A_367 = arith.mulf %get3A_365, %mul3A_366 : vector<16xf32>
        %swap3A_368 = arith.index_cast %add3A_359 : i32 to index
        %swap3A_369 = arith.constant 0 : index
        %swap3A_370 = tpu.vector_load %arg12[%swap3A_368, %swap3A_369] {strides = array<i32>} : memref<512x32xf32, #tpu.memory_space<vmem>>, vector<1x16xf32>,
        %swap3A_371 = vector.shape_cast %swap3A_370 : vector<1x16xf32> to vector<16xf32>
        %swap3A_372 = vector.shape_cast %mul3A_367 : vector<16xf32> to vector<1x16xf32>
        tpu.vector_store %arg12[%swap3A_368, %swap3A_369], %swap3A_372 {strides = array<i32>} : memref<512x32xf32, #tpu.memory_space<vmem>>, vector<1x16xf32>,
        %get3A_373 = arith.index_cast %add3A_359 : i32 to index
        %get3A_374 = arith.constant 16 : index
        %get3A_375 = tpu.vector_load %arg12[%get3A_373, %get3A_374] {strides = array<i32>} : memref<512x32xf32, #tpu.memory_space<vmem>>, vector<1x16xf32>,
        %get3A_376 = vector.shape_cast %get3A_375 : vector<1x16xf32> to vector<16xf32>
        %mul3A_377 = vector.broadcast %squeeze3A_361 : f32 to vector<16xf32>
        %mul3A_378 = arith.mulf %get3A_376, %mul3A_377 : vector<16xf32>
        %swap3A_379 = arith.index_cast %add3A_359 : i32 to index
        %swap3A_380 = arith.constant 16 : index
        %swap3A_381 = tpu.vector_load %arg12[%swap3A_379, %swap3A_380] {strides = array<i32>} : memref<512x32xf32, #tpu.memory_space<vmem>>, vector<1x16xf32>,
        %swap3A_382 = vector.shape_cast %swap3A_381 : vector<1x16xf32> to vector<16xf32>
        %swap3A_383 = vector.shape_cast %mul3A_378 : vector<16xf32> to vector<1x16xf32>
        tpu.vector_store %arg12[%swap3A_379, %swap3A_380], %swap3A_383 {strides = array<i32>} : memref<512x32xf32, #tpu.memory_space<vmem>>, vector<1x16xf32>,
        %mul3A_384 = arith.constant 16 : i32
        %mul3A_385 = arith.muli %scan3A_74, %mul3A_384 : i32
        %add3A_386 = arith.constant 11 : i32
        %add3A_387 = arith.addi %mul3A_385, %add3A_386 : i32
        %slice3A_388 = vector.extract_strided_slice %get3A_78 {offsets = [11], sizes = [1], strides = [1]} : vector<16xf32> to vector<1xf32>
        %squeeze3A_389 = vector.extract %slice3A_388[0] : f32 from vector<1xf32>
        %get3A_390 = arith.index_cast %add3A_387 : i32 to index
        %get3A_391 = arith.constant 0 : index
        %get3A_392 = tpu.vector_load %arg12[%get3A_390, %get3A_391] {strides = array<i32>} : memref<512x32xf32, #tpu.memory_space<vmem>>, vector<1x16xf32>,
        %get3A_393 = vector.shape_cast %get3A_392 : vector<1x16xf32> to vector<16xf32>
        %mul3A_394 = vector.broadcast %squeeze3A_389 : f32 to vector<16xf32>
        %mul3A_395 = arith.mulf %get3A_393, %mul3A_394 : vector<16xf32>
        %swap3A_396 = arith.index_cast %add3A_387 : i32 to index
        %swap3A_397 = arith.constant 0 : index
        %swap3A_398 = tpu.vector_load %arg12[%swap3A_396, %swap3A_397] {strides = array<i32>} : memref<512x32xf32, #tpu.memory_space<vmem>>, vector<1x16xf32>,
        %swap3A_399 = vector.shape_cast %swap3A_398 : vector<1x16xf32> to vector<16xf32>
        %swap3A_400 = vector.shape_cast %mul3A_395 : vector<16xf32> to vector<1x16xf32>
        tpu.vector_store %arg12[%swap3A_396, %swap3A_397], %swap3A_400 {strides = array<i32>} : memref<512x32xf32, #tpu.memory_space<vmem>>, vector<1x16xf32>,
        %get3A_401 = arith.index_cast %add3A_387 : i32 to index
        %get3A_402 = arith.constant 16 : index
        %get3A_403 = tpu.vector_load %arg12[%get3A_401, %get3A_402] {strides = array<i32>} : memref<512x32xf32, #tpu.memory_space<vmem>>, vector<1x16xf32>,
        %get3A_404 = vector.shape_cast %get3A_403 : vector<1x16xf32> to vector<16xf32>
        %mul3A_405 = vector.broadcast %squeeze3A_389 : f32 to vector<16xf32>
        %mul3A_406 = arith.mulf %get3A_404, %mul3A_405 : vector<16xf32>
        %swap3A_407 = arith.index_cast %add3A_387 : i32 to index
        %swap3A_408 = arith.constant 16 : index
        %swap3A_409 = tpu.vector_load %arg12[%swap3A_407, %swap3A_408] {strides = array<i32>} : memref<512x32xf32, #tpu.memory_space<vmem>>, vector<1x16xf32>,
        %swap3A_410 = vector.shape_cast %swap3A_409 : vector<1x16xf32> to vector<16xf32>
        %swap3A_411 = vector.shape_cast %mul3A_406 : vector<16xf32> to vector<1x16xf32>
        tpu.vector_store %arg12[%swap3A_407, %swap3A_408], %swap3A_411 {strides = array<i32>} : memref<512x32xf32, #tpu.memory_space<vmem>>, vector<1x16xf32>,
        %mul3A_412 = arith.constant 16 : i32
        %mul3A_413 = arith.muli %scan3A_74, %mul3A_412 : i32
        %add3A_414 = arith.constant 12 : i32
        %add3A_415 = arith.addi %mul3A_413, %add3A_414 : i32
        %slice3A_416 = vector.extract_strided_slice %get3A_78 {offsets = [12], sizes = [1], strides = [1]} : vector<16xf32> to vector<1xf32>
        %squeeze3A_417 = vector.extract %slice3A_416[0] : f32 from vector<1xf32>
        %get3A_418 = arith.index_cast %add3A_415 : i32 to index
        %get3A_419 = arith.constant 0 : index
        %get3A_420 = tpu.vector_load %arg12[%get3A_418, %get3A_419] {strides = array<i32>} : memref<512x32xf32, #tpu.memory_space<vmem>>, vector<1x16xf32>,
        %get3A_421 = vector.shape_cast %get3A_420 : vector<1x16xf32> to vector<16xf32>
        %mul3A_422 = vector.broadcast %squeeze3A_417 : f32 to vector<16xf32>
        %mul3A_423 = arith.mulf %get3A_421, %mul3A_422 : vector<16xf32>
        %swap3A_424 = arith.index_cast %add3A_415 : i32 to index
        %swap3A_425 = arith.constant 0 : index
        %swap3A_426 = tpu.vector_load %arg12[%swap3A_424, %swap3A_425] {strides = array<i32>} : memref<512x32xf32, #tpu.memory_space<vmem>>, vector<1x16xf32>,
        %swap3A_427 = vector.shape_cast %swap3A_426 : vector<1x16xf32> to vector<16xf32>
        %swap3A_428 = vector.shape_cast %mul3A_423 : vector<16xf32> to vector<1x16xf32>
        tpu.vector_store %arg12[%swap3A_424, %swap3A_425], %swap3A_428 {strides = array<i32>} : memref<512x32xf32, #tpu.memory_space<vmem>>, vector<1x16xf32>,
        %get3A_429 = arith.index_cast %add3A_415 : i32 to index
        %get3A_430 = arith.constant 16 : index
        %get3A_431 = tpu.vector_load %arg12[%get3A_429, %get3A_430] {strides = array<i32>} : memref<512x32xf32, #tpu.memory_space<vmem>>, vector<1x16xf32>,
        %get3A_432 = vector.shape_cast %get3A_431 : vector<1x16xf32> to vector<16xf32>
        %mul3A_433 = vector.broadcast %squeeze3A_417 : f32 to vector<16xf32>
        %mul3A_434 = arith.mulf %get3A_432, %mul3A_433 : vector<16xf32>
        %swap3A_435 = arith.index_cast %add3A_415 : i32 to index
        %swap3A_436 = arith.constant 16 : index
        %swap3A_437 = tpu.vector_load %arg12[%swap3A_435, %swap3A_436] {strides = array<i32>} : memref<512x32xf32, #tpu.memory_space<vmem>>, vector<1x16xf32>,
        %swap3A_438 = vector.shape_cast %swap3A_437 : vector<1x16xf32> to vector<16xf32>
        %swap3A_439 = vector.shape_cast %mul3A_434 : vector<16xf32> to vector<1x16xf32>
        tpu.vector_store %arg12[%swap3A_435, %swap3A_436], %swap3A_439 {strides = array<i32>} : memref<512x32xf32, #tpu.memory_space<vmem>>, vector<1x16xf32>,
        %mul3A_440 = arith.constant 16 : i32
        %mul3A_441 = arith.muli %scan3A_74, %mul3A_440 : i32
        %add3A_442 = arith.constant 13 : i32
        %add3A_443 = arith.addi %mul3A_441, %add3A_442 : i32
        %slice3A_444 = vector.extract_strided_slice %get3A_78 {offsets = [13], sizes = [1], strides = [1]} : vector<16xf32> to vector<1xf32>
        %squeeze3A_445 = vector.extract %slice3A_444[0] : f32 from vector<1xf32>
        %get3A_446 = arith.index_cast %add3A_443 : i32 to index
        %get3A_447 = arith.constant 0 : index
        %get3A_448 = tpu.vector_load %arg12[%get3A_446, %get3A_447] {strides = array<i32>} : memref<512x32xf32, #tpu.memory_space<vmem>>, vector<1x16xf32>,
        %get3A_449 = vector.shape_cast %get3A_448 : vector<1x16xf32> to vector<16xf32>
        %mul3A_450 = vector.broadcast %squeeze3A_445 : f32 to vector<16xf32>
        %mul3A_451 = arith.mulf %get3A_449, %mul3A_450 : vector<16xf32>
        %swap3A_452 = arith.index_cast %add3A_443 : i32 to index
        %swap3A_453 = arith.constant 0 : index
        %swap3A_454 = tpu.vector_load %arg12[%swap3A_452, %swap3A_453] {strides = array<i32>} : memref<512x32xf32, #tpu.memory_space<vmem>>, vector<1x16xf32>,
        %swap3A_455 = vector.shape_cast %swap3A_454 : vector<1x16xf32> to vector<16xf32>
        %swap3A_456 = vector.shape_cast %mul3A_451 : vector<16xf32> to vector<1x16xf32>
        tpu.vector_store %arg12[%swap3A_452, %swap3A_453], %swap3A_456 {strides = array<i32>} : memref<512x32xf32, #tpu.memory_space<vmem>>, vector<1x16xf32>,
        %get3A_457 = arith.index_cast %add3A_443 : i32 to index
        %get3A_458 = arith.constant 16 : index
        %get3A_459 = tpu.vector_load %arg12[%get3A_457, %get3A_458] {strides = array<i32>} : memref<512x32xf32, #tpu.memory_space<vmem>>, vector<1x16xf32>,
        %get3A_460 = vector.shape_cast %get3A_459 : vector<1x16xf32> to vector<16xf32>
        %mul3A_461 = vector.broadcast %squeeze3A_445 : f32 to vector<16xf32>
        %mul3A_462 = arith.mulf %get3A_460, %mul3A_461 : vector<16xf32>
        %swap3A_463 = arith.index_cast %add3A_443 : i32 to index
        %swap3A_464 = arith.constant 16 : index
        %swap3A_465 = tpu.vector_load %arg12[%swap3A_463, %swap3A_464] {strides = array<i32>} : memref<512x32xf32, #tpu.memory_space<vmem>>, vector<1x16xf32>,
        %swap3A_466 = vector.shape_cast %swap3A_465 : vector<1x16xf32> to vector<16xf32>
        %swap3A_467 = vector.shape_cast %mul3A_462 : vector<16xf32> to vector<1x16xf32>
        tpu.vector_store %arg12[%swap3A_463, %swap3A_464], %swap3A_467 {strides = array<i32>} : memref<512x32xf32, #tpu.memory_space<vmem>>, vector<1x16xf32>,
        %mul3A_468 = arith.constant 16 : i32
        %mul3A_469 = arith.muli %scan3A_74, %mul3A_468 : i32
        %add3A_470 = arith.constant 14 : i32
        %add3A_471 = arith.addi %mul3A_469, %add3A_470 : i32
        %slice3A_472 = vector.extract_strided_slice %get3A_78 {offsets = [14], sizes = [1], strides = [1]} : vector<16xf32> to vector<1xf32>
        %squeeze3A_473 = vector.extract %slice3A_472[0] : f32 from vector<1xf32>
        %get3A_474 = arith.index_cast %add3A_471 : i32 to index
        %get3A_475 = arith.constant 0 : index
        %get3A_476 = tpu.vector_load %arg12[%get3A_474, %get3A_475] {strides = array<i32>} : memref<512x32xf32, #tpu.memory_space<vmem>>, vector<1x16xf32>,
        %get3A_477 = vector.shape_cast %get3A_476 : vector<1x16xf32> to vector<16xf32>
        %mul3A_478 = vector.broadcast %squeeze3A_473 : f32 to vector<16xf32>
        %mul3A_479 = arith.mulf %get3A_477, %mul3A_478 : vector<16xf32>
        %swap3A_480 = arith.index_cast %add3A_471 : i32 to index
        %swap3A_481 = arith.constant 0 : index
        %swap3A_482 = tpu.vector_load %arg12[%swap3A_480, %swap3A_481] {strides = array<i32>} : memref<512x32xf32, #tpu.memory_space<vmem>>, vector<1x16xf32>,
        %swap3A_483 = vector.shape_cast %swap3A_482 : vector<1x16xf32> to vector<16xf32>
        %swap3A_484 = vector.shape_cast %mul3A_479 : vector<16xf32> to vector<1x16xf32>
        tpu.vector_store %arg12[%swap3A_480, %swap3A_481], %swap3A_484 {strides = array<i32>} : memref<512x32xf32, #tpu.memory_space<vmem>>, vector<1x16xf32>,
        %get3A_485 = arith.index_cast %add3A_471 : i32 to index
        %get3A_486 = arith.constant 16 : index
        %get3A_487 = tpu.vector_load %arg12[%get3A_485, %get3A_486] {strides = array<i32>} : memref<512x32xf32, #tpu.memory_space<vmem>>, vector<1x16xf32>,
        %get3A_488 = vector.shape_cast %get3A_487 : vector<1x16xf32> to vector<16xf32>
        %mul3A_489 = vector.broadcast %squeeze3A_473 : f32 to vector<16xf32>
        %mul3A_490 = arith.mulf %get3A_488, %mul3A_489 : vector<16xf32>
        %swap3A_491 = arith.index_cast %add3A_471 : i32 to index
        %swap3A_492 = arith.constant 16 : index
        %swap3A_493 = tpu.vector_load %arg12[%swap3A_491, %swap3A_492] {strides = array<i32>} : memref<512x32xf32, #tpu.memory_space<vmem>>, vector<1x16xf32>,
        %swap3A_494 = vector.shape_cast %swap3A_493 : vector<1x16xf32> to vector<16xf32>
        %swap3A_495 = vector.shape_cast %mul3A_490 : vector<16xf32> to vector<1x16xf32>
        tpu.vector_store %arg12[%swap3A_491, %swap3A_492], %swap3A_495 {strides = array<i32>} : memref<512x32xf32, #tpu.memory_space<vmem>>, vector<1x16xf32>,
        %mul3A_496 = arith.constant 16 : i32
        %mul3A_497 = arith.muli %scan3A_74, %mul3A_496 : i32
        %add3A_498 = arith.constant 15 : i32
        %add3A_499 = arith.addi %mul3A_497, %add3A_498 : i32
        %slice3A_500 = vector.extract_strided_slice %get3A_78 {offsets = [15], sizes = [1], strides = [1]} : vector<16xf32> to vector<1xf32>
        %squeeze3A_501 = vector.extract %slice3A_500[0] : f32 from vector<1xf32>
        %get3A_502 = arith.index_cast %add3A_499 : i32 to index
        %get3A_503 = arith.constant 0 : index
        %get3A_504 = tpu.vector_load %arg12[%get3A_502, %get3A_503] {strides = array<i32>} : memref<512x32xf32, #tpu.memory_space<vmem>>, vector<1x16xf32>,
        %get3A_505 = vector.shape_cast %get3A_504 : vector<1x16xf32> to vector<16xf32>
        %mul3A_506 = vector.broadcast %squeeze3A_501 : f32 to vector<16xf32>
        %mul3A_507 = arith.mulf %get3A_505, %mul3A_506 : vector<16xf32>
        %swap3A_508 = arith.index_cast %add3A_499 : i32 to index
        %swap3A_509 = arith.constant 0 : index
        %swap3A_510 = tpu.vector_load %arg12[%swap3A_508, %swap3A_509] {strides = array<i32>} : memref<512x32xf32, #tpu.memory_space<vmem>>, vector<1x16xf32>,
        %swap3A_511 = vector.shape_cast %swap3A_510 : vector<1x16xf32> to vector<16xf32>
        %swap3A_512 = vector.shape_cast %mul3A_507 : vector<16xf32> to vector<1x16xf32>
        tpu.vector_store %arg12[%swap3A_508, %swap3A_509], %swap3A_512 {strides = array<i32>} : memref<512x32xf32, #tpu.memory_space<vmem>>, vector<1x16xf32>,
        %get3A_513 = arith.index_cast %add3A_499 : i32 to index
        %get3A_514 = arith.constant 16 : index
        %get3A_515 = tpu.vector_load %arg12[%get3A_513, %get3A_514] {strides = array<i32>} : memref<512x32xf32, #tpu.memory_space<vmem>>, vector<1x16xf32>,
        %get3A_516 = vector.shape_cast %get3A_515 : vector<1x16xf32> to vector<16xf32>
        %mul3A_517 = vector.broadcast %squeeze3A_501 : f32 to vector<16xf32>
        %mul3A_518 = arith.mulf %get3A_516, %mul3A_517 : vector<16xf32>
        %swap3A_519 = arith.index_cast %add3A_499 : i32 to index
        %swap3A_520 = arith.constant 16 : index
        %swap3A_521 = tpu.vector_load %arg12[%swap3A_519, %swap3A_520] {strides = array<i32>} : memref<512x32xf32, #tpu.memory_space<vmem>>, vector<1x16xf32>,
        %swap3A_522 = vector.shape_cast %swap3A_521 : vector<1x16xf32> to vector<16xf32>
        %swap3A_523 = vector.shape_cast %mul3A_518 : vector<16xf32> to vector<1x16xf32>
        tpu.vector_store %arg12[%swap3A_519, %swap3A_520], %swap3A_523 {strides = array<i32>} : memref<512x32xf32, #tpu.memory_space<vmem>>, vector<1x16xf32>,
      }
      %scan3A_70 = arith.constant 32 : i32
      %run_scoped3A = arith.constant 0 : i32
      "tpu.region"() ({
        %run_scoped3A_74 = tpu.sem_alloc : memref<!tpu.dma_semaphore, #tpu.memory_space<semaphore_mem>>
        %dma_start3A_75 = arith.constant 0 : i32
        %dma_start3A_76 = arith.constant 0 : i32
        %dma_start3A_77 = tpu.memref_slice %arg12[%dma_start3A_75, %dma_start3A_76] : memref<512x32xf32, #tpu.memory_space<vmem>> -> memref<128x32xf32, #tpu.memory_space<vmem>>
        %dma_start3A_78 = arith.constant 0 : i32
        %dma_start3A_79 = tpu.memref_slice %arg10[%run_scoped3A, %dma_start3A_78] : memref<4x128xi32, #tpu.memory_space<vmem>> -> memref<1x128xi32, #tpu.memory_space<vmem>>
        %dma_start3A_80 = tpu.memref_squeeze %dma_start3A_79 : memref<1x128xi32, #tpu.memory_space<vmem>> -> memref<128xi32, #tpu.memory_space<vmem>>
        %dma_start3A_81 = arith.constant 0 : i32
        %dma_start3A_82 = arith.constant 0 : i32
        %dma_start3A_83 = tpu.memref_slice %arg13[%dma_start3A_81, %dma_start3A_82] : memref<49152x32xf32, #tpu.memory_space<vmem_shared>> -> memref<49152x32xf32, #tpu.memory_space<vmem_shared>>
        tpu.enqueue_indirect_dma source(%dma_start3A_77 : memref<128x32xf32, #tpu.memory_space<vmem>>) target(%dma_start3A_83 : memref<49152x32xf32, #tpu.memory_space<vmem_shared>>) offsets(%dma_start3A_80 : memref<128xi32, #tpu.memory_space<vmem>>) semaphore(%run_scoped3A_74 : memref<!tpu.dma_semaphore, #tpu.memory_space<semaphore_mem>>) {add = true}
        %dma_wait3A_84 = arith.constant 0 : i32
        %dma_wait3A_85 = arith.constant 0 : i32
        %dma_wait3A_86 = tpu.memref_slice %arg12[%dma_wait3A_84, %dma_wait3A_85] : memref<512x32xf32, #tpu.memory_space<vmem>> -> memref<128x32xf32, #tpu.memory_space<vmem>>
        %dma_wait3A_87 = arith.constant 0 : i32
        %dma_wait3A_88 = tpu.memref_slice %arg10[%run_scoped3A, %dma_wait3A_87] : memref<4x128xi32, #tpu.memory_space<vmem>> -> memref<1x128xi32, #tpu.memory_space<vmem>>
        %dma_wait3A_89 = tpu.memref_squeeze %dma_wait3A_88 : memref<1x128xi32, #tpu.memory_space<vmem>> -> memref<128xi32, #tpu.memory_space<vmem>>
        %dma_wait3A_90 = arith.constant 0 : i32
        %dma_wait3A_91 = arith.constant 0 : i32
        %dma_wait3A_92 = tpu.memref_slice %arg13[%dma_wait3A_90, %dma_wait3A_91] : memref<49152x32xf32, #tpu.memory_space<vmem_shared>> -> memref<49152x32xf32, #tpu.memory_space<vmem_shared>>
        tpu.wait_indirect_dma semaphore(%run_scoped3A_74 : memref<!tpu.dma_semaphore, #tpu.memory_space<semaphore_mem>>) src(%dma_wait3A_86 : memref<128x32xf32, #tpu.memory_space<vmem>>) dst(%dma_wait3A_92 : memref<49152x32xf32, #tpu.memory_space<vmem_shared>>)
        tpu.yield
      }) : () -> ()
      %run_scoped3A_71 = arith.constant 1 : i32
      "tpu.region"() ({
        %run_scoped3A_74 = tpu.sem_alloc : memref<!tpu.dma_semaphore, #tpu.memory_space<semaphore_mem>>
        %dma_start3A_75 = arith.constant 128 : i32
        %dma_start3A_76 = arith.constant 0 : i32
        %dma_start3A_77 = tpu.memref_slice %arg12[%dma_start3A_75, %dma_start3A_76] : memref<512x32xf32, #tpu.memory_space<vmem>> -> memref<128x32xf32, #tpu.memory_space<vmem>>
        %dma_start3A_78 = arith.constant 0 : i32
        %dma_start3A_79 = tpu.memref_slice %arg10[%run_scoped3A_71, %dma_start3A_78] : memref<4x128xi32, #tpu.memory_space<vmem>> -> memref<1x128xi32, #tpu.memory_space<vmem>>
        %dma_start3A_80 = tpu.memref_squeeze %dma_start3A_79 : memref<1x128xi32, #tpu.memory_space<vmem>> -> memref<128xi32, #tpu.memory_space<vmem>>
        %dma_start3A_81 = arith.constant 0 : i32
        %dma_start3A_82 = arith.constant 0 : i32
        %dma_start3A_83 = tpu.memref_slice %arg13[%dma_start3A_81, %dma_start3A_82] : memref<49152x32xf32, #tpu.memory_space<vmem_shared>> -> memref<49152x32xf32, #tpu.memory_space<vmem_shared>>
        tpu.enqueue_indirect_dma source(%dma_start3A_77 : memref<128x32xf32, #tpu.memory_space<vmem>>) target(%dma_start3A_83 : memref<49152x32xf32, #tpu.memory_space<vmem_shared>>) offsets(%dma_start3A_80 : memref<128xi32, #tpu.memory_space<vmem>>) semaphore(%run_scoped3A_74 : memref<!tpu.dma_semaphore, #tpu.memory_space<semaphore_mem>>) {add = true}
        %dma_wait3A_84 = arith.constant 128 : i32
        %dma_wait3A_85 = arith.constant 0 : i32
        %dma_wait3A_86 = tpu.memref_slice %arg12[%dma_wait3A_84, %dma_wait3A_85] : memref<512x32xf32, #tpu.memory_space<vmem>> -> memref<128x32xf32, #tpu.memory_space<vmem>>
        %dma_wait3A_87 = arith.constant 0 : i32
        %dma_wait3A_88 = tpu.memref_slice %arg10[%run_scoped3A_71, %dma_wait3A_87] : memref<4x128xi32, #tpu.memory_space<vmem>> -> memref<1x128xi32, #tpu.memory_space<vmem>>
        %dma_wait3A_89 = tpu.memref_squeeze %dma_wait3A_88 : memref<1x128xi32, #tpu.memory_space<vmem>> -> memref<128xi32, #tpu.memory_space<vmem>>
        %dma_wait3A_90 = arith.constant 0 : i32
        %dma_wait3A_91 = arith.constant 0 : i32
        %dma_wait3A_92 = tpu.memref_slice %arg13[%dma_wait3A_90, %dma_wait3A_91] : memref<49152x32xf32, #tpu.memory_space<vmem_shared>> -> memref<49152x32xf32, #tpu.memory_space<vmem_shared>>
        tpu.wait_indirect_dma semaphore(%run_scoped3A_74 : memref<!tpu.dma_semaphore, #tpu.memory_space<semaphore_mem>>) src(%dma_wait3A_86 : memref<128x32xf32, #tpu.memory_space<vmem>>) dst(%dma_wait3A_92 : memref<49152x32xf32, #tpu.memory_space<vmem_shared>>)
        tpu.yield
      }) : () -> ()
      %run_scoped3A_72 = arith.constant 2 : i32
      "tpu.region"() ({
        %run_scoped3A_74 = tpu.sem_alloc : memref<!tpu.dma_semaphore, #tpu.memory_space<semaphore_mem>>
        %dma_start3A_75 = arith.constant 256 : i32
        %dma_start3A_76 = arith.constant 0 : i32
        %dma_start3A_77 = tpu.memref_slice %arg12[%dma_start3A_75, %dma_start3A_76] : memref<512x32xf32, #tpu.memory_space<vmem>> -> memref<128x32xf32, #tpu.memory_space<vmem>>
        %dma_start3A_78 = arith.constant 0 : i32
        %dma_start3A_79 = tpu.memref_slice %arg10[%run_scoped3A_72, %dma_start3A_78] : memref<4x128xi32, #tpu.memory_space<vmem>> -> memref<1x128xi32, #tpu.memory_space<vmem>>
        %dma_start3A_80 = tpu.memref_squeeze %dma_start3A_79 : memref<1x128xi32, #tpu.memory_space<vmem>> -> memref<128xi32, #tpu.memory_space<vmem>>
        %dma_start3A_81 = arith.constant 0 : i32
        %dma_start3A_82 = arith.constant 0 : i32
        %dma_start3A_83 = tpu.memref_slice %arg13[%dma_start3A_81, %dma_start3A_82] : memref<49152x32xf32, #tpu.memory_space<vmem_shared>> -> memref<49152x32xf32, #tpu.memory_space<vmem_shared>>
        tpu.enqueue_indirect_dma source(%dma_start3A_77 : memref<128x32xf32, #tpu.memory_space<vmem>>) target(%dma_start3A_83 : memref<49152x32xf32, #tpu.memory_space<vmem_shared>>) offsets(%dma_start3A_80 : memref<128xi32, #tpu.memory_space<vmem>>) semaphore(%run_scoped3A_74 : memref<!tpu.dma_semaphore, #tpu.memory_space<semaphore_mem>>) {add = true}
        %dma_wait3A_84 = arith.constant 256 : i32
        %dma_wait3A_85 = arith.constant 0 : i32
        %dma_wait3A_86 = tpu.memref_slice %arg12[%dma_wait3A_84, %dma_wait3A_85] : memref<512x32xf32, #tpu.memory_space<vmem>> -> memref<128x32xf32, #tpu.memory_space<vmem>>
        %dma_wait3A_87 = arith.constant 0 : i32
        %dma_wait3A_88 = tpu.memref_slice %arg10[%run_scoped3A_72, %dma_wait3A_87] : memref<4x128xi32, #tpu.memory_space<vmem>> -> memref<1x128xi32, #tpu.memory_space<vmem>>
        %dma_wait3A_89 = tpu.memref_squeeze %dma_wait3A_88 : memref<1x128xi32, #tpu.memory_space<vmem>> -> memref<128xi32, #tpu.memory_space<vmem>>
        %dma_wait3A_90 = arith.constant 0 : i32
        %dma_wait3A_91 = arith.constant 0 : i32
        %dma_wait3A_92 = tpu.memref_slice %arg13[%dma_wait3A_90, %dma_wait3A_91] : memref<49152x32xf32, #tpu.memory_space<vmem_shared>> -> memref<49152x32xf32, #tpu.memory_space<vmem_shared>>
        tpu.wait_indirect_dma semaphore(%run_scoped3A_74 : memref<!tpu.dma_semaphore, #tpu.memory_space<semaphore_mem>>) src(%dma_wait3A_86 : memref<128x32xf32, #tpu.memory_space<vmem>>) dst(%dma_wait3A_92 : memref<49152x32xf32, #tpu.memory_space<vmem_shared>>)
        tpu.yield
      }) : () -> ()
      %run_scoped3A_73 = arith.constant 3 : i32
      "tpu.region"() ({
        %run_scoped3A_74 = tpu.sem_alloc : memref<!tpu.dma_semaphore, #tpu.memory_space<semaphore_mem>>
        %dma_start3A_75 = arith.constant 384 : i32
        %dma_start3A_76 = arith.constant 0 : i32
        %dma_start3A_77 = tpu.memref_slice %arg12[%dma_start3A_75, %dma_start3A_76] : memref<512x32xf32, #tpu.memory_space<vmem>> -> memref<128x32xf32, #tpu.memory_space<vmem>>
        %dma_start3A_78 = arith.constant 0 : i32
        %dma_start3A_79 = tpu.memref_slice %arg10[%run_scoped3A_73, %dma_start3A_78] : memref<4x128xi32, #tpu.memory_space<vmem>> -> memref<1x128xi32, #tpu.memory_space<vmem>>
        %dma_start3A_80 = tpu.memref_squeeze %dma_start3A_79 : memref<1x128xi32, #tpu.memory_space<vmem>> -> memref<128xi32, #tpu.memory_space<vmem>>
        %dma_start3A_81 = arith.constant 0 : i32
        %dma_start3A_82 = arith.constant 0 : i32
        %dma_start3A_83 = tpu.memref_slice %arg13[%dma_start3A_81, %dma_start3A_82] : memref<49152x32xf32, #tpu.memory_space<vmem_shared>> -> memref<49152x32xf32, #tpu.memory_space<vmem_shared>>
        tpu.enqueue_indirect_dma source(%dma_start3A_77 : memref<128x32xf32, #tpu.memory_space<vmem>>) target(%dma_start3A_83 : memref<49152x32xf32, #tpu.memory_space<vmem_shared>>) offsets(%dma_start3A_80 : memref<128xi32, #tpu.memory_space<vmem>>) semaphore(%run_scoped3A_74 : memref<!tpu.dma_semaphore, #tpu.memory_space<semaphore_mem>>) {add = true}
        %dma_wait3A_84 = arith.constant 384 : i32
        %dma_wait3A_85 = arith.constant 0 : i32
        %dma_wait3A_86 = tpu.memref_slice %arg12[%dma_wait3A_84, %dma_wait3A_85] : memref<512x32xf32, #tpu.memory_space<vmem>> -> memref<128x32xf32, #tpu.memory_space<vmem>>
        %dma_wait3A_87 = arith.constant 0 : i32
        %dma_wait3A_88 = tpu.memref_slice %arg10[%run_scoped3A_73, %dma_wait3A_87] : memref<4x128xi32, #tpu.memory_space<vmem>> -> memref<1x128xi32, #tpu.memory_space<vmem>>
        %dma_wait3A_89 = tpu.memref_squeeze %dma_wait3A_88 : memref<1x128xi32, #tpu.memory_space<vmem>> -> memref<128xi32, #tpu.memory_space<vmem>>
        %dma_wait3A_90 = arith.constant 0 : i32
        %dma_wait3A_91 = arith.constant 0 : i32
        %dma_wait3A_92 = tpu.memref_slice %arg13[%dma_wait3A_90, %dma_wait3A_91] : memref<49152x32xf32, #tpu.memory_space<vmem_shared>> -> memref<49152x32xf32, #tpu.memory_space<vmem_shared>>
        tpu.wait_indirect_dma semaphore(%run_scoped3A_74 : memref<!tpu.dma_semaphore, #tpu.memory_space<semaphore_mem>>) src(%dma_wait3A_86 : memref<128x32xf32, #tpu.memory_space<vmem>>) dst(%dma_wait3A_92 : memref<49152x32xf32, #tpu.memory_space<vmem_shared>>)
        tpu.yield
      }) : () -> ()
    }
    %scan3A_10 = arith.constant 54 : i32
    %barrier3A_11 = arith.constant 0 : index
    tpu.barrier barrier_id(%barrier3A_11)
    %mul3A_12 = arith.constant 3072 : i32
    %mul3A_13 = arith.muli %arg1, %mul3A_12 : i32
    %mul3A_14 = arith.constant 49152 : i32
    %mul3A_15 = arith.muli %add3A_1, %mul3A_14 : i32
    %mul3A_16 = arith.constant 3072 : i32
    %mul3A_17 = arith.muli %arg1, %mul3A_16 : i32
    %add3A_18 = arith.addi %mul3A_15, %mul3A_17 : i32
    "tpu.region"() ({
      %run_scoped3A = tpu.sem_alloc : memref<!tpu.dma_semaphore, #tpu.memory_space<semaphore_mem>>
      %dma_start3A = arith.constant 0 : i32
      %dma_start3A_44 = tpu.memref_slice %arg7[%add3A_18, %dma_start3A] : memref<196608x32xf32, #tpu.memory_space<hbm>> -> memref<3072x32xf32, #tpu.memory_space<hbm>>
      %dma_start3A_45 = arith.constant 0 : i32
      %dma_start3A_46 = tpu.memref_slice %arg13[%mul3A_13, %dma_start3A_45] : memref<49152x32xf32, #tpu.memory_space<vmem_shared>> -> memref<3072x32xf32, #tpu.memory_space<vmem_shared>>
      tpu.enqueue_dma source(%dma_start3A_46 : memref<3072x32xf32, #tpu.memory_space<vmem_shared>>) target(%dma_start3A_44 : memref<3072x32xf32, #tpu.memory_space<hbm>>) target_semaphore(%run_scoped3A : memref<!tpu.dma_semaphore, #tpu.memory_space<semaphore_mem>>)
      %dma_wait3A = arith.constant 0 : i32
      %dma_wait3A_47 = tpu.memref_slice %arg7[%add3A_18, %dma_wait3A] : memref<196608x32xf32, #tpu.memory_space<hbm>> -> memref<3072x32xf32, #tpu.memory_space<hbm>>
      %dma_wait3A_48 = arith.constant 0 : i32
      %dma_wait3A_49 = tpu.memref_slice %arg13[%mul3A_13, %dma_wait3A_48] : memref<49152x32xf32, #tpu.memory_space<vmem_shared>> -> memref<3072x32xf32, #tpu.memory_space<vmem_shared>>
      tpu.wait_dma2 semaphore(%run_scoped3A : memref<!tpu.dma_semaphore, #tpu.memory_space<semaphore_mem>>) src(%dma_wait3A_49 : memref<3072x32xf32, #tpu.memory_space<vmem_shared>>) dst(%dma_wait3A_47 : memref<3072x32xf32, #tpu.memory_space<hbm>>)
      tpu.yield
    }) : () -> ()
    %barrier3A_19 = arith.constant 0 : index
    tpu.barrier barrier_id(%barrier3A_19)
    %mul3A_20 = arith.constant 2 : i32
    %mul3A_21 = arith.muli %arg0, %mul3A_20 : i32
    %add3A_22 = arith.constant 1 : i32
    %add3A_23 = arith.addi %mul3A_21, %add3A_22 : i32
    %mul3A_24 = arith.constant 1 : i32
    %mul3A_25 = arith.muli %add3A_23, %mul3A_24 : i32
    %mul3A_26 = arith.constant 3072 : i32
    %mul3A_27 = arith.muli %arg1, %mul3A_26 : i32
    "tpu.region"() ({
      %run_scoped3A = tpu.sem_alloc : memref<!tpu.dma_semaphore, #tpu.memory_space<semaphore_mem>>
      %dma_start3A = arith.constant 0 : i32
      %dma_start3A_44 = tpu.memref_slice %arg13[%mul3A_27, %dma_start3A] : memref<49152x32xf32, #tpu.memory_space<vmem_shared>> -> memref<3072x32xf32, #tpu.memory_space<vmem_shared>>
      tpu.enqueue_dma source(%arg6 : memref<3072x32xf32, #tpu.memory_space<hbm>>) target(%dma_start3A_44 : memref<3072x32xf32, #tpu.memory_space<vmem_shared>>) target_semaphore(%run_scoped3A : memref<!tpu.dma_semaphore, #tpu.memory_space<semaphore_mem>>)
      %dma_wait3A = arith.constant 0 : i32
      %dma_wait3A_45 = tpu.memref_slice %arg13[%mul3A_27, %dma_wait3A] : memref<49152x32xf32, #tpu.memory_space<vmem_shared>> -> memref<3072x32xf32, #tpu.memory_space<vmem_shared>>
      tpu.wait_dma2 semaphore(%run_scoped3A : memref<!tpu.dma_semaphore, #tpu.memory_space<semaphore_mem>>) src(%arg6 : memref<3072x32xf32, #tpu.memory_space<hbm>>) dst(%dma_wait3A_45 : memref<3072x32xf32, #tpu.memory_space<vmem_shared>>)
      tpu.yield
    }) : () -> ()
    %barrier3A_28 = arith.constant 0 : index
    tpu.barrier barrier_id(%barrier3A_28)
    %scan3A_29 = arith.constant 0 : i32
    %scan3A_30 = arith.constant 0 : i32
    %scan3A_31 = arith.constant 54 : i32
    %scan3A_32 = arith.addi %scan3A_30, %scan3A_31 : i32
    %scan3A_33 = arith.constant 1 : i32
    scf.for %scan3A_44 = %scan3A_30 to %scan3A_32 step %scan3A_33  : i32 {
      %mul3A_45 = arith.constant 27648 : i32
      %mul3A_46 = arith.muli %arg1, %mul3A_45 : i32
      %mul3A_47 = arith.constant 512 : i32
      %mul3A_48 = arith.muli %scan3A_44, %mul3A_47 : i32
      %add3A_49 = arith.addi %mul3A_46, %mul3A_48 : i32
      "tpu.region"() ({
        %run_scoped3A_74 = tpu.sem_alloc : memref<!tpu.dma_semaphore, #tpu.memory_space<semaphore_mem>>
        %dma_start3A_75 = tpu.memref_slice %arg3[%add3A_49] : memref<442368xi32, #tpu.memory_space<hbm>> -> memref<512xi32, #tpu.memory_space<hbm>>
        %dma_start3A_76 = tpu.memref_slice %arg3[%add3A_49] : memref<442368xi32, #tpu.memory_space<hbm>> -> memref<512xi32, #tpu.memory_space<hbm>>
        tpu.enqueue_dma source(%dma_start3A_76 : memref<512xi32, #tpu.memory_space<hbm>>) target(%arg8 : memref<512xi32, #tpu.memory_space<vmem>>) target_semaphore(%run_scoped3A_74 : memref<!tpu.dma_semaphore, #tpu.memory_space<semaphore_mem>>)
        %dma_wait3A_77 = tpu.memref_slice %arg3[%add3A_49] : memref<442368xi32, #tpu.memory_space<hbm>> -> memref<512xi32, #tpu.memory_space<hbm>>
        %dma_wait3A_78 = tpu.memref_slice %arg3[%add3A_49] : memref<442368xi32, #tpu.memory_space<hbm>> -> memref<512xi32, #tpu.memory_space<hbm>>
        tpu.wait_dma2 semaphore(%run_scoped3A_74 : memref<!tpu.dma_semaphore, #tpu.memory_space<semaphore_mem>>) src(%dma_wait3A_78 : memref<512xi32, #tpu.memory_space<hbm>>) dst(%arg8 : memref<512xi32, #tpu.memory_space<vmem>>)
        tpu.yield
      }) : () -> ()
      %mul3A_50 = arith.constant 216 : i32
      %mul3A_51 = arith.muli %arg1, %mul3A_50 : i32
      %mul3A_52 = arith.constant 4 : i32
      %mul3A_53 = arith.muli %scan3A_44, %mul3A_52 : i32
      %add3A_54 = arith.addi %mul3A_51, %mul3A_53 : i32
      "tpu.region"() ({
        %run_scoped3A_74 = tpu.sem_alloc : memref<!tpu.dma_semaphore, #tpu.memory_space<semaphore_mem>>
        %dma_start3A_75 = arith.constant 0 : i32
        %dma_start3A_76 = tpu.memref_slice %arg4[%add3A_54, %dma_start3A_75] : memref<3456x128xi32, #tpu.memory_space<hbm>> -> memref<4x128xi32, #tpu.memory_space<hbm>>
        %dma_start3A_77 = arith.constant 0 : i32
        %dma_start3A_78 = tpu.memref_slice %arg4[%add3A_54, %dma_start3A_77] : memref<3456x128xi32, #tpu.memory_space<hbm>> -> memref<4x128xi32, #tpu.memory_space<hbm>>
        tpu.enqueue_dma source(%dma_start3A_78 : memref<4x128xi32, #tpu.memory_space<hbm>>) target(%arg10 : memref<4x128xi32, #tpu.memory_space<vmem>>) target_semaphore(%run_scoped3A_74 : memref<!tpu.dma_semaphore, #tpu.memory_space<semaphore_mem>>)
        %dma_wait3A_79 = arith.constant 0 : i32
        %dma_wait3A_80 = tpu.memref_slice %arg4[%add3A_54, %dma_wait3A_79] : memref<3456x128xi32, #tpu.memory_space<hbm>> -> memref<4x128xi32, #tpu.memory_space<hbm>>
        %dma_wait3A_81 = arith.constant 0 : i32
        %dma_wait3A_82 = tpu.memref_slice %arg4[%add3A_54, %dma_wait3A_81] : memref<3456x128xi32, #tpu.memory_space<hbm>> -> memref<4x128xi32, #tpu.memory_space<hbm>>
        tpu.wait_dma2 semaphore(%run_scoped3A_74 : memref<!tpu.dma_semaphore, #tpu.memory_space<semaphore_mem>>) src(%dma_wait3A_82 : memref<4x128xi32, #tpu.memory_space<hbm>>) dst(%arg10 : memref<4x128xi32, #tpu.memory_space<vmem>>)
        tpu.yield
      }) : () -> ()
      "tpu.region"() ({
        %run_scoped3A_74 = tpu.sem_alloc : memref<!tpu.dma_semaphore, #tpu.memory_space<semaphore_mem>>
        %dma_start3A_75 = tpu.memref_slice %arg5[%add3A_49] : memref<442368xf32, #tpu.memory_space<hbm>> -> memref<512xf32, #tpu.memory_space<hbm>>
        %dma_start3A_76 = tpu.memref_slice %arg5[%add3A_49] : memref<442368xf32, #tpu.memory_space<hbm>> -> memref<512xf32, #tpu.memory_space<hbm>>
        tpu.enqueue_dma source(%dma_start3A_76 : memref<512xf32, #tpu.memory_space<hbm>>) target(%arg11 : memref<512xf32, #tpu.memory_space<vmem>>) target_semaphore(%run_scoped3A_74 : memref<!tpu.dma_semaphore, #tpu.memory_space<semaphore_mem>>)
        %dma_wait3A_77 = tpu.memref_slice %arg5[%add3A_49] : memref<442368xf32, #tpu.memory_space<hbm>> -> memref<512xf32, #tpu.memory_space<hbm>>
        %dma_wait3A_78 = tpu.memref_slice %arg5[%add3A_49] : memref<442368xf32, #tpu.memory_space<hbm>> -> memref<512xf32, #tpu.memory_space<hbm>>
        tpu.wait_dma2 semaphore(%run_scoped3A_74 : memref<!tpu.dma_semaphore, #tpu.memory_space<semaphore_mem>>) src(%dma_wait3A_78 : memref<512xf32, #tpu.memory_space<hbm>>) dst(%arg11 : memref<512xf32, #tpu.memory_space<vmem>>)
        tpu.yield
      }) : () -> ()
      %scan3A_55 = arith.constant 0 : i32
      %scan3A_56 = arith.constant 0 : i32
      %scan3A_57 = arith.constant 32 : i32
      %scan3A_58 = arith.addi %scan3A_56, %scan3A_57 : i32
      %scan3A_59 = arith.constant 1 : i32
      scf.for %scan3A_74 = %scan3A_56 to %scan3A_58 step %scan3A_59  : i32 {
        %mul3A_75 = arith.constant 16 : i32
        %mul3A_76 = arith.muli %scan3A_74, %mul3A_75 : i32
        %get3A = arith.index_cast %mul3A_76 : i32 to index
        %get3A_77 = tpu.vector_load %arg8[%get3A] {strides = array<i32>} : memref<512xi32, #tpu.memory_space<vmem>>, vector<16xi32>,
        %get3A_78 = vector.shape_cast %get3A_77 : vector<16xi32> to vector<16xi32>
        %mul3A_79 = arith.constant 4 : i32
        %mul3A_80 = vector.broadcast %mul3A_79 : i32 to vector<16xi32>
        %mul3A_81 = arith.muli %get3A_78, %mul3A_80 : vector<16xi32>
        %add3A_82 = vector.broadcast %mul3A_25 : i32 to vector<16xi32>
        %add3A_83 = arith.addi %mul3A_81, %add3A_82 : vector<16xi32>
        %swap3A = arith.index_cast %mul3A_76 : i32 to index
        %swap3A_84 = tpu.vector_load %arg9[%swap3A] {strides = array<i32>} : memref<512xi32, #tpu.memory_space<vmem>>, vector<16xi32>,
        %swap3A_85 = vector.shape_cast %swap3A_84 : vector<16xi32> to vector<16xi32>
        %swap3A_86 = vector.shape_cast %add3A_83 : vector<16xi32> to vector<16xi32>
        tpu.vector_store %arg9[%swap3A], %swap3A_86 {strides = array<i32>} : memref<512xi32, #tpu.memory_space<vmem>>, vector<16xi32>,
      }
      %scan3A_60 = arith.constant 32 : i32
      %dma_start3A = arith.constant 0 : i32
      %dma_start3A_61 = arith.constant 0 : i32
      %dma_start3A_62 = tpu.memref_slice %arg2[%dma_start3A, %dma_start3A_61] : memref<196608x32xf32, #tpu.memory_space<hbm>> -> memref<196608x32xf32, #tpu.memory_space<hbm>>
      tpu.enqueue_indirect_dma source(%dma_start3A_62 : memref<196608x32xf32, #tpu.memory_space<hbm>>) target(%arg12 : memref<512x32xf32, #tpu.memory_space<vmem>>) offsets(%arg9 : memref<512xi32, #tpu.memory_space<vmem>>) semaphore(%arg14 : memref<!tpu.dma_semaphore, #tpu.memory_space<semaphore_mem>>)
      %dma_wait3A = arith.constant 0 : i32
      %dma_wait3A_63 = arith.constant 0 : i32
      %dma_wait3A_64 = tpu.memref_slice %arg2[%dma_wait3A, %dma_wait3A_63] : memref<196608x32xf32, #tpu.memory_space<hbm>> -> memref<196608x32xf32, #tpu.memory_space<hbm>>
      tpu.wait_indirect_dma semaphore(%arg14 : memref<!tpu.dma_semaphore, #tpu.memory_space<semaphore_mem>>) src(%dma_wait3A_64 : memref<196608x32xf32, #tpu.memory_space<hbm>>) dst(%arg12 : memref<512x32xf32, #tpu.memory_space<vmem>>)
      %scan3A_65 = arith.constant 0 : i32
      %scan3A_66 = arith.constant 0 : i32
      %scan3A_67 = arith.constant 32 : i32
      %scan3A_68 = arith.addi %scan3A_66, %scan3A_67 : i32
      %scan3A_69 = arith.constant 1 : i32
      scf.for %scan3A_74 = %scan3A_66 to %scan3A_68 step %scan3A_69  : i32 {
        %mul3A_75 = arith.constant 16 : i32
        %mul3A_76 = arith.muli %scan3A_74, %mul3A_75 : i32
        %get3A = arith.index_cast %mul3A_76 : i32 to index
        %get3A_77 = tpu.vector_load %arg11[%get3A] {strides = array<i32>} : memref<512xf32, #tpu.memory_space<vmem>>, vector<16xf32>,
        %get3A_78 = vector.shape_cast %get3A_77 : vector<16xf32> to vector<16xf32>
        %mul3A_79 = arith.constant 16 : i32
        %mul3A_80 = arith.muli %scan3A_74, %mul3A_79 : i32
        %add3A_81 = arith.constant 0 : i32
        %add3A_82 = arith.addi %mul3A_80, %add3A_81 : i32
        %slice3A = vector.extract_strided_slice %get3A_78 {offsets = [0], sizes = [1], strides = [1]} : vector<16xf32> to vector<1xf32>
        %squeeze3A = vector.extract %slice3A[0] : f32 from vector<1xf32>
        %get3A_83 = arith.index_cast %add3A_82 : i32 to index
        %get3A_84 = arith.constant 0 : index
        %get3A_85 = tpu.vector_load %arg12[%get3A_83, %get3A_84] {strides = array<i32>} : memref<512x32xf32, #tpu.memory_space<vmem>>, vector<1x16xf32>,
        %get3A_86 = vector.shape_cast %get3A_85 : vector<1x16xf32> to vector<16xf32>
        %mul3A_87 = vector.broadcast %squeeze3A : f32 to vector<16xf32>
        %mul3A_88 = arith.mulf %get3A_86, %mul3A_87 : vector<16xf32>
        %swap3A = arith.index_cast %add3A_82 : i32 to index
        %swap3A_89 = arith.constant 0 : index
        %swap3A_90 = tpu.vector_load %arg12[%swap3A, %swap3A_89] {strides = array<i32>} : memref<512x32xf32, #tpu.memory_space<vmem>>, vector<1x16xf32>,
        %swap3A_91 = vector.shape_cast %swap3A_90 : vector<1x16xf32> to vector<16xf32>
        %swap3A_92 = vector.shape_cast %mul3A_88 : vector<16xf32> to vector<1x16xf32>
        tpu.vector_store %arg12[%swap3A, %swap3A_89], %swap3A_92 {strides = array<i32>} : memref<512x32xf32, #tpu.memory_space<vmem>>, vector<1x16xf32>,
        %get3A_93 = arith.index_cast %add3A_82 : i32 to index
        %get3A_94 = arith.constant 16 : index
        %get3A_95 = tpu.vector_load %arg12[%get3A_93, %get3A_94] {strides = array<i32>} : memref<512x32xf32, #tpu.memory_space<vmem>>, vector<1x16xf32>,
        %get3A_96 = vector.shape_cast %get3A_95 : vector<1x16xf32> to vector<16xf32>
        %mul3A_97 = vector.broadcast %squeeze3A : f32 to vector<16xf32>
        %mul3A_98 = arith.mulf %get3A_96, %mul3A_97 : vector<16xf32>
        %swap3A_99 = arith.index_cast %add3A_82 : i32 to index
        %swap3A_100 = arith.constant 16 : index
        %swap3A_101 = tpu.vector_load %arg12[%swap3A_99, %swap3A_100] {strides = array<i32>} : memref<512x32xf32, #tpu.memory_space<vmem>>, vector<1x16xf32>,
        %swap3A_102 = vector.shape_cast %swap3A_101 : vector<1x16xf32> to vector<16xf32>
        %swap3A_103 = vector.shape_cast %mul3A_98 : vector<16xf32> to vector<1x16xf32>
        tpu.vector_store %arg12[%swap3A_99, %swap3A_100], %swap3A_103 {strides = array<i32>} : memref<512x32xf32, #tpu.memory_space<vmem>>, vector<1x16xf32>,
        %mul3A_104 = arith.constant 16 : i32
        %mul3A_105 = arith.muli %scan3A_74, %mul3A_104 : i32
        %add3A_106 = arith.constant 1 : i32
        %add3A_107 = arith.addi %mul3A_105, %add3A_106 : i32
        %slice3A_108 = vector.extract_strided_slice %get3A_78 {offsets = [1], sizes = [1], strides = [1]} : vector<16xf32> to vector<1xf32>
        %squeeze3A_109 = vector.extract %slice3A_108[0] : f32 from vector<1xf32>
        %get3A_110 = arith.index_cast %add3A_107 : i32 to index
        %get3A_111 = arith.constant 0 : index
        %get3A_112 = tpu.vector_load %arg12[%get3A_110, %get3A_111] {strides = array<i32>} : memref<512x32xf32, #tpu.memory_space<vmem>>, vector<1x16xf32>,
        %get3A_113 = vector.shape_cast %get3A_112 : vector<1x16xf32> to vector<16xf32>
        %mul3A_114 = vector.broadcast %squeeze3A_109 : f32 to vector<16xf32>
        %mul3A_115 = arith.mulf %get3A_113, %mul3A_114 : vector<16xf32>
        %swap3A_116 = arith.index_cast %add3A_107 : i32 to index
        %swap3A_117 = arith.constant 0 : index
        %swap3A_118 = tpu.vector_load %arg12[%swap3A_116, %swap3A_117] {strides = array<i32>} : memref<512x32xf32, #tpu.memory_space<vmem>>, vector<1x16xf32>,
        %swap3A_119 = vector.shape_cast %swap3A_118 : vector<1x16xf32> to vector<16xf32>
        %swap3A_120 = vector.shape_cast %mul3A_115 : vector<16xf32> to vector<1x16xf32>
        tpu.vector_store %arg12[%swap3A_116, %swap3A_117], %swap3A_120 {strides = array<i32>} : memref<512x32xf32, #tpu.memory_space<vmem>>, vector<1x16xf32>,
        %get3A_121 = arith.index_cast %add3A_107 : i32 to index
        %get3A_122 = arith.constant 16 : index
        %get3A_123 = tpu.vector_load %arg12[%get3A_121, %get3A_122] {strides = array<i32>} : memref<512x32xf32, #tpu.memory_space<vmem>>, vector<1x16xf32>,
        %get3A_124 = vector.shape_cast %get3A_123 : vector<1x16xf32> to vector<16xf32>
        %mul3A_125 = vector.broadcast %squeeze3A_109 : f32 to vector<16xf32>
        %mul3A_126 = arith.mulf %get3A_124, %mul3A_125 : vector<16xf32>
        %swap3A_127 = arith.index_cast %add3A_107 : i32 to index
        %swap3A_128 = arith.constant 16 : index
        %swap3A_129 = tpu.vector_load %arg12[%swap3A_127, %swap3A_128] {strides = array<i32>} : memref<512x32xf32, #tpu.memory_space<vmem>>, vector<1x16xf32>,
        %swap3A_130 = vector.shape_cast %swap3A_129 : vector<1x16xf32> to vector<16xf32>
        %swap3A_131 = vector.shape_cast %mul3A_126 : vector<16xf32> to vector<1x16xf32>
        tpu.vector_store %arg12[%swap3A_127, %swap3A_128], %swap3A_131 {strides = array<i32>} : memref<512x32xf32, #tpu.memory_space<vmem>>, vector<1x16xf32>,
        %mul3A_132 = arith.constant 16 : i32
        %mul3A_133 = arith.muli %scan3A_74, %mul3A_132 : i32
        %add3A_134 = arith.constant 2 : i32
        %add3A_135 = arith.addi %mul3A_133, %add3A_134 : i32
        %slice3A_136 = vector.extract_strided_slice %get3A_78 {offsets = [2], sizes = [1], strides = [1]} : vector<16xf32> to vector<1xf32>
        %squeeze3A_137 = vector.extract %slice3A_136[0] : f32 from vector<1xf32>
        %get3A_138 = arith.index_cast %add3A_135 : i32 to index
        %get3A_139 = arith.constant 0 : index
        %get3A_140 = tpu.vector_load %arg12[%get3A_138, %get3A_139] {strides = array<i32>} : memref<512x32xf32, #tpu.memory_space<vmem>>, vector<1x16xf32>,
        %get3A_141 = vector.shape_cast %get3A_140 : vector<1x16xf32> to vector<16xf32>
        %mul3A_142 = vector.broadcast %squeeze3A_137 : f32 to vector<16xf32>
        %mul3A_143 = arith.mulf %get3A_141, %mul3A_142 : vector<16xf32>
        %swap3A_144 = arith.index_cast %add3A_135 : i32 to index
        %swap3A_145 = arith.constant 0 : index
        %swap3A_146 = tpu.vector_load %arg12[%swap3A_144, %swap3A_145] {strides = array<i32>} : memref<512x32xf32, #tpu.memory_space<vmem>>, vector<1x16xf32>,
        %swap3A_147 = vector.shape_cast %swap3A_146 : vector<1x16xf32> to vector<16xf32>
        %swap3A_148 = vector.shape_cast %mul3A_143 : vector<16xf32> to vector<1x16xf32>
        tpu.vector_store %arg12[%swap3A_144, %swap3A_145], %swap3A_148 {strides = array<i32>} : memref<512x32xf32, #tpu.memory_space<vmem>>, vector<1x16xf32>,
        %get3A_149 = arith.index_cast %add3A_135 : i32 to index
        %get3A_150 = arith.constant 16 : index
        %get3A_151 = tpu.vector_load %arg12[%get3A_149, %get3A_150] {strides = array<i32>} : memref<512x32xf32, #tpu.memory_space<vmem>>, vector<1x16xf32>,
        %get3A_152 = vector.shape_cast %get3A_151 : vector<1x16xf32> to vector<16xf32>
        %mul3A_153 = vector.broadcast %squeeze3A_137 : f32 to vector<16xf32>
        %mul3A_154 = arith.mulf %get3A_152, %mul3A_153 : vector<16xf32>
        %swap3A_155 = arith.index_cast %add3A_135 : i32 to index
        %swap3A_156 = arith.constant 16 : index
        %swap3A_157 = tpu.vector_load %arg12[%swap3A_155, %swap3A_156] {strides = array<i32>} : memref<512x32xf32, #tpu.memory_space<vmem>>, vector<1x16xf32>,
        %swap3A_158 = vector.shape_cast %swap3A_157 : vector<1x16xf32> to vector<16xf32>
        %swap3A_159 = vector.shape_cast %mul3A_154 : vector<16xf32> to vector<1x16xf32>
        tpu.vector_store %arg12[%swap3A_155, %swap3A_156], %swap3A_159 {strides = array<i32>} : memref<512x32xf32, #tpu.memory_space<vmem>>, vector<1x16xf32>,
        %mul3A_160 = arith.constant 16 : i32
        %mul3A_161 = arith.muli %scan3A_74, %mul3A_160 : i32
        %add3A_162 = arith.constant 3 : i32
        %add3A_163 = arith.addi %mul3A_161, %add3A_162 : i32
        %slice3A_164 = vector.extract_strided_slice %get3A_78 {offsets = [3], sizes = [1], strides = [1]} : vector<16xf32> to vector<1xf32>
        %squeeze3A_165 = vector.extract %slice3A_164[0] : f32 from vector<1xf32>
        %get3A_166 = arith.index_cast %add3A_163 : i32 to index
        %get3A_167 = arith.constant 0 : index
        %get3A_168 = tpu.vector_load %arg12[%get3A_166, %get3A_167] {strides = array<i32>} : memref<512x32xf32, #tpu.memory_space<vmem>>, vector<1x16xf32>,
        %get3A_169 = vector.shape_cast %get3A_168 : vector<1x16xf32> to vector<16xf32>
        %mul3A_170 = vector.broadcast %squeeze3A_165 : f32 to vector<16xf32>
        %mul3A_171 = arith.mulf %get3A_169, %mul3A_170 : vector<16xf32>
        %swap3A_172 = arith.index_cast %add3A_163 : i32 to index
        %swap3A_173 = arith.constant 0 : index
        %swap3A_174 = tpu.vector_load %arg12[%swap3A_172, %swap3A_173] {strides = array<i32>} : memref<512x32xf32, #tpu.memory_space<vmem>>, vector<1x16xf32>,
        %swap3A_175 = vector.shape_cast %swap3A_174 : vector<1x16xf32> to vector<16xf32>
        %swap3A_176 = vector.shape_cast %mul3A_171 : vector<16xf32> to vector<1x16xf32>
        tpu.vector_store %arg12[%swap3A_172, %swap3A_173], %swap3A_176 {strides = array<i32>} : memref<512x32xf32, #tpu.memory_space<vmem>>, vector<1x16xf32>,
        %get3A_177 = arith.index_cast %add3A_163 : i32 to index
        %get3A_178 = arith.constant 16 : index
        %get3A_179 = tpu.vector_load %arg12[%get3A_177, %get3A_178] {strides = array<i32>} : memref<512x32xf32, #tpu.memory_space<vmem>>, vector<1x16xf32>,
        %get3A_180 = vector.shape_cast %get3A_179 : vector<1x16xf32> to vector<16xf32>
        %mul3A_181 = vector.broadcast %squeeze3A_165 : f32 to vector<16xf32>
        %mul3A_182 = arith.mulf %get3A_180, %mul3A_181 : vector<16xf32>
        %swap3A_183 = arith.index_cast %add3A_163 : i32 to index
        %swap3A_184 = arith.constant 16 : index
        %swap3A_185 = tpu.vector_load %arg12[%swap3A_183, %swap3A_184] {strides = array<i32>} : memref<512x32xf32, #tpu.memory_space<vmem>>, vector<1x16xf32>,
        %swap3A_186 = vector.shape_cast %swap3A_185 : vector<1x16xf32> to vector<16xf32>
        %swap3A_187 = vector.shape_cast %mul3A_182 : vector<16xf32> to vector<1x16xf32>
        tpu.vector_store %arg12[%swap3A_183, %swap3A_184], %swap3A_187 {strides = array<i32>} : memref<512x32xf32, #tpu.memory_space<vmem>>, vector<1x16xf32>,
        %mul3A_188 = arith.constant 16 : i32
        %mul3A_189 = arith.muli %scan3A_74, %mul3A_188 : i32
        %add3A_190 = arith.constant 4 : i32
        %add3A_191 = arith.addi %mul3A_189, %add3A_190 : i32
        %slice3A_192 = vector.extract_strided_slice %get3A_78 {offsets = [4], sizes = [1], strides = [1]} : vector<16xf32> to vector<1xf32>
        %squeeze3A_193 = vector.extract %slice3A_192[0] : f32 from vector<1xf32>
        %get3A_194 = arith.index_cast %add3A_191 : i32 to index
        %get3A_195 = arith.constant 0 : index
        %get3A_196 = tpu.vector_load %arg12[%get3A_194, %get3A_195] {strides = array<i32>} : memref<512x32xf32, #tpu.memory_space<vmem>>, vector<1x16xf32>,
        %get3A_197 = vector.shape_cast %get3A_196 : vector<1x16xf32> to vector<16xf32>
        %mul3A_198 = vector.broadcast %squeeze3A_193 : f32 to vector<16xf32>
        %mul3A_199 = arith.mulf %get3A_197, %mul3A_198 : vector<16xf32>
        %swap3A_200 = arith.index_cast %add3A_191 : i32 to index
        %swap3A_201 = arith.constant 0 : index
        %swap3A_202 = tpu.vector_load %arg12[%swap3A_200, %swap3A_201] {strides = array<i32>} : memref<512x32xf32, #tpu.memory_space<vmem>>, vector<1x16xf32>,
        %swap3A_203 = vector.shape_cast %swap3A_202 : vector<1x16xf32> to vector<16xf32>
        %swap3A_204 = vector.shape_cast %mul3A_199 : vector<16xf32> to vector<1x16xf32>
        tpu.vector_store %arg12[%swap3A_200, %swap3A_201], %swap3A_204 {strides = array<i32>} : memref<512x32xf32, #tpu.memory_space<vmem>>, vector<1x16xf32>,
        %get3A_205 = arith.index_cast %add3A_191 : i32 to index
        %get3A_206 = arith.constant 16 : index
        %get3A_207 = tpu.vector_load %arg12[%get3A_205, %get3A_206] {strides = array<i32>} : memref<512x32xf32, #tpu.memory_space<vmem>>, vector<1x16xf32>,
        %get3A_208 = vector.shape_cast %get3A_207 : vector<1x16xf32> to vector<16xf32>
        %mul3A_209 = vector.broadcast %squeeze3A_193 : f32 to vector<16xf32>
        %mul3A_210 = arith.mulf %get3A_208, %mul3A_209 : vector<16xf32>
        %swap3A_211 = arith.index_cast %add3A_191 : i32 to index
        %swap3A_212 = arith.constant 16 : index
        %swap3A_213 = tpu.vector_load %arg12[%swap3A_211, %swap3A_212] {strides = array<i32>} : memref<512x32xf32, #tpu.memory_space<vmem>>, vector<1x16xf32>,
        %swap3A_214 = vector.shape_cast %swap3A_213 : vector<1x16xf32> to vector<16xf32>
        %swap3A_215 = vector.shape_cast %mul3A_210 : vector<16xf32> to vector<1x16xf32>
        tpu.vector_store %arg12[%swap3A_211, %swap3A_212], %swap3A_215 {strides = array<i32>} : memref<512x32xf32, #tpu.memory_space<vmem>>, vector<1x16xf32>,
        %mul3A_216 = arith.constant 16 : i32
        %mul3A_217 = arith.muli %scan3A_74, %mul3A_216 : i32
        %add3A_218 = arith.constant 5 : i32
        %add3A_219 = arith.addi %mul3A_217, %add3A_218 : i32
        %slice3A_220 = vector.extract_strided_slice %get3A_78 {offsets = [5], sizes = [1], strides = [1]} : vector<16xf32> to vector<1xf32>
        %squeeze3A_221 = vector.extract %slice3A_220[0] : f32 from vector<1xf32>
        %get3A_222 = arith.index_cast %add3A_219 : i32 to index
        %get3A_223 = arith.constant 0 : index
        %get3A_224 = tpu.vector_load %arg12[%get3A_222, %get3A_223] {strides = array<i32>} : memref<512x32xf32, #tpu.memory_space<vmem>>, vector<1x16xf32>,
        %get3A_225 = vector.shape_cast %get3A_224 : vector<1x16xf32> to vector<16xf32>
        %mul3A_226 = vector.broadcast %squeeze3A_221 : f32 to vector<16xf32>
        %mul3A_227 = arith.mulf %get3A_225, %mul3A_226 : vector<16xf32>
        %swap3A_228 = arith.index_cast %add3A_219 : i32 to index
        %swap3A_229 = arith.constant 0 : index
        %swap3A_230 = tpu.vector_load %arg12[%swap3A_228, %swap3A_229] {strides = array<i32>} : memref<512x32xf32, #tpu.memory_space<vmem>>, vector<1x16xf32>,
        %swap3A_231 = vector.shape_cast %swap3A_230 : vector<1x16xf32> to vector<16xf32>
        %swap3A_232 = vector.shape_cast %mul3A_227 : vector<16xf32> to vector<1x16xf32>
        tpu.vector_store %arg12[%swap3A_228, %swap3A_229], %swap3A_232 {strides = array<i32>} : memref<512x32xf32, #tpu.memory_space<vmem>>, vector<1x16xf32>,
        %get3A_233 = arith.index_cast %add3A_219 : i32 to index
        %get3A_234 = arith.constant 16 : index
        %get3A_235 = tpu.vector_load %arg12[%get3A_233, %get3A_234] {strides = array<i32>} : memref<512x32xf32, #tpu.memory_space<vmem>>, vector<1x16xf32>,
        %get3A_236 = vector.shape_cast %get3A_235 : vector<1x16xf32> to vector<16xf32>
        %mul3A_237 = vector.broadcast %squeeze3A_221 : f32 to vector<16xf32>
        %mul3A_238 = arith.mulf %get3A_236, %mul3A_237 : vector<16xf32>
        %swap3A_239 = arith.index_cast %add3A_219 : i32 to index
        %swap3A_240 = arith.constant 16 : index
        %swap3A_241 = tpu.vector_load %arg12[%swap3A_239, %swap3A_240] {strides = array<i32>} : memref<512x32xf32, #tpu.memory_space<vmem>>, vector<1x16xf32>,
        %swap3A_242 = vector.shape_cast %swap3A_241 : vector<1x16xf32> to vector<16xf32>
        %swap3A_243 = vector.shape_cast %mul3A_238 : vector<16xf32> to vector<1x16xf32>
        tpu.vector_store %arg12[%swap3A_239, %swap3A_240], %swap3A_243 {strides = array<i32>} : memref<512x32xf32, #tpu.memory_space<vmem>>, vector<1x16xf32>,
        %mul3A_244 = arith.constant 16 : i32
        %mul3A_245 = arith.muli %scan3A_74, %mul3A_244 : i32
        %add3A_246 = arith.constant 6 : i32
        %add3A_247 = arith.addi %mul3A_245, %add3A_246 : i32
        %slice3A_248 = vector.extract_strided_slice %get3A_78 {offsets = [6], sizes = [1], strides = [1]} : vector<16xf32> to vector<1xf32>
        %squeeze3A_249 = vector.extract %slice3A_248[0] : f32 from vector<1xf32>
        %get3A_250 = arith.index_cast %add3A_247 : i32 to index
        %get3A_251 = arith.constant 0 : index
        %get3A_252 = tpu.vector_load %arg12[%get3A_250, %get3A_251] {strides = array<i32>} : memref<512x32xf32, #tpu.memory_space<vmem>>, vector<1x16xf32>,
        %get3A_253 = vector.shape_cast %get3A_252 : vector<1x16xf32> to vector<16xf32>
        %mul3A_254 = vector.broadcast %squeeze3A_249 : f32 to vector<16xf32>
        %mul3A_255 = arith.mulf %get3A_253, %mul3A_254 : vector<16xf32>
        %swap3A_256 = arith.index_cast %add3A_247 : i32 to index
        %swap3A_257 = arith.constant 0 : index
        %swap3A_258 = tpu.vector_load %arg12[%swap3A_256, %swap3A_257] {strides = array<i32>} : memref<512x32xf32, #tpu.memory_space<vmem>>, vector<1x16xf32>,
        %swap3A_259 = vector.shape_cast %swap3A_258 : vector<1x16xf32> to vector<16xf32>
        %swap3A_260 = vector.shape_cast %mul3A_255 : vector<16xf32> to vector<1x16xf32>
        tpu.vector_store %arg12[%swap3A_256, %swap3A_257], %swap3A_260 {strides = array<i32>} : memref<512x32xf32, #tpu.memory_space<vmem>>, vector<1x16xf32>,
        %get3A_261 = arith.index_cast %add3A_247 : i32 to index
        %get3A_262 = arith.constant 16 : index
        %get3A_263 = tpu.vector_load %arg12[%get3A_261, %get3A_262] {strides = array<i32>} : memref<512x32xf32, #tpu.memory_space<vmem>>, vector<1x16xf32>,
        %get3A_264 = vector.shape_cast %get3A_263 : vector<1x16xf32> to vector<16xf32>
        %mul3A_265 = vector.broadcast %squeeze3A_249 : f32 to vector<16xf32>
        %mul3A_266 = arith.mulf %get3A_264, %mul3A_265 : vector<16xf32>
        %swap3A_267 = arith.index_cast %add3A_247 : i32 to index
        %swap3A_268 = arith.constant 16 : index
        %swap3A_269 = tpu.vector_load %arg12[%swap3A_267, %swap3A_268] {strides = array<i32>} : memref<512x32xf32, #tpu.memory_space<vmem>>, vector<1x16xf32>,
        %swap3A_270 = vector.shape_cast %swap3A_269 : vector<1x16xf32> to vector<16xf32>
        %swap3A_271 = vector.shape_cast %mul3A_266 : vector<16xf32> to vector<1x16xf32>
        tpu.vector_store %arg12[%swap3A_267, %swap3A_268], %swap3A_271 {strides = array<i32>} : memref<512x32xf32, #tpu.memory_space<vmem>>, vector<1x16xf32>,
        %mul3A_272 = arith.constant 16 : i32
        %mul3A_273 = arith.muli %scan3A_74, %mul3A_272 : i32
        %add3A_274 = arith.constant 7 : i32
        %add3A_275 = arith.addi %mul3A_273, %add3A_274 : i32
        %slice3A_276 = vector.extract_strided_slice %get3A_78 {offsets = [7], sizes = [1], strides = [1]} : vector<16xf32> to vector<1xf32>
        %squeeze3A_277 = vector.extract %slice3A_276[0] : f32 from vector<1xf32>
        %get3A_278 = arith.index_cast %add3A_275 : i32 to index
        %get3A_279 = arith.constant 0 : index
        %get3A_280 = tpu.vector_load %arg12[%get3A_278, %get3A_279] {strides = array<i32>} : memref<512x32xf32, #tpu.memory_space<vmem>>, vector<1x16xf32>,
        %get3A_281 = vector.shape_cast %get3A_280 : vector<1x16xf32> to vector<16xf32>
        %mul3A_282 = vector.broadcast %squeeze3A_277 : f32 to vector<16xf32>
        %mul3A_283 = arith.mulf %get3A_281, %mul3A_282 : vector<16xf32>
        %swap3A_284 = arith.index_cast %add3A_275 : i32 to index
        %swap3A_285 = arith.constant 0 : index
        %swap3A_286 = tpu.vector_load %arg12[%swap3A_284, %swap3A_285] {strides = array<i32>} : memref<512x32xf32, #tpu.memory_space<vmem>>, vector<1x16xf32>,
        %swap3A_287 = vector.shape_cast %swap3A_286 : vector<1x16xf32> to vector<16xf32>
        %swap3A_288 = vector.shape_cast %mul3A_283 : vector<16xf32> to vector<1x16xf32>
        tpu.vector_store %arg12[%swap3A_284, %swap3A_285], %swap3A_288 {strides = array<i32>} : memref<512x32xf32, #tpu.memory_space<vmem>>, vector<1x16xf32>,
        %get3A_289 = arith.index_cast %add3A_275 : i32 to index
        %get3A_290 = arith.constant 16 : index
        %get3A_291 = tpu.vector_load %arg12[%get3A_289, %get3A_290] {strides = array<i32>} : memref<512x32xf32, #tpu.memory_space<vmem>>, vector<1x16xf32>,
        %get3A_292 = vector.shape_cast %get3A_291 : vector<1x16xf32> to vector<16xf32>
        %mul3A_293 = vector.broadcast %squeeze3A_277 : f32 to vector<16xf32>
        %mul3A_294 = arith.mulf %get3A_292, %mul3A_293 : vector<16xf32>
        %swap3A_295 = arith.index_cast %add3A_275 : i32 to index
        %swap3A_296 = arith.constant 16 : index
        %swap3A_297 = tpu.vector_load %arg12[%swap3A_295, %swap3A_296] {strides = array<i32>} : memref<512x32xf32, #tpu.memory_space<vmem>>, vector<1x16xf32>,
        %swap3A_298 = vector.shape_cast %swap3A_297 : vector<1x16xf32> to vector<16xf32>
        %swap3A_299 = vector.shape_cast %mul3A_294 : vector<16xf32> to vector<1x16xf32>
        tpu.vector_store %arg12[%swap3A_295, %swap3A_296], %swap3A_299 {strides = array<i32>} : memref<512x32xf32, #tpu.memory_space<vmem>>, vector<1x16xf32>,
        %mul3A_300 = arith.constant 16 : i32
        %mul3A_301 = arith.muli %scan3A_74, %mul3A_300 : i32
        %add3A_302 = arith.constant 8 : i32
        %add3A_303 = arith.addi %mul3A_301, %add3A_302 : i32
        %slice3A_304 = vector.extract_strided_slice %get3A_78 {offsets = [8], sizes = [1], strides = [1]} : vector<16xf32> to vector<1xf32>
        %squeeze3A_305 = vector.extract %slice3A_304[0] : f32 from vector<1xf32>
        %get3A_306 = arith.index_cast %add3A_303 : i32 to index
        %get3A_307 = arith.constant 0 : index
        %get3A_308 = tpu.vector_load %arg12[%get3A_306, %get3A_307] {strides = array<i32>} : memref<512x32xf32, #tpu.memory_space<vmem>>, vector<1x16xf32>,
        %get3A_309 = vector.shape_cast %get3A_308 : vector<1x16xf32> to vector<16xf32>
        %mul3A_310 = vector.broadcast %squeeze3A_305 : f32 to vector<16xf32>
        %mul3A_311 = arith.mulf %get3A_309, %mul3A_310 : vector<16xf32>
        %swap3A_312 = arith.index_cast %add3A_303 : i32 to index
        %swap3A_313 = arith.constant 0 : index
        %swap3A_314 = tpu.vector_load %arg12[%swap3A_312, %swap3A_313] {strides = array<i32>} : memref<512x32xf32, #tpu.memory_space<vmem>>, vector<1x16xf32>,
        %swap3A_315 = vector.shape_cast %swap3A_314 : vector<1x16xf32> to vector<16xf32>
        %swap3A_316 = vector.shape_cast %mul3A_311 : vector<16xf32> to vector<1x16xf32>
        tpu.vector_store %arg12[%swap3A_312, %swap3A_313], %swap3A_316 {strides = array<i32>} : memref<512x32xf32, #tpu.memory_space<vmem>>, vector<1x16xf32>,
        %get3A_317 = arith.index_cast %add3A_303 : i32 to index
        %get3A_318 = arith.constant 16 : index
        %get3A_319 = tpu.vector_load %arg12[%get3A_317, %get3A_318] {strides = array<i32>} : memref<512x32xf32, #tpu.memory_space<vmem>>, vector<1x16xf32>,
        %get3A_320 = vector.shape_cast %get3A_319 : vector<1x16xf32> to vector<16xf32>
        %mul3A_321 = vector.broadcast %squeeze3A_305 : f32 to vector<16xf32>
        %mul3A_322 = arith.mulf %get3A_320, %mul3A_321 : vector<16xf32>
        %swap3A_323 = arith.index_cast %add3A_303 : i32 to index
        %swap3A_324 = arith.constant 16 : index
        %swap3A_325 = tpu.vector_load %arg12[%swap3A_323, %swap3A_324] {strides = array<i32>} : memref<512x32xf32, #tpu.memory_space<vmem>>, vector<1x16xf32>,
        %swap3A_326 = vector.shape_cast %swap3A_325 : vector<1x16xf32> to vector<16xf32>
        %swap3A_327 = vector.shape_cast %mul3A_322 : vector<16xf32> to vector<1x16xf32>
        tpu.vector_store %arg12[%swap3A_323, %swap3A_324], %swap3A_327 {strides = array<i32>} : memref<512x32xf32, #tpu.memory_space<vmem>>, vector<1x16xf32>,
        %mul3A_328 = arith.constant 16 : i32
        %mul3A_329 = arith.muli %scan3A_74, %mul3A_328 : i32
        %add3A_330 = arith.constant 9 : i32
        %add3A_331 = arith.addi %mul3A_329, %add3A_330 : i32
        %slice3A_332 = vector.extract_strided_slice %get3A_78 {offsets = [9], sizes = [1], strides = [1]} : vector<16xf32> to vector<1xf32>
        %squeeze3A_333 = vector.extract %slice3A_332[0] : f32 from vector<1xf32>
        %get3A_334 = arith.index_cast %add3A_331 : i32 to index
        %get3A_335 = arith.constant 0 : index
        %get3A_336 = tpu.vector_load %arg12[%get3A_334, %get3A_335] {strides = array<i32>} : memref<512x32xf32, #tpu.memory_space<vmem>>, vector<1x16xf32>,
        %get3A_337 = vector.shape_cast %get3A_336 : vector<1x16xf32> to vector<16xf32>
        %mul3A_338 = vector.broadcast %squeeze3A_333 : f32 to vector<16xf32>
        %mul3A_339 = arith.mulf %get3A_337, %mul3A_338 : vector<16xf32>
        %swap3A_340 = arith.index_cast %add3A_331 : i32 to index
        %swap3A_341 = arith.constant 0 : index
        %swap3A_342 = tpu.vector_load %arg12[%swap3A_340, %swap3A_341] {strides = array<i32>} : memref<512x32xf32, #tpu.memory_space<vmem>>, vector<1x16xf32>,
        %swap3A_343 = vector.shape_cast %swap3A_342 : vector<1x16xf32> to vector<16xf32>
        %swap3A_344 = vector.shape_cast %mul3A_339 : vector<16xf32> to vector<1x16xf32>
        tpu.vector_store %arg12[%swap3A_340, %swap3A_341], %swap3A_344 {strides = array<i32>} : memref<512x32xf32, #tpu.memory_space<vmem>>, vector<1x16xf32>,
        %get3A_345 = arith.index_cast %add3A_331 : i32 to index
        %get3A_346 = arith.constant 16 : index
        %get3A_347 = tpu.vector_load %arg12[%get3A_345, %get3A_346] {strides = array<i32>} : memref<512x32xf32, #tpu.memory_space<vmem>>, vector<1x16xf32>,
        %get3A_348 = vector.shape_cast %get3A_347 : vector<1x16xf32> to vector<16xf32>
        %mul3A_349 = vector.broadcast %squeeze3A_333 : f32 to vector<16xf32>
        %mul3A_350 = arith.mulf %get3A_348, %mul3A_349 : vector<16xf32>
        %swap3A_351 = arith.index_cast %add3A_331 : i32 to index
        %swap3A_352 = arith.constant 16 : index
        %swap3A_353 = tpu.vector_load %arg12[%swap3A_351, %swap3A_352] {strides = array<i32>} : memref<512x32xf32, #tpu.memory_space<vmem>>, vector<1x16xf32>,
        %swap3A_354 = vector.shape_cast %swap3A_353 : vector<1x16xf32> to vector<16xf32>
        %swap3A_355 = vector.shape_cast %mul3A_350 : vector<16xf32> to vector<1x16xf32>
        tpu.vector_store %arg12[%swap3A_351, %swap3A_352], %swap3A_355 {strides = array<i32>} : memref<512x32xf32, #tpu.memory_space<vmem>>, vector<1x16xf32>,
        %mul3A_356 = arith.constant 16 : i32
        %mul3A_357 = arith.muli %scan3A_74, %mul3A_356 : i32
        %add3A_358 = arith.constant 10 : i32
        %add3A_359 = arith.addi %mul3A_357, %add3A_358 : i32
        %slice3A_360 = vector.extract_strided_slice %get3A_78 {offsets = [10], sizes = [1], strides = [1]} : vector<16xf32> to vector<1xf32>
        %squeeze3A_361 = vector.extract %slice3A_360[0] : f32 from vector<1xf32>
        %get3A_362 = arith.index_cast %add3A_359 : i32 to index
        %get3A_363 = arith.constant 0 : index
        %get3A_364 = tpu.vector_load %arg12[%get3A_362, %get3A_363] {strides = array<i32>} : memref<512x32xf32, #tpu.memory_space<vmem>>, vector<1x16xf32>,
        %get3A_365 = vector.shape_cast %get3A_364 : vector<1x16xf32> to vector<16xf32>
        %mul3A_366 = vector.broadcast %squeeze3A_361 : f32 to vector<16xf32>
        %mul3A_367 = arith.mulf %get3A_365, %mul3A_366 : vector<16xf32>
        %swap3A_368 = arith.index_cast %add3A_359 : i32 to index
        %swap3A_369 = arith.constant 0 : index
        %swap3A_370 = tpu.vector_load %arg12[%swap3A_368, %swap3A_369] {strides = array<i32>} : memref<512x32xf32, #tpu.memory_space<vmem>>, vector<1x16xf32>,
        %swap3A_371 = vector.shape_cast %swap3A_370 : vector<1x16xf32> to vector<16xf32>
        %swap3A_372 = vector.shape_cast %mul3A_367 : vector<16xf32> to vector<1x16xf32>
        tpu.vector_store %arg12[%swap3A_368, %swap3A_369], %swap3A_372 {strides = array<i32>} : memref<512x32xf32, #tpu.memory_space<vmem>>, vector<1x16xf32>,
        %get3A_373 = arith.index_cast %add3A_359 : i32 to index
        %get3A_374 = arith.constant 16 : index
        %get3A_375 = tpu.vector_load %arg12[%get3A_373, %get3A_374] {strides = array<i32>} : memref<512x32xf32, #tpu.memory_space<vmem>>, vector<1x16xf32>,
        %get3A_376 = vector.shape_cast %get3A_375 : vector<1x16xf32> to vector<16xf32>
        %mul3A_377 = vector.broadcast %squeeze3A_361 : f32 to vector<16xf32>
        %mul3A_378 = arith.mulf %get3A_376, %mul3A_377 : vector<16xf32>
        %swap3A_379 = arith.index_cast %add3A_359 : i32 to index
        %swap3A_380 = arith.constant 16 : index
        %swap3A_381 = tpu.vector_load %arg12[%swap3A_379, %swap3A_380] {strides = array<i32>} : memref<512x32xf32, #tpu.memory_space<vmem>>, vector<1x16xf32>,
        %swap3A_382 = vector.shape_cast %swap3A_381 : vector<1x16xf32> to vector<16xf32>
        %swap3A_383 = vector.shape_cast %mul3A_378 : vector<16xf32> to vector<1x16xf32>
        tpu.vector_store %arg12[%swap3A_379, %swap3A_380], %swap3A_383 {strides = array<i32>} : memref<512x32xf32, #tpu.memory_space<vmem>>, vector<1x16xf32>,
        %mul3A_384 = arith.constant 16 : i32
        %mul3A_385 = arith.muli %scan3A_74, %mul3A_384 : i32
        %add3A_386 = arith.constant 11 : i32
        %add3A_387 = arith.addi %mul3A_385, %add3A_386 : i32
        %slice3A_388 = vector.extract_strided_slice %get3A_78 {offsets = [11], sizes = [1], strides = [1]} : vector<16xf32> to vector<1xf32>
        %squeeze3A_389 = vector.extract %slice3A_388[0] : f32 from vector<1xf32>
        %get3A_390 = arith.index_cast %add3A_387 : i32 to index
        %get3A_391 = arith.constant 0 : index
        %get3A_392 = tpu.vector_load %arg12[%get3A_390, %get3A_391] {strides = array<i32>} : memref<512x32xf32, #tpu.memory_space<vmem>>, vector<1x16xf32>,
        %get3A_393 = vector.shape_cast %get3A_392 : vector<1x16xf32> to vector<16xf32>
        %mul3A_394 = vector.broadcast %squeeze3A_389 : f32 to vector<16xf32>
        %mul3A_395 = arith.mulf %get3A_393, %mul3A_394 : vector<16xf32>
        %swap3A_396 = arith.index_cast %add3A_387 : i32 to index
        %swap3A_397 = arith.constant 0 : index
        %swap3A_398 = tpu.vector_load %arg12[%swap3A_396, %swap3A_397] {strides = array<i32>} : memref<512x32xf32, #tpu.memory_space<vmem>>, vector<1x16xf32>,
        %swap3A_399 = vector.shape_cast %swap3A_398 : vector<1x16xf32> to vector<16xf32>
        %swap3A_400 = vector.shape_cast %mul3A_395 : vector<16xf32> to vector<1x16xf32>
        tpu.vector_store %arg12[%swap3A_396, %swap3A_397], %swap3A_400 {strides = array<i32>} : memref<512x32xf32, #tpu.memory_space<vmem>>, vector<1x16xf32>,
        %get3A_401 = arith.index_cast %add3A_387 : i32 to index
        %get3A_402 = arith.constant 16 : index
        %get3A_403 = tpu.vector_load %arg12[%get3A_401, %get3A_402] {strides = array<i32>} : memref<512x32xf32, #tpu.memory_space<vmem>>, vector<1x16xf32>,
        %get3A_404 = vector.shape_cast %get3A_403 : vector<1x16xf32> to vector<16xf32>
        %mul3A_405 = vector.broadcast %squeeze3A_389 : f32 to vector<16xf32>
        %mul3A_406 = arith.mulf %get3A_404, %mul3A_405 : vector<16xf32>
        %swap3A_407 = arith.index_cast %add3A_387 : i32 to index
        %swap3A_408 = arith.constant 16 : index
        %swap3A_409 = tpu.vector_load %arg12[%swap3A_407, %swap3A_408] {strides = array<i32>} : memref<512x32xf32, #tpu.memory_space<vmem>>, vector<1x16xf32>,
        %swap3A_410 = vector.shape_cast %swap3A_409 : vector<1x16xf32> to vector<16xf32>
        %swap3A_411 = vector.shape_cast %mul3A_406 : vector<16xf32> to vector<1x16xf32>
        tpu.vector_store %arg12[%swap3A_407, %swap3A_408], %swap3A_411 {strides = array<i32>} : memref<512x32xf32, #tpu.memory_space<vmem>>, vector<1x16xf32>,
        %mul3A_412 = arith.constant 16 : i32
        %mul3A_413 = arith.muli %scan3A_74, %mul3A_412 : i32
        %add3A_414 = arith.constant 12 : i32
        %add3A_415 = arith.addi %mul3A_413, %add3A_414 : i32
        %slice3A_416 = vector.extract_strided_slice %get3A_78 {offsets = [12], sizes = [1], strides = [1]} : vector<16xf32> to vector<1xf32>
        %squeeze3A_417 = vector.extract %slice3A_416[0] : f32 from vector<1xf32>
        %get3A_418 = arith.index_cast %add3A_415 : i32 to index
        %get3A_419 = arith.constant 0 : index
        %get3A_420 = tpu.vector_load %arg12[%get3A_418, %get3A_419] {strides = array<i32>} : memref<512x32xf32, #tpu.memory_space<vmem>>, vector<1x16xf32>,
        %get3A_421 = vector.shape_cast %get3A_420 : vector<1x16xf32> to vector<16xf32>
        %mul3A_422 = vector.broadcast %squeeze3A_417 : f32 to vector<16xf32>
        %mul3A_423 = arith.mulf %get3A_421, %mul3A_422 : vector<16xf32>
        %swap3A_424 = arith.index_cast %add3A_415 : i32 to index
        %swap3A_425 = arith.constant 0 : index
        %swap3A_426 = tpu.vector_load %arg12[%swap3A_424, %swap3A_425] {strides = array<i32>} : memref<512x32xf32, #tpu.memory_space<vmem>>, vector<1x16xf32>,
        %swap3A_427 = vector.shape_cast %swap3A_426 : vector<1x16xf32> to vector<16xf32>
        %swap3A_428 = vector.shape_cast %mul3A_423 : vector<16xf32> to vector<1x16xf32>
        tpu.vector_store %arg12[%swap3A_424, %swap3A_425], %swap3A_428 {strides = array<i32>} : memref<512x32xf32, #tpu.memory_space<vmem>>, vector<1x16xf32>,
        %get3A_429 = arith.index_cast %add3A_415 : i32 to index
        %get3A_430 = arith.constant 16 : index
        %get3A_431 = tpu.vector_load %arg12[%get3A_429, %get3A_430] {strides = array<i32>} : memref<512x32xf32, #tpu.memory_space<vmem>>, vector<1x16xf32>,
        %get3A_432 = vector.shape_cast %get3A_431 : vector<1x16xf32> to vector<16xf32>
        %mul3A_433 = vector.broadcast %squeeze3A_417 : f32 to vector<16xf32>
        %mul3A_434 = arith.mulf %get3A_432, %mul3A_433 : vector<16xf32>
        %swap3A_435 = arith.index_cast %add3A_415 : i32 to index
        %swap3A_436 = arith.constant 16 : index
        %swap3A_437 = tpu.vector_load %arg12[%swap3A_435, %swap3A_436] {strides = array<i32>} : memref<512x32xf32, #tpu.memory_space<vmem>>, vector<1x16xf32>,
        %swap3A_438 = vector.shape_cast %swap3A_437 : vector<1x16xf32> to vector<16xf32>
        %swap3A_439 = vector.shape_cast %mul3A_434 : vector<16xf32> to vector<1x16xf32>
        tpu.vector_store %arg12[%swap3A_435, %swap3A_436], %swap3A_439 {strides = array<i32>} : memref<512x32xf32, #tpu.memory_space<vmem>>, vector<1x16xf32>,
        %mul3A_440 = arith.constant 16 : i32
        %mul3A_441 = arith.muli %scan3A_74, %mul3A_440 : i32
        %add3A_442 = arith.constant 13 : i32
        %add3A_443 = arith.addi %mul3A_441, %add3A_442 : i32
        %slice3A_444 = vector.extract_strided_slice %get3A_78 {offsets = [13], sizes = [1], strides = [1]} : vector<16xf32> to vector<1xf32>
        %squeeze3A_445 = vector.extract %slice3A_444[0] : f32 from vector<1xf32>
        %get3A_446 = arith.index_cast %add3A_443 : i32 to index
        %get3A_447 = arith.constant 0 : index
        %get3A_448 = tpu.vector_load %arg12[%get3A_446, %get3A_447] {strides = array<i32>} : memref<512x32xf32, #tpu.memory_space<vmem>>, vector<1x16xf32>,
        %get3A_449 = vector.shape_cast %get3A_448 : vector<1x16xf32> to vector<16xf32>
        %mul3A_450 = vector.broadcast %squeeze3A_445 : f32 to vector<16xf32>
        %mul3A_451 = arith.mulf %get3A_449, %mul3A_450 : vector<16xf32>
        %swap3A_452 = arith.index_cast %add3A_443 : i32 to index
        %swap3A_453 = arith.constant 0 : index
        %swap3A_454 = tpu.vector_load %arg12[%swap3A_452, %swap3A_453] {strides = array<i32>} : memref<512x32xf32, #tpu.memory_space<vmem>>, vector<1x16xf32>,
        %swap3A_455 = vector.shape_cast %swap3A_454 : vector<1x16xf32> to vector<16xf32>
        %swap3A_456 = vector.shape_cast %mul3A_451 : vector<16xf32> to vector<1x16xf32>
        tpu.vector_store %arg12[%swap3A_452, %swap3A_453], %swap3A_456 {strides = array<i32>} : memref<512x32xf32, #tpu.memory_space<vmem>>, vector<1x16xf32>,
        %get3A_457 = arith.index_cast %add3A_443 : i32 to index
        %get3A_458 = arith.constant 16 : index
        %get3A_459 = tpu.vector_load %arg12[%get3A_457, %get3A_458] {strides = array<i32>} : memref<512x32xf32, #tpu.memory_space<vmem>>, vector<1x16xf32>,
        %get3A_460 = vector.shape_cast %get3A_459 : vector<1x16xf32> to vector<16xf32>
        %mul3A_461 = vector.broadcast %squeeze3A_445 : f32 to vector<16xf32>
        %mul3A_462 = arith.mulf %get3A_460, %mul3A_461 : vector<16xf32>
        %swap3A_463 = arith.index_cast %add3A_443 : i32 to index
        %swap3A_464 = arith.constant 16 : index
        %swap3A_465 = tpu.vector_load %arg12[%swap3A_463, %swap3A_464] {strides = array<i32>} : memref<512x32xf32, #tpu.memory_space<vmem>>, vector<1x16xf32>,
        %swap3A_466 = vector.shape_cast %swap3A_465 : vector<1x16xf32> to vector<16xf32>
        %swap3A_467 = vector.shape_cast %mul3A_462 : vector<16xf32> to vector<1x16xf32>
        tpu.vector_store %arg12[%swap3A_463, %swap3A_464], %swap3A_467 {strides = array<i32>} : memref<512x32xf32, #tpu.memory_space<vmem>>, vector<1x16xf32>,
        %mul3A_468 = arith.constant 16 : i32
        %mul3A_469 = arith.muli %scan3A_74, %mul3A_468 : i32
        %add3A_470 = arith.constant 14 : i32
        %add3A_471 = arith.addi %mul3A_469, %add3A_470 : i32
        %slice3A_472 = vector.extract_strided_slice %get3A_78 {offsets = [14], sizes = [1], strides = [1]} : vector<16xf32> to vector<1xf32>
        %squeeze3A_473 = vector.extract %slice3A_472[0] : f32 from vector<1xf32>
        %get3A_474 = arith.index_cast %add3A_471 : i32 to index
        %get3A_475 = arith.constant 0 : index
        %get3A_476 = tpu.vector_load %arg12[%get3A_474, %get3A_475] {strides = array<i32>} : memref<512x32xf32, #tpu.memory_space<vmem>>, vector<1x16xf32>,
        %get3A_477 = vector.shape_cast %get3A_476 : vector<1x16xf32> to vector<16xf32>
        %mul3A_478 = vector.broadcast %squeeze3A_473 : f32 to vector<16xf32>
        %mul3A_479 = arith.mulf %get3A_477, %mul3A_478 : vector<16xf32>
        %swap3A_480 = arith.index_cast %add3A_471 : i32 to index
        %swap3A_481 = arith.constant 0 : index
        %swap3A_482 = tpu.vector_load %arg12[%swap3A_480, %swap3A_481] {strides = array<i32>} : memref<512x32xf32, #tpu.memory_space<vmem>>, vector<1x16xf32>,
        %swap3A_483 = vector.shape_cast %swap3A_482 : vector<1x16xf32> to vector<16xf32>
        %swap3A_484 = vector.shape_cast %mul3A_479 : vector<16xf32> to vector<1x16xf32>
        tpu.vector_store %arg12[%swap3A_480, %swap3A_481], %swap3A_484 {strides = array<i32>} : memref<512x32xf32, #tpu.memory_space<vmem>>, vector<1x16xf32>,
        %get3A_485 = arith.index_cast %add3A_471 : i32 to index
        %get3A_486 = arith.constant 16 : index
        %get3A_487 = tpu.vector_load %arg12[%get3A_485, %get3A_486] {strides = array<i32>} : memref<512x32xf32, #tpu.memory_space<vmem>>, vector<1x16xf32>,
        %get3A_488 = vector.shape_cast %get3A_487 : vector<1x16xf32> to vector<16xf32>
        %mul3A_489 = vector.broadcast %squeeze3A_473 : f32 to vector<16xf32>
        %mul3A_490 = arith.mulf %get3A_488, %mul3A_489 : vector<16xf32>
        %swap3A_491 = arith.index_cast %add3A_471 : i32 to index
        %swap3A_492 = arith.constant 16 : index
        %swap3A_493 = tpu.vector_load %arg12[%swap3A_491, %swap3A_492] {strides = array<i32>} : memref<512x32xf32, #tpu.memory_space<vmem>>, vector<1x16xf32>,
        %swap3A_494 = vector.shape_cast %swap3A_493 : vector<1x16xf32> to vector<16xf32>
        %swap3A_495 = vector.shape_cast %mul3A_490 : vector<16xf32> to vector<1x16xf32>
        tpu.vector_store %arg12[%swap3A_491, %swap3A_492], %swap3A_495 {strides = array<i32>} : memref<512x32xf32, #tpu.memory_space<vmem>>, vector<1x16xf32>,
        %mul3A_496 = arith.constant 16 : i32
        %mul3A_497 = arith.muli %scan3A_74, %mul3A_496 : i32
        %add3A_498 = arith.constant 15 : i32
        %add3A_499 = arith.addi %mul3A_497, %add3A_498 : i32
        %slice3A_500 = vector.extract_strided_slice %get3A_78 {offsets = [15], sizes = [1], strides = [1]} : vector<16xf32> to vector<1xf32>
        %squeeze3A_501 = vector.extract %slice3A_500[0] : f32 from vector<1xf32>
        %get3A_502 = arith.index_cast %add3A_499 : i32 to index
        %get3A_503 = arith.constant 0 : index
        %get3A_504 = tpu.vector_load %arg12[%get3A_502, %get3A_503] {strides = array<i32>} : memref<512x32xf32, #tpu.memory_space<vmem>>, vector<1x16xf32>,
        %get3A_505 = vector.shape_cast %get3A_504 : vector<1x16xf32> to vector<16xf32>
        %mul3A_506 = vector.broadcast %squeeze3A_501 : f32 to vector<16xf32>
        %mul3A_507 = arith.mulf %get3A_505, %mul3A_506 : vector<16xf32>
        %swap3A_508 = arith.index_cast %add3A_499 : i32 to index
        %swap3A_509 = arith.constant 0 : index
        %swap3A_510 = tpu.vector_load %arg12[%swap3A_508, %swap3A_509] {strides = array<i32>} : memref<512x32xf32, #tpu.memory_space<vmem>>, vector<1x16xf32>,
        %swap3A_511 = vector.shape_cast %swap3A_510 : vector<1x16xf32> to vector<16xf32>
        %swap3A_512 = vector.shape_cast %mul3A_507 : vector<16xf32> to vector<1x16xf32>
        tpu.vector_store %arg12[%swap3A_508, %swap3A_509], %swap3A_512 {strides = array<i32>} : memref<512x32xf32, #tpu.memory_space<vmem>>, vector<1x16xf32>,
        %get3A_513 = arith.index_cast %add3A_499 : i32 to index
        %get3A_514 = arith.constant 16 : index
        %get3A_515 = tpu.vector_load %arg12[%get3A_513, %get3A_514] {strides = array<i32>} : memref<512x32xf32, #tpu.memory_space<vmem>>, vector<1x16xf32>,
        %get3A_516 = vector.shape_cast %get3A_515 : vector<1x16xf32> to vector<16xf32>
        %mul3A_517 = vector.broadcast %squeeze3A_501 : f32 to vector<16xf32>
        %mul3A_518 = arith.mulf %get3A_516, %mul3A_517 : vector<16xf32>
        %swap3A_519 = arith.index_cast %add3A_499 : i32 to index
        %swap3A_520 = arith.constant 16 : index
        %swap3A_521 = tpu.vector_load %arg12[%swap3A_519, %swap3A_520] {strides = array<i32>} : memref<512x32xf32, #tpu.memory_space<vmem>>, vector<1x16xf32>,
        %swap3A_522 = vector.shape_cast %swap3A_521 : vector<1x16xf32> to vector<16xf32>
        %swap3A_523 = vector.shape_cast %mul3A_518 : vector<16xf32> to vector<1x16xf32>
        tpu.vector_store %arg12[%swap3A_519, %swap3A_520], %swap3A_523 {strides = array<i32>} : memref<512x32xf32, #tpu.memory_space<vmem>>, vector<1x16xf32>,
      }
      %scan3A_70 = arith.constant 32 : i32
      %run_scoped3A = arith.constant 0 : i32
      "tpu.region"() ({
        %run_scoped3A_74 = tpu.sem_alloc : memref<!tpu.dma_semaphore, #tpu.memory_space<semaphore_mem>>
        %dma_start3A_75 = arith.constant 0 : i32
        %dma_start3A_76 = arith.constant 0 : i32
        %dma_start3A_77 = tpu.memref_slice %arg12[%dma_start3A_75, %dma_start3A_76] : memref<512x32xf32, #tpu.memory_space<vmem>> -> memref<128x32xf32, #tpu.memory_space<vmem>>
        %dma_start3A_78 = arith.constant 0 : i32
        %dma_start3A_79 = tpu.memref_slice %arg10[%run_scoped3A, %dma_start3A_78] : memref<4x128xi32, #tpu.memory_space<vmem>> -> memref<1x128xi32, #tpu.memory_space<vmem>>
        %dma_start3A_80 = tpu.memref_squeeze %dma_start3A_79 : memref<1x128xi32, #tpu.memory_space<vmem>> -> memref<128xi32, #tpu.memory_space<vmem>>
        %dma_start3A_81 = arith.constant 0 : i32
        %dma_start3A_82 = arith.constant 0 : i32
        %dma_start3A_83 = tpu.memref_slice %arg13[%dma_start3A_81, %dma_start3A_82] : memref<49152x32xf32, #tpu.memory_space<vmem_shared>> -> memref<49152x32xf32, #tpu.memory_space<vmem_shared>>
        tpu.enqueue_indirect_dma source(%dma_start3A_77 : memref<128x32xf32, #tpu.memory_space<vmem>>) target(%dma_start3A_83 : memref<49152x32xf32, #tpu.memory_space<vmem_shared>>) offsets(%dma_start3A_80 : memref<128xi32, #tpu.memory_space<vmem>>) semaphore(%run_scoped3A_74 : memref<!tpu.dma_semaphore, #tpu.memory_space<semaphore_mem>>) {add = true}
        %dma_wait3A_84 = arith.constant 0 : i32
        %dma_wait3A_85 = arith.constant 0 : i32
        %dma_wait3A_86 = tpu.memref_slice %arg12[%dma_wait3A_84, %dma_wait3A_85] : memref<512x32xf32, #tpu.memory_space<vmem>> -> memref<128x32xf32, #tpu.memory_space<vmem>>
        %dma_wait3A_87 = arith.constant 0 : i32
        %dma_wait3A_88 = tpu.memref_slice %arg10[%run_scoped3A, %dma_wait3A_87] : memref<4x128xi32, #tpu.memory_space<vmem>> -> memref<1x128xi32, #tpu.memory_space<vmem>>
        %dma_wait3A_89 = tpu.memref_squeeze %dma_wait3A_88 : memref<1x128xi32, #tpu.memory_space<vmem>> -> memref<128xi32, #tpu.memory_space<vmem>>
        %dma_wait3A_90 = arith.constant 0 : i32
        %dma_wait3A_91 = arith.constant 0 : i32
        %dma_wait3A_92 = tpu.memref_slice %arg13[%dma_wait3A_90, %dma_wait3A_91] : memref<49152x32xf32, #tpu.memory_space<vmem_shared>> -> memref<49152x32xf32, #tpu.memory_space<vmem_shared>>
        tpu.wait_indirect_dma semaphore(%run_scoped3A_74 : memref<!tpu.dma_semaphore, #tpu.memory_space<semaphore_mem>>) src(%dma_wait3A_86 : memref<128x32xf32, #tpu.memory_space<vmem>>) dst(%dma_wait3A_92 : memref<49152x32xf32, #tpu.memory_space<vmem_shared>>)
        tpu.yield
      }) : () -> ()
      %run_scoped3A_71 = arith.constant 1 : i32
      "tpu.region"() ({
        %run_scoped3A_74 = tpu.sem_alloc : memref<!tpu.dma_semaphore, #tpu.memory_space<semaphore_mem>>
        %dma_start3A_75 = arith.constant 128 : i32
        %dma_start3A_76 = arith.constant 0 : i32
        %dma_start3A_77 = tpu.memref_slice %arg12[%dma_start3A_75, %dma_start3A_76] : memref<512x32xf32, #tpu.memory_space<vmem>> -> memref<128x32xf32, #tpu.memory_space<vmem>>
        %dma_start3A_78 = arith.constant 0 : i32
        %dma_start3A_79 = tpu.memref_slice %arg10[%run_scoped3A_71, %dma_start3A_78] : memref<4x128xi32, #tpu.memory_space<vmem>> -> memref<1x128xi32, #tpu.memory_space<vmem>>
        %dma_start3A_80 = tpu.memref_squeeze %dma_start3A_79 : memref<1x128xi32, #tpu.memory_space<vmem>> -> memref<128xi32, #tpu.memory_space<vmem>>
        %dma_start3A_81 = arith.constant 0 : i32
        %dma_start3A_82 = arith.constant 0 : i32
        %dma_start3A_83 = tpu.memref_slice %arg13[%dma_start3A_81, %dma_start3A_82] : memref<49152x32xf32, #tpu.memory_space<vmem_shared>> -> memref<49152x32xf32, #tpu.memory_space<vmem_shared>>
        tpu.enqueue_indirect_dma source(%dma_start3A_77 : memref<128x32xf32, #tpu.memory_space<vmem>>) target(%dma_start3A_83 : memref<49152x32xf32, #tpu.memory_space<vmem_shared>>) offsets(%dma_start3A_80 : memref<128xi32, #tpu.memory_space<vmem>>) semaphore(%run_scoped3A_74 : memref<!tpu.dma_semaphore, #tpu.memory_space<semaphore_mem>>) {add = true}
        %dma_wait3A_84 = arith.constant 128 : i32
        %dma_wait3A_85 = arith.constant 0 : i32
        %dma_wait3A_86 = tpu.memref_slice %arg12[%dma_wait3A_84, %dma_wait3A_85] : memref<512x32xf32, #tpu.memory_space<vmem>> -> memref<128x32xf32, #tpu.memory_space<vmem>>
        %dma_wait3A_87 = arith.constant 0 : i32
        %dma_wait3A_88 = tpu.memref_slice %arg10[%run_scoped3A_71, %dma_wait3A_87] : memref<4x128xi32, #tpu.memory_space<vmem>> -> memref<1x128xi32, #tpu.memory_space<vmem>>
        %dma_wait3A_89 = tpu.memref_squeeze %dma_wait3A_88 : memref<1x128xi32, #tpu.memory_space<vmem>> -> memref<128xi32, #tpu.memory_space<vmem>>
        %dma_wait3A_90 = arith.constant 0 : i32
        %dma_wait3A_91 = arith.constant 0 : i32
        %dma_wait3A_92 = tpu.memref_slice %arg13[%dma_wait3A_90, %dma_wait3A_91] : memref<49152x32xf32, #tpu.memory_space<vmem_shared>> -> memref<49152x32xf32, #tpu.memory_space<vmem_shared>>
        tpu.wait_indirect_dma semaphore(%run_scoped3A_74 : memref<!tpu.dma_semaphore, #tpu.memory_space<semaphore_mem>>) src(%dma_wait3A_86 : memref<128x32xf32, #tpu.memory_space<vmem>>) dst(%dma_wait3A_92 : memref<49152x32xf32, #tpu.memory_space<vmem_shared>>)
        tpu.yield
      }) : () -> ()
      %run_scoped3A_72 = arith.constant 2 : i32
      "tpu.region"() ({
        %run_scoped3A_74 = tpu.sem_alloc : memref<!tpu.dma_semaphore, #tpu.memory_space<semaphore_mem>>
        %dma_start3A_75 = arith.constant 256 : i32
        %dma_start3A_76 = arith.constant 0 : i32
        %dma_start3A_77 = tpu.memref_slice %arg12[%dma_start3A_75, %dma_start3A_76] : memref<512x32xf32, #tpu.memory_space<vmem>> -> memref<128x32xf32, #tpu.memory_space<vmem>>
        %dma_start3A_78 = arith.constant 0 : i32
        %dma_start3A_79 = tpu.memref_slice %arg10[%run_scoped3A_72, %dma_start3A_78] : memref<4x128xi32, #tpu.memory_space<vmem>> -> memref<1x128xi32, #tpu.memory_space<vmem>>
        %dma_start3A_80 = tpu.memref_squeeze %dma_start3A_79 : memref<1x128xi32, #tpu.memory_space<vmem>> -> memref<128xi32, #tpu.memory_space<vmem>>
        %dma_start3A_81 = arith.constant 0 : i32
        %dma_start3A_82 = arith.constant 0 : i32
        %dma_start3A_83 = tpu.memref_slice %arg13[%dma_start3A_81, %dma_start3A_82] : memref<49152x32xf32, #tpu.memory_space<vmem_shared>> -> memref<49152x32xf32, #tpu.memory_space<vmem_shared>>
        tpu.enqueue_indirect_dma source(%dma_start3A_77 : memref<128x32xf32, #tpu.memory_space<vmem>>) target(%dma_start3A_83 : memref<49152x32xf32, #tpu.memory_space<vmem_shared>>) offsets(%dma_start3A_80 : memref<128xi32, #tpu.memory_space<vmem>>) semaphore(%run_scoped3A_74 : memref<!tpu.dma_semaphore, #tpu.memory_space<semaphore_mem>>) {add = true}
        %dma_wait3A_84 = arith.constant 256 : i32
        %dma_wait3A_85 = arith.constant 0 : i32
        %dma_wait3A_86 = tpu.memref_slice %arg12[%dma_wait3A_84, %dma_wait3A_85] : memref<512x32xf32, #tpu.memory_space<vmem>> -> memref<128x32xf32, #tpu.memory_space<vmem>>
        %dma_wait3A_87 = arith.constant 0 : i32
        %dma_wait3A_88 = tpu.memref_slice %arg10[%run_scoped3A_72, %dma_wait3A_87] : memref<4x128xi32, #tpu.memory_space<vmem>> -> memref<1x128xi32, #tpu.memory_space<vmem>>
        %dma_wait3A_89 = tpu.memref_squeeze %dma_wait3A_88 : memref<1x128xi32, #tpu.memory_space<vmem>> -> memref<128xi32, #tpu.memory_space<vmem>>
        %dma_wait3A_90 = arith.constant 0 : i32
        %dma_wait3A_91 = arith.constant 0 : i32
        %dma_wait3A_92 = tpu.memref_slice %arg13[%dma_wait3A_90, %dma_wait3A_91] : memref<49152x32xf32, #tpu.memory_space<vmem_shared>> -> memref<49152x32xf32, #tpu.memory_space<vmem_shared>>
        tpu.wait_indirect_dma semaphore(%run_scoped3A_74 : memref<!tpu.dma_semaphore, #tpu.memory_space<semaphore_mem>>) src(%dma_wait3A_86 : memref<128x32xf32, #tpu.memory_space<vmem>>) dst(%dma_wait3A_92 : memref<49152x32xf32, #tpu.memory_space<vmem_shared>>)
        tpu.yield
      }) : () -> ()
      %run_scoped3A_73 = arith.constant 3 : i32
      "tpu.region"() ({
        %run_scoped3A_74 = tpu.sem_alloc : memref<!tpu.dma_semaphore, #tpu.memory_space<semaphore_mem>>
        %dma_start3A_75 = arith.constant 384 : i32
        %dma_start3A_76 = arith.constant 0 : i32
        %dma_start3A_77 = tpu.memref_slice %arg12[%dma_start3A_75, %dma_start3A_76] : memref<512x32xf32, #tpu.memory_space<vmem>> -> memref<128x32xf32, #tpu.memory_space<vmem>>
        %dma_start3A_78 = arith.constant 0 : i32
        %dma_start3A_79 = tpu.memref_slice %arg10[%run_scoped3A_73, %dma_start3A_78] : memref<4x128xi32, #tpu.memory_space<vmem>> -> memref<1x128xi32, #tpu.memory_space<vmem>>
        %dma_start3A_80 = tpu.memref_squeeze %dma_start3A_79 : memref<1x128xi32, #tpu.memory_space<vmem>> -> memref<128xi32, #tpu.memory_space<vmem>>
        %dma_start3A_81 = arith.constant 0 : i32
        %dma_start3A_82 = arith.constant 0 : i32
        %dma_start3A_83 = tpu.memref_slice %arg13[%dma_start3A_81, %dma_start3A_82] : memref<49152x32xf32, #tpu.memory_space<vmem_shared>> -> memref<49152x32xf32, #tpu.memory_space<vmem_shared>>
        tpu.enqueue_indirect_dma source(%dma_start3A_77 : memref<128x32xf32, #tpu.memory_space<vmem>>) target(%dma_start3A_83 : memref<49152x32xf32, #tpu.memory_space<vmem_shared>>) offsets(%dma_start3A_80 : memref<128xi32, #tpu.memory_space<vmem>>) semaphore(%run_scoped3A_74 : memref<!tpu.dma_semaphore, #tpu.memory_space<semaphore_mem>>) {add = true}
        %dma_wait3A_84 = arith.constant 384 : i32
        %dma_wait3A_85 = arith.constant 0 : i32
        %dma_wait3A_86 = tpu.memref_slice %arg12[%dma_wait3A_84, %dma_wait3A_85] : memref<512x32xf32, #tpu.memory_space<vmem>> -> memref<128x32xf32, #tpu.memory_space<vmem>>
        %dma_wait3A_87 = arith.constant 0 : i32
        %dma_wait3A_88 = tpu.memref_slice %arg10[%run_scoped3A_73, %dma_wait3A_87] : memref<4x128xi32, #tpu.memory_space<vmem>> -> memref<1x128xi32, #tpu.memory_space<vmem>>
        %dma_wait3A_89 = tpu.memref_squeeze %dma_wait3A_88 : memref<1x128xi32, #tpu.memory_space<vmem>> -> memref<128xi32, #tpu.memory_space<vmem>>
        %dma_wait3A_90 = arith.constant 0 : i32
        %dma_wait3A_91 = arith.constant 0 : i32
        %dma_wait3A_92 = tpu.memref_slice %arg13[%dma_wait3A_90, %dma_wait3A_91] : memref<49152x32xf32, #tpu.memory_space<vmem_shared>> -> memref<49152x32xf32, #tpu.memory_space<vmem_shared>>
        tpu.wait_indirect_dma semaphore(%run_scoped3A_74 : memref<!tpu.dma_semaphore, #tpu.memory_space<semaphore_mem>>) src(%dma_wait3A_86 : memref<128x32xf32, #tpu.memory_space<vmem>>) dst(%dma_wait3A_92 : memref<49152x32xf32, #tpu.memory_space<vmem_shared>>)
        tpu.yield
      }) : () -> ()
    }
    %scan3A_34 = arith.constant 54 : i32
    %barrier3A_35 = arith.constant 0 : index
    tpu.barrier barrier_id(%barrier3A_35)
    %mul3A_36 = arith.constant 3072 : i32
    %mul3A_37 = arith.muli %arg1, %mul3A_36 : i32
    %mul3A_38 = arith.constant 49152 : i32
    %mul3A_39 = arith.muli %add3A_23, %mul3A_38 : i32
    %mul3A_40 = arith.constant 3072 : i32
    %mul3A_41 = arith.muli %arg1, %mul3A_40 : i32
    %add3A_42 = arith.addi %mul3A_39, %mul3A_41 : i32
    "tpu.region"() ({
      %run_scoped3A = tpu.sem_alloc : memref<!tpu.dma_semaphore, #tpu.memory_space<semaphore_mem>>
      %dma_start3A = arith.constant 0 : i32
      %dma_start3A_44 = tpu.memref_slice %arg7[%add3A_42, %dma_start3A] : memref<196608x32xf32, #tpu.memory_space<hbm>> -> memref<3072x32xf32, #tpu.memory_space<hbm>>
      %dma_start3A_45 = arith.constant 0 : i32
      %dma_start3A_46 = tpu.memref_slice %arg13[%mul3A_37, %dma_start3A_45] : memref<49152x32xf32, #tpu.memory_space<vmem_shared>> -> memref<3072x32xf32, #tpu.memory_space<vmem_shared>>
      tpu.enqueue_dma source(%dma_start3A_46 : memref<3072x32xf32, #tpu.memory_space<vmem_shared>>) target(%dma_start3A_44 : memref<3072x32xf32, #tpu.memory_space<hbm>>) target_semaphore(%run_scoped3A : memref<!tpu.dma_semaphore, #tpu.memory_space<semaphore_mem>>)
      %dma_wait3A = arith.constant 0 : i32
      %dma_wait3A_47 = tpu.memref_slice %arg7[%add3A_42, %dma_wait3A] : memref<196608x32xf32, #tpu.memory_space<hbm>> -> memref<3072x32xf32, #tpu.memory_space<hbm>>
      %dma_wait3A_48 = arith.constant 0 : i32
      %dma_wait3A_49 = tpu.memref_slice %arg13[%mul3A_37, %dma_wait3A_48] : memref<49152x32xf32, #tpu.memory_space<vmem_shared>> -> memref<3072x32xf32, #tpu.memory_space<vmem_shared>>
      tpu.wait_dma2 semaphore(%run_scoped3A : memref<!tpu.dma_semaphore, #tpu.memory_space<semaphore_mem>>) src(%dma_wait3A_49 : memref<3072x32xf32, #tpu.memory_space<vmem_shared>>) dst(%dma_wait3A_47 : memref<3072x32xf32, #tpu.memory_space<hbm>>)
      tpu.yield
    }) : () -> ()
    %barrier3A_43 = arith.constant 0 : index
    tpu.barrier barrier_id(%barrier3A_43)
    return
  }
}

#map = affine_map<(d0, d1) -> (0, 0)>
#map1 = affine_map<(d0, d1) -> (0)>
module attributes {stable_mosaic.version = 14 : i64} {
  func.func @lap(%arg0: i32, %arg1: i32, %arg2: memref<196608x32xf32, #tpu.memory_space<hbm>>, %arg3: memref<442368xi32, #tpu.memory_space<hbm>>, %arg4: memref<3456x128xi32, #tpu.memory_space<hbm>>, %arg5: memref<442368xf32, #tpu.memory_space<hbm>>, %arg6: memref<3072x32xf32, #tpu.memory_space<hbm>>, %arg7: memref<196608x32xf32, #tpu.memory_space<hbm>>, %arg8: memref<512xi32, #tpu.memory_space<vmem>>, %arg9: memref<512xi32, #tpu.memory_space<vmem>>, %arg10: memref<4x128xi32, #tpu.memory_space<vmem>>, %arg11: memref<512xf32, #tpu.memory_space<vmem>>, %arg12: memref<512x32xf32, #tpu.memory_space<vmem>>, %arg13: memref<49152x32xf32, #tpu.memory_space<vmem_shared>>, %arg14: memref<!tpu.dma_semaphore, #tpu.memory_space<semaphore_mem>>) attributes {dimension_semantics = [#tpu.dimension_semantics<core_parallel>, #tpu.dimension_semantics<subcore_parallel>], iteration_bounds = array<i64: 2, 16>, scalar_prefetch = 0 : i64, scratch_operands = 7 : i64, tpu.core_type = #tpu.core_type<sc_vector_subcore>, window_params = [{transform_indices = #map}, {transform_indices = #map1}, {transform_indices = #map}, {transform_indices = #map1}, {transform_indices = #map}, {transform_indices = #map}]} {
    %mul3A = arith.constant 2 : i32
    %mul3A_0 = arith.muli %arg0, %mul3A : i32
    %add3A = arith.constant 0 : i32
    %add3A_1 = arith.addi %mul3A_0, %add3A : i32
    %mul3A_2 = arith.constant 49152 : i32
    %mul3A_3 = arith.muli %add3A_1, %mul3A_2 : i32
    %mul3A_4 = arith.constant 3072 : i32
    %mul3A_5 = arith.muli %arg1, %mul3A_4 : i32
    "tpu.region"() ({
      %run_scoped3A = tpu.sem_alloc : memref<!tpu.dma_semaphore, #tpu.memory_space<semaphore_mem>>
      %dma_start3A = arith.constant 0 : i32
      %dma_start3A_44 = tpu.memref_slice %arg13[%mul3A_5, %dma_start3A] : memref<49152x32xf32, #tpu.memory_space<vmem_shared>> -> memref<3072x32xf32, #tpu.memory_space<vmem_shared>>
      tpu.enqueue_dma source(%arg6 : memref<3072x32xf32, #tpu.memory_space<hbm>>) target(%dma_start3A_44 : memref<3072x32xf32, #tpu.memory_space<vmem_shared>>) target_semaphore(%run_scoped3A : memref<!tpu.dma_semaphore, #tpu.memory_space<semaphore_mem>>)
      %dma_wait3A = arith.constant 0 : i32
      %dma_wait3A_45 = tpu.memref_slice %arg13[%mul3A_5, %dma_wait3A] : memref<49152x32xf32, #tpu.memory_space<vmem_shared>> -> memref<3072x32xf32, #tpu.memory_space<vmem_shared>>
      tpu.wait_dma2 semaphore(%run_scoped3A : memref<!tpu.dma_semaphore, #tpu.memory_space<semaphore_mem>>) src(%arg6 : memref<3072x32xf32, #tpu.memory_space<hbm>>) dst(%dma_wait3A_45 : memref<3072x32xf32, #tpu.memory_space<vmem_shared>>)
      tpu.yield
    }) : () -> ()
    %barrier3A = arith.constant 0 : index
    tpu.barrier barrier_id(%barrier3A)
    %scan3A = arith.constant 0 : i32
    %scan3A_6 = arith.constant 0 : i32
    %scan3A_7 = arith.constant 54 : i32
    %scan3A_8 = arith.addi %scan3A_6, %scan3A_7 : i32
    %scan3A_9 = arith.constant 1 : i32
    scf.for %scan3A_44 = %scan3A_6 to %scan3A_8 step %scan3A_9  : i32 {
      %mul3A_45 = arith.constant 27648 : i32
      %mul3A_46 = arith.muli %arg1, %mul3A_45 : i32
      %mul3A_47 = arith.constant 512 : i32
      %mul3A_48 = arith.muli %scan3A_44, %mul3A_47 : i32
      %add3A_49 = arith.addi %mul3A_46, %mul3A_48 : i32
      "tpu.region"() ({
        %run_scoped3A_74 = tpu.sem_alloc : memref<!tpu.dma_semaphore, #tpu.memory_space<semaphore_mem>>
        %dma_start3A_75 = tpu.memref_slice %arg3[%add3A_49] : memref<442368xi32, #tpu.memory_space<hbm>> -> memref<512xi32, #tpu.memory_space<hbm>>
        %dma_start3A_76 = tpu.memref_slice %arg3[%add3A_49] : memref<442368xi32, #tpu.memory_space<hbm>> -> memref<512xi32, #tpu.memory_space<hbm>>
        tpu.enqueue_dma source(%dma_start3A_76 : memref<512xi32, #tpu.memory_space<hbm>>) target(%arg8 : memref<512xi32, #tpu.memory_space<vmem>>) target_semaphore(%run_scoped3A_74 : memref<!tpu.dma_semaphore, #tpu.memory_space<semaphore_mem>>)
        %dma_wait3A_77 = tpu.memref_slice %arg3[%add3A_49] : memref<442368xi32, #tpu.memory_space<hbm>> -> memref<512xi32, #tpu.memory_space<hbm>>
        %dma_wait3A_78 = tpu.memref_slice %arg3[%add3A_49] : memref<442368xi32, #tpu.memory_space<hbm>> -> memref<512xi32, #tpu.memory_space<hbm>>
        tpu.wait_dma2 semaphore(%run_scoped3A_74 : memref<!tpu.dma_semaphore, #tpu.memory_space<semaphore_mem>>) src(%dma_wait3A_78 : memref<512xi32, #tpu.memory_space<hbm>>) dst(%arg8 : memref<512xi32, #tpu.memory_space<vmem>>)
        tpu.yield
      }) : () -> ()
      %mul3A_50 = arith.constant 216 : i32
      %mul3A_51 = arith.muli %arg1, %mul3A_50 : i32
      %mul3A_52 = arith.constant 4 : i32
      %mul3A_53 = arith.muli %scan3A_44, %mul3A_52 : i32
      %add3A_54 = arith.addi %mul3A_51, %mul3A_53 : i32
      "tpu.region"() ({
        %run_scoped3A_74 = tpu.sem_alloc : memref<!tpu.dma_semaphore, #tpu.memory_space<semaphore_mem>>
        %dma_start3A_75 = arith.constant 0 : i32
        %dma_start3A_76 = tpu.memref_slice %arg4[%add3A_54, %dma_start3A_75] : memref<3456x128xi32, #tpu.memory_space<hbm>> -> memref<4x128xi32, #tpu.memory_space<hbm>>
        %dma_start3A_77 = arith.constant 0 : i32
        %dma_start3A_78 = tpu.memref_slice %arg4[%add3A_54, %dma_start3A_77] : memref<3456x128xi32, #tpu.memory_space<hbm>> -> memref<4x128xi32, #tpu.memory_space<hbm>>
        tpu.enqueue_dma source(%dma_start3A_78 : memref<4x128xi32, #tpu.memory_space<hbm>>) target(%arg10 : memref<4x128xi32, #tpu.memory_space<vmem>>) target_semaphore(%run_scoped3A_74 : memref<!tpu.dma_semaphore, #tpu.memory_space<semaphore_mem>>)
        %dma_wait3A_79 = arith.constant 0 : i32
        %dma_wait3A_80 = tpu.memref_slice %arg4[%add3A_54, %dma_wait3A_79] : memref<3456x128xi32, #tpu.memory_space<hbm>> -> memref<4x128xi32, #tpu.memory_space<hbm>>
        %dma_wait3A_81 = arith.constant 0 : i32
        %dma_wait3A_82 = tpu.memref_slice %arg4[%add3A_54, %dma_wait3A_81] : memref<3456x128xi32, #tpu.memory_space<hbm>> -> memref<4x128xi32, #tpu.memory_space<hbm>>
        tpu.wait_dma2 semaphore(%run_scoped3A_74 : memref<!tpu.dma_semaphore, #tpu.memory_space<semaphore_mem>>) src(%dma_wait3A_82 : memref<4x128xi32, #tpu.memory_space<hbm>>) dst(%arg10 : memref<4x128xi32, #tpu.memory_space<vmem>>)
        tpu.yield
      }) : () -> ()
      "tpu.region"() ({
        %run_scoped3A_74 = tpu.sem_alloc : memref<!tpu.dma_semaphore, #tpu.memory_space<semaphore_mem>>
        %dma_start3A_75 = tpu.memref_slice %arg5[%add3A_49] : memref<442368xf32, #tpu.memory_space<hbm>> -> memref<512xf32, #tpu.memory_space<hbm>>
        %dma_start3A_76 = tpu.memref_slice %arg5[%add3A_49] : memref<442368xf32, #tpu.memory_space<hbm>> -> memref<512xf32, #tpu.memory_space<hbm>>
        tpu.enqueue_dma source(%dma_start3A_76 : memref<512xf32, #tpu.memory_space<hbm>>) target(%arg11 : memref<512xf32, #tpu.memory_space<vmem>>) target_semaphore(%run_scoped3A_74 : memref<!tpu.dma_semaphore, #tpu.memory_space<semaphore_mem>>)
        %dma_wait3A_77 = tpu.memref_slice %arg5[%add3A_49] : memref<442368xf32, #tpu.memory_space<hbm>> -> memref<512xf32, #tpu.memory_space<hbm>>
        %dma_wait3A_78 = tpu.memref_slice %arg5[%add3A_49] : memref<442368xf32, #tpu.memory_space<hbm>> -> memref<512xf32, #tpu.memory_space<hbm>>
        tpu.wait_dma2 semaphore(%run_scoped3A_74 : memref<!tpu.dma_semaphore, #tpu.memory_space<semaphore_mem>>) src(%dma_wait3A_78 : memref<512xf32, #tpu.memory_space<hbm>>) dst(%arg11 : memref<512xf32, #tpu.memory_space<vmem>>)
        tpu.yield
      }) : () -> ()
      %scan3A_55 = arith.constant 0 : i32
      %scan3A_56 = arith.constant 0 : i32
      %scan3A_57 = arith.constant 32 : i32
      %scan3A_58 = arith.addi %scan3A_56, %scan3A_57 : i32
      %scan3A_59 = arith.constant 1 : i32
      scf.for %scan3A_74 = %scan3A_56 to %scan3A_58 step %scan3A_59  : i32 {
        %mul3A_75 = arith.constant 16 : i32
        %mul3A_76 = arith.muli %scan3A_74, %mul3A_75 : i32
        %get3A = arith.index_cast %mul3A_76 : i32 to index
        %get3A_77 = tpu.vector_load %arg8[%get3A] {strides = array<i32>} : memref<512xi32, #tpu.memory_space<vmem>>, vector<16xi32>,
        %get3A_78 = vector.shape_cast %get3A_77 : vector<16xi32> to vector<16xi32>
        %mul3A_79 = arith.constant 1 : i32
        %mul3A_80 = vector.broadcast %mul3A_79 : i32 to vector<16xi32>
        %mul3A_81 = arith.muli %get3A_78, %mul3A_80 : vector<16xi32>
        %add3A_82 = vector.broadcast %mul3A_3 : i32 to vector<16xi32>
        %add3A_83 = arith.addi %mul3A_81, %add3A_82 : vector<16xi32>
        %swap3A = arith.index_cast %mul3A_76 : i32 to index
        %swap3A_84 = tpu.vector_load %arg9[%swap3A] {strides = array<i32>} : memref<512xi32, #tpu.memory_space<vmem>>, vector<16xi32>,
        %swap3A_85 = vector.shape_cast %swap3A_84 : vector<16xi32> to vector<16xi32>
        %swap3A_86 = vector.shape_cast %add3A_83 : vector<16xi32> to vector<16xi32>
        tpu.vector_store %arg9[%swap3A], %swap3A_86 {strides = array<i32>} : memref<512xi32, #tpu.memory_space<vmem>>, vector<16xi32>,
      }
      %scan3A_60 = arith.constant 32 : i32
      %dma_start3A = arith.constant 0 : i32
      %dma_start3A_61 = arith.constant 0 : i32
      %dma_start3A_62 = tpu.memref_slice %arg2[%dma_start3A, %dma_start3A_61] : memref<196608x32xf32, #tpu.memory_space<hbm>> -> memref<196608x32xf32, #tpu.memory_space<hbm>>
      tpu.enqueue_indirect_dma source(%dma_start3A_62 : memref<196608x32xf32, #tpu.memory_space<hbm>>) target(%arg12 : memref<512x32xf32, #tpu.memory_space<vmem>>) offsets(%arg9 : memref<512xi32, #tpu.memory_space<vmem>>) semaphore(%arg14 : memref<!tpu.dma_semaphore, #tpu.memory_space<semaphore_mem>>)
      %dma_wait3A = arith.constant 0 : i32
      %dma_wait3A_63 = arith.constant 0 : i32
      %dma_wait3A_64 = tpu.memref_slice %arg2[%dma_wait3A, %dma_wait3A_63] : memref<196608x32xf32, #tpu.memory_space<hbm>> -> memref<196608x32xf32, #tpu.memory_space<hbm>>
      tpu.wait_indirect_dma semaphore(%arg14 : memref<!tpu.dma_semaphore, #tpu.memory_space<semaphore_mem>>) src(%dma_wait3A_64 : memref<196608x32xf32, #tpu.memory_space<hbm>>) dst(%arg12 : memref<512x32xf32, #tpu.memory_space<vmem>>)
      %scan3A_65 = arith.constant 0 : i32
      %scan3A_66 = arith.constant 0 : i32
      %scan3A_67 = arith.constant 32 : i32
      %scan3A_68 = arith.addi %scan3A_66, %scan3A_67 : i32
      %scan3A_69 = arith.constant 1 : i32
      scf.for %scan3A_74 = %scan3A_66 to %scan3A_68 step %scan3A_69  : i32 {
        %mul3A_75 = arith.constant 16 : i32
        %mul3A_76 = arith.muli %scan3A_74, %mul3A_75 : i32
        %get3A = arith.index_cast %mul3A_76 : i32 to index
        %get3A_77 = tpu.vector_load %arg11[%get3A] {strides = array<i32>} : memref<512xf32, #tpu.memory_space<vmem>>, vector<16xf32>,
        %get3A_78 = vector.shape_cast %get3A_77 : vector<16xf32> to vector<16xf32>
        %mul3A_79 = arith.constant 16 : i32
        %mul3A_80 = arith.muli %scan3A_74, %mul3A_79 : i32
        %add3A_81 = arith.constant 0 : i32
        %add3A_82 = arith.addi %mul3A_80, %add3A_81 : i32
        %slice3A = vector.extract_strided_slice %get3A_78 {offsets = [0], sizes = [1], strides = [1]} : vector<16xf32> to vector<1xf32>
        %squeeze3A = vector.extract %slice3A[0] : f32 from vector<1xf32>
        %get3A_83 = arith.index_cast %add3A_82 : i32 to index
        %get3A_84 = arith.constant 0 : index
        %get3A_85 = tpu.vector_load %arg12[%get3A_83, %get3A_84] {strides = array<i32>} : memref<512x32xf32, #tpu.memory_space<vmem>>, vector<1x16xf32>,
        %get3A_86 = vector.shape_cast %get3A_85 : vector<1x16xf32> to vector<16xf32>
        %mul3A_87 = vector.broadcast %squeeze3A : f32 to vector<16xf32>
        %mul3A_88 = arith.mulf %get3A_86, %mul3A_87 : vector<16xf32>
        %swap3A = arith.index_cast %add3A_82 : i32 to index
        %swap3A_89 = arith.constant 0 : index
        %swap3A_90 = tpu.vector_load %arg12[%swap3A, %swap3A_89] {strides = array<i32>} : memref<512x32xf32, #tpu.memory_space<vmem>>, vector<1x16xf32>,
        %swap3A_91 = vector.shape_cast %swap3A_90 : vector<1x16xf32> to vector<16xf32>
        %swap3A_92 = vector.shape_cast %mul3A_88 : vector<16xf32> to vector<1x16xf32>
        tpu.vector_store %arg12[%swap3A, %swap3A_89], %swap3A_92 {strides = array<i32>} : memref<512x32xf32, #tpu.memory_space<vmem>>, vector<1x16xf32>,
        %get3A_93 = arith.index_cast %add3A_82 : i32 to index
        %get3A_94 = arith.constant 16 : index
        %get3A_95 = tpu.vector_load %arg12[%get3A_93, %get3A_94] {strides = array<i32>} : memref<512x32xf32, #tpu.memory_space<vmem>>, vector<1x16xf32>,
        %get3A_96 = vector.shape_cast %get3A_95 : vector<1x16xf32> to vector<16xf32>
        %mul3A_97 = vector.broadcast %squeeze3A : f32 to vector<16xf32>
        %mul3A_98 = arith.mulf %get3A_96, %mul3A_97 : vector<16xf32>
        %swap3A_99 = arith.index_cast %add3A_82 : i32 to index
        %swap3A_100 = arith.constant 16 : index
        %swap3A_101 = tpu.vector_load %arg12[%swap3A_99, %swap3A_100] {strides = array<i32>} : memref<512x32xf32, #tpu.memory_space<vmem>>, vector<1x16xf32>,
        %swap3A_102 = vector.shape_cast %swap3A_101 : vector<1x16xf32> to vector<16xf32>
        %swap3A_103 = vector.shape_cast %mul3A_98 : vector<16xf32> to vector<1x16xf32>
        tpu.vector_store %arg12[%swap3A_99, %swap3A_100], %swap3A_103 {strides = array<i32>} : memref<512x32xf32, #tpu.memory_space<vmem>>, vector<1x16xf32>,
        %mul3A_104 = arith.constant 16 : i32
        %mul3A_105 = arith.muli %scan3A_74, %mul3A_104 : i32
        %add3A_106 = arith.constant 1 : i32
        %add3A_107 = arith.addi %mul3A_105, %add3A_106 : i32
        %slice3A_108 = vector.extract_strided_slice %get3A_78 {offsets = [1], sizes = [1], strides = [1]} : vector<16xf32> to vector<1xf32>
        %squeeze3A_109 = vector.extract %slice3A_108[0] : f32 from vector<1xf32>
        %get3A_110 = arith.index_cast %add3A_107 : i32 to index
        %get3A_111 = arith.constant 0 : index
        %get3A_112 = tpu.vector_load %arg12[%get3A_110, %get3A_111] {strides = array<i32>} : memref<512x32xf32, #tpu.memory_space<vmem>>, vector<1x16xf32>,
        %get3A_113 = vector.shape_cast %get3A_112 : vector<1x16xf32> to vector<16xf32>
        %mul3A_114 = vector.broadcast %squeeze3A_109 : f32 to vector<16xf32>
        %mul3A_115 = arith.mulf %get3A_113, %mul3A_114 : vector<16xf32>
        %swap3A_116 = arith.index_cast %add3A_107 : i32 to index
        %swap3A_117 = arith.constant 0 : index
        %swap3A_118 = tpu.vector_load %arg12[%swap3A_116, %swap3A_117] {strides = array<i32>} : memref<512x32xf32, #tpu.memory_space<vmem>>, vector<1x16xf32>,
        %swap3A_119 = vector.shape_cast %swap3A_118 : vector<1x16xf32> to vector<16xf32>
        %swap3A_120 = vector.shape_cast %mul3A_115 : vector<16xf32> to vector<1x16xf32>
        tpu.vector_store %arg12[%swap3A_116, %swap3A_117], %swap3A_120 {strides = array<i32>} : memref<512x32xf32, #tpu.memory_space<vmem>>, vector<1x16xf32>,
        %get3A_121 = arith.index_cast %add3A_107 : i32 to index
        %get3A_122 = arith.constant 16 : index
        %get3A_123 = tpu.vector_load %arg12[%get3A_121, %get3A_122] {strides = array<i32>} : memref<512x32xf32, #tpu.memory_space<vmem>>, vector<1x16xf32>,
        %get3A_124 = vector.shape_cast %get3A_123 : vector<1x16xf32> to vector<16xf32>
        %mul3A_125 = vector.broadcast %squeeze3A_109 : f32 to vector<16xf32>
        %mul3A_126 = arith.mulf %get3A_124, %mul3A_125 : vector<16xf32>
        %swap3A_127 = arith.index_cast %add3A_107 : i32 to index
        %swap3A_128 = arith.constant 16 : index
        %swap3A_129 = tpu.vector_load %arg12[%swap3A_127, %swap3A_128] {strides = array<i32>} : memref<512x32xf32, #tpu.memory_space<vmem>>, vector<1x16xf32>,
        %swap3A_130 = vector.shape_cast %swap3A_129 : vector<1x16xf32> to vector<16xf32>
        %swap3A_131 = vector.shape_cast %mul3A_126 : vector<16xf32> to vector<1x16xf32>
        tpu.vector_store %arg12[%swap3A_127, %swap3A_128], %swap3A_131 {strides = array<i32>} : memref<512x32xf32, #tpu.memory_space<vmem>>, vector<1x16xf32>,
        %mul3A_132 = arith.constant 16 : i32
        %mul3A_133 = arith.muli %scan3A_74, %mul3A_132 : i32
        %add3A_134 = arith.constant 2 : i32
        %add3A_135 = arith.addi %mul3A_133, %add3A_134 : i32
        %slice3A_136 = vector.extract_strided_slice %get3A_78 {offsets = [2], sizes = [1], strides = [1]} : vector<16xf32> to vector<1xf32>
        %squeeze3A_137 = vector.extract %slice3A_136[0] : f32 from vector<1xf32>
        %get3A_138 = arith.index_cast %add3A_135 : i32 to index
        %get3A_139 = arith.constant 0 : index
        %get3A_140 = tpu.vector_load %arg12[%get3A_138, %get3A_139] {strides = array<i32>} : memref<512x32xf32, #tpu.memory_space<vmem>>, vector<1x16xf32>,
        %get3A_141 = vector.shape_cast %get3A_140 : vector<1x16xf32> to vector<16xf32>
        %mul3A_142 = vector.broadcast %squeeze3A_137 : f32 to vector<16xf32>
        %mul3A_143 = arith.mulf %get3A_141, %mul3A_142 : vector<16xf32>
        %swap3A_144 = arith.index_cast %add3A_135 : i32 to index
        %swap3A_145 = arith.constant 0 : index
        %swap3A_146 = tpu.vector_load %arg12[%swap3A_144, %swap3A_145] {strides = array<i32>} : memref<512x32xf32, #tpu.memory_space<vmem>>, vector<1x16xf32>,
        %swap3A_147 = vector.shape_cast %swap3A_146 : vector<1x16xf32> to vector<16xf32>
        %swap3A_148 = vector.shape_cast %mul3A_143 : vector<16xf32> to vector<1x16xf32>
        tpu.vector_store %arg12[%swap3A_144, %swap3A_145], %swap3A_148 {strides = array<i32>} : memref<512x32xf32, #tpu.memory_space<vmem>>, vector<1x16xf32>,
        %get3A_149 = arith.index_cast %add3A_135 : i32 to index
        %get3A_150 = arith.constant 16 : index
        %get3A_151 = tpu.vector_load %arg12[%get3A_149, %get3A_150] {strides = array<i32>} : memref<512x32xf32, #tpu.memory_space<vmem>>, vector<1x16xf32>,
        %get3A_152 = vector.shape_cast %get3A_151 : vector<1x16xf32> to vector<16xf32>
        %mul3A_153 = vector.broadcast %squeeze3A_137 : f32 to vector<16xf32>
        %mul3A_154 = arith.mulf %get3A_152, %mul3A_153 : vector<16xf32>
        %swap3A_155 = arith.index_cast %add3A_135 : i32 to index
        %swap3A_156 = arith.constant 16 : index
        %swap3A_157 = tpu.vector_load %arg12[%swap3A_155, %swap3A_156] {strides = array<i32>} : memref<512x32xf32, #tpu.memory_space<vmem>>, vector<1x16xf32>,
        %swap3A_158 = vector.shape_cast %swap3A_157 : vector<1x16xf32> to vector<16xf32>
        %swap3A_159 = vector.shape_cast %mul3A_154 : vector<16xf32> to vector<1x16xf32>
        tpu.vector_store %arg12[%swap3A_155, %swap3A_156], %swap3A_159 {strides = array<i32>} : memref<512x32xf32, #tpu.memory_space<vmem>>, vector<1x16xf32>,
        %mul3A_160 = arith.constant 16 : i32
        %mul3A_161 = arith.muli %scan3A_74, %mul3A_160 : i32
        %add3A_162 = arith.constant 3 : i32
        %add3A_163 = arith.addi %mul3A_161, %add3A_162 : i32
        %slice3A_164 = vector.extract_strided_slice %get3A_78 {offsets = [3], sizes = [1], strides = [1]} : vector<16xf32> to vector<1xf32>
        %squeeze3A_165 = vector.extract %slice3A_164[0] : f32 from vector<1xf32>
        %get3A_166 = arith.index_cast %add3A_163 : i32 to index
        %get3A_167 = arith.constant 0 : index
        %get3A_168 = tpu.vector_load %arg12[%get3A_166, %get3A_167] {strides = array<i32>} : memref<512x32xf32, #tpu.memory_space<vmem>>, vector<1x16xf32>,
        %get3A_169 = vector.shape_cast %get3A_168 : vector<1x16xf32> to vector<16xf32>
        %mul3A_170 = vector.broadcast %squeeze3A_165 : f32 to vector<16xf32>
        %mul3A_171 = arith.mulf %get3A_169, %mul3A_170 : vector<16xf32>
        %swap3A_172 = arith.index_cast %add3A_163 : i32 to index
        %swap3A_173 = arith.constant 0 : index
        %swap3A_174 = tpu.vector_load %arg12[%swap3A_172, %swap3A_173] {strides = array<i32>} : memref<512x32xf32, #tpu.memory_space<vmem>>, vector<1x16xf32>,
        %swap3A_175 = vector.shape_cast %swap3A_174 : vector<1x16xf32> to vector<16xf32>
        %swap3A_176 = vector.shape_cast %mul3A_171 : vector<16xf32> to vector<1x16xf32>
        tpu.vector_store %arg12[%swap3A_172, %swap3A_173], %swap3A_176 {strides = array<i32>} : memref<512x32xf32, #tpu.memory_space<vmem>>, vector<1x16xf32>,
        %get3A_177 = arith.index_cast %add3A_163 : i32 to index
        %get3A_178 = arith.constant 16 : index
        %get3A_179 = tpu.vector_load %arg12[%get3A_177, %get3A_178] {strides = array<i32>} : memref<512x32xf32, #tpu.memory_space<vmem>>, vector<1x16xf32>,
        %get3A_180 = vector.shape_cast %get3A_179 : vector<1x16xf32> to vector<16xf32>
        %mul3A_181 = vector.broadcast %squeeze3A_165 : f32 to vector<16xf32>
        %mul3A_182 = arith.mulf %get3A_180, %mul3A_181 : vector<16xf32>
        %swap3A_183 = arith.index_cast %add3A_163 : i32 to index
        %swap3A_184 = arith.constant 16 : index
        %swap3A_185 = tpu.vector_load %arg12[%swap3A_183, %swap3A_184] {strides = array<i32>} : memref<512x32xf32, #tpu.memory_space<vmem>>, vector<1x16xf32>,
        %swap3A_186 = vector.shape_cast %swap3A_185 : vector<1x16xf32> to vector<16xf32>
        %swap3A_187 = vector.shape_cast %mul3A_182 : vector<16xf32> to vector<1x16xf32>
        tpu.vector_store %arg12[%swap3A_183, %swap3A_184], %swap3A_187 {strides = array<i32>} : memref<512x32xf32, #tpu.memory_space<vmem>>, vector<1x16xf32>,
        %mul3A_188 = arith.constant 16 : i32
        %mul3A_189 = arith.muli %scan3A_74, %mul3A_188 : i32
        %add3A_190 = arith.constant 4 : i32
        %add3A_191 = arith.addi %mul3A_189, %add3A_190 : i32
        %slice3A_192 = vector.extract_strided_slice %get3A_78 {offsets = [4], sizes = [1], strides = [1]} : vector<16xf32> to vector<1xf32>
        %squeeze3A_193 = vector.extract %slice3A_192[0] : f32 from vector<1xf32>
        %get3A_194 = arith.index_cast %add3A_191 : i32 to index
        %get3A_195 = arith.constant 0 : index
        %get3A_196 = tpu.vector_load %arg12[%get3A_194, %get3A_195] {strides = array<i32>} : memref<512x32xf32, #tpu.memory_space<vmem>>, vector<1x16xf32>,
        %get3A_197 = vector.shape_cast %get3A_196 : vector<1x16xf32> to vector<16xf32>
        %mul3A_198 = vector.broadcast %squeeze3A_193 : f32 to vector<16xf32>
        %mul3A_199 = arith.mulf %get3A_197, %mul3A_198 : vector<16xf32>
        %swap3A_200 = arith.index_cast %add3A_191 : i32 to index
        %swap3A_201 = arith.constant 0 : index
        %swap3A_202 = tpu.vector_load %arg12[%swap3A_200, %swap3A_201] {strides = array<i32>} : memref<512x32xf32, #tpu.memory_space<vmem>>, vector<1x16xf32>,
        %swap3A_203 = vector.shape_cast %swap3A_202 : vector<1x16xf32> to vector<16xf32>
        %swap3A_204 = vector.shape_cast %mul3A_199 : vector<16xf32> to vector<1x16xf32>
        tpu.vector_store %arg12[%swap3A_200, %swap3A_201], %swap3A_204 {strides = array<i32>} : memref<512x32xf32, #tpu.memory_space<vmem>>, vector<1x16xf32>,
        %get3A_205 = arith.index_cast %add3A_191 : i32 to index
        %get3A_206 = arith.constant 16 : index
        %get3A_207 = tpu.vector_load %arg12[%get3A_205, %get3A_206] {strides = array<i32>} : memref<512x32xf32, #tpu.memory_space<vmem>>, vector<1x16xf32>,
        %get3A_208 = vector.shape_cast %get3A_207 : vector<1x16xf32> to vector<16xf32>
        %mul3A_209 = vector.broadcast %squeeze3A_193 : f32 to vector<16xf32>
        %mul3A_210 = arith.mulf %get3A_208, %mul3A_209 : vector<16xf32>
        %swap3A_211 = arith.index_cast %add3A_191 : i32 to index
        %swap3A_212 = arith.constant 16 : index
        %swap3A_213 = tpu.vector_load %arg12[%swap3A_211, %swap3A_212] {strides = array<i32>} : memref<512x32xf32, #tpu.memory_space<vmem>>, vector<1x16xf32>,
        %swap3A_214 = vector.shape_cast %swap3A_213 : vector<1x16xf32> to vector<16xf32>
        %swap3A_215 = vector.shape_cast %mul3A_210 : vector<16xf32> to vector<1x16xf32>
        tpu.vector_store %arg12[%swap3A_211, %swap3A_212], %swap3A_215 {strides = array<i32>} : memref<512x32xf32, #tpu.memory_space<vmem>>, vector<1x16xf32>,
        %mul3A_216 = arith.constant 16 : i32
        %mul3A_217 = arith.muli %scan3A_74, %mul3A_216 : i32
        %add3A_218 = arith.constant 5 : i32
        %add3A_219 = arith.addi %mul3A_217, %add3A_218 : i32
        %slice3A_220 = vector.extract_strided_slice %get3A_78 {offsets = [5], sizes = [1], strides = [1]} : vector<16xf32> to vector<1xf32>
        %squeeze3A_221 = vector.extract %slice3A_220[0] : f32 from vector<1xf32>
        %get3A_222 = arith.index_cast %add3A_219 : i32 to index
        %get3A_223 = arith.constant 0 : index
        %get3A_224 = tpu.vector_load %arg12[%get3A_222, %get3A_223] {strides = array<i32>} : memref<512x32xf32, #tpu.memory_space<vmem>>, vector<1x16xf32>,
        %get3A_225 = vector.shape_cast %get3A_224 : vector<1x16xf32> to vector<16xf32>
        %mul3A_226 = vector.broadcast %squeeze3A_221 : f32 to vector<16xf32>
        %mul3A_227 = arith.mulf %get3A_225, %mul3A_226 : vector<16xf32>
        %swap3A_228 = arith.index_cast %add3A_219 : i32 to index
        %swap3A_229 = arith.constant 0 : index
        %swap3A_230 = tpu.vector_load %arg12[%swap3A_228, %swap3A_229] {strides = array<i32>} : memref<512x32xf32, #tpu.memory_space<vmem>>, vector<1x16xf32>,
        %swap3A_231 = vector.shape_cast %swap3A_230 : vector<1x16xf32> to vector<16xf32>
        %swap3A_232 = vector.shape_cast %mul3A_227 : vector<16xf32> to vector<1x16xf32>
        tpu.vector_store %arg12[%swap3A_228, %swap3A_229], %swap3A_232 {strides = array<i32>} : memref<512x32xf32, #tpu.memory_space<vmem>>, vector<1x16xf32>,
        %get3A_233 = arith.index_cast %add3A_219 : i32 to index
        %get3A_234 = arith.constant 16 : index
        %get3A_235 = tpu.vector_load %arg12[%get3A_233, %get3A_234] {strides = array<i32>} : memref<512x32xf32, #tpu.memory_space<vmem>>, vector<1x16xf32>,
        %get3A_236 = vector.shape_cast %get3A_235 : vector<1x16xf32> to vector<16xf32>
        %mul3A_237 = vector.broadcast %squeeze3A_221 : f32 to vector<16xf32>
        %mul3A_238 = arith.mulf %get3A_236, %mul3A_237 : vector<16xf32>
        %swap3A_239 = arith.index_cast %add3A_219 : i32 to index
        %swap3A_240 = arith.constant 16 : index
        %swap3A_241 = tpu.vector_load %arg12[%swap3A_239, %swap3A_240] {strides = array<i32>} : memref<512x32xf32, #tpu.memory_space<vmem>>, vector<1x16xf32>,
        %swap3A_242 = vector.shape_cast %swap3A_241 : vector<1x16xf32> to vector<16xf32>
        %swap3A_243 = vector.shape_cast %mul3A_238 : vector<16xf32> to vector<1x16xf32>
        tpu.vector_store %arg12[%swap3A_239, %swap3A_240], %swap3A_243 {strides = array<i32>} : memref<512x32xf32, #tpu.memory_space<vmem>>, vector<1x16xf32>,
        %mul3A_244 = arith.constant 16 : i32
        %mul3A_245 = arith.muli %scan3A_74, %mul3A_244 : i32
        %add3A_246 = arith.constant 6 : i32
        %add3A_247 = arith.addi %mul3A_245, %add3A_246 : i32
        %slice3A_248 = vector.extract_strided_slice %get3A_78 {offsets = [6], sizes = [1], strides = [1]} : vector<16xf32> to vector<1xf32>
        %squeeze3A_249 = vector.extract %slice3A_248[0] : f32 from vector<1xf32>
        %get3A_250 = arith.index_cast %add3A_247 : i32 to index
        %get3A_251 = arith.constant 0 : index
        %get3A_252 = tpu.vector_load %arg12[%get3A_250, %get3A_251] {strides = array<i32>} : memref<512x32xf32, #tpu.memory_space<vmem>>, vector<1x16xf32>,
        %get3A_253 = vector.shape_cast %get3A_252 : vector<1x16xf32> to vector<16xf32>
        %mul3A_254 = vector.broadcast %squeeze3A_249 : f32 to vector<16xf32>
        %mul3A_255 = arith.mulf %get3A_253, %mul3A_254 : vector<16xf32>
        %swap3A_256 = arith.index_cast %add3A_247 : i32 to index
        %swap3A_257 = arith.constant 0 : index
        %swap3A_258 = tpu.vector_load %arg12[%swap3A_256, %swap3A_257] {strides = array<i32>} : memref<512x32xf32, #tpu.memory_space<vmem>>, vector<1x16xf32>,
        %swap3A_259 = vector.shape_cast %swap3A_258 : vector<1x16xf32> to vector<16xf32>
        %swap3A_260 = vector.shape_cast %mul3A_255 : vector<16xf32> to vector<1x16xf32>
        tpu.vector_store %arg12[%swap3A_256, %swap3A_257], %swap3A_260 {strides = array<i32>} : memref<512x32xf32, #tpu.memory_space<vmem>>, vector<1x16xf32>,
        %get3A_261 = arith.index_cast %add3A_247 : i32 to index
        %get3A_262 = arith.constant 16 : index
        %get3A_263 = tpu.vector_load %arg12[%get3A_261, %get3A_262] {strides = array<i32>} : memref<512x32xf32, #tpu.memory_space<vmem>>, vector<1x16xf32>,
        %get3A_264 = vector.shape_cast %get3A_263 : vector<1x16xf32> to vector<16xf32>
        %mul3A_265 = vector.broadcast %squeeze3A_249 : f32 to vector<16xf32>
        %mul3A_266 = arith.mulf %get3A_264, %mul3A_265 : vector<16xf32>
        %swap3A_267 = arith.index_cast %add3A_247 : i32 to index
        %swap3A_268 = arith.constant 16 : index
        %swap3A_269 = tpu.vector_load %arg12[%swap3A_267, %swap3A_268] {strides = array<i32>} : memref<512x32xf32, #tpu.memory_space<vmem>>, vector<1x16xf32>,
        %swap3A_270 = vector.shape_cast %swap3A_269 : vector<1x16xf32> to vector<16xf32>
        %swap3A_271 = vector.shape_cast %mul3A_266 : vector<16xf32> to vector<1x16xf32>
        tpu.vector_store %arg12[%swap3A_267, %swap3A_268], %swap3A_271 {strides = array<i32>} : memref<512x32xf32, #tpu.memory_space<vmem>>, vector<1x16xf32>,
        %mul3A_272 = arith.constant 16 : i32
        %mul3A_273 = arith.muli %scan3A_74, %mul3A_272 : i32
        %add3A_274 = arith.constant 7 : i32
        %add3A_275 = arith.addi %mul3A_273, %add3A_274 : i32
        %slice3A_276 = vector.extract_strided_slice %get3A_78 {offsets = [7], sizes = [1], strides = [1]} : vector<16xf32> to vector<1xf32>
        %squeeze3A_277 = vector.extract %slice3A_276[0] : f32 from vector<1xf32>
        %get3A_278 = arith.index_cast %add3A_275 : i32 to index
        %get3A_279 = arith.constant 0 : index
        %get3A_280 = tpu.vector_load %arg12[%get3A_278, %get3A_279] {strides = array<i32>} : memref<512x32xf32, #tpu.memory_space<vmem>>, vector<1x16xf32>,
        %get3A_281 = vector.shape_cast %get3A_280 : vector<1x16xf32> to vector<16xf32>
        %mul3A_282 = vector.broadcast %squeeze3A_277 : f32 to vector<16xf32>
        %mul3A_283 = arith.mulf %get3A_281, %mul3A_282 : vector<16xf32>
        %swap3A_284 = arith.index_cast %add3A_275 : i32 to index
        %swap3A_285 = arith.constant 0 : index
        %swap3A_286 = tpu.vector_load %arg12[%swap3A_284, %swap3A_285] {strides = array<i32>} : memref<512x32xf32, #tpu.memory_space<vmem>>, vector<1x16xf32>,
        %swap3A_287 = vector.shape_cast %swap3A_286 : vector<1x16xf32> to vector<16xf32>
        %swap3A_288 = vector.shape_cast %mul3A_283 : vector<16xf32> to vector<1x16xf32>
        tpu.vector_store %arg12[%swap3A_284, %swap3A_285], %swap3A_288 {strides = array<i32>} : memref<512x32xf32, #tpu.memory_space<vmem>>, vector<1x16xf32>,
        %get3A_289 = arith.index_cast %add3A_275 : i32 to index
        %get3A_290 = arith.constant 16 : index
        %get3A_291 = tpu.vector_load %arg12[%get3A_289, %get3A_290] {strides = array<i32>} : memref<512x32xf32, #tpu.memory_space<vmem>>, vector<1x16xf32>,
        %get3A_292 = vector.shape_cast %get3A_291 : vector<1x16xf32> to vector<16xf32>
        %mul3A_293 = vector.broadcast %squeeze3A_277 : f32 to vector<16xf32>
        %mul3A_294 = arith.mulf %get3A_292, %mul3A_293 : vector<16xf32>
        %swap3A_295 = arith.index_cast %add3A_275 : i32 to index
        %swap3A_296 = arith.constant 16 : index
        %swap3A_297 = tpu.vector_load %arg12[%swap3A_295, %swap3A_296] {strides = array<i32>} : memref<512x32xf32, #tpu.memory_space<vmem>>, vector<1x16xf32>,
        %swap3A_298 = vector.shape_cast %swap3A_297 : vector<1x16xf32> to vector<16xf32>
        %swap3A_299 = vector.shape_cast %mul3A_294 : vector<16xf32> to vector<1x16xf32>
        tpu.vector_store %arg12[%swap3A_295, %swap3A_296], %swap3A_299 {strides = array<i32>} : memref<512x32xf32, #tpu.memory_space<vmem>>, vector<1x16xf32>,
        %mul3A_300 = arith.constant 16 : i32
        %mul3A_301 = arith.muli %scan3A_74, %mul3A_300 : i32
        %add3A_302 = arith.constant 8 : i32
        %add3A_303 = arith.addi %mul3A_301, %add3A_302 : i32
        %slice3A_304 = vector.extract_strided_slice %get3A_78 {offsets = [8], sizes = [1], strides = [1]} : vector<16xf32> to vector<1xf32>
        %squeeze3A_305 = vector.extract %slice3A_304[0] : f32 from vector<1xf32>
        %get3A_306 = arith.index_cast %add3A_303 : i32 to index
        %get3A_307 = arith.constant 0 : index
        %get3A_308 = tpu.vector_load %arg12[%get3A_306, %get3A_307] {strides = array<i32>} : memref<512x32xf32, #tpu.memory_space<vmem>>, vector<1x16xf32>,
        %get3A_309 = vector.shape_cast %get3A_308 : vector<1x16xf32> to vector<16xf32>
        %mul3A_310 = vector.broadcast %squeeze3A_305 : f32 to vector<16xf32>
        %mul3A_311 = arith.mulf %get3A_309, %mul3A_310 : vector<16xf32>
        %swap3A_312 = arith.index_cast %add3A_303 : i32 to index
        %swap3A_313 = arith.constant 0 : index
        %swap3A_314 = tpu.vector_load %arg12[%swap3A_312, %swap3A_313] {strides = array<i32>} : memref<512x32xf32, #tpu.memory_space<vmem>>, vector<1x16xf32>,
        %swap3A_315 = vector.shape_cast %swap3A_314 : vector<1x16xf32> to vector<16xf32>
        %swap3A_316 = vector.shape_cast %mul3A_311 : vector<16xf32> to vector<1x16xf32>
        tpu.vector_store %arg12[%swap3A_312, %swap3A_313], %swap3A_316 {strides = array<i32>} : memref<512x32xf32, #tpu.memory_space<vmem>>, vector<1x16xf32>,
        %get3A_317 = arith.index_cast %add3A_303 : i32 to index
        %get3A_318 = arith.constant 16 : index
        %get3A_319 = tpu.vector_load %arg12[%get3A_317, %get3A_318] {strides = array<i32>} : memref<512x32xf32, #tpu.memory_space<vmem>>, vector<1x16xf32>,
        %get3A_320 = vector.shape_cast %get3A_319 : vector<1x16xf32> to vector<16xf32>
        %mul3A_321 = vector.broadcast %squeeze3A_305 : f32 to vector<16xf32>
        %mul3A_322 = arith.mulf %get3A_320, %mul3A_321 : vector<16xf32>
        %swap3A_323 = arith.index_cast %add3A_303 : i32 to index
        %swap3A_324 = arith.constant 16 : index
        %swap3A_325 = tpu.vector_load %arg12[%swap3A_323, %swap3A_324] {strides = array<i32>} : memref<512x32xf32, #tpu.memory_space<vmem>>, vector<1x16xf32>,
        %swap3A_326 = vector.shape_cast %swap3A_325 : vector<1x16xf32> to vector<16xf32>
        %swap3A_327 = vector.shape_cast %mul3A_322 : vector<16xf32> to vector<1x16xf32>
        tpu.vector_store %arg12[%swap3A_323, %swap3A_324], %swap3A_327 {strides = array<i32>} : memref<512x32xf32, #tpu.memory_space<vmem>>, vector<1x16xf32>,
        %mul3A_328 = arith.constant 16 : i32
        %mul3A_329 = arith.muli %scan3A_74, %mul3A_328 : i32
        %add3A_330 = arith.constant 9 : i32
        %add3A_331 = arith.addi %mul3A_329, %add3A_330 : i32
        %slice3A_332 = vector.extract_strided_slice %get3A_78 {offsets = [9], sizes = [1], strides = [1]} : vector<16xf32> to vector<1xf32>
        %squeeze3A_333 = vector.extract %slice3A_332[0] : f32 from vector<1xf32>
        %get3A_334 = arith.index_cast %add3A_331 : i32 to index
        %get3A_335 = arith.constant 0 : index
        %get3A_336 = tpu.vector_load %arg12[%get3A_334, %get3A_335] {strides = array<i32>} : memref<512x32xf32, #tpu.memory_space<vmem>>, vector<1x16xf32>,
        %get3A_337 = vector.shape_cast %get3A_336 : vector<1x16xf32> to vector<16xf32>
        %mul3A_338 = vector.broadcast %squeeze3A_333 : f32 to vector<16xf32>
        %mul3A_339 = arith.mulf %get3A_337, %mul3A_338 : vector<16xf32>
        %swap3A_340 = arith.index_cast %add3A_331 : i32 to index
        %swap3A_341 = arith.constant 0 : index
        %swap3A_342 = tpu.vector_load %arg12[%swap3A_340, %swap3A_341] {strides = array<i32>} : memref<512x32xf32, #tpu.memory_space<vmem>>, vector<1x16xf32>,
        %swap3A_343 = vector.shape_cast %swap3A_342 : vector<1x16xf32> to vector<16xf32>
        %swap3A_344 = vector.shape_cast %mul3A_339 : vector<16xf32> to vector<1x16xf32>
        tpu.vector_store %arg12[%swap3A_340, %swap3A_341], %swap3A_344 {strides = array<i32>} : memref<512x32xf32, #tpu.memory_space<vmem>>, vector<1x16xf32>,
        %get3A_345 = arith.index_cast %add3A_331 : i32 to index
        %get3A_346 = arith.constant 16 : index
        %get3A_347 = tpu.vector_load %arg12[%get3A_345, %get3A_346] {strides = array<i32>} : memref<512x32xf32, #tpu.memory_space<vmem>>, vector<1x16xf32>,
        %get3A_348 = vector.shape_cast %get3A_347 : vector<1x16xf32> to vector<16xf32>
        %mul3A_349 = vector.broadcast %squeeze3A_333 : f32 to vector<16xf32>
        %mul3A_350 = arith.mulf %get3A_348, %mul3A_349 : vector<16xf32>
        %swap3A_351 = arith.index_cast %add3A_331 : i32 to index
        %swap3A_352 = arith.constant 16 : index
        %swap3A_353 = tpu.vector_load %arg12[%swap3A_351, %swap3A_352] {strides = array<i32>} : memref<512x32xf32, #tpu.memory_space<vmem>>, vector<1x16xf32>,
        %swap3A_354 = vector.shape_cast %swap3A_353 : vector<1x16xf32> to vector<16xf32>
        %swap3A_355 = vector.shape_cast %mul3A_350 : vector<16xf32> to vector<1x16xf32>
        tpu.vector_store %arg12[%swap3A_351, %swap3A_352], %swap3A_355 {strides = array<i32>} : memref<512x32xf32, #tpu.memory_space<vmem>>, vector<1x16xf32>,
        %mul3A_356 = arith.constant 16 : i32
        %mul3A_357 = arith.muli %scan3A_74, %mul3A_356 : i32
        %add3A_358 = arith.constant 10 : i32
        %add3A_359 = arith.addi %mul3A_357, %add3A_358 : i32
        %slice3A_360 = vector.extract_strided_slice %get3A_78 {offsets = [10], sizes = [1], strides = [1]} : vector<16xf32> to vector<1xf32>
        %squeeze3A_361 = vector.extract %slice3A_360[0] : f32 from vector<1xf32>
        %get3A_362 = arith.index_cast %add3A_359 : i32 to index
        %get3A_363 = arith.constant 0 : index
        %get3A_364 = tpu.vector_load %arg12[%get3A_362, %get3A_363] {strides = array<i32>} : memref<512x32xf32, #tpu.memory_space<vmem>>, vector<1x16xf32>,
        %get3A_365 = vector.shape_cast %get3A_364 : vector<1x16xf32> to vector<16xf32>
        %mul3A_366 = vector.broadcast %squeeze3A_361 : f32 to vector<16xf32>
        %mul3A_367 = arith.mulf %get3A_365, %mul3A_366 : vector<16xf32>
        %swap3A_368 = arith.index_cast %add3A_359 : i32 to index
        %swap3A_369 = arith.constant 0 : index
        %swap3A_370 = tpu.vector_load %arg12[%swap3A_368, %swap3A_369] {strides = array<i32>} : memref<512x32xf32, #tpu.memory_space<vmem>>, vector<1x16xf32>,
        %swap3A_371 = vector.shape_cast %swap3A_370 : vector<1x16xf32> to vector<16xf32>
        %swap3A_372 = vector.shape_cast %mul3A_367 : vector<16xf32> to vector<1x16xf32>
        tpu.vector_store %arg12[%swap3A_368, %swap3A_369], %swap3A_372 {strides = array<i32>} : memref<512x32xf32, #tpu.memory_space<vmem>>, vector<1x16xf32>,
        %get3A_373 = arith.index_cast %add3A_359 : i32 to index
        %get3A_374 = arith.constant 16 : index
        %get3A_375 = tpu.vector_load %arg12[%get3A_373, %get3A_374] {strides = array<i32>} : memref<512x32xf32, #tpu.memory_space<vmem>>, vector<1x16xf32>,
        %get3A_376 = vector.shape_cast %get3A_375 : vector<1x16xf32> to vector<16xf32>
        %mul3A_377 = vector.broadcast %squeeze3A_361 : f32 to vector<16xf32>
        %mul3A_378 = arith.mulf %get3A_376, %mul3A_377 : vector<16xf32>
        %swap3A_379 = arith.index_cast %add3A_359 : i32 to index
        %swap3A_380 = arith.constant 16 : index
        %swap3A_381 = tpu.vector_load %arg12[%swap3A_379, %swap3A_380] {strides = array<i32>} : memref<512x32xf32, #tpu.memory_space<vmem>>, vector<1x16xf32>,
        %swap3A_382 = vector.shape_cast %swap3A_381 : vector<1x16xf32> to vector<16xf32>
        %swap3A_383 = vector.shape_cast %mul3A_378 : vector<16xf32> to vector<1x16xf32>
        tpu.vector_store %arg12[%swap3A_379, %swap3A_380], %swap3A_383 {strides = array<i32>} : memref<512x32xf32, #tpu.memory_space<vmem>>, vector<1x16xf32>,
        %mul3A_384 = arith.constant 16 : i32
        %mul3A_385 = arith.muli %scan3A_74, %mul3A_384 : i32
        %add3A_386 = arith.constant 11 : i32
        %add3A_387 = arith.addi %mul3A_385, %add3A_386 : i32
        %slice3A_388 = vector.extract_strided_slice %get3A_78 {offsets = [11], sizes = [1], strides = [1]} : vector<16xf32> to vector<1xf32>
        %squeeze3A_389 = vector.extract %slice3A_388[0] : f32 from vector<1xf32>
        %get3A_390 = arith.index_cast %add3A_387 : i32 to index
        %get3A_391 = arith.constant 0 : index
        %get3A_392 = tpu.vector_load %arg12[%get3A_390, %get3A_391] {strides = array<i32>} : memref<512x32xf32, #tpu.memory_space<vmem>>, vector<1x16xf32>,
        %get3A_393 = vector.shape_cast %get3A_392 : vector<1x16xf32> to vector<16xf32>
        %mul3A_394 = vector.broadcast %squeeze3A_389 : f32 to vector<16xf32>
        %mul3A_395 = arith.mulf %get3A_393, %mul3A_394 : vector<16xf32>
        %swap3A_396 = arith.index_cast %add3A_387 : i32 to index
        %swap3A_397 = arith.constant 0 : index
        %swap3A_398 = tpu.vector_load %arg12[%swap3A_396, %swap3A_397] {strides = array<i32>} : memref<512x32xf32, #tpu.memory_space<vmem>>, vector<1x16xf32>,
        %swap3A_399 = vector.shape_cast %swap3A_398 : vector<1x16xf32> to vector<16xf32>
        %swap3A_400 = vector.shape_cast %mul3A_395 : vector<16xf32> to vector<1x16xf32>
        tpu.vector_store %arg12[%swap3A_396, %swap3A_397], %swap3A_400 {strides = array<i32>} : memref<512x32xf32, #tpu.memory_space<vmem>>, vector<1x16xf32>,
        %get3A_401 = arith.index_cast %add3A_387 : i32 to index
        %get3A_402 = arith.constant 16 : index
        %get3A_403 = tpu.vector_load %arg12[%get3A_401, %get3A_402] {strides = array<i32>} : memref<512x32xf32, #tpu.memory_space<vmem>>, vector<1x16xf32>,
        %get3A_404 = vector.shape_cast %get3A_403 : vector<1x16xf32> to vector<16xf32>
        %mul3A_405 = vector.broadcast %squeeze3A_389 : f32 to vector<16xf32>
        %mul3A_406 = arith.mulf %get3A_404, %mul3A_405 : vector<16xf32>
        %swap3A_407 = arith.index_cast %add3A_387 : i32 to index
        %swap3A_408 = arith.constant 16 : index
        %swap3A_409 = tpu.vector_load %arg12[%swap3A_407, %swap3A_408] {strides = array<i32>} : memref<512x32xf32, #tpu.memory_space<vmem>>, vector<1x16xf32>,
        %swap3A_410 = vector.shape_cast %swap3A_409 : vector<1x16xf32> to vector<16xf32>
        %swap3A_411 = vector.shape_cast %mul3A_406 : vector<16xf32> to vector<1x16xf32>
        tpu.vector_store %arg12[%swap3A_407, %swap3A_408], %swap3A_411 {strides = array<i32>} : memref<512x32xf32, #tpu.memory_space<vmem>>, vector<1x16xf32>,
        %mul3A_412 = arith.constant 16 : i32
        %mul3A_413 = arith.muli %scan3A_74, %mul3A_412 : i32
        %add3A_414 = arith.constant 12 : i32
        %add3A_415 = arith.addi %mul3A_413, %add3A_414 : i32
        %slice3A_416 = vector.extract_strided_slice %get3A_78 {offsets = [12], sizes = [1], strides = [1]} : vector<16xf32> to vector<1xf32>
        %squeeze3A_417 = vector.extract %slice3A_416[0] : f32 from vector<1xf32>
        %get3A_418 = arith.index_cast %add3A_415 : i32 to index
        %get3A_419 = arith.constant 0 : index
        %get3A_420 = tpu.vector_load %arg12[%get3A_418, %get3A_419] {strides = array<i32>} : memref<512x32xf32, #tpu.memory_space<vmem>>, vector<1x16xf32>,
        %get3A_421 = vector.shape_cast %get3A_420 : vector<1x16xf32> to vector<16xf32>
        %mul3A_422 = vector.broadcast %squeeze3A_417 : f32 to vector<16xf32>
        %mul3A_423 = arith.mulf %get3A_421, %mul3A_422 : vector<16xf32>
        %swap3A_424 = arith.index_cast %add3A_415 : i32 to index
        %swap3A_425 = arith.constant 0 : index
        %swap3A_426 = tpu.vector_load %arg12[%swap3A_424, %swap3A_425] {strides = array<i32>} : memref<512x32xf32, #tpu.memory_space<vmem>>, vector<1x16xf32>,
        %swap3A_427 = vector.shape_cast %swap3A_426 : vector<1x16xf32> to vector<16xf32>
        %swap3A_428 = vector.shape_cast %mul3A_423 : vector<16xf32> to vector<1x16xf32>
        tpu.vector_store %arg12[%swap3A_424, %swap3A_425], %swap3A_428 {strides = array<i32>} : memref<512x32xf32, #tpu.memory_space<vmem>>, vector<1x16xf32>,
        %get3A_429 = arith.index_cast %add3A_415 : i32 to index
        %get3A_430 = arith.constant 16 : index
        %get3A_431 = tpu.vector_load %arg12[%get3A_429, %get3A_430] {strides = array<i32>} : memref<512x32xf32, #tpu.memory_space<vmem>>, vector<1x16xf32>,
        %get3A_432 = vector.shape_cast %get3A_431 : vector<1x16xf32> to vector<16xf32>
        %mul3A_433 = vector.broadcast %squeeze3A_417 : f32 to vector<16xf32>
        %mul3A_434 = arith.mulf %get3A_432, %mul3A_433 : vector<16xf32>
        %swap3A_435 = arith.index_cast %add3A_415 : i32 to index
        %swap3A_436 = arith.constant 16 : index
        %swap3A_437 = tpu.vector_load %arg12[%swap3A_435, %swap3A_436] {strides = array<i32>} : memref<512x32xf32, #tpu.memory_space<vmem>>, vector<1x16xf32>,
        %swap3A_438 = vector.shape_cast %swap3A_437 : vector<1x16xf32> to vector<16xf32>
        %swap3A_439 = vector.shape_cast %mul3A_434 : vector<16xf32> to vector<1x16xf32>
        tpu.vector_store %arg12[%swap3A_435, %swap3A_436], %swap3A_439 {strides = array<i32>} : memref<512x32xf32, #tpu.memory_space<vmem>>, vector<1x16xf32>,
        %mul3A_440 = arith.constant 16 : i32
        %mul3A_441 = arith.muli %scan3A_74, %mul3A_440 : i32
        %add3A_442 = arith.constant 13 : i32
        %add3A_443 = arith.addi %mul3A_441, %add3A_442 : i32
        %slice3A_444 = vector.extract_strided_slice %get3A_78 {offsets = [13], sizes = [1], strides = [1]} : vector<16xf32> to vector<1xf32>
        %squeeze3A_445 = vector.extract %slice3A_444[0] : f32 from vector<1xf32>
        %get3A_446 = arith.index_cast %add3A_443 : i32 to index
        %get3A_447 = arith.constant 0 : index
        %get3A_448 = tpu.vector_load %arg12[%get3A_446, %get3A_447] {strides = array<i32>} : memref<512x32xf32, #tpu.memory_space<vmem>>, vector<1x16xf32>,
        %get3A_449 = vector.shape_cast %get3A_448 : vector<1x16xf32> to vector<16xf32>
        %mul3A_450 = vector.broadcast %squeeze3A_445 : f32 to vector<16xf32>
        %mul3A_451 = arith.mulf %get3A_449, %mul3A_450 : vector<16xf32>
        %swap3A_452 = arith.index_cast %add3A_443 : i32 to index
        %swap3A_453 = arith.constant 0 : index
        %swap3A_454 = tpu.vector_load %arg12[%swap3A_452, %swap3A_453] {strides = array<i32>} : memref<512x32xf32, #tpu.memory_space<vmem>>, vector<1x16xf32>,
        %swap3A_455 = vector.shape_cast %swap3A_454 : vector<1x16xf32> to vector<16xf32>
        %swap3A_456 = vector.shape_cast %mul3A_451 : vector<16xf32> to vector<1x16xf32>
        tpu.vector_store %arg12[%swap3A_452, %swap3A_453], %swap3A_456 {strides = array<i32>} : memref<512x32xf32, #tpu.memory_space<vmem>>, vector<1x16xf32>,
        %get3A_457 = arith.index_cast %add3A_443 : i32 to index
        %get3A_458 = arith.constant 16 : index
        %get3A_459 = tpu.vector_load %arg12[%get3A_457, %get3A_458] {strides = array<i32>} : memref<512x32xf32, #tpu.memory_space<vmem>>, vector<1x16xf32>,
        %get3A_460 = vector.shape_cast %get3A_459 : vector<1x16xf32> to vector<16xf32>
        %mul3A_461 = vector.broadcast %squeeze3A_445 : f32 to vector<16xf32>
        %mul3A_462 = arith.mulf %get3A_460, %mul3A_461 : vector<16xf32>
        %swap3A_463 = arith.index_cast %add3A_443 : i32 to index
        %swap3A_464 = arith.constant 16 : index
        %swap3A_465 = tpu.vector_load %arg12[%swap3A_463, %swap3A_464] {strides = array<i32>} : memref<512x32xf32, #tpu.memory_space<vmem>>, vector<1x16xf32>,
        %swap3A_466 = vector.shape_cast %swap3A_465 : vector<1x16xf32> to vector<16xf32>
        %swap3A_467 = vector.shape_cast %mul3A_462 : vector<16xf32> to vector<1x16xf32>
        tpu.vector_store %arg12[%swap3A_463, %swap3A_464], %swap3A_467 {strides = array<i32>} : memref<512x32xf32, #tpu.memory_space<vmem>>, vector<1x16xf32>,
        %mul3A_468 = arith.constant 16 : i32
        %mul3A_469 = arith.muli %scan3A_74, %mul3A_468 : i32
        %add3A_470 = arith.constant 14 : i32
        %add3A_471 = arith.addi %mul3A_469, %add3A_470 : i32
        %slice3A_472 = vector.extract_strided_slice %get3A_78 {offsets = [14], sizes = [1], strides = [1]} : vector<16xf32> to vector<1xf32>
        %squeeze3A_473 = vector.extract %slice3A_472[0] : f32 from vector<1xf32>
        %get3A_474 = arith.index_cast %add3A_471 : i32 to index
        %get3A_475 = arith.constant 0 : index
        %get3A_476 = tpu.vector_load %arg12[%get3A_474, %get3A_475] {strides = array<i32>} : memref<512x32xf32, #tpu.memory_space<vmem>>, vector<1x16xf32>,
        %get3A_477 = vector.shape_cast %get3A_476 : vector<1x16xf32> to vector<16xf32>
        %mul3A_478 = vector.broadcast %squeeze3A_473 : f32 to vector<16xf32>
        %mul3A_479 = arith.mulf %get3A_477, %mul3A_478 : vector<16xf32>
        %swap3A_480 = arith.index_cast %add3A_471 : i32 to index
        %swap3A_481 = arith.constant 0 : index
        %swap3A_482 = tpu.vector_load %arg12[%swap3A_480, %swap3A_481] {strides = array<i32>} : memref<512x32xf32, #tpu.memory_space<vmem>>, vector<1x16xf32>,
        %swap3A_483 = vector.shape_cast %swap3A_482 : vector<1x16xf32> to vector<16xf32>
        %swap3A_484 = vector.shape_cast %mul3A_479 : vector<16xf32> to vector<1x16xf32>
        tpu.vector_store %arg12[%swap3A_480, %swap3A_481], %swap3A_484 {strides = array<i32>} : memref<512x32xf32, #tpu.memory_space<vmem>>, vector<1x16xf32>,
        %get3A_485 = arith.index_cast %add3A_471 : i32 to index
        %get3A_486 = arith.constant 16 : index
        %get3A_487 = tpu.vector_load %arg12[%get3A_485, %get3A_486] {strides = array<i32>} : memref<512x32xf32, #tpu.memory_space<vmem>>, vector<1x16xf32>,
        %get3A_488 = vector.shape_cast %get3A_487 : vector<1x16xf32> to vector<16xf32>
        %mul3A_489 = vector.broadcast %squeeze3A_473 : f32 to vector<16xf32>
        %mul3A_490 = arith.mulf %get3A_488, %mul3A_489 : vector<16xf32>
        %swap3A_491 = arith.index_cast %add3A_471 : i32 to index
        %swap3A_492 = arith.constant 16 : index
        %swap3A_493 = tpu.vector_load %arg12[%swap3A_491, %swap3A_492] {strides = array<i32>} : memref<512x32xf32, #tpu.memory_space<vmem>>, vector<1x16xf32>,
        %swap3A_494 = vector.shape_cast %swap3A_493 : vector<1x16xf32> to vector<16xf32>
        %swap3A_495 = vector.shape_cast %mul3A_490 : vector<16xf32> to vector<1x16xf32>
        tpu.vector_store %arg12[%swap3A_491, %swap3A_492], %swap3A_495 {strides = array<i32>} : memref<512x32xf32, #tpu.memory_space<vmem>>, vector<1x16xf32>,
        %mul3A_496 = arith.constant 16 : i32
        %mul3A_497 = arith.muli %scan3A_74, %mul3A_496 : i32
        %add3A_498 = arith.constant 15 : i32
        %add3A_499 = arith.addi %mul3A_497, %add3A_498 : i32
        %slice3A_500 = vector.extract_strided_slice %get3A_78 {offsets = [15], sizes = [1], strides = [1]} : vector<16xf32> to vector<1xf32>
        %squeeze3A_501 = vector.extract %slice3A_500[0] : f32 from vector<1xf32>
        %get3A_502 = arith.index_cast %add3A_499 : i32 to index
        %get3A_503 = arith.constant 0 : index
        %get3A_504 = tpu.vector_load %arg12[%get3A_502, %get3A_503] {strides = array<i32>} : memref<512x32xf32, #tpu.memory_space<vmem>>, vector<1x16xf32>,
        %get3A_505 = vector.shape_cast %get3A_504 : vector<1x16xf32> to vector<16xf32>
        %mul3A_506 = vector.broadcast %squeeze3A_501 : f32 to vector<16xf32>
        %mul3A_507 = arith.mulf %get3A_505, %mul3A_506 : vector<16xf32>
        %swap3A_508 = arith.index_cast %add3A_499 : i32 to index
        %swap3A_509 = arith.constant 0 : index
        %swap3A_510 = tpu.vector_load %arg12[%swap3A_508, %swap3A_509] {strides = array<i32>} : memref<512x32xf32, #tpu.memory_space<vmem>>, vector<1x16xf32>,
        %swap3A_511 = vector.shape_cast %swap3A_510 : vector<1x16xf32> to vector<16xf32>
        %swap3A_512 = vector.shape_cast %mul3A_507 : vector<16xf32> to vector<1x16xf32>
        tpu.vector_store %arg12[%swap3A_508, %swap3A_509], %swap3A_512 {strides = array<i32>} : memref<512x32xf32, #tpu.memory_space<vmem>>, vector<1x16xf32>,
        %get3A_513 = arith.index_cast %add3A_499 : i32 to index
        %get3A_514 = arith.constant 16 : index
        %get3A_515 = tpu.vector_load %arg12[%get3A_513, %get3A_514] {strides = array<i32>} : memref<512x32xf32, #tpu.memory_space<vmem>>, vector<1x16xf32>,
        %get3A_516 = vector.shape_cast %get3A_515 : vector<1x16xf32> to vector<16xf32>
        %mul3A_517 = vector.broadcast %squeeze3A_501 : f32 to vector<16xf32>
        %mul3A_518 = arith.mulf %get3A_516, %mul3A_517 : vector<16xf32>
        %swap3A_519 = arith.index_cast %add3A_499 : i32 to index
        %swap3A_520 = arith.constant 16 : index
        %swap3A_521 = tpu.vector_load %arg12[%swap3A_519, %swap3A_520] {strides = array<i32>} : memref<512x32xf32, #tpu.memory_space<vmem>>, vector<1x16xf32>,
        %swap3A_522 = vector.shape_cast %swap3A_521 : vector<1x16xf32> to vector<16xf32>
        %swap3A_523 = vector.shape_cast %mul3A_518 : vector<16xf32> to vector<1x16xf32>
        tpu.vector_store %arg12[%swap3A_519, %swap3A_520], %swap3A_523 {strides = array<i32>} : memref<512x32xf32, #tpu.memory_space<vmem>>, vector<1x16xf32>,
      }
      %scan3A_70 = arith.constant 32 : i32
      %run_scoped3A = arith.constant 0 : i32
      "tpu.region"() ({
        %run_scoped3A_74 = tpu.sem_alloc : memref<!tpu.dma_semaphore, #tpu.memory_space<semaphore_mem>>
        %dma_start3A_75 = arith.constant 0 : i32
        %dma_start3A_76 = arith.constant 0 : i32
        %dma_start3A_77 = tpu.memref_slice %arg12[%dma_start3A_75, %dma_start3A_76] : memref<512x32xf32, #tpu.memory_space<vmem>> -> memref<128x32xf32, #tpu.memory_space<vmem>>
        %dma_start3A_78 = arith.constant 0 : i32
        %dma_start3A_79 = tpu.memref_slice %arg10[%run_scoped3A, %dma_start3A_78] : memref<4x128xi32, #tpu.memory_space<vmem>> -> memref<1x128xi32, #tpu.memory_space<vmem>>
        %dma_start3A_80 = tpu.memref_squeeze %dma_start3A_79 : memref<1x128xi32, #tpu.memory_space<vmem>> -> memref<128xi32, #tpu.memory_space<vmem>>
        %dma_start3A_81 = arith.constant 0 : i32
        %dma_start3A_82 = arith.constant 0 : i32
        %dma_start3A_83 = tpu.memref_slice %arg13[%dma_start3A_81, %dma_start3A_82] : memref<49152x32xf32, #tpu.memory_space<vmem_shared>> -> memref<49152x32xf32, #tpu.memory_space<vmem_shared>>
        tpu.enqueue_indirect_dma source(%dma_start3A_77 : memref<128x32xf32, #tpu.memory_space<vmem>>) target(%dma_start3A_83 : memref<49152x32xf32, #tpu.memory_space<vmem_shared>>) offsets(%dma_start3A_80 : memref<128xi32, #tpu.memory_space<vmem>>) semaphore(%run_scoped3A_74 : memref<!tpu.dma_semaphore, #tpu.memory_space<semaphore_mem>>) {add = true}
        %dma_wait3A_84 = arith.constant 0 : i32
        %dma_wait3A_85 = arith.constant 0 : i32
        %dma_wait3A_86 = tpu.memref_slice %arg12[%dma_wait3A_84, %dma_wait3A_85] : memref<512x32xf32, #tpu.memory_space<vmem>> -> memref<128x32xf32, #tpu.memory_space<vmem>>
        %dma_wait3A_87 = arith.constant 0 : i32
        %dma_wait3A_88 = tpu.memref_slice %arg10[%run_scoped3A, %dma_wait3A_87] : memref<4x128xi32, #tpu.memory_space<vmem>> -> memref<1x128xi32, #tpu.memory_space<vmem>>
        %dma_wait3A_89 = tpu.memref_squeeze %dma_wait3A_88 : memref<1x128xi32, #tpu.memory_space<vmem>> -> memref<128xi32, #tpu.memory_space<vmem>>
        %dma_wait3A_90 = arith.constant 0 : i32
        %dma_wait3A_91 = arith.constant 0 : i32
        %dma_wait3A_92 = tpu.memref_slice %arg13[%dma_wait3A_90, %dma_wait3A_91] : memref<49152x32xf32, #tpu.memory_space<vmem_shared>> -> memref<49152x32xf32, #tpu.memory_space<vmem_shared>>
        tpu.wait_indirect_dma semaphore(%run_scoped3A_74 : memref<!tpu.dma_semaphore, #tpu.memory_space<semaphore_mem>>) src(%dma_wait3A_86 : memref<128x32xf32, #tpu.memory_space<vmem>>) dst(%dma_wait3A_92 : memref<49152x32xf32, #tpu.memory_space<vmem_shared>>)
        tpu.yield
      }) : () -> ()
      %run_scoped3A_71 = arith.constant 1 : i32
      "tpu.region"() ({
        %run_scoped3A_74 = tpu.sem_alloc : memref<!tpu.dma_semaphore, #tpu.memory_space<semaphore_mem>>
        %dma_start3A_75 = arith.constant 128 : i32
        %dma_start3A_76 = arith.constant 0 : i32
        %dma_start3A_77 = tpu.memref_slice %arg12[%dma_start3A_75, %dma_start3A_76] : memref<512x32xf32, #tpu.memory_space<vmem>> -> memref<128x32xf32, #tpu.memory_space<vmem>>
        %dma_start3A_78 = arith.constant 0 : i32
        %dma_start3A_79 = tpu.memref_slice %arg10[%run_scoped3A_71, %dma_start3A_78] : memref<4x128xi32, #tpu.memory_space<vmem>> -> memref<1x128xi32, #tpu.memory_space<vmem>>
        %dma_start3A_80 = tpu.memref_squeeze %dma_start3A_79 : memref<1x128xi32, #tpu.memory_space<vmem>> -> memref<128xi32, #tpu.memory_space<vmem>>
        %dma_start3A_81 = arith.constant 0 : i32
        %dma_start3A_82 = arith.constant 0 : i32
        %dma_start3A_83 = tpu.memref_slice %arg13[%dma_start3A_81, %dma_start3A_82] : memref<49152x32xf32, #tpu.memory_space<vmem_shared>> -> memref<49152x32xf32, #tpu.memory_space<vmem_shared>>
        tpu.enqueue_indirect_dma source(%dma_start3A_77 : memref<128x32xf32, #tpu.memory_space<vmem>>) target(%dma_start3A_83 : memref<49152x32xf32, #tpu.memory_space<vmem_shared>>) offsets(%dma_start3A_80 : memref<128xi32, #tpu.memory_space<vmem>>) semaphore(%run_scoped3A_74 : memref<!tpu.dma_semaphore, #tpu.memory_space<semaphore_mem>>) {add = true}
        %dma_wait3A_84 = arith.constant 128 : i32
        %dma_wait3A_85 = arith.constant 0 : i32
        %dma_wait3A_86 = tpu.memref_slice %arg12[%dma_wait3A_84, %dma_wait3A_85] : memref<512x32xf32, #tpu.memory_space<vmem>> -> memref<128x32xf32, #tpu.memory_space<vmem>>
        %dma_wait3A_87 = arith.constant 0 : i32
        %dma_wait3A_88 = tpu.memref_slice %arg10[%run_scoped3A_71, %dma_wait3A_87] : memref<4x128xi32, #tpu.memory_space<vmem>> -> memref<1x128xi32, #tpu.memory_space<vmem>>
        %dma_wait3A_89 = tpu.memref_squeeze %dma_wait3A_88 : memref<1x128xi32, #tpu.memory_space<vmem>> -> memref<128xi32, #tpu.memory_space<vmem>>
        %dma_wait3A_90 = arith.constant 0 : i32
        %dma_wait3A_91 = arith.constant 0 : i32
        %dma_wait3A_92 = tpu.memref_slice %arg13[%dma_wait3A_90, %dma_wait3A_91] : memref<49152x32xf32, #tpu.memory_space<vmem_shared>> -> memref<49152x32xf32, #tpu.memory_space<vmem_shared>>
        tpu.wait_indirect_dma semaphore(%run_scoped3A_74 : memref<!tpu.dma_semaphore, #tpu.memory_space<semaphore_mem>>) src(%dma_wait3A_86 : memref<128x32xf32, #tpu.memory_space<vmem>>) dst(%dma_wait3A_92 : memref<49152x32xf32, #tpu.memory_space<vmem_shared>>)
        tpu.yield
      }) : () -> ()
      %run_scoped3A_72 = arith.constant 2 : i32
      "tpu.region"() ({
        %run_scoped3A_74 = tpu.sem_alloc : memref<!tpu.dma_semaphore, #tpu.memory_space<semaphore_mem>>
        %dma_start3A_75 = arith.constant 256 : i32
        %dma_start3A_76 = arith.constant 0 : i32
        %dma_start3A_77 = tpu.memref_slice %arg12[%dma_start3A_75, %dma_start3A_76] : memref<512x32xf32, #tpu.memory_space<vmem>> -> memref<128x32xf32, #tpu.memory_space<vmem>>
        %dma_start3A_78 = arith.constant 0 : i32
        %dma_start3A_79 = tpu.memref_slice %arg10[%run_scoped3A_72, %dma_start3A_78] : memref<4x128xi32, #tpu.memory_space<vmem>> -> memref<1x128xi32, #tpu.memory_space<vmem>>
        %dma_start3A_80 = tpu.memref_squeeze %dma_start3A_79 : memref<1x128xi32, #tpu.memory_space<vmem>> -> memref<128xi32, #tpu.memory_space<vmem>>
        %dma_start3A_81 = arith.constant 0 : i32
        %dma_start3A_82 = arith.constant 0 : i32
        %dma_start3A_83 = tpu.memref_slice %arg13[%dma_start3A_81, %dma_start3A_82] : memref<49152x32xf32, #tpu.memory_space<vmem_shared>> -> memref<49152x32xf32, #tpu.memory_space<vmem_shared>>
        tpu.enqueue_indirect_dma source(%dma_start3A_77 : memref<128x32xf32, #tpu.memory_space<vmem>>) target(%dma_start3A_83 : memref<49152x32xf32, #tpu.memory_space<vmem_shared>>) offsets(%dma_start3A_80 : memref<128xi32, #tpu.memory_space<vmem>>) semaphore(%run_scoped3A_74 : memref<!tpu.dma_semaphore, #tpu.memory_space<semaphore_mem>>) {add = true}
        %dma_wait3A_84 = arith.constant 256 : i32
        %dma_wait3A_85 = arith.constant 0 : i32
        %dma_wait3A_86 = tpu.memref_slice %arg12[%dma_wait3A_84, %dma_wait3A_85] : memref<512x32xf32, #tpu.memory_space<vmem>> -> memref<128x32xf32, #tpu.memory_space<vmem>>
        %dma_wait3A_87 = arith.constant 0 : i32
        %dma_wait3A_88 = tpu.memref_slice %arg10[%run_scoped3A_72, %dma_wait3A_87] : memref<4x128xi32, #tpu.memory_space<vmem>> -> memref<1x128xi32, #tpu.memory_space<vmem>>
        %dma_wait3A_89 = tpu.memref_squeeze %dma_wait3A_88 : memref<1x128xi32, #tpu.memory_space<vmem>> -> memref<128xi32, #tpu.memory_space<vmem>>
        %dma_wait3A_90 = arith.constant 0 : i32
        %dma_wait3A_91 = arith.constant 0 : i32
        %dma_wait3A_92 = tpu.memref_slice %arg13[%dma_wait3A_90, %dma_wait3A_91] : memref<49152x32xf32, #tpu.memory_space<vmem_shared>> -> memref<49152x32xf32, #tpu.memory_space<vmem_shared>>
        tpu.wait_indirect_dma semaphore(%run_scoped3A_74 : memref<!tpu.dma_semaphore, #tpu.memory_space<semaphore_mem>>) src(%dma_wait3A_86 : memref<128x32xf32, #tpu.memory_space<vmem>>) dst(%dma_wait3A_92 : memref<49152x32xf32, #tpu.memory_space<vmem_shared>>)
        tpu.yield
      }) : () -> ()
      %run_scoped3A_73 = arith.constant 3 : i32
      "tpu.region"() ({
        %run_scoped3A_74 = tpu.sem_alloc : memref<!tpu.dma_semaphore, #tpu.memory_space<semaphore_mem>>
        %dma_start3A_75 = arith.constant 384 : i32
        %dma_start3A_76 = arith.constant 0 : i32
        %dma_start3A_77 = tpu.memref_slice %arg12[%dma_start3A_75, %dma_start3A_76] : memref<512x32xf32, #tpu.memory_space<vmem>> -> memref<128x32xf32, #tpu.memory_space<vmem>>
        %dma_start3A_78 = arith.constant 0 : i32
        %dma_start3A_79 = tpu.memref_slice %arg10[%run_scoped3A_73, %dma_start3A_78] : memref<4x128xi32, #tpu.memory_space<vmem>> -> memref<1x128xi32, #tpu.memory_space<vmem>>
        %dma_start3A_80 = tpu.memref_squeeze %dma_start3A_79 : memref<1x128xi32, #tpu.memory_space<vmem>> -> memref<128xi32, #tpu.memory_space<vmem>>
        %dma_start3A_81 = arith.constant 0 : i32
        %dma_start3A_82 = arith.constant 0 : i32
        %dma_start3A_83 = tpu.memref_slice %arg13[%dma_start3A_81, %dma_start3A_82] : memref<49152x32xf32, #tpu.memory_space<vmem_shared>> -> memref<49152x32xf32, #tpu.memory_space<vmem_shared>>
        tpu.enqueue_indirect_dma source(%dma_start3A_77 : memref<128x32xf32, #tpu.memory_space<vmem>>) target(%dma_start3A_83 : memref<49152x32xf32, #tpu.memory_space<vmem_shared>>) offsets(%dma_start3A_80 : memref<128xi32, #tpu.memory_space<vmem>>) semaphore(%run_scoped3A_74 : memref<!tpu.dma_semaphore, #tpu.memory_space<semaphore_mem>>) {add = true}
        %dma_wait3A_84 = arith.constant 384 : i32
        %dma_wait3A_85 = arith.constant 0 : i32
        %dma_wait3A_86 = tpu.memref_slice %arg12[%dma_wait3A_84, %dma_wait3A_85] : memref<512x32xf32, #tpu.memory_space<vmem>> -> memref<128x32xf32, #tpu.memory_space<vmem>>
        %dma_wait3A_87 = arith.constant 0 : i32
        %dma_wait3A_88 = tpu.memref_slice %arg10[%run_scoped3A_73, %dma_wait3A_87] : memref<4x128xi32, #tpu.memory_space<vmem>> -> memref<1x128xi32, #tpu.memory_space<vmem>>
        %dma_wait3A_89 = tpu.memref_squeeze %dma_wait3A_88 : memref<1x128xi32, #tpu.memory_space<vmem>> -> memref<128xi32, #tpu.memory_space<vmem>>
        %dma_wait3A_90 = arith.constant 0 : i32
        %dma_wait3A_91 = arith.constant 0 : i32
        %dma_wait3A_92 = tpu.memref_slice %arg13[%dma_wait3A_90, %dma_wait3A_91] : memref<49152x32xf32, #tpu.memory_space<vmem_shared>> -> memref<49152x32xf32, #tpu.memory_space<vmem_shared>>
        tpu.wait_indirect_dma semaphore(%run_scoped3A_74 : memref<!tpu.dma_semaphore, #tpu.memory_space<semaphore_mem>>) src(%dma_wait3A_86 : memref<128x32xf32, #tpu.memory_space<vmem>>) dst(%dma_wait3A_92 : memref<49152x32xf32, #tpu.memory_space<vmem_shared>>)
        tpu.yield
      }) : () -> ()
    }
    %scan3A_10 = arith.constant 54 : i32
    %barrier3A_11 = arith.constant 0 : index
    tpu.barrier barrier_id(%barrier3A_11)
    %mul3A_12 = arith.constant 3072 : i32
    %mul3A_13 = arith.muli %arg1, %mul3A_12 : i32
    %mul3A_14 = arith.constant 49152 : i32
    %mul3A_15 = arith.muli %add3A_1, %mul3A_14 : i32
    %mul3A_16 = arith.constant 3072 : i32
    %mul3A_17 = arith.muli %arg1, %mul3A_16 : i32
    %add3A_18 = arith.addi %mul3A_15, %mul3A_17 : i32
    "tpu.region"() ({
      %run_scoped3A = tpu.sem_alloc : memref<!tpu.dma_semaphore, #tpu.memory_space<semaphore_mem>>
      %dma_start3A = arith.constant 0 : i32
      %dma_start3A_44 = tpu.memref_slice %arg7[%add3A_18, %dma_start3A] : memref<196608x32xf32, #tpu.memory_space<hbm>> -> memref<3072x32xf32, #tpu.memory_space<hbm>>
      %dma_start3A_45 = arith.constant 0 : i32
      %dma_start3A_46 = tpu.memref_slice %arg13[%mul3A_13, %dma_start3A_45] : memref<49152x32xf32, #tpu.memory_space<vmem_shared>> -> memref<3072x32xf32, #tpu.memory_space<vmem_shared>>
      tpu.enqueue_dma source(%dma_start3A_46 : memref<3072x32xf32, #tpu.memory_space<vmem_shared>>) target(%dma_start3A_44 : memref<3072x32xf32, #tpu.memory_space<hbm>>) target_semaphore(%run_scoped3A : memref<!tpu.dma_semaphore, #tpu.memory_space<semaphore_mem>>)
      %dma_wait3A = arith.constant 0 : i32
      %dma_wait3A_47 = tpu.memref_slice %arg7[%add3A_18, %dma_wait3A] : memref<196608x32xf32, #tpu.memory_space<hbm>> -> memref<3072x32xf32, #tpu.memory_space<hbm>>
      %dma_wait3A_48 = arith.constant 0 : i32
      %dma_wait3A_49 = tpu.memref_slice %arg13[%mul3A_13, %dma_wait3A_48] : memref<49152x32xf32, #tpu.memory_space<vmem_shared>> -> memref<3072x32xf32, #tpu.memory_space<vmem_shared>>
      tpu.wait_dma2 semaphore(%run_scoped3A : memref<!tpu.dma_semaphore, #tpu.memory_space<semaphore_mem>>) src(%dma_wait3A_49 : memref<3072x32xf32, #tpu.memory_space<vmem_shared>>) dst(%dma_wait3A_47 : memref<3072x32xf32, #tpu.memory_space<hbm>>)
      tpu.yield
    }) : () -> ()
    %barrier3A_19 = arith.constant 0 : index
    tpu.barrier barrier_id(%barrier3A_19)
    %mul3A_20 = arith.constant 2 : i32
    %mul3A_21 = arith.muli %arg0, %mul3A_20 : i32
    %add3A_22 = arith.constant 1 : i32
    %add3A_23 = arith.addi %mul3A_21, %add3A_22 : i32
    %mul3A_24 = arith.constant 49152 : i32
    %mul3A_25 = arith.muli %add3A_23, %mul3A_24 : i32
    %mul3A_26 = arith.constant 3072 : i32
    %mul3A_27 = arith.muli %arg1, %mul3A_26 : i32
    "tpu.region"() ({
      %run_scoped3A = tpu.sem_alloc : memref<!tpu.dma_semaphore, #tpu.memory_space<semaphore_mem>>
      %dma_start3A = arith.constant 0 : i32
      %dma_start3A_44 = tpu.memref_slice %arg13[%mul3A_27, %dma_start3A] : memref<49152x32xf32, #tpu.memory_space<vmem_shared>> -> memref<3072x32xf32, #tpu.memory_space<vmem_shared>>
      tpu.enqueue_dma source(%arg6 : memref<3072x32xf32, #tpu.memory_space<hbm>>) target(%dma_start3A_44 : memref<3072x32xf32, #tpu.memory_space<vmem_shared>>) target_semaphore(%run_scoped3A : memref<!tpu.dma_semaphore, #tpu.memory_space<semaphore_mem>>)
      %dma_wait3A = arith.constant 0 : i32
      %dma_wait3A_45 = tpu.memref_slice %arg13[%mul3A_27, %dma_wait3A] : memref<49152x32xf32, #tpu.memory_space<vmem_shared>> -> memref<3072x32xf32, #tpu.memory_space<vmem_shared>>
      tpu.wait_dma2 semaphore(%run_scoped3A : memref<!tpu.dma_semaphore, #tpu.memory_space<semaphore_mem>>) src(%arg6 : memref<3072x32xf32, #tpu.memory_space<hbm>>) dst(%dma_wait3A_45 : memref<3072x32xf32, #tpu.memory_space<vmem_shared>>)
      tpu.yield
    }) : () -> ()
    %barrier3A_28 = arith.constant 0 : index
    tpu.barrier barrier_id(%barrier3A_28)
    %scan3A_29 = arith.constant 0 : i32
    %scan3A_30 = arith.constant 0 : i32
    %scan3A_31 = arith.constant 54 : i32
    %scan3A_32 = arith.addi %scan3A_30, %scan3A_31 : i32
    %scan3A_33 = arith.constant 1 : i32
    scf.for %scan3A_44 = %scan3A_30 to %scan3A_32 step %scan3A_33  : i32 {
      %mul3A_45 = arith.constant 27648 : i32
      %mul3A_46 = arith.muli %arg1, %mul3A_45 : i32
      %mul3A_47 = arith.constant 512 : i32
      %mul3A_48 = arith.muli %scan3A_44, %mul3A_47 : i32
      %add3A_49 = arith.addi %mul3A_46, %mul3A_48 : i32
      "tpu.region"() ({
        %run_scoped3A_74 = tpu.sem_alloc : memref<!tpu.dma_semaphore, #tpu.memory_space<semaphore_mem>>
        %dma_start3A_75 = tpu.memref_slice %arg3[%add3A_49] : memref<442368xi32, #tpu.memory_space<hbm>> -> memref<512xi32, #tpu.memory_space<hbm>>
        %dma_start3A_76 = tpu.memref_slice %arg3[%add3A_49] : memref<442368xi32, #tpu.memory_space<hbm>> -> memref<512xi32, #tpu.memory_space<hbm>>
        tpu.enqueue_dma source(%dma_start3A_76 : memref<512xi32, #tpu.memory_space<hbm>>) target(%arg8 : memref<512xi32, #tpu.memory_space<vmem>>) target_semaphore(%run_scoped3A_74 : memref<!tpu.dma_semaphore, #tpu.memory_space<semaphore_mem>>)
        %dma_wait3A_77 = tpu.memref_slice %arg3[%add3A_49] : memref<442368xi32, #tpu.memory_space<hbm>> -> memref<512xi32, #tpu.memory_space<hbm>>
        %dma_wait3A_78 = tpu.memref_slice %arg3[%add3A_49] : memref<442368xi32, #tpu.memory_space<hbm>> -> memref<512xi32, #tpu.memory_space<hbm>>
        tpu.wait_dma2 semaphore(%run_scoped3A_74 : memref<!tpu.dma_semaphore, #tpu.memory_space<semaphore_mem>>) src(%dma_wait3A_78 : memref<512xi32, #tpu.memory_space<hbm>>) dst(%arg8 : memref<512xi32, #tpu.memory_space<vmem>>)
        tpu.yield
      }) : () -> ()
      %mul3A_50 = arith.constant 216 : i32
      %mul3A_51 = arith.muli %arg1, %mul3A_50 : i32
      %mul3A_52 = arith.constant 4 : i32
      %mul3A_53 = arith.muli %scan3A_44, %mul3A_52 : i32
      %add3A_54 = arith.addi %mul3A_51, %mul3A_53 : i32
      "tpu.region"() ({
        %run_scoped3A_74 = tpu.sem_alloc : memref<!tpu.dma_semaphore, #tpu.memory_space<semaphore_mem>>
        %dma_start3A_75 = arith.constant 0 : i32
        %dma_start3A_76 = tpu.memref_slice %arg4[%add3A_54, %dma_start3A_75] : memref<3456x128xi32, #tpu.memory_space<hbm>> -> memref<4x128xi32, #tpu.memory_space<hbm>>
        %dma_start3A_77 = arith.constant 0 : i32
        %dma_start3A_78 = tpu.memref_slice %arg4[%add3A_54, %dma_start3A_77] : memref<3456x128xi32, #tpu.memory_space<hbm>> -> memref<4x128xi32, #tpu.memory_space<hbm>>
        tpu.enqueue_dma source(%dma_start3A_78 : memref<4x128xi32, #tpu.memory_space<hbm>>) target(%arg10 : memref<4x128xi32, #tpu.memory_space<vmem>>) target_semaphore(%run_scoped3A_74 : memref<!tpu.dma_semaphore, #tpu.memory_space<semaphore_mem>>)
        %dma_wait3A_79 = arith.constant 0 : i32
        %dma_wait3A_80 = tpu.memref_slice %arg4[%add3A_54, %dma_wait3A_79] : memref<3456x128xi32, #tpu.memory_space<hbm>> -> memref<4x128xi32, #tpu.memory_space<hbm>>
        %dma_wait3A_81 = arith.constant 0 : i32
        %dma_wait3A_82 = tpu.memref_slice %arg4[%add3A_54, %dma_wait3A_81] : memref<3456x128xi32, #tpu.memory_space<hbm>> -> memref<4x128xi32, #tpu.memory_space<hbm>>
        tpu.wait_dma2 semaphore(%run_scoped3A_74 : memref<!tpu.dma_semaphore, #tpu.memory_space<semaphore_mem>>) src(%dma_wait3A_82 : memref<4x128xi32, #tpu.memory_space<hbm>>) dst(%arg10 : memref<4x128xi32, #tpu.memory_space<vmem>>)
        tpu.yield
      }) : () -> ()
      "tpu.region"() ({
        %run_scoped3A_74 = tpu.sem_alloc : memref<!tpu.dma_semaphore, #tpu.memory_space<semaphore_mem>>
        %dma_start3A_75 = tpu.memref_slice %arg5[%add3A_49] : memref<442368xf32, #tpu.memory_space<hbm>> -> memref<512xf32, #tpu.memory_space<hbm>>
        %dma_start3A_76 = tpu.memref_slice %arg5[%add3A_49] : memref<442368xf32, #tpu.memory_space<hbm>> -> memref<512xf32, #tpu.memory_space<hbm>>
        tpu.enqueue_dma source(%dma_start3A_76 : memref<512xf32, #tpu.memory_space<hbm>>) target(%arg11 : memref<512xf32, #tpu.memory_space<vmem>>) target_semaphore(%run_scoped3A_74 : memref<!tpu.dma_semaphore, #tpu.memory_space<semaphore_mem>>)
        %dma_wait3A_77 = tpu.memref_slice %arg5[%add3A_49] : memref<442368xf32, #tpu.memory_space<hbm>> -> memref<512xf32, #tpu.memory_space<hbm>>
        %dma_wait3A_78 = tpu.memref_slice %arg5[%add3A_49] : memref<442368xf32, #tpu.memory_space<hbm>> -> memref<512xf32, #tpu.memory_space<hbm>>
        tpu.wait_dma2 semaphore(%run_scoped3A_74 : memref<!tpu.dma_semaphore, #tpu.memory_space<semaphore_mem>>) src(%dma_wait3A_78 : memref<512xf32, #tpu.memory_space<hbm>>) dst(%arg11 : memref<512xf32, #tpu.memory_space<vmem>>)
        tpu.yield
      }) : () -> ()
      %scan3A_55 = arith.constant 0 : i32
      %scan3A_56 = arith.constant 0 : i32
      %scan3A_57 = arith.constant 32 : i32
      %scan3A_58 = arith.addi %scan3A_56, %scan3A_57 : i32
      %scan3A_59 = arith.constant 1 : i32
      scf.for %scan3A_74 = %scan3A_56 to %scan3A_58 step %scan3A_59  : i32 {
        %mul3A_75 = arith.constant 16 : i32
        %mul3A_76 = arith.muli %scan3A_74, %mul3A_75 : i32
        %get3A = arith.index_cast %mul3A_76 : i32 to index
        %get3A_77 = tpu.vector_load %arg8[%get3A] {strides = array<i32>} : memref<512xi32, #tpu.memory_space<vmem>>, vector<16xi32>,
        %get3A_78 = vector.shape_cast %get3A_77 : vector<16xi32> to vector<16xi32>
        %mul3A_79 = arith.constant 1 : i32
        %mul3A_80 = vector.broadcast %mul3A_79 : i32 to vector<16xi32>
        %mul3A_81 = arith.muli %get3A_78, %mul3A_80 : vector<16xi32>
        %add3A_82 = vector.broadcast %mul3A_25 : i32 to vector<16xi32>
        %add3A_83 = arith.addi %mul3A_81, %add3A_82 : vector<16xi32>
        %swap3A = arith.index_cast %mul3A_76 : i32 to index
        %swap3A_84 = tpu.vector_load %arg9[%swap3A] {strides = array<i32>} : memref<512xi32, #tpu.memory_space<vmem>>, vector<16xi32>,
        %swap3A_85 = vector.shape_cast %swap3A_84 : vector<16xi32> to vector<16xi32>
        %swap3A_86 = vector.shape_cast %add3A_83 : vector<16xi32> to vector<16xi32>
        tpu.vector_store %arg9[%swap3A], %swap3A_86 {strides = array<i32>} : memref<512xi32, #tpu.memory_space<vmem>>, vector<16xi32>,
      }
      %scan3A_60 = arith.constant 32 : i32
      %dma_start3A = arith.constant 0 : i32
      %dma_start3A_61 = arith.constant 0 : i32
      %dma_start3A_62 = tpu.memref_slice %arg2[%dma_start3A, %dma_start3A_61] : memref<196608x32xf32, #tpu.memory_space<hbm>> -> memref<196608x32xf32, #tpu.memory_space<hbm>>
      tpu.enqueue_indirect_dma source(%dma_start3A_62 : memref<196608x32xf32, #tpu.memory_space<hbm>>) target(%arg12 : memref<512x32xf32, #tpu.memory_space<vmem>>) offsets(%arg9 : memref<512xi32, #tpu.memory_space<vmem>>) semaphore(%arg14 : memref<!tpu.dma_semaphore, #tpu.memory_space<semaphore_mem>>)
      %dma_wait3A = arith.constant 0 : i32
      %dma_wait3A_63 = arith.constant 0 : i32
      %dma_wait3A_64 = tpu.memref_slice %arg2[%dma_wait3A, %dma_wait3A_63] : memref<196608x32xf32, #tpu.memory_space<hbm>> -> memref<196608x32xf32, #tpu.memory_space<hbm>>
      tpu.wait_indirect_dma semaphore(%arg14 : memref<!tpu.dma_semaphore, #tpu.memory_space<semaphore_mem>>) src(%dma_wait3A_64 : memref<196608x32xf32, #tpu.memory_space<hbm>>) dst(%arg12 : memref<512x32xf32, #tpu.memory_space<vmem>>)
      %scan3A_65 = arith.constant 0 : i32
      %scan3A_66 = arith.constant 0 : i32
      %scan3A_67 = arith.constant 32 : i32
      %scan3A_68 = arith.addi %scan3A_66, %scan3A_67 : i32
      %scan3A_69 = arith.constant 1 : i32
      scf.for %scan3A_74 = %scan3A_66 to %scan3A_68 step %scan3A_69  : i32 {
        %mul3A_75 = arith.constant 16 : i32
        %mul3A_76 = arith.muli %scan3A_74, %mul3A_75 : i32
        %get3A = arith.index_cast %mul3A_76 : i32 to index
        %get3A_77 = tpu.vector_load %arg11[%get3A] {strides = array<i32>} : memref<512xf32, #tpu.memory_space<vmem>>, vector<16xf32>,
        %get3A_78 = vector.shape_cast %get3A_77 : vector<16xf32> to vector<16xf32>
        %mul3A_79 = arith.constant 16 : i32
        %mul3A_80 = arith.muli %scan3A_74, %mul3A_79 : i32
        %add3A_81 = arith.constant 0 : i32
        %add3A_82 = arith.addi %mul3A_80, %add3A_81 : i32
        %slice3A = vector.extract_strided_slice %get3A_78 {offsets = [0], sizes = [1], strides = [1]} : vector<16xf32> to vector<1xf32>
        %squeeze3A = vector.extract %slice3A[0] : f32 from vector<1xf32>
        %get3A_83 = arith.index_cast %add3A_82 : i32 to index
        %get3A_84 = arith.constant 0 : index
        %get3A_85 = tpu.vector_load %arg12[%get3A_83, %get3A_84] {strides = array<i32>} : memref<512x32xf32, #tpu.memory_space<vmem>>, vector<1x16xf32>,
        %get3A_86 = vector.shape_cast %get3A_85 : vector<1x16xf32> to vector<16xf32>
        %mul3A_87 = vector.broadcast %squeeze3A : f32 to vector<16xf32>
        %mul3A_88 = arith.mulf %get3A_86, %mul3A_87 : vector<16xf32>
        %swap3A = arith.index_cast %add3A_82 : i32 to index
        %swap3A_89 = arith.constant 0 : index
        %swap3A_90 = tpu.vector_load %arg12[%swap3A, %swap3A_89] {strides = array<i32>} : memref<512x32xf32, #tpu.memory_space<vmem>>, vector<1x16xf32>,
        %swap3A_91 = vector.shape_cast %swap3A_90 : vector<1x16xf32> to vector<16xf32>
        %swap3A_92 = vector.shape_cast %mul3A_88 : vector<16xf32> to vector<1x16xf32>
        tpu.vector_store %arg12[%swap3A, %swap3A_89], %swap3A_92 {strides = array<i32>} : memref<512x32xf32, #tpu.memory_space<vmem>>, vector<1x16xf32>,
        %get3A_93 = arith.index_cast %add3A_82 : i32 to index
        %get3A_94 = arith.constant 16 : index
        %get3A_95 = tpu.vector_load %arg12[%get3A_93, %get3A_94] {strides = array<i32>} : memref<512x32xf32, #tpu.memory_space<vmem>>, vector<1x16xf32>,
        %get3A_96 = vector.shape_cast %get3A_95 : vector<1x16xf32> to vector<16xf32>
        %mul3A_97 = vector.broadcast %squeeze3A : f32 to vector<16xf32>
        %mul3A_98 = arith.mulf %get3A_96, %mul3A_97 : vector<16xf32>
        %swap3A_99 = arith.index_cast %add3A_82 : i32 to index
        %swap3A_100 = arith.constant 16 : index
        %swap3A_101 = tpu.vector_load %arg12[%swap3A_99, %swap3A_100] {strides = array<i32>} : memref<512x32xf32, #tpu.memory_space<vmem>>, vector<1x16xf32>,
        %swap3A_102 = vector.shape_cast %swap3A_101 : vector<1x16xf32> to vector<16xf32>
        %swap3A_103 = vector.shape_cast %mul3A_98 : vector<16xf32> to vector<1x16xf32>
        tpu.vector_store %arg12[%swap3A_99, %swap3A_100], %swap3A_103 {strides = array<i32>} : memref<512x32xf32, #tpu.memory_space<vmem>>, vector<1x16xf32>,
        %mul3A_104 = arith.constant 16 : i32
        %mul3A_105 = arith.muli %scan3A_74, %mul3A_104 : i32
        %add3A_106 = arith.constant 1 : i32
        %add3A_107 = arith.addi %mul3A_105, %add3A_106 : i32
        %slice3A_108 = vector.extract_strided_slice %get3A_78 {offsets = [1], sizes = [1], strides = [1]} : vector<16xf32> to vector<1xf32>
        %squeeze3A_109 = vector.extract %slice3A_108[0] : f32 from vector<1xf32>
        %get3A_110 = arith.index_cast %add3A_107 : i32 to index
        %get3A_111 = arith.constant 0 : index
        %get3A_112 = tpu.vector_load %arg12[%get3A_110, %get3A_111] {strides = array<i32>} : memref<512x32xf32, #tpu.memory_space<vmem>>, vector<1x16xf32>,
        %get3A_113 = vector.shape_cast %get3A_112 : vector<1x16xf32> to vector<16xf32>
        %mul3A_114 = vector.broadcast %squeeze3A_109 : f32 to vector<16xf32>
        %mul3A_115 = arith.mulf %get3A_113, %mul3A_114 : vector<16xf32>
        %swap3A_116 = arith.index_cast %add3A_107 : i32 to index
        %swap3A_117 = arith.constant 0 : index
        %swap3A_118 = tpu.vector_load %arg12[%swap3A_116, %swap3A_117] {strides = array<i32>} : memref<512x32xf32, #tpu.memory_space<vmem>>, vector<1x16xf32>,
        %swap3A_119 = vector.shape_cast %swap3A_118 : vector<1x16xf32> to vector<16xf32>
        %swap3A_120 = vector.shape_cast %mul3A_115 : vector<16xf32> to vector<1x16xf32>
        tpu.vector_store %arg12[%swap3A_116, %swap3A_117], %swap3A_120 {strides = array<i32>} : memref<512x32xf32, #tpu.memory_space<vmem>>, vector<1x16xf32>,
        %get3A_121 = arith.index_cast %add3A_107 : i32 to index
        %get3A_122 = arith.constant 16 : index
        %get3A_123 = tpu.vector_load %arg12[%get3A_121, %get3A_122] {strides = array<i32>} : memref<512x32xf32, #tpu.memory_space<vmem>>, vector<1x16xf32>,
        %get3A_124 = vector.shape_cast %get3A_123 : vector<1x16xf32> to vector<16xf32>
        %mul3A_125 = vector.broadcast %squeeze3A_109 : f32 to vector<16xf32>
        %mul3A_126 = arith.mulf %get3A_124, %mul3A_125 : vector<16xf32>
        %swap3A_127 = arith.index_cast %add3A_107 : i32 to index
        %swap3A_128 = arith.constant 16 : index
        %swap3A_129 = tpu.vector_load %arg12[%swap3A_127, %swap3A_128] {strides = array<i32>} : memref<512x32xf32, #tpu.memory_space<vmem>>, vector<1x16xf32>,
        %swap3A_130 = vector.shape_cast %swap3A_129 : vector<1x16xf32> to vector<16xf32>
        %swap3A_131 = vector.shape_cast %mul3A_126 : vector<16xf32> to vector<1x16xf32>
        tpu.vector_store %arg12[%swap3A_127, %swap3A_128], %swap3A_131 {strides = array<i32>} : memref<512x32xf32, #tpu.memory_space<vmem>>, vector<1x16xf32>,
        %mul3A_132 = arith.constant 16 : i32
        %mul3A_133 = arith.muli %scan3A_74, %mul3A_132 : i32
        %add3A_134 = arith.constant 2 : i32
        %add3A_135 = arith.addi %mul3A_133, %add3A_134 : i32
        %slice3A_136 = vector.extract_strided_slice %get3A_78 {offsets = [2], sizes = [1], strides = [1]} : vector<16xf32> to vector<1xf32>
        %squeeze3A_137 = vector.extract %slice3A_136[0] : f32 from vector<1xf32>
        %get3A_138 = arith.index_cast %add3A_135 : i32 to index
        %get3A_139 = arith.constant 0 : index
        %get3A_140 = tpu.vector_load %arg12[%get3A_138, %get3A_139] {strides = array<i32>} : memref<512x32xf32, #tpu.memory_space<vmem>>, vector<1x16xf32>,
        %get3A_141 = vector.shape_cast %get3A_140 : vector<1x16xf32> to vector<16xf32>
        %mul3A_142 = vector.broadcast %squeeze3A_137 : f32 to vector<16xf32>
        %mul3A_143 = arith.mulf %get3A_141, %mul3A_142 : vector<16xf32>
        %swap3A_144 = arith.index_cast %add3A_135 : i32 to index
        %swap3A_145 = arith.constant 0 : index
        %swap3A_146 = tpu.vector_load %arg12[%swap3A_144, %swap3A_145] {strides = array<i32>} : memref<512x32xf32, #tpu.memory_space<vmem>>, vector<1x16xf32>,
        %swap3A_147 = vector.shape_cast %swap3A_146 : vector<1x16xf32> to vector<16xf32>
        %swap3A_148 = vector.shape_cast %mul3A_143 : vector<16xf32> to vector<1x16xf32>
        tpu.vector_store %arg12[%swap3A_144, %swap3A_145], %swap3A_148 {strides = array<i32>} : memref<512x32xf32, #tpu.memory_space<vmem>>, vector<1x16xf32>,
        %get3A_149 = arith.index_cast %add3A_135 : i32 to index
        %get3A_150 = arith.constant 16 : index
        %get3A_151 = tpu.vector_load %arg12[%get3A_149, %get3A_150] {strides = array<i32>} : memref<512x32xf32, #tpu.memory_space<vmem>>, vector<1x16xf32>,
        %get3A_152 = vector.shape_cast %get3A_151 : vector<1x16xf32> to vector<16xf32>
        %mul3A_153 = vector.broadcast %squeeze3A_137 : f32 to vector<16xf32>
        %mul3A_154 = arith.mulf %get3A_152, %mul3A_153 : vector<16xf32>
        %swap3A_155 = arith.index_cast %add3A_135 : i32 to index
        %swap3A_156 = arith.constant 16 : index
        %swap3A_157 = tpu.vector_load %arg12[%swap3A_155, %swap3A_156] {strides = array<i32>} : memref<512x32xf32, #tpu.memory_space<vmem>>, vector<1x16xf32>,
        %swap3A_158 = vector.shape_cast %swap3A_157 : vector<1x16xf32> to vector<16xf32>
        %swap3A_159 = vector.shape_cast %mul3A_154 : vector<16xf32> to vector<1x16xf32>
        tpu.vector_store %arg12[%swap3A_155, %swap3A_156], %swap3A_159 {strides = array<i32>} : memref<512x32xf32, #tpu.memory_space<vmem>>, vector<1x16xf32>,
        %mul3A_160 = arith.constant 16 : i32
        %mul3A_161 = arith.muli %scan3A_74, %mul3A_160 : i32
        %add3A_162 = arith.constant 3 : i32
        %add3A_163 = arith.addi %mul3A_161, %add3A_162 : i32
        %slice3A_164 = vector.extract_strided_slice %get3A_78 {offsets = [3], sizes = [1], strides = [1]} : vector<16xf32> to vector<1xf32>
        %squeeze3A_165 = vector.extract %slice3A_164[0] : f32 from vector<1xf32>
        %get3A_166 = arith.index_cast %add3A_163 : i32 to index
        %get3A_167 = arith.constant 0 : index
        %get3A_168 = tpu.vector_load %arg12[%get3A_166, %get3A_167] {strides = array<i32>} : memref<512x32xf32, #tpu.memory_space<vmem>>, vector<1x16xf32>,
        %get3A_169 = vector.shape_cast %get3A_168 : vector<1x16xf32> to vector<16xf32>
        %mul3A_170 = vector.broadcast %squeeze3A_165 : f32 to vector<16xf32>
        %mul3A_171 = arith.mulf %get3A_169, %mul3A_170 : vector<16xf32>
        %swap3A_172 = arith.index_cast %add3A_163 : i32 to index
        %swap3A_173 = arith.constant 0 : index
        %swap3A_174 = tpu.vector_load %arg12[%swap3A_172, %swap3A_173] {strides = array<i32>} : memref<512x32xf32, #tpu.memory_space<vmem>>, vector<1x16xf32>,
        %swap3A_175 = vector.shape_cast %swap3A_174 : vector<1x16xf32> to vector<16xf32>
        %swap3A_176 = vector.shape_cast %mul3A_171 : vector<16xf32> to vector<1x16xf32>
        tpu.vector_store %arg12[%swap3A_172, %swap3A_173], %swap3A_176 {strides = array<i32>} : memref<512x32xf32, #tpu.memory_space<vmem>>, vector<1x16xf32>,
        %get3A_177 = arith.index_cast %add3A_163 : i32 to index
        %get3A_178 = arith.constant 16 : index
        %get3A_179 = tpu.vector_load %arg12[%get3A_177, %get3A_178] {strides = array<i32>} : memref<512x32xf32, #tpu.memory_space<vmem>>, vector<1x16xf32>,
        %get3A_180 = vector.shape_cast %get3A_179 : vector<1x16xf32> to vector<16xf32>
        %mul3A_181 = vector.broadcast %squeeze3A_165 : f32 to vector<16xf32>
        %mul3A_182 = arith.mulf %get3A_180, %mul3A_181 : vector<16xf32>
        %swap3A_183 = arith.index_cast %add3A_163 : i32 to index
        %swap3A_184 = arith.constant 16 : index
        %swap3A_185 = tpu.vector_load %arg12[%swap3A_183, %swap3A_184] {strides = array<i32>} : memref<512x32xf32, #tpu.memory_space<vmem>>, vector<1x16xf32>,
        %swap3A_186 = vector.shape_cast %swap3A_185 : vector<1x16xf32> to vector<16xf32>
        %swap3A_187 = vector.shape_cast %mul3A_182 : vector<16xf32> to vector<1x16xf32>
        tpu.vector_store %arg12[%swap3A_183, %swap3A_184], %swap3A_187 {strides = array<i32>} : memref<512x32xf32, #tpu.memory_space<vmem>>, vector<1x16xf32>,
        %mul3A_188 = arith.constant 16 : i32
        %mul3A_189 = arith.muli %scan3A_74, %mul3A_188 : i32
        %add3A_190 = arith.constant 4 : i32
        %add3A_191 = arith.addi %mul3A_189, %add3A_190 : i32
        %slice3A_192 = vector.extract_strided_slice %get3A_78 {offsets = [4], sizes = [1], strides = [1]} : vector<16xf32> to vector<1xf32>
        %squeeze3A_193 = vector.extract %slice3A_192[0] : f32 from vector<1xf32>
        %get3A_194 = arith.index_cast %add3A_191 : i32 to index
        %get3A_195 = arith.constant 0 : index
        %get3A_196 = tpu.vector_load %arg12[%get3A_194, %get3A_195] {strides = array<i32>} : memref<512x32xf32, #tpu.memory_space<vmem>>, vector<1x16xf32>,
        %get3A_197 = vector.shape_cast %get3A_196 : vector<1x16xf32> to vector<16xf32>
        %mul3A_198 = vector.broadcast %squeeze3A_193 : f32 to vector<16xf32>
        %mul3A_199 = arith.mulf %get3A_197, %mul3A_198 : vector<16xf32>
        %swap3A_200 = arith.index_cast %add3A_191 : i32 to index
        %swap3A_201 = arith.constant 0 : index
        %swap3A_202 = tpu.vector_load %arg12[%swap3A_200, %swap3A_201] {strides = array<i32>} : memref<512x32xf32, #tpu.memory_space<vmem>>, vector<1x16xf32>,
        %swap3A_203 = vector.shape_cast %swap3A_202 : vector<1x16xf32> to vector<16xf32>
        %swap3A_204 = vector.shape_cast %mul3A_199 : vector<16xf32> to vector<1x16xf32>
        tpu.vector_store %arg12[%swap3A_200, %swap3A_201], %swap3A_204 {strides = array<i32>} : memref<512x32xf32, #tpu.memory_space<vmem>>, vector<1x16xf32>,
        %get3A_205 = arith.index_cast %add3A_191 : i32 to index
        %get3A_206 = arith.constant 16 : index
        %get3A_207 = tpu.vector_load %arg12[%get3A_205, %get3A_206] {strides = array<i32>} : memref<512x32xf32, #tpu.memory_space<vmem>>, vector<1x16xf32>,
        %get3A_208 = vector.shape_cast %get3A_207 : vector<1x16xf32> to vector<16xf32>
        %mul3A_209 = vector.broadcast %squeeze3A_193 : f32 to vector<16xf32>
        %mul3A_210 = arith.mulf %get3A_208, %mul3A_209 : vector<16xf32>
        %swap3A_211 = arith.index_cast %add3A_191 : i32 to index
        %swap3A_212 = arith.constant 16 : index
        %swap3A_213 = tpu.vector_load %arg12[%swap3A_211, %swap3A_212] {strides = array<i32>} : memref<512x32xf32, #tpu.memory_space<vmem>>, vector<1x16xf32>,
        %swap3A_214 = vector.shape_cast %swap3A_213 : vector<1x16xf32> to vector<16xf32>
        %swap3A_215 = vector.shape_cast %mul3A_210 : vector<16xf32> to vector<1x16xf32>
        tpu.vector_store %arg12[%swap3A_211, %swap3A_212], %swap3A_215 {strides = array<i32>} : memref<512x32xf32, #tpu.memory_space<vmem>>, vector<1x16xf32>,
        %mul3A_216 = arith.constant 16 : i32
        %mul3A_217 = arith.muli %scan3A_74, %mul3A_216 : i32
        %add3A_218 = arith.constant 5 : i32
        %add3A_219 = arith.addi %mul3A_217, %add3A_218 : i32
        %slice3A_220 = vector.extract_strided_slice %get3A_78 {offsets = [5], sizes = [1], strides = [1]} : vector<16xf32> to vector<1xf32>
        %squeeze3A_221 = vector.extract %slice3A_220[0] : f32 from vector<1xf32>
        %get3A_222 = arith.index_cast %add3A_219 : i32 to index
        %get3A_223 = arith.constant 0 : index
        %get3A_224 = tpu.vector_load %arg12[%get3A_222, %get3A_223] {strides = array<i32>} : memref<512x32xf32, #tpu.memory_space<vmem>>, vector<1x16xf32>,
        %get3A_225 = vector.shape_cast %get3A_224 : vector<1x16xf32> to vector<16xf32>
        %mul3A_226 = vector.broadcast %squeeze3A_221 : f32 to vector<16xf32>
        %mul3A_227 = arith.mulf %get3A_225, %mul3A_226 : vector<16xf32>
        %swap3A_228 = arith.index_cast %add3A_219 : i32 to index
        %swap3A_229 = arith.constant 0 : index
        %swap3A_230 = tpu.vector_load %arg12[%swap3A_228, %swap3A_229] {strides = array<i32>} : memref<512x32xf32, #tpu.memory_space<vmem>>, vector<1x16xf32>,
        %swap3A_231 = vector.shape_cast %swap3A_230 : vector<1x16xf32> to vector<16xf32>
        %swap3A_232 = vector.shape_cast %mul3A_227 : vector<16xf32> to vector<1x16xf32>
        tpu.vector_store %arg12[%swap3A_228, %swap3A_229], %swap3A_232 {strides = array<i32>} : memref<512x32xf32, #tpu.memory_space<vmem>>, vector<1x16xf32>,
        %get3A_233 = arith.index_cast %add3A_219 : i32 to index
        %get3A_234 = arith.constant 16 : index
        %get3A_235 = tpu.vector_load %arg12[%get3A_233, %get3A_234] {strides = array<i32>} : memref<512x32xf32, #tpu.memory_space<vmem>>, vector<1x16xf32>,
        %get3A_236 = vector.shape_cast %get3A_235 : vector<1x16xf32> to vector<16xf32>
        %mul3A_237 = vector.broadcast %squeeze3A_221 : f32 to vector<16xf32>
        %mul3A_238 = arith.mulf %get3A_236, %mul3A_237 : vector<16xf32>
        %swap3A_239 = arith.index_cast %add3A_219 : i32 to index
        %swap3A_240 = arith.constant 16 : index
        %swap3A_241 = tpu.vector_load %arg12[%swap3A_239, %swap3A_240] {strides = array<i32>} : memref<512x32xf32, #tpu.memory_space<vmem>>, vector<1x16xf32>,
        %swap3A_242 = vector.shape_cast %swap3A_241 : vector<1x16xf32> to vector<16xf32>
        %swap3A_243 = vector.shape_cast %mul3A_238 : vector<16xf32> to vector<1x16xf32>
        tpu.vector_store %arg12[%swap3A_239, %swap3A_240], %swap3A_243 {strides = array<i32>} : memref<512x32xf32, #tpu.memory_space<vmem>>, vector<1x16xf32>,
        %mul3A_244 = arith.constant 16 : i32
        %mul3A_245 = arith.muli %scan3A_74, %mul3A_244 : i32
        %add3A_246 = arith.constant 6 : i32
        %add3A_247 = arith.addi %mul3A_245, %add3A_246 : i32
        %slice3A_248 = vector.extract_strided_slice %get3A_78 {offsets = [6], sizes = [1], strides = [1]} : vector<16xf32> to vector<1xf32>
        %squeeze3A_249 = vector.extract %slice3A_248[0] : f32 from vector<1xf32>
        %get3A_250 = arith.index_cast %add3A_247 : i32 to index
        %get3A_251 = arith.constant 0 : index
        %get3A_252 = tpu.vector_load %arg12[%get3A_250, %get3A_251] {strides = array<i32>} : memref<512x32xf32, #tpu.memory_space<vmem>>, vector<1x16xf32>,
        %get3A_253 = vector.shape_cast %get3A_252 : vector<1x16xf32> to vector<16xf32>
        %mul3A_254 = vector.broadcast %squeeze3A_249 : f32 to vector<16xf32>
        %mul3A_255 = arith.mulf %get3A_253, %mul3A_254 : vector<16xf32>
        %swap3A_256 = arith.index_cast %add3A_247 : i32 to index
        %swap3A_257 = arith.constant 0 : index
        %swap3A_258 = tpu.vector_load %arg12[%swap3A_256, %swap3A_257] {strides = array<i32>} : memref<512x32xf32, #tpu.memory_space<vmem>>, vector<1x16xf32>,
        %swap3A_259 = vector.shape_cast %swap3A_258 : vector<1x16xf32> to vector<16xf32>
        %swap3A_260 = vector.shape_cast %mul3A_255 : vector<16xf32> to vector<1x16xf32>
        tpu.vector_store %arg12[%swap3A_256, %swap3A_257], %swap3A_260 {strides = array<i32>} : memref<512x32xf32, #tpu.memory_space<vmem>>, vector<1x16xf32>,
        %get3A_261 = arith.index_cast %add3A_247 : i32 to index
        %get3A_262 = arith.constant 16 : index
        %get3A_263 = tpu.vector_load %arg12[%get3A_261, %get3A_262] {strides = array<i32>} : memref<512x32xf32, #tpu.memory_space<vmem>>, vector<1x16xf32>,
        %get3A_264 = vector.shape_cast %get3A_263 : vector<1x16xf32> to vector<16xf32>
        %mul3A_265 = vector.broadcast %squeeze3A_249 : f32 to vector<16xf32>
        %mul3A_266 = arith.mulf %get3A_264, %mul3A_265 : vector<16xf32>
        %swap3A_267 = arith.index_cast %add3A_247 : i32 to index
        %swap3A_268 = arith.constant 16 : index
        %swap3A_269 = tpu.vector_load %arg12[%swap3A_267, %swap3A_268] {strides = array<i32>} : memref<512x32xf32, #tpu.memory_space<vmem>>, vector<1x16xf32>,
        %swap3A_270 = vector.shape_cast %swap3A_269 : vector<1x16xf32> to vector<16xf32>
        %swap3A_271 = vector.shape_cast %mul3A_266 : vector<16xf32> to vector<1x16xf32>
        tpu.vector_store %arg12[%swap3A_267, %swap3A_268], %swap3A_271 {strides = array<i32>} : memref<512x32xf32, #tpu.memory_space<vmem>>, vector<1x16xf32>,
        %mul3A_272 = arith.constant 16 : i32
        %mul3A_273 = arith.muli %scan3A_74, %mul3A_272 : i32
        %add3A_274 = arith.constant 7 : i32
        %add3A_275 = arith.addi %mul3A_273, %add3A_274 : i32
        %slice3A_276 = vector.extract_strided_slice %get3A_78 {offsets = [7], sizes = [1], strides = [1]} : vector<16xf32> to vector<1xf32>
        %squeeze3A_277 = vector.extract %slice3A_276[0] : f32 from vector<1xf32>
        %get3A_278 = arith.index_cast %add3A_275 : i32 to index
        %get3A_279 = arith.constant 0 : index
        %get3A_280 = tpu.vector_load %arg12[%get3A_278, %get3A_279] {strides = array<i32>} : memref<512x32xf32, #tpu.memory_space<vmem>>, vector<1x16xf32>,
        %get3A_281 = vector.shape_cast %get3A_280 : vector<1x16xf32> to vector<16xf32>
        %mul3A_282 = vector.broadcast %squeeze3A_277 : f32 to vector<16xf32>
        %mul3A_283 = arith.mulf %get3A_281, %mul3A_282 : vector<16xf32>
        %swap3A_284 = arith.index_cast %add3A_275 : i32 to index
        %swap3A_285 = arith.constant 0 : index
        %swap3A_286 = tpu.vector_load %arg12[%swap3A_284, %swap3A_285] {strides = array<i32>} : memref<512x32xf32, #tpu.memory_space<vmem>>, vector<1x16xf32>,
        %swap3A_287 = vector.shape_cast %swap3A_286 : vector<1x16xf32> to vector<16xf32>
        %swap3A_288 = vector.shape_cast %mul3A_283 : vector<16xf32> to vector<1x16xf32>
        tpu.vector_store %arg12[%swap3A_284, %swap3A_285], %swap3A_288 {strides = array<i32>} : memref<512x32xf32, #tpu.memory_space<vmem>>, vector<1x16xf32>,
        %get3A_289 = arith.index_cast %add3A_275 : i32 to index
        %get3A_290 = arith.constant 16 : index
        %get3A_291 = tpu.vector_load %arg12[%get3A_289, %get3A_290] {strides = array<i32>} : memref<512x32xf32, #tpu.memory_space<vmem>>, vector<1x16xf32>,
        %get3A_292 = vector.shape_cast %get3A_291 : vector<1x16xf32> to vector<16xf32>
        %mul3A_293 = vector.broadcast %squeeze3A_277 : f32 to vector<16xf32>
        %mul3A_294 = arith.mulf %get3A_292, %mul3A_293 : vector<16xf32>
        %swap3A_295 = arith.index_cast %add3A_275 : i32 to index
        %swap3A_296 = arith.constant 16 : index
        %swap3A_297 = tpu.vector_load %arg12[%swap3A_295, %swap3A_296] {strides = array<i32>} : memref<512x32xf32, #tpu.memory_space<vmem>>, vector<1x16xf32>,
        %swap3A_298 = vector.shape_cast %swap3A_297 : vector<1x16xf32> to vector<16xf32>
        %swap3A_299 = vector.shape_cast %mul3A_294 : vector<16xf32> to vector<1x16xf32>
        tpu.vector_store %arg12[%swap3A_295, %swap3A_296], %swap3A_299 {strides = array<i32>} : memref<512x32xf32, #tpu.memory_space<vmem>>, vector<1x16xf32>,
        %mul3A_300 = arith.constant 16 : i32
        %mul3A_301 = arith.muli %scan3A_74, %mul3A_300 : i32
        %add3A_302 = arith.constant 8 : i32
        %add3A_303 = arith.addi %mul3A_301, %add3A_302 : i32
        %slice3A_304 = vector.extract_strided_slice %get3A_78 {offsets = [8], sizes = [1], strides = [1]} : vector<16xf32> to vector<1xf32>
        %squeeze3A_305 = vector.extract %slice3A_304[0] : f32 from vector<1xf32>
        %get3A_306 = arith.index_cast %add3A_303 : i32 to index
        %get3A_307 = arith.constant 0 : index
        %get3A_308 = tpu.vector_load %arg12[%get3A_306, %get3A_307] {strides = array<i32>} : memref<512x32xf32, #tpu.memory_space<vmem>>, vector<1x16xf32>,
        %get3A_309 = vector.shape_cast %get3A_308 : vector<1x16xf32> to vector<16xf32>
        %mul3A_310 = vector.broadcast %squeeze3A_305 : f32 to vector<16xf32>
        %mul3A_311 = arith.mulf %get3A_309, %mul3A_310 : vector<16xf32>
        %swap3A_312 = arith.index_cast %add3A_303 : i32 to index
        %swap3A_313 = arith.constant 0 : index
        %swap3A_314 = tpu.vector_load %arg12[%swap3A_312, %swap3A_313] {strides = array<i32>} : memref<512x32xf32, #tpu.memory_space<vmem>>, vector<1x16xf32>,
        %swap3A_315 = vector.shape_cast %swap3A_314 : vector<1x16xf32> to vector<16xf32>
        %swap3A_316 = vector.shape_cast %mul3A_311 : vector<16xf32> to vector<1x16xf32>
        tpu.vector_store %arg12[%swap3A_312, %swap3A_313], %swap3A_316 {strides = array<i32>} : memref<512x32xf32, #tpu.memory_space<vmem>>, vector<1x16xf32>,
        %get3A_317 = arith.index_cast %add3A_303 : i32 to index
        %get3A_318 = arith.constant 16 : index
        %get3A_319 = tpu.vector_load %arg12[%get3A_317, %get3A_318] {strides = array<i32>} : memref<512x32xf32, #tpu.memory_space<vmem>>, vector<1x16xf32>,
        %get3A_320 = vector.shape_cast %get3A_319 : vector<1x16xf32> to vector<16xf32>
        %mul3A_321 = vector.broadcast %squeeze3A_305 : f32 to vector<16xf32>
        %mul3A_322 = arith.mulf %get3A_320, %mul3A_321 : vector<16xf32>
        %swap3A_323 = arith.index_cast %add3A_303 : i32 to index
        %swap3A_324 = arith.constant 16 : index
        %swap3A_325 = tpu.vector_load %arg12[%swap3A_323, %swap3A_324] {strides = array<i32>} : memref<512x32xf32, #tpu.memory_space<vmem>>, vector<1x16xf32>,
        %swap3A_326 = vector.shape_cast %swap3A_325 : vector<1x16xf32> to vector<16xf32>
        %swap3A_327 = vector.shape_cast %mul3A_322 : vector<16xf32> to vector<1x16xf32>
        tpu.vector_store %arg12[%swap3A_323, %swap3A_324], %swap3A_327 {strides = array<i32>} : memref<512x32xf32, #tpu.memory_space<vmem>>, vector<1x16xf32>,
        %mul3A_328 = arith.constant 16 : i32
        %mul3A_329 = arith.muli %scan3A_74, %mul3A_328 : i32
        %add3A_330 = arith.constant 9 : i32
        %add3A_331 = arith.addi %mul3A_329, %add3A_330 : i32
        %slice3A_332 = vector.extract_strided_slice %get3A_78 {offsets = [9], sizes = [1], strides = [1]} : vector<16xf32> to vector<1xf32>
        %squeeze3A_333 = vector.extract %slice3A_332[0] : f32 from vector<1xf32>
        %get3A_334 = arith.index_cast %add3A_331 : i32 to index
        %get3A_335 = arith.constant 0 : index
        %get3A_336 = tpu.vector_load %arg12[%get3A_334, %get3A_335] {strides = array<i32>} : memref<512x32xf32, #tpu.memory_space<vmem>>, vector<1x16xf32>,
        %get3A_337 = vector.shape_cast %get3A_336 : vector<1x16xf32> to vector<16xf32>
        %mul3A_338 = vector.broadcast %squeeze3A_333 : f32 to vector<16xf32>
        %mul3A_339 = arith.mulf %get3A_337, %mul3A_338 : vector<16xf32>
        %swap3A_340 = arith.index_cast %add3A_331 : i32 to index
        %swap3A_341 = arith.constant 0 : index
        %swap3A_342 = tpu.vector_load %arg12[%swap3A_340, %swap3A_341] {strides = array<i32>} : memref<512x32xf32, #tpu.memory_space<vmem>>, vector<1x16xf32>,
        %swap3A_343 = vector.shape_cast %swap3A_342 : vector<1x16xf32> to vector<16xf32>
        %swap3A_344 = vector.shape_cast %mul3A_339 : vector<16xf32> to vector<1x16xf32>
        tpu.vector_store %arg12[%swap3A_340, %swap3A_341], %swap3A_344 {strides = array<i32>} : memref<512x32xf32, #tpu.memory_space<vmem>>, vector<1x16xf32>,
        %get3A_345 = arith.index_cast %add3A_331 : i32 to index
        %get3A_346 = arith.constant 16 : index
        %get3A_347 = tpu.vector_load %arg12[%get3A_345, %get3A_346] {strides = array<i32>} : memref<512x32xf32, #tpu.memory_space<vmem>>, vector<1x16xf32>,
        %get3A_348 = vector.shape_cast %get3A_347 : vector<1x16xf32> to vector<16xf32>
        %mul3A_349 = vector.broadcast %squeeze3A_333 : f32 to vector<16xf32>
        %mul3A_350 = arith.mulf %get3A_348, %mul3A_349 : vector<16xf32>
        %swap3A_351 = arith.index_cast %add3A_331 : i32 to index
        %swap3A_352 = arith.constant 16 : index
        %swap3A_353 = tpu.vector_load %arg12[%swap3A_351, %swap3A_352] {strides = array<i32>} : memref<512x32xf32, #tpu.memory_space<vmem>>, vector<1x16xf32>,
        %swap3A_354 = vector.shape_cast %swap3A_353 : vector<1x16xf32> to vector<16xf32>
        %swap3A_355 = vector.shape_cast %mul3A_350 : vector<16xf32> to vector<1x16xf32>
        tpu.vector_store %arg12[%swap3A_351, %swap3A_352], %swap3A_355 {strides = array<i32>} : memref<512x32xf32, #tpu.memory_space<vmem>>, vector<1x16xf32>,
        %mul3A_356 = arith.constant 16 : i32
        %mul3A_357 = arith.muli %scan3A_74, %mul3A_356 : i32
        %add3A_358 = arith.constant 10 : i32
        %add3A_359 = arith.addi %mul3A_357, %add3A_358 : i32
        %slice3A_360 = vector.extract_strided_slice %get3A_78 {offsets = [10], sizes = [1], strides = [1]} : vector<16xf32> to vector<1xf32>
        %squeeze3A_361 = vector.extract %slice3A_360[0] : f32 from vector<1xf32>
        %get3A_362 = arith.index_cast %add3A_359 : i32 to index
        %get3A_363 = arith.constant 0 : index
        %get3A_364 = tpu.vector_load %arg12[%get3A_362, %get3A_363] {strides = array<i32>} : memref<512x32xf32, #tpu.memory_space<vmem>>, vector<1x16xf32>,
        %get3A_365 = vector.shape_cast %get3A_364 : vector<1x16xf32> to vector<16xf32>
        %mul3A_366 = vector.broadcast %squeeze3A_361 : f32 to vector<16xf32>
        %mul3A_367 = arith.mulf %get3A_365, %mul3A_366 : vector<16xf32>
        %swap3A_368 = arith.index_cast %add3A_359 : i32 to index
        %swap3A_369 = arith.constant 0 : index
        %swap3A_370 = tpu.vector_load %arg12[%swap3A_368, %swap3A_369] {strides = array<i32>} : memref<512x32xf32, #tpu.memory_space<vmem>>, vector<1x16xf32>,
        %swap3A_371 = vector.shape_cast %swap3A_370 : vector<1x16xf32> to vector<16xf32>
        %swap3A_372 = vector.shape_cast %mul3A_367 : vector<16xf32> to vector<1x16xf32>
        tpu.vector_store %arg12[%swap3A_368, %swap3A_369], %swap3A_372 {strides = array<i32>} : memref<512x32xf32, #tpu.memory_space<vmem>>, vector<1x16xf32>,
        %get3A_373 = arith.index_cast %add3A_359 : i32 to index
        %get3A_374 = arith.constant 16 : index
        %get3A_375 = tpu.vector_load %arg12[%get3A_373, %get3A_374] {strides = array<i32>} : memref<512x32xf32, #tpu.memory_space<vmem>>, vector<1x16xf32>,
        %get3A_376 = vector.shape_cast %get3A_375 : vector<1x16xf32> to vector<16xf32>
        %mul3A_377 = vector.broadcast %squeeze3A_361 : f32 to vector<16xf32>
        %mul3A_378 = arith.mulf %get3A_376, %mul3A_377 : vector<16xf32>
        %swap3A_379 = arith.index_cast %add3A_359 : i32 to index
        %swap3A_380 = arith.constant 16 : index
        %swap3A_381 = tpu.vector_load %arg12[%swap3A_379, %swap3A_380] {strides = array<i32>} : memref<512x32xf32, #tpu.memory_space<vmem>>, vector<1x16xf32>,
        %swap3A_382 = vector.shape_cast %swap3A_381 : vector<1x16xf32> to vector<16xf32>
        %swap3A_383 = vector.shape_cast %mul3A_378 : vector<16xf32> to vector<1x16xf32>
        tpu.vector_store %arg12[%swap3A_379, %swap3A_380], %swap3A_383 {strides = array<i32>} : memref<512x32xf32, #tpu.memory_space<vmem>>, vector<1x16xf32>,
        %mul3A_384 = arith.constant 16 : i32
        %mul3A_385 = arith.muli %scan3A_74, %mul3A_384 : i32
        %add3A_386 = arith.constant 11 : i32
        %add3A_387 = arith.addi %mul3A_385, %add3A_386 : i32
        %slice3A_388 = vector.extract_strided_slice %get3A_78 {offsets = [11], sizes = [1], strides = [1]} : vector<16xf32> to vector<1xf32>
        %squeeze3A_389 = vector.extract %slice3A_388[0] : f32 from vector<1xf32>
        %get3A_390 = arith.index_cast %add3A_387 : i32 to index
        %get3A_391 = arith.constant 0 : index
        %get3A_392 = tpu.vector_load %arg12[%get3A_390, %get3A_391] {strides = array<i32>} : memref<512x32xf32, #tpu.memory_space<vmem>>, vector<1x16xf32>,
        %get3A_393 = vector.shape_cast %get3A_392 : vector<1x16xf32> to vector<16xf32>
        %mul3A_394 = vector.broadcast %squeeze3A_389 : f32 to vector<16xf32>
        %mul3A_395 = arith.mulf %get3A_393, %mul3A_394 : vector<16xf32>
        %swap3A_396 = arith.index_cast %add3A_387 : i32 to index
        %swap3A_397 = arith.constant 0 : index
        %swap3A_398 = tpu.vector_load %arg12[%swap3A_396, %swap3A_397] {strides = array<i32>} : memref<512x32xf32, #tpu.memory_space<vmem>>, vector<1x16xf32>,
        %swap3A_399 = vector.shape_cast %swap3A_398 : vector<1x16xf32> to vector<16xf32>
        %swap3A_400 = vector.shape_cast %mul3A_395 : vector<16xf32> to vector<1x16xf32>
        tpu.vector_store %arg12[%swap3A_396, %swap3A_397], %swap3A_400 {strides = array<i32>} : memref<512x32xf32, #tpu.memory_space<vmem>>, vector<1x16xf32>,
        %get3A_401 = arith.index_cast %add3A_387 : i32 to index
        %get3A_402 = arith.constant 16 : index
        %get3A_403 = tpu.vector_load %arg12[%get3A_401, %get3A_402] {strides = array<i32>} : memref<512x32xf32, #tpu.memory_space<vmem>>, vector<1x16xf32>,
        %get3A_404 = vector.shape_cast %get3A_403 : vector<1x16xf32> to vector<16xf32>
        %mul3A_405 = vector.broadcast %squeeze3A_389 : f32 to vector<16xf32>
        %mul3A_406 = arith.mulf %get3A_404, %mul3A_405 : vector<16xf32>
        %swap3A_407 = arith.index_cast %add3A_387 : i32 to index
        %swap3A_408 = arith.constant 16 : index
        %swap3A_409 = tpu.vector_load %arg12[%swap3A_407, %swap3A_408] {strides = array<i32>} : memref<512x32xf32, #tpu.memory_space<vmem>>, vector<1x16xf32>,
        %swap3A_410 = vector.shape_cast %swap3A_409 : vector<1x16xf32> to vector<16xf32>
        %swap3A_411 = vector.shape_cast %mul3A_406 : vector<16xf32> to vector<1x16xf32>
        tpu.vector_store %arg12[%swap3A_407, %swap3A_408], %swap3A_411 {strides = array<i32>} : memref<512x32xf32, #tpu.memory_space<vmem>>, vector<1x16xf32>,
        %mul3A_412 = arith.constant 16 : i32
        %mul3A_413 = arith.muli %scan3A_74, %mul3A_412 : i32
        %add3A_414 = arith.constant 12 : i32
        %add3A_415 = arith.addi %mul3A_413, %add3A_414 : i32
        %slice3A_416 = vector.extract_strided_slice %get3A_78 {offsets = [12], sizes = [1], strides = [1]} : vector<16xf32> to vector<1xf32>
        %squeeze3A_417 = vector.extract %slice3A_416[0] : f32 from vector<1xf32>
        %get3A_418 = arith.index_cast %add3A_415 : i32 to index
        %get3A_419 = arith.constant 0 : index
        %get3A_420 = tpu.vector_load %arg12[%get3A_418, %get3A_419] {strides = array<i32>} : memref<512x32xf32, #tpu.memory_space<vmem>>, vector<1x16xf32>,
        %get3A_421 = vector.shape_cast %get3A_420 : vector<1x16xf32> to vector<16xf32>
        %mul3A_422 = vector.broadcast %squeeze3A_417 : f32 to vector<16xf32>
        %mul3A_423 = arith.mulf %get3A_421, %mul3A_422 : vector<16xf32>
        %swap3A_424 = arith.index_cast %add3A_415 : i32 to index
        %swap3A_425 = arith.constant 0 : index
        %swap3A_426 = tpu.vector_load %arg12[%swap3A_424, %swap3A_425] {strides = array<i32>} : memref<512x32xf32, #tpu.memory_space<vmem>>, vector<1x16xf32>,
        %swap3A_427 = vector.shape_cast %swap3A_426 : vector<1x16xf32> to vector<16xf32>
        %swap3A_428 = vector.shape_cast %mul3A_423 : vector<16xf32> to vector<1x16xf32>
        tpu.vector_store %arg12[%swap3A_424, %swap3A_425], %swap3A_428 {strides = array<i32>} : memref<512x32xf32, #tpu.memory_space<vmem>>, vector<1x16xf32>,
        %get3A_429 = arith.index_cast %add3A_415 : i32 to index
        %get3A_430 = arith.constant 16 : index
        %get3A_431 = tpu.vector_load %arg12[%get3A_429, %get3A_430] {strides = array<i32>} : memref<512x32xf32, #tpu.memory_space<vmem>>, vector<1x16xf32>,
        %get3A_432 = vector.shape_cast %get3A_431 : vector<1x16xf32> to vector<16xf32>
        %mul3A_433 = vector.broadcast %squeeze3A_417 : f32 to vector<16xf32>
        %mul3A_434 = arith.mulf %get3A_432, %mul3A_433 : vector<16xf32>
        %swap3A_435 = arith.index_cast %add3A_415 : i32 to index
        %swap3A_436 = arith.constant 16 : index
        %swap3A_437 = tpu.vector_load %arg12[%swap3A_435, %swap3A_436] {strides = array<i32>} : memref<512x32xf32, #tpu.memory_space<vmem>>, vector<1x16xf32>,
        %swap3A_438 = vector.shape_cast %swap3A_437 : vector<1x16xf32> to vector<16xf32>
        %swap3A_439 = vector.shape_cast %mul3A_434 : vector<16xf32> to vector<1x16xf32>
        tpu.vector_store %arg12[%swap3A_435, %swap3A_436], %swap3A_439 {strides = array<i32>} : memref<512x32xf32, #tpu.memory_space<vmem>>, vector<1x16xf32>,
        %mul3A_440 = arith.constant 16 : i32
        %mul3A_441 = arith.muli %scan3A_74, %mul3A_440 : i32
        %add3A_442 = arith.constant 13 : i32
        %add3A_443 = arith.addi %mul3A_441, %add3A_442 : i32
        %slice3A_444 = vector.extract_strided_slice %get3A_78 {offsets = [13], sizes = [1], strides = [1]} : vector<16xf32> to vector<1xf32>
        %squeeze3A_445 = vector.extract %slice3A_444[0] : f32 from vector<1xf32>
        %get3A_446 = arith.index_cast %add3A_443 : i32 to index
        %get3A_447 = arith.constant 0 : index
        %get3A_448 = tpu.vector_load %arg12[%get3A_446, %get3A_447] {strides = array<i32>} : memref<512x32xf32, #tpu.memory_space<vmem>>, vector<1x16xf32>,
        %get3A_449 = vector.shape_cast %get3A_448 : vector<1x16xf32> to vector<16xf32>
        %mul3A_450 = vector.broadcast %squeeze3A_445 : f32 to vector<16xf32>
        %mul3A_451 = arith.mulf %get3A_449, %mul3A_450 : vector<16xf32>
        %swap3A_452 = arith.index_cast %add3A_443 : i32 to index
        %swap3A_453 = arith.constant 0 : index
        %swap3A_454 = tpu.vector_load %arg12[%swap3A_452, %swap3A_453] {strides = array<i32>} : memref<512x32xf32, #tpu.memory_space<vmem>>, vector<1x16xf32>,
        %swap3A_455 = vector.shape_cast %swap3A_454 : vector<1x16xf32> to vector<16xf32>
        %swap3A_456 = vector.shape_cast %mul3A_451 : vector<16xf32> to vector<1x16xf32>
        tpu.vector_store %arg12[%swap3A_452, %swap3A_453], %swap3A_456 {strides = array<i32>} : memref<512x32xf32, #tpu.memory_space<vmem>>, vector<1x16xf32>,
        %get3A_457 = arith.index_cast %add3A_443 : i32 to index
        %get3A_458 = arith.constant 16 : index
        %get3A_459 = tpu.vector_load %arg12[%get3A_457, %get3A_458] {strides = array<i32>} : memref<512x32xf32, #tpu.memory_space<vmem>>, vector<1x16xf32>,
        %get3A_460 = vector.shape_cast %get3A_459 : vector<1x16xf32> to vector<16xf32>
        %mul3A_461 = vector.broadcast %squeeze3A_445 : f32 to vector<16xf32>
        %mul3A_462 = arith.mulf %get3A_460, %mul3A_461 : vector<16xf32>
        %swap3A_463 = arith.index_cast %add3A_443 : i32 to index
        %swap3A_464 = arith.constant 16 : index
        %swap3A_465 = tpu.vector_load %arg12[%swap3A_463, %swap3A_464] {strides = array<i32>} : memref<512x32xf32, #tpu.memory_space<vmem>>, vector<1x16xf32>,
        %swap3A_466 = vector.shape_cast %swap3A_465 : vector<1x16xf32> to vector<16xf32>
        %swap3A_467 = vector.shape_cast %mul3A_462 : vector<16xf32> to vector<1x16xf32>
        tpu.vector_store %arg12[%swap3A_463, %swap3A_464], %swap3A_467 {strides = array<i32>} : memref<512x32xf32, #tpu.memory_space<vmem>>, vector<1x16xf32>,
        %mul3A_468 = arith.constant 16 : i32
        %mul3A_469 = arith.muli %scan3A_74, %mul3A_468 : i32
        %add3A_470 = arith.constant 14 : i32
        %add3A_471 = arith.addi %mul3A_469, %add3A_470 : i32
        %slice3A_472 = vector.extract_strided_slice %get3A_78 {offsets = [14], sizes = [1], strides = [1]} : vector<16xf32> to vector<1xf32>
        %squeeze3A_473 = vector.extract %slice3A_472[0] : f32 from vector<1xf32>
        %get3A_474 = arith.index_cast %add3A_471 : i32 to index
        %get3A_475 = arith.constant 0 : index
        %get3A_476 = tpu.vector_load %arg12[%get3A_474, %get3A_475] {strides = array<i32>} : memref<512x32xf32, #tpu.memory_space<vmem>>, vector<1x16xf32>,
        %get3A_477 = vector.shape_cast %get3A_476 : vector<1x16xf32> to vector<16xf32>
        %mul3A_478 = vector.broadcast %squeeze3A_473 : f32 to vector<16xf32>
        %mul3A_479 = arith.mulf %get3A_477, %mul3A_478 : vector<16xf32>
        %swap3A_480 = arith.index_cast %add3A_471 : i32 to index
        %swap3A_481 = arith.constant 0 : index
        %swap3A_482 = tpu.vector_load %arg12[%swap3A_480, %swap3A_481] {strides = array<i32>} : memref<512x32xf32, #tpu.memory_space<vmem>>, vector<1x16xf32>,
        %swap3A_483 = vector.shape_cast %swap3A_482 : vector<1x16xf32> to vector<16xf32>
        %swap3A_484 = vector.shape_cast %mul3A_479 : vector<16xf32> to vector<1x16xf32>
        tpu.vector_store %arg12[%swap3A_480, %swap3A_481], %swap3A_484 {strides = array<i32>} : memref<512x32xf32, #tpu.memory_space<vmem>>, vector<1x16xf32>,
        %get3A_485 = arith.index_cast %add3A_471 : i32 to index
        %get3A_486 = arith.constant 16 : index
        %get3A_487 = tpu.vector_load %arg12[%get3A_485, %get3A_486] {strides = array<i32>} : memref<512x32xf32, #tpu.memory_space<vmem>>, vector<1x16xf32>,
        %get3A_488 = vector.shape_cast %get3A_487 : vector<1x16xf32> to vector<16xf32>
        %mul3A_489 = vector.broadcast %squeeze3A_473 : f32 to vector<16xf32>
        %mul3A_490 = arith.mulf %get3A_488, %mul3A_489 : vector<16xf32>
        %swap3A_491 = arith.index_cast %add3A_471 : i32 to index
        %swap3A_492 = arith.constant 16 : index
        %swap3A_493 = tpu.vector_load %arg12[%swap3A_491, %swap3A_492] {strides = array<i32>} : memref<512x32xf32, #tpu.memory_space<vmem>>, vector<1x16xf32>,
        %swap3A_494 = vector.shape_cast %swap3A_493 : vector<1x16xf32> to vector<16xf32>
        %swap3A_495 = vector.shape_cast %mul3A_490 : vector<16xf32> to vector<1x16xf32>
        tpu.vector_store %arg12[%swap3A_491, %swap3A_492], %swap3A_495 {strides = array<i32>} : memref<512x32xf32, #tpu.memory_space<vmem>>, vector<1x16xf32>,
        %mul3A_496 = arith.constant 16 : i32
        %mul3A_497 = arith.muli %scan3A_74, %mul3A_496 : i32
        %add3A_498 = arith.constant 15 : i32
        %add3A_499 = arith.addi %mul3A_497, %add3A_498 : i32
        %slice3A_500 = vector.extract_strided_slice %get3A_78 {offsets = [15], sizes = [1], strides = [1]} : vector<16xf32> to vector<1xf32>
        %squeeze3A_501 = vector.extract %slice3A_500[0] : f32 from vector<1xf32>
        %get3A_502 = arith.index_cast %add3A_499 : i32 to index
        %get3A_503 = arith.constant 0 : index
        %get3A_504 = tpu.vector_load %arg12[%get3A_502, %get3A_503] {strides = array<i32>} : memref<512x32xf32, #tpu.memory_space<vmem>>, vector<1x16xf32>,
        %get3A_505 = vector.shape_cast %get3A_504 : vector<1x16xf32> to vector<16xf32>
        %mul3A_506 = vector.broadcast %squeeze3A_501 : f32 to vector<16xf32>
        %mul3A_507 = arith.mulf %get3A_505, %mul3A_506 : vector<16xf32>
        %swap3A_508 = arith.index_cast %add3A_499 : i32 to index
        %swap3A_509 = arith.constant 0 : index
        %swap3A_510 = tpu.vector_load %arg12[%swap3A_508, %swap3A_509] {strides = array<i32>} : memref<512x32xf32, #tpu.memory_space<vmem>>, vector<1x16xf32>,
        %swap3A_511 = vector.shape_cast %swap3A_510 : vector<1x16xf32> to vector<16xf32>
        %swap3A_512 = vector.shape_cast %mul3A_507 : vector<16xf32> to vector<1x16xf32>
        tpu.vector_store %arg12[%swap3A_508, %swap3A_509], %swap3A_512 {strides = array<i32>} : memref<512x32xf32, #tpu.memory_space<vmem>>, vector<1x16xf32>,
        %get3A_513 = arith.index_cast %add3A_499 : i32 to index
        %get3A_514 = arith.constant 16 : index
        %get3A_515 = tpu.vector_load %arg12[%get3A_513, %get3A_514] {strides = array<i32>} : memref<512x32xf32, #tpu.memory_space<vmem>>, vector<1x16xf32>,
        %get3A_516 = vector.shape_cast %get3A_515 : vector<1x16xf32> to vector<16xf32>
        %mul3A_517 = vector.broadcast %squeeze3A_501 : f32 to vector<16xf32>
        %mul3A_518 = arith.mulf %get3A_516, %mul3A_517 : vector<16xf32>
        %swap3A_519 = arith.index_cast %add3A_499 : i32 to index
        %swap3A_520 = arith.constant 16 : index
        %swap3A_521 = tpu.vector_load %arg12[%swap3A_519, %swap3A_520] {strides = array<i32>} : memref<512x32xf32, #tpu.memory_space<vmem>>, vector<1x16xf32>,
        %swap3A_522 = vector.shape_cast %swap3A_521 : vector<1x16xf32> to vector<16xf32>
        %swap3A_523 = vector.shape_cast %mul3A_518 : vector<16xf32> to vector<1x16xf32>
        tpu.vector_store %arg12[%swap3A_519, %swap3A_520], %swap3A_523 {strides = array<i32>} : memref<512x32xf32, #tpu.memory_space<vmem>>, vector<1x16xf32>,
      }
      %scan3A_70 = arith.constant 32 : i32
      %run_scoped3A = arith.constant 0 : i32
      "tpu.region"() ({
        %run_scoped3A_74 = tpu.sem_alloc : memref<!tpu.dma_semaphore, #tpu.memory_space<semaphore_mem>>
        %dma_start3A_75 = arith.constant 0 : i32
        %dma_start3A_76 = arith.constant 0 : i32
        %dma_start3A_77 = tpu.memref_slice %arg12[%dma_start3A_75, %dma_start3A_76] : memref<512x32xf32, #tpu.memory_space<vmem>> -> memref<128x32xf32, #tpu.memory_space<vmem>>
        %dma_start3A_78 = arith.constant 0 : i32
        %dma_start3A_79 = tpu.memref_slice %arg10[%run_scoped3A, %dma_start3A_78] : memref<4x128xi32, #tpu.memory_space<vmem>> -> memref<1x128xi32, #tpu.memory_space<vmem>>
        %dma_start3A_80 = tpu.memref_squeeze %dma_start3A_79 : memref<1x128xi32, #tpu.memory_space<vmem>> -> memref<128xi32, #tpu.memory_space<vmem>>
        %dma_start3A_81 = arith.constant 0 : i32
        %dma_start3A_82 = arith.constant 0 : i32
        %dma_start3A_83 = tpu.memref_slice %arg13[%dma_start3A_81, %dma_start3A_82] : memref<49152x32xf32, #tpu.memory_space<vmem_shared>> -> memref<49152x32xf32, #tpu.memory_space<vmem_shared>>
        tpu.enqueue_indirect_dma source(%dma_start3A_77 : memref<128x32xf32, #tpu.memory_space<vmem>>) target(%dma_start3A_83 : memref<49152x32xf32, #tpu.memory_space<vmem_shared>>) offsets(%dma_start3A_80 : memref<128xi32, #tpu.memory_space<vmem>>) semaphore(%run_scoped3A_74 : memref<!tpu.dma_semaphore, #tpu.memory_space<semaphore_mem>>) {add = true}
        %dma_wait3A_84 = arith.constant 0 : i32
        %dma_wait3A_85 = arith.constant 0 : i32
        %dma_wait3A_86 = tpu.memref_slice %arg12[%dma_wait3A_84, %dma_wait3A_85] : memref<512x32xf32, #tpu.memory_space<vmem>> -> memref<128x32xf32, #tpu.memory_space<vmem>>
        %dma_wait3A_87 = arith.constant 0 : i32
        %dma_wait3A_88 = tpu.memref_slice %arg10[%run_scoped3A, %dma_wait3A_87] : memref<4x128xi32, #tpu.memory_space<vmem>> -> memref<1x128xi32, #tpu.memory_space<vmem>>
        %dma_wait3A_89 = tpu.memref_squeeze %dma_wait3A_88 : memref<1x128xi32, #tpu.memory_space<vmem>> -> memref<128xi32, #tpu.memory_space<vmem>>
        %dma_wait3A_90 = arith.constant 0 : i32
        %dma_wait3A_91 = arith.constant 0 : i32
        %dma_wait3A_92 = tpu.memref_slice %arg13[%dma_wait3A_90, %dma_wait3A_91] : memref<49152x32xf32, #tpu.memory_space<vmem_shared>> -> memref<49152x32xf32, #tpu.memory_space<vmem_shared>>
        tpu.wait_indirect_dma semaphore(%run_scoped3A_74 : memref<!tpu.dma_semaphore, #tpu.memory_space<semaphore_mem>>) src(%dma_wait3A_86 : memref<128x32xf32, #tpu.memory_space<vmem>>) dst(%dma_wait3A_92 : memref<49152x32xf32, #tpu.memory_space<vmem_shared>>)
        tpu.yield
      }) : () -> ()
      %run_scoped3A_71 = arith.constant 1 : i32
      "tpu.region"() ({
        %run_scoped3A_74 = tpu.sem_alloc : memref<!tpu.dma_semaphore, #tpu.memory_space<semaphore_mem>>
        %dma_start3A_75 = arith.constant 128 : i32
        %dma_start3A_76 = arith.constant 0 : i32
        %dma_start3A_77 = tpu.memref_slice %arg12[%dma_start3A_75, %dma_start3A_76] : memref<512x32xf32, #tpu.memory_space<vmem>> -> memref<128x32xf32, #tpu.memory_space<vmem>>
        %dma_start3A_78 = arith.constant 0 : i32
        %dma_start3A_79 = tpu.memref_slice %arg10[%run_scoped3A_71, %dma_start3A_78] : memref<4x128xi32, #tpu.memory_space<vmem>> -> memref<1x128xi32, #tpu.memory_space<vmem>>
        %dma_start3A_80 = tpu.memref_squeeze %dma_start3A_79 : memref<1x128xi32, #tpu.memory_space<vmem>> -> memref<128xi32, #tpu.memory_space<vmem>>
        %dma_start3A_81 = arith.constant 0 : i32
        %dma_start3A_82 = arith.constant 0 : i32
        %dma_start3A_83 = tpu.memref_slice %arg13[%dma_start3A_81, %dma_start3A_82] : memref<49152x32xf32, #tpu.memory_space<vmem_shared>> -> memref<49152x32xf32, #tpu.memory_space<vmem_shared>>
        tpu.enqueue_indirect_dma source(%dma_start3A_77 : memref<128x32xf32, #tpu.memory_space<vmem>>) target(%dma_start3A_83 : memref<49152x32xf32, #tpu.memory_space<vmem_shared>>) offsets(%dma_start3A_80 : memref<128xi32, #tpu.memory_space<vmem>>) semaphore(%run_scoped3A_74 : memref<!tpu.dma_semaphore, #tpu.memory_space<semaphore_mem>>) {add = true}
        %dma_wait3A_84 = arith.constant 128 : i32
        %dma_wait3A_85 = arith.constant 0 : i32
        %dma_wait3A_86 = tpu.memref_slice %arg12[%dma_wait3A_84, %dma_wait3A_85] : memref<512x32xf32, #tpu.memory_space<vmem>> -> memref<128x32xf32, #tpu.memory_space<vmem>>
        %dma_wait3A_87 = arith.constant 0 : i32
        %dma_wait3A_88 = tpu.memref_slice %arg10[%run_scoped3A_71, %dma_wait3A_87] : memref<4x128xi32, #tpu.memory_space<vmem>> -> memref<1x128xi32, #tpu.memory_space<vmem>>
        %dma_wait3A_89 = tpu.memref_squeeze %dma_wait3A_88 : memref<1x128xi32, #tpu.memory_space<vmem>> -> memref<128xi32, #tpu.memory_space<vmem>>
        %dma_wait3A_90 = arith.constant 0 : i32
        %dma_wait3A_91 = arith.constant 0 : i32
        %dma_wait3A_92 = tpu.memref_slice %arg13[%dma_wait3A_90, %dma_wait3A_91] : memref<49152x32xf32, #tpu.memory_space<vmem_shared>> -> memref<49152x32xf32, #tpu.memory_space<vmem_shared>>
        tpu.wait_indirect_dma semaphore(%run_scoped3A_74 : memref<!tpu.dma_semaphore, #tpu.memory_space<semaphore_mem>>) src(%dma_wait3A_86 : memref<128x32xf32, #tpu.memory_space<vmem>>) dst(%dma_wait3A_92 : memref<49152x32xf32, #tpu.memory_space<vmem_shared>>)
        tpu.yield
      }) : () -> ()
      %run_scoped3A_72 = arith.constant 2 : i32
      "tpu.region"() ({
        %run_scoped3A_74 = tpu.sem_alloc : memref<!tpu.dma_semaphore, #tpu.memory_space<semaphore_mem>>
        %dma_start3A_75 = arith.constant 256 : i32
        %dma_start3A_76 = arith.constant 0 : i32
        %dma_start3A_77 = tpu.memref_slice %arg12[%dma_start3A_75, %dma_start3A_76] : memref<512x32xf32, #tpu.memory_space<vmem>> -> memref<128x32xf32, #tpu.memory_space<vmem>>
        %dma_start3A_78 = arith.constant 0 : i32
        %dma_start3A_79 = tpu.memref_slice %arg10[%run_scoped3A_72, %dma_start3A_78] : memref<4x128xi32, #tpu.memory_space<vmem>> -> memref<1x128xi32, #tpu.memory_space<vmem>>
        %dma_start3A_80 = tpu.memref_squeeze %dma_start3A_79 : memref<1x128xi32, #tpu.memory_space<vmem>> -> memref<128xi32, #tpu.memory_space<vmem>>
        %dma_start3A_81 = arith.constant 0 : i32
        %dma_start3A_82 = arith.constant 0 : i32
        %dma_start3A_83 = tpu.memref_slice %arg13[%dma_start3A_81, %dma_start3A_82] : memref<49152x32xf32, #tpu.memory_space<vmem_shared>> -> memref<49152x32xf32, #tpu.memory_space<vmem_shared>>
        tpu.enqueue_indirect_dma source(%dma_start3A_77 : memref<128x32xf32, #tpu.memory_space<vmem>>) target(%dma_start3A_83 : memref<49152x32xf32, #tpu.memory_space<vmem_shared>>) offsets(%dma_start3A_80 : memref<128xi32, #tpu.memory_space<vmem>>) semaphore(%run_scoped3A_74 : memref<!tpu.dma_semaphore, #tpu.memory_space<semaphore_mem>>) {add = true}
        %dma_wait3A_84 = arith.constant 256 : i32
        %dma_wait3A_85 = arith.constant 0 : i32
        %dma_wait3A_86 = tpu.memref_slice %arg12[%dma_wait3A_84, %dma_wait3A_85] : memref<512x32xf32, #tpu.memory_space<vmem>> -> memref<128x32xf32, #tpu.memory_space<vmem>>
        %dma_wait3A_87 = arith.constant 0 : i32
        %dma_wait3A_88 = tpu.memref_slice %arg10[%run_scoped3A_72, %dma_wait3A_87] : memref<4x128xi32, #tpu.memory_space<vmem>> -> memref<1x128xi32, #tpu.memory_space<vmem>>
        %dma_wait3A_89 = tpu.memref_squeeze %dma_wait3A_88 : memref<1x128xi32, #tpu.memory_space<vmem>> -> memref<128xi32, #tpu.memory_space<vmem>>
        %dma_wait3A_90 = arith.constant 0 : i32
        %dma_wait3A_91 = arith.constant 0 : i32
        %dma_wait3A_92 = tpu.memref_slice %arg13[%dma_wait3A_90, %dma_wait3A_91] : memref<49152x32xf32, #tpu.memory_space<vmem_shared>> -> memref<49152x32xf32, #tpu.memory_space<vmem_shared>>
        tpu.wait_indirect_dma semaphore(%run_scoped3A_74 : memref<!tpu.dma_semaphore, #tpu.memory_space<semaphore_mem>>) src(%dma_wait3A_86 : memref<128x32xf32, #tpu.memory_space<vmem>>) dst(%dma_wait3A_92 : memref<49152x32xf32, #tpu.memory_space<vmem_shared>>)
        tpu.yield
      }) : () -> ()
      %run_scoped3A_73 = arith.constant 3 : i32
      "tpu.region"() ({
        %run_scoped3A_74 = tpu.sem_alloc : memref<!tpu.dma_semaphore, #tpu.memory_space<semaphore_mem>>
        %dma_start3A_75 = arith.constant 384 : i32
        %dma_start3A_76 = arith.constant 0 : i32
        %dma_start3A_77 = tpu.memref_slice %arg12[%dma_start3A_75, %dma_start3A_76] : memref<512x32xf32, #tpu.memory_space<vmem>> -> memref<128x32xf32, #tpu.memory_space<vmem>>
        %dma_start3A_78 = arith.constant 0 : i32
        %dma_start3A_79 = tpu.memref_slice %arg10[%run_scoped3A_73, %dma_start3A_78] : memref<4x128xi32, #tpu.memory_space<vmem>> -> memref<1x128xi32, #tpu.memory_space<vmem>>
        %dma_start3A_80 = tpu.memref_squeeze %dma_start3A_79 : memref<1x128xi32, #tpu.memory_space<vmem>> -> memref<128xi32, #tpu.memory_space<vmem>>
        %dma_start3A_81 = arith.constant 0 : i32
        %dma_start3A_82 = arith.constant 0 : i32
        %dma_start3A_83 = tpu.memref_slice %arg13[%dma_start3A_81, %dma_start3A_82] : memref<49152x32xf32, #tpu.memory_space<vmem_shared>> -> memref<49152x32xf32, #tpu.memory_space<vmem_shared>>
        tpu.enqueue_indirect_dma source(%dma_start3A_77 : memref<128x32xf32, #tpu.memory_space<vmem>>) target(%dma_start3A_83 : memref<49152x32xf32, #tpu.memory_space<vmem_shared>>) offsets(%dma_start3A_80 : memref<128xi32, #tpu.memory_space<vmem>>) semaphore(%run_scoped3A_74 : memref<!tpu.dma_semaphore, #tpu.memory_space<semaphore_mem>>) {add = true}
        %dma_wait3A_84 = arith.constant 384 : i32
        %dma_wait3A_85 = arith.constant 0 : i32
        %dma_wait3A_86 = tpu.memref_slice %arg12[%dma_wait3A_84, %dma_wait3A_85] : memref<512x32xf32, #tpu.memory_space<vmem>> -> memref<128x32xf32, #tpu.memory_space<vmem>>
        %dma_wait3A_87 = arith.constant 0 : i32
        %dma_wait3A_88 = tpu.memref_slice %arg10[%run_scoped3A_73, %dma_wait3A_87] : memref<4x128xi32, #tpu.memory_space<vmem>> -> memref<1x128xi32, #tpu.memory_space<vmem>>
        %dma_wait3A_89 = tpu.memref_squeeze %dma_wait3A_88 : memref<1x128xi32, #tpu.memory_space<vmem>> -> memref<128xi32, #tpu.memory_space<vmem>>
        %dma_wait3A_90 = arith.constant 0 : i32
        %dma_wait3A_91 = arith.constant 0 : i32
        %dma_wait3A_92 = tpu.memref_slice %arg13[%dma_wait3A_90, %dma_wait3A_91] : memref<49152x32xf32, #tpu.memory_space<vmem_shared>> -> memref<49152x32xf32, #tpu.memory_space<vmem_shared>>
        tpu.wait_indirect_dma semaphore(%run_scoped3A_74 : memref<!tpu.dma_semaphore, #tpu.memory_space<semaphore_mem>>) src(%dma_wait3A_86 : memref<128x32xf32, #tpu.memory_space<vmem>>) dst(%dma_wait3A_92 : memref<49152x32xf32, #tpu.memory_space<vmem_shared>>)
        tpu.yield
      }) : () -> ()
    }
    %scan3A_34 = arith.constant 54 : i32
    %barrier3A_35 = arith.constant 0 : index
    tpu.barrier barrier_id(%barrier3A_35)
    %mul3A_36 = arith.constant 3072 : i32
    %mul3A_37 = arith.muli %arg1, %mul3A_36 : i32
    %mul3A_38 = arith.constant 49152 : i32
    %mul3A_39 = arith.muli %add3A_23, %mul3A_38 : i32
    %mul3A_40 = arith.constant 3072 : i32
    %mul3A_41 = arith.muli %arg1, %mul3A_40 : i32
    %add3A_42 = arith.addi %mul3A_39, %mul3A_41 : i32
    "tpu.region"() ({
      %run_scoped3A = tpu.sem_alloc : memref<!tpu.dma_semaphore, #tpu.memory_space<semaphore_mem>>
      %dma_start3A = arith.constant 0 : i32
      %dma_start3A_44 = tpu.memref_slice %arg7[%add3A_42, %dma_start3A] : memref<196608x32xf32, #tpu.memory_space<hbm>> -> memref<3072x32xf32, #tpu.memory_space<hbm>>
      %dma_start3A_45 = arith.constant 0 : i32
      %dma_start3A_46 = tpu.memref_slice %arg13[%mul3A_37, %dma_start3A_45] : memref<49152x32xf32, #tpu.memory_space<vmem_shared>> -> memref<3072x32xf32, #tpu.memory_space<vmem_shared>>
      tpu.enqueue_dma source(%dma_start3A_46 : memref<3072x32xf32, #tpu.memory_space<vmem_shared>>) target(%dma_start3A_44 : memref<3072x32xf32, #tpu.memory_space<hbm>>) target_semaphore(%run_scoped3A : memref<!tpu.dma_semaphore, #tpu.memory_space<semaphore_mem>>)
      %dma_wait3A = arith.constant 0 : i32
      %dma_wait3A_47 = tpu.memref_slice %arg7[%add3A_42, %dma_wait3A] : memref<196608x32xf32, #tpu.memory_space<hbm>> -> memref<3072x32xf32, #tpu.memory_space<hbm>>
      %dma_wait3A_48 = arith.constant 0 : i32
      %dma_wait3A_49 = tpu.memref_slice %arg13[%mul3A_37, %dma_wait3A_48] : memref<49152x32xf32, #tpu.memory_space<vmem_shared>> -> memref<3072x32xf32, #tpu.memory_space<vmem_shared>>
      tpu.wait_dma2 semaphore(%run_scoped3A : memref<!tpu.dma_semaphore, #tpu.memory_space<semaphore_mem>>) src(%dma_wait3A_49 : memref<3072x32xf32, #tpu.memory_space<vmem_shared>>) dst(%dma_wait3A_47 : memref<3072x32xf32, #tpu.memory_space<hbm>>)
      tpu.yield
    }) : () -> ()
    %barrier3A_43 = arith.constant 0 : index
    tpu.barrier barrier_id(%barrier3A_43)
    return
  }
}

module attributes {stable_mosaic.version = 14 : i64} {
  func.func @_mm_body(%arg0: i32, %arg1: memref<2048x128xf32, #tpu.memory_space<vmem>>, %arg2: memref<4x2048x32xf32, #tpu.memory_space<vmem>>, %arg3: memref<4x2048x32xf32, #tpu.memory_space<vmem>>, %arg4: memref<128x128xf32, #tpu.memory_space<vmem>>, %arg5: memref<4x32x128xf32, #tpu.memory_space<vmem>>, %arg6: memref<4x32x128xf32, #tpu.memory_space<vmem>>, %arg7: memref<1x128xf32, #tpu.memory_space<vmem>>, %arg8: memref<2048x128xf32, #tpu.memory_space<vmem>>, %arg9: memref<1x128xf32, #tpu.memory_space<vmem>>, %arg10: memref<1x128xf32, #tpu.memory_space<vmem>>) attributes {dimension_semantics = [#tpu.dimension_semantics<arbitrary>], iteration_bounds = array<i64: 24>, scalar_prefetch = 0 : i64, scratch_operands = 0 : i64, tpu.core_type = #tpu.core_type<tc>, window_params = [{transform_indices = @transform_0, window_bounds = array<i64: 2048, 128>}, {transform_indices = @transform_1, window_bounds = array<i64: 4, 2048, 32>}, {transform_indices = @transform_2, window_bounds = array<i64: 4, 2048, 32>}, {pipeline_mode = #tpu.pipeline_mode<synchronous>, transform_indices = @transform_3, window_bounds = array<i64: 128, 128>}, {pipeline_mode = #tpu.pipeline_mode<synchronous>, transform_indices = @transform_4, window_bounds = array<i64: 4, 32, 128>}, {pipeline_mode = #tpu.pipeline_mode<synchronous>, transform_indices = @transform_5, window_bounds = array<i64: 4, 32, 128>}, {pipeline_mode = #tpu.pipeline_mode<synchronous>, transform_indices = @transform_6, window_bounds = array<i64: 1, 128>}, {transform_indices = @transform_7, window_bounds = array<i64: 2048, 128>}, {pipeline_mode = #tpu.pipeline_mode<synchronous>, transform_indices = @transform_8, window_bounds = array<i64: 1, 128>}, {pipeline_mode = #tpu.pipeline_mode<synchronous>, transform_indices = @transform_9, window_bounds = array<i64: 1, 128>}]} {
    %get3A = arith.constant 0 : index
    %get3A_0 = arith.constant 0 : index
    %get3A_1 = vector.load %arg1[%get3A, %get3A_0] : memref<2048x128xf32, #tpu.memory_space<vmem>>, vector<2048x128xf32>
    %get3A_2 = arith.constant 0 : index
    %get3A_3 = arith.constant 0 : index
    %get3A_4 = vector.load %arg4[%get3A_2, %get3A_3] : memref<128x128xf32, #tpu.memory_space<vmem>>, vector<128x128xf32>
    %dot_general3A = arith.constant dense<0.000000e+00> : vector<2048x128xf32>
    %dot_general3A_5 = tpu.matmul %get3A_1, %get3A_4, %dot_general3A {dimension_numbers = #tpu.dot_dimension_numbers<[1], [0], [0], [1], [0, 0, 1, 1], [], []>, transpose_lhs_hint = false} : vector<2048x128xf32>, vector<128x128xf32>, vector<2048x128xf32> -> vector<2048x128xf32>
    %get3A_6 = arith.constant 0 : index
    %get3A_7 = arith.constant 0 : index
    %get3A_8 = arith.constant 0 : index
    %get3A_9 = vector.load %arg2[%get3A_6, %get3A_7, %get3A_8] : memref<4x2048x32xf32, #tpu.memory_space<vmem>>, vector<1x2048x32xf32>
    %get3A_10 = vector.shape_cast %get3A_9 : vector<1x2048x32xf32> to vector<2048x32xf32>
    %get3A_11 = arith.constant 0 : index
    %get3A_12 = arith.constant 0 : index
    %get3A_13 = arith.constant 0 : index
    %get3A_14 = vector.load %arg5[%get3A_11, %get3A_12, %get3A_13] : memref<4x32x128xf32, #tpu.memory_space<vmem>>, vector<1x32x128xf32>
    %get3A_15 = vector.shape_cast %get3A_14 : vector<1x32x128xf32> to vector<32x128xf32>
    %dot_general3A_16 = arith.constant dense<0.000000e+00> : vector<2048x128xf32>
    %dot_general3A_17 = tpu.matmul %get3A_10, %get3A_15, %dot_general3A_16 {dimension_numbers = #tpu.dot_dimension_numbers<[1], [0], [0], [1], [0, 0, 1, 1], [], []>, transpose_lhs_hint = false} : vector<2048x32xf32>, vector<32x128xf32>, vector<2048x128xf32> -> vector<2048x128xf32>
    %add3A = arith.addf %dot_general3A_5, %dot_general3A_17 : vector<2048x128xf32>
    %get3A_18 = arith.constant 0 : index
    %get3A_19 = arith.constant 0 : index
    %get3A_20 = arith.constant 0 : index
    %get3A_21 = vector.load %arg3[%get3A_18, %get3A_19, %get3A_20] : memref<4x2048x32xf32, #tpu.memory_space<vmem>>, vector<1x2048x32xf32>
    %get3A_22 = vector.shape_cast %get3A_21 : vector<1x2048x32xf32> to vector<2048x32xf32>
    %get3A_23 = arith.constant 0 : index
    %get3A_24 = arith.constant 0 : index
    %get3A_25 = arith.constant 0 : index
    %get3A_26 = vector.load %arg6[%get3A_23, %get3A_24, %get3A_25] : memref<4x32x128xf32, #tpu.memory_space<vmem>>, vector<1x32x128xf32>
    %get3A_27 = vector.shape_cast %get3A_26 : vector<1x32x128xf32> to vector<32x128xf32>
    %dot_general3A_28 = arith.constant dense<0.000000e+00> : vector<2048x128xf32>
    %dot_general3A_29 = tpu.matmul %get3A_22, %get3A_27, %dot_general3A_28 {dimension_numbers = #tpu.dot_dimension_numbers<[1], [0], [0], [1], [0, 0, 1, 1], [], []>, transpose_lhs_hint = false} : vector<2048x32xf32>, vector<32x128xf32>, vector<2048x128xf32> -> vector<2048x128xf32>
    %add3A_30 = arith.addf %add3A, %dot_general3A_29 : vector<2048x128xf32>
    %get3A_31 = arith.constant 1 : index
    %get3A_32 = arith.constant 0 : index
    %get3A_33 = arith.constant 0 : index
    %get3A_34 = vector.load %arg2[%get3A_31, %get3A_32, %get3A_33] : memref<4x2048x32xf32, #tpu.memory_space<vmem>>, vector<1x2048x32xf32>
    %get3A_35 = vector.shape_cast %get3A_34 : vector<1x2048x32xf32> to vector<2048x32xf32>
    %get3A_36 = arith.constant 1 : index
    %get3A_37 = arith.constant 0 : index
    %get3A_38 = arith.constant 0 : index
    %get3A_39 = vector.load %arg5[%get3A_36, %get3A_37, %get3A_38] : memref<4x32x128xf32, #tpu.memory_space<vmem>>, vector<1x32x128xf32>
    %get3A_40 = vector.shape_cast %get3A_39 : vector<1x32x128xf32> to vector<32x128xf32>
    %dot_general3A_41 = arith.constant dense<0.000000e+00> : vector<2048x128xf32>
    %dot_general3A_42 = tpu.matmul %get3A_35, %get3A_40, %dot_general3A_41 {dimension_numbers = #tpu.dot_dimension_numbers<[1], [0], [0], [1], [0, 0, 1, 1], [], []>, transpose_lhs_hint = false} : vector<2048x32xf32>, vector<32x128xf32>, vector<2048x128xf32> -> vector<2048x128xf32>
    %add3A_43 = arith.addf %add3A_30, %dot_general3A_42 : vector<2048x128xf32>
    %get3A_44 = arith.constant 1 : index
    %get3A_45 = arith.constant 0 : index
    %get3A_46 = arith.constant 0 : index
    %get3A_47 = vector.load %arg3[%get3A_44, %get3A_45, %get3A_46] : memref<4x2048x32xf32, #tpu.memory_space<vmem>>, vector<1x2048x32xf32>
    %get3A_48 = vector.shape_cast %get3A_47 : vector<1x2048x32xf32> to vector<2048x32xf32>
    %get3A_49 = arith.constant 1 : index
    %get3A_50 = arith.constant 0 : index
    %get3A_51 = arith.constant 0 : index
    %get3A_52 = vector.load %arg6[%get3A_49, %get3A_50, %get3A_51] : memref<4x32x128xf32, #tpu.memory_space<vmem>>, vector<1x32x128xf32>
    %get3A_53 = vector.shape_cast %get3A_52 : vector<1x32x128xf32> to vector<32x128xf32>
    %dot_general3A_54 = arith.constant dense<0.000000e+00> : vector<2048x128xf32>
    %dot_general3A_55 = tpu.matmul %get3A_48, %get3A_53, %dot_general3A_54 {dimension_numbers = #tpu.dot_dimension_numbers<[1], [0], [0], [1], [0, 0, 1, 1], [], []>, transpose_lhs_hint = false} : vector<2048x32xf32>, vector<32x128xf32>, vector<2048x128xf32> -> vector<2048x128xf32>
    %add3A_56 = arith.addf %add3A_43, %dot_general3A_55 : vector<2048x128xf32>
    %get3A_57 = arith.constant 2 : index
    %get3A_58 = arith.constant 0 : index
    %get3A_59 = arith.constant 0 : index
    %get3A_60 = vector.load %arg2[%get3A_57, %get3A_58, %get3A_59] : memref<4x2048x32xf32, #tpu.memory_space<vmem>>, vector<1x2048x32xf32>
    %get3A_61 = vector.shape_cast %get3A_60 : vector<1x2048x32xf32> to vector<2048x32xf32>
    %get3A_62 = arith.constant 2 : index
    %get3A_63 = arith.constant 0 : index
    %get3A_64 = arith.constant 0 : index
    %get3A_65 = vector.load %arg5[%get3A_62, %get3A_63, %get3A_64] : memref<4x32x128xf32, #tpu.memory_space<vmem>>, vector<1x32x128xf32>
    %get3A_66 = vector.shape_cast %get3A_65 : vector<1x32x128xf32> to vector<32x128xf32>
    %dot_general3A_67 = arith.constant dense<0.000000e+00> : vector<2048x128xf32>
    %dot_general3A_68 = tpu.matmul %get3A_61, %get3A_66, %dot_general3A_67 {dimension_numbers = #tpu.dot_dimension_numbers<[1], [0], [0], [1], [0, 0, 1, 1], [], []>, transpose_lhs_hint = false} : vector<2048x32xf32>, vector<32x128xf32>, vector<2048x128xf32> -> vector<2048x128xf32>
    %add3A_69 = arith.addf %add3A_56, %dot_general3A_68 : vector<2048x128xf32>
    %get3A_70 = arith.constant 2 : index
    %get3A_71 = arith.constant 0 : index
    %get3A_72 = arith.constant 0 : index
    %get3A_73 = vector.load %arg3[%get3A_70, %get3A_71, %get3A_72] : memref<4x2048x32xf32, #tpu.memory_space<vmem>>, vector<1x2048x32xf32>
    %get3A_74 = vector.shape_cast %get3A_73 : vector<1x2048x32xf32> to vector<2048x32xf32>
    %get3A_75 = arith.constant 2 : index
    %get3A_76 = arith.constant 0 : index
    %get3A_77 = arith.constant 0 : index
    %get3A_78 = vector.load %arg6[%get3A_75, %get3A_76, %get3A_77] : memref<4x32x128xf32, #tpu.memory_space<vmem>>, vector<1x32x128xf32>
    %get3A_79 = vector.shape_cast %get3A_78 : vector<1x32x128xf32> to vector<32x128xf32>
    %dot_general3A_80 = arith.constant dense<0.000000e+00> : vector<2048x128xf32>
    %dot_general3A_81 = tpu.matmul %get3A_74, %get3A_79, %dot_general3A_80 {dimension_numbers = #tpu.dot_dimension_numbers<[1], [0], [0], [1], [0, 0, 1, 1], [], []>, transpose_lhs_hint = false} : vector<2048x32xf32>, vector<32x128xf32>, vector<2048x128xf32> -> vector<2048x128xf32>
    %add3A_82 = arith.addf %add3A_69, %dot_general3A_81 : vector<2048x128xf32>
    %get3A_83 = arith.constant 3 : index
    %get3A_84 = arith.constant 0 : index
    %get3A_85 = arith.constant 0 : index
    %get3A_86 = vector.load %arg2[%get3A_83, %get3A_84, %get3A_85] : memref<4x2048x32xf32, #tpu.memory_space<vmem>>, vector<1x2048x32xf32>
    %get3A_87 = vector.shape_cast %get3A_86 : vector<1x2048x32xf32> to vector<2048x32xf32>
    %get3A_88 = arith.constant 3 : index
    %get3A_89 = arith.constant 0 : index
    %get3A_90 = arith.constant 0 : index
    %get3A_91 = vector.load %arg5[%get3A_88, %get3A_89, %get3A_90] : memref<4x32x128xf32, #tpu.memory_space<vmem>>, vector<1x32x128xf32>
    %get3A_92 = vector.shape_cast %get3A_91 : vector<1x32x128xf32> to vector<32x128xf32>
    %dot_general3A_93 = arith.constant dense<0.000000e+00> : vector<2048x128xf32>
    %dot_general3A_94 = tpu.matmul %get3A_87, %get3A_92, %dot_general3A_93 {dimension_numbers = #tpu.dot_dimension_numbers<[1], [0], [0], [1], [0, 0, 1, 1], [], []>, transpose_lhs_hint = false} : vector<2048x32xf32>, vector<32x128xf32>, vector<2048x128xf32> -> vector<2048x128xf32>
    %add3A_95 = arith.addf %add3A_82, %dot_general3A_94 : vector<2048x128xf32>
    %get3A_96 = arith.constant 3 : index
    %get3A_97 = arith.constant 0 : index
    %get3A_98 = arith.constant 0 : index
    %get3A_99 = vector.load %arg3[%get3A_96, %get3A_97, %get3A_98] : memref<4x2048x32xf32, #tpu.memory_space<vmem>>, vector<1x2048x32xf32>
    %get3A_100 = vector.shape_cast %get3A_99 : vector<1x2048x32xf32> to vector<2048x32xf32>
    %get3A_101 = arith.constant 3 : index
    %get3A_102 = arith.constant 0 : index
    %get3A_103 = arith.constant 0 : index
    %get3A_104 = vector.load %arg6[%get3A_101, %get3A_102, %get3A_103] : memref<4x32x128xf32, #tpu.memory_space<vmem>>, vector<1x32x128xf32>
    %get3A_105 = vector.shape_cast %get3A_104 : vector<1x32x128xf32> to vector<32x128xf32>
    %dot_general3A_106 = arith.constant dense<0.000000e+00> : vector<2048x128xf32>
    %dot_general3A_107 = tpu.matmul %get3A_100, %get3A_105, %dot_general3A_106 {dimension_numbers = #tpu.dot_dimension_numbers<[1], [0], [0], [1], [0, 0, 1, 1], [], []>, transpose_lhs_hint = false} : vector<2048x32xf32>, vector<32x128xf32>, vector<2048x128xf32> -> vector<2048x128xf32>
    %add3A_108 = arith.addf %add3A_95, %dot_general3A_107 : vector<2048x128xf32>
    %get3A_109 = arith.constant 0 : index
    %get3A_110 = arith.constant 0 : index
    %get3A_111 = vector.load %arg7[%get3A_109, %get3A_110] : memref<1x128xf32, #tpu.memory_space<vmem>>, vector<1x128xf32>
    %add3A_112 = vector.broadcast %get3A_111 : vector<1x128xf32> to vector<2048x128xf32>
    %add3A_113 = arith.addf %add3A_108, %add3A_112 : vector<2048x128xf32>
    %swap3A = arith.constant 0 : index
    %swap3A_114 = arith.constant 0 : index
    %swap3A_115 = vector.load %arg8[%swap3A, %swap3A_114] : memref<2048x128xf32, #tpu.memory_space<vmem>>, vector<2048x128xf32>
    tpu.vector_store %arg8[%swap3A, %swap3A_114], %add3A_113 {strides = array<i32>} : memref<2048x128xf32, #tpu.memory_space<vmem>>, vector<2048x128xf32>,
    %eq3A = arith.constant 0 : i32
    %eq3A_116 = arith.cmpi eq, %arg0, %eq3A : i32
    %convert_element_type3A = arith.extui %eq3A_116 : i1 to i32
    %cond3A = arith.constant 0 : i32
    %cond3A_117 = arith.cmpi ne, %convert_element_type3A, %cond3A : i32
    scf.if %cond3A_117 {
      %broadcast_in_dim3A_136 = arith.constant 0.000000e+00 : f32
      %broadcast_in_dim3A_137 = vector.broadcast %broadcast_in_dim3A_136 : f32 to vector<1x128xf32>
      %swap3A_138 = arith.constant 0 : index
      %swap3A_139 = arith.constant 0 : index
      %swap3A_140 = vector.load %arg9[%swap3A_138, %swap3A_139] : memref<1x128xf32, #tpu.memory_space<vmem>>, vector<1x128xf32>
      tpu.vector_store %arg9[%swap3A_138, %swap3A_139], %broadcast_in_dim3A_137 {strides = array<i32>} : memref<1x128xf32, #tpu.memory_space<vmem>>, vector<1x128xf32>,
      %broadcast_in_dim3A_141 = arith.constant 0.000000e+00 : f32
      %broadcast_in_dim3A_142 = vector.broadcast %broadcast_in_dim3A_141 : f32 to vector<1x128xf32>
      %swap3A_143 = arith.constant 0 : index
      %swap3A_144 = arith.constant 0 : index
      %swap3A_145 = vector.load %arg10[%swap3A_143, %swap3A_144] : memref<1x128xf32, #tpu.memory_space<vmem>>, vector<1x128xf32>
      tpu.vector_store %arg10[%swap3A_143, %swap3A_144], %broadcast_in_dim3A_142 {strides = array<i32>} : memref<1x128xf32, #tpu.memory_space<vmem>>, vector<1x128xf32>,
    } else {
    }
    %get3A_118 = arith.constant 0 : index
    %get3A_119 = arith.constant 0 : index
    %get3A_120 = vector.load %arg9[%get3A_118, %get3A_119] : memref<1x128xf32, #tpu.memory_space<vmem>>, vector<1x128xf32>
    %reduce_sum3A = arith.constant dense<0.000000e+00> : vector<128xf32>
    %reduce_sum3A_121 = vector.multi_reduction <add>, %add3A_113, %reduce_sum3A [0] : vector<2048x128xf32> to vector<128xf32>
    %broadcast_in_dim3A = vector.shape_cast %reduce_sum3A_121 : vector<128xf32> to vector<1x128xf32>
    %add3A_122 = arith.addf %get3A_120, %broadcast_in_dim3A : vector<1x128xf32>
    %swap3A_123 = arith.constant 0 : index
    %swap3A_124 = arith.constant 0 : index
    %swap3A_125 = vector.load %arg9[%swap3A_123, %swap3A_124] : memref<1x128xf32, #tpu.memory_space<vmem>>, vector<1x128xf32>
    tpu.vector_store %arg9[%swap3A_123, %swap3A_124], %add3A_122 {strides = array<i32>} : memref<1x128xf32, #tpu.memory_space<vmem>>, vector<1x128xf32>,
    %get3A_126 = arith.constant 0 : index
    %get3A_127 = arith.constant 0 : index
    %get3A_128 = vector.load %arg10[%get3A_126, %get3A_127] : memref<1x128xf32, #tpu.memory_space<vmem>>, vector<1x128xf32>
    %mul3A = arith.mulf %add3A_113, %add3A_113 : vector<2048x128xf32>
    %reduce_sum3A_129 = arith.constant dense<0.000000e+00> : vector<128xf32>
    %reduce_sum3A_130 = vector.multi_reduction <add>, %mul3A, %reduce_sum3A_129 [0] : vector<2048x128xf32> to vector<128xf32>
    %broadcast_in_dim3A_131 = vector.shape_cast %reduce_sum3A_130 : vector<128xf32> to vector<1x128xf32>
    %add3A_132 = arith.addf %get3A_128, %broadcast_in_dim3A_131 : vector<1x128xf32>
    %swap3A_133 = arith.constant 0 : index
    %swap3A_134 = arith.constant 0 : index
    %swap3A_135 = vector.load %arg10[%swap3A_133, %swap3A_134] : memref<1x128xf32, #tpu.memory_space<vmem>>, vector<1x128xf32>
    tpu.vector_store %arg10[%swap3A_133, %swap3A_134], %add3A_132 {strides = array<i32>} : memref<1x128xf32, #tpu.memory_space<vmem>>, vector<1x128xf32>,
    return
  }
  func.func @transform_0(%arg0: i32) -> (i32, i32) {
    %c0_i32 = arith.constant 0 : i32
    %c0_i32_0 = arith.constant 0 : i32
    return %arg0, %c0_i32 : i32, i32
  }
  func.func @transform_1(%arg0: i32) -> (i32, i32, i32) {
    %c0_i32 = arith.constant 0 : i32
    %c0_i32_0 = arith.constant 0 : i32
    %c0_i32_1 = arith.constant 0 : i32
    return %c0_i32, %arg0, %c0_i32_0 : i32, i32, i32
  }
  func.func @transform_2(%arg0: i32) -> (i32, i32, i32) {
    %c0_i32 = arith.constant 0 : i32
    %c0_i32_0 = arith.constant 0 : i32
    %c0_i32_1 = arith.constant 0 : i32
    return %c0_i32, %arg0, %c0_i32_0 : i32, i32, i32
  }
  func.func @transform_3(%arg0: i32) -> (i32, i32) {
    %c0_i32 = arith.constant 0 : i32
    %c0_i32_0 = arith.constant 0 : i32
    %c0_i32_1 = arith.constant 0 : i32
    return %c0_i32, %c0_i32_0 : i32, i32
  }
  func.func @transform_4(%arg0: i32) -> (i32, i32, i32) {
    %c0_i32 = arith.constant 0 : i32
    %c0_i32_0 = arith.constant 0 : i32
    %c0_i32_1 = arith.constant 0 : i32
    %c0_i32_2 = arith.constant 0 : i32
    return %c0_i32, %c0_i32_0, %c0_i32_1 : i32, i32, i32
  }
  func.func @transform_5(%arg0: i32) -> (i32, i32, i32) {
    %c0_i32 = arith.constant 0 : i32
    %c0_i32_0 = arith.constant 0 : i32
    %c0_i32_1 = arith.constant 0 : i32
    %c0_i32_2 = arith.constant 0 : i32
    return %c0_i32, %c0_i32_0, %c0_i32_1 : i32, i32, i32
  }
  func.func @transform_6(%arg0: i32) -> (i32, i32) {
    %c0_i32 = arith.constant 0 : i32
    %c0_i32_0 = arith.constant 0 : i32
    %c0_i32_1 = arith.constant 0 : i32
    return %c0_i32, %c0_i32_0 : i32, i32
  }
  func.func @transform_7(%arg0: i32) -> (i32, i32) {
    %c0_i32 = arith.constant 0 : i32
    %c0_i32_0 = arith.constant 0 : i32
    return %arg0, %c0_i32 : i32, i32
  }
  func.func @transform_8(%arg0: i32) -> (i32, i32) {
    %c0_i32 = arith.constant 0 : i32
    %c0_i32_0 = arith.constant 0 : i32
    %c0_i32_1 = arith.constant 0 : i32
    return %c0_i32, %c0_i32_0 : i32, i32
  }
  func.func @transform_9(%arg0: i32) -> (i32, i32) {
    %c0_i32 = arith.constant 0 : i32
    %c0_i32_0 = arith.constant 0 : i32
    %c0_i32_1 = arith.constant 0 : i32
    return %c0_i32, %c0_i32_0 : i32, i32
  }
}

module attributes {stable_mosaic.version = 14 : i64} {
  func.func @_gn_body(%arg0: i32, %arg1: memref<2048x128xf32, #tpu.memory_space<vmem>>, %arg2: memref<1x128xf32, #tpu.memory_space<vmem>>, %arg3: memref<1x128xf32, #tpu.memory_space<vmem>>, %arg4: memref<1x128xf32, #tpu.memory_space<vmem>>, %arg5: memref<1x128xf32, #tpu.memory_space<vmem>>, %arg6: memref<2048x128xf32, #tpu.memory_space<vmem>>) attributes {dimension_semantics = [#tpu.dimension_semantics<arbitrary>], iteration_bounds = array<i64: 24>, scalar_prefetch = 0 : i64, scratch_operands = 0 : i64, tpu.core_type = #tpu.core_type<tc>, window_params = [{transform_indices = @transform_0, window_bounds = array<i64: 2048, 128>}, {pipeline_mode = #tpu.pipeline_mode<synchronous>, transform_indices = @transform_1, window_bounds = array<i64: 1, 128>}, {pipeline_mode = #tpu.pipeline_mode<synchronous>, transform_indices = @transform_2, window_bounds = array<i64: 1, 128>}, {pipeline_mode = #tpu.pipeline_mode<synchronous>, transform_indices = @transform_3, window_bounds = array<i64: 1, 128>}, {pipeline_mode = #tpu.pipeline_mode<synchronous>, transform_indices = @transform_4, window_bounds = array<i64: 1, 128>}, {transform_indices = @transform_5, window_bounds = array<i64: 2048, 128>}]} {
    %iota3A = tpu.iota {dimensions = array<i32: 0>} : vector<128x128xi32>
    %jit3A = arith.constant 8 : i32
    %div3A = vector.broadcast %jit3A : i32 to vector<128x128xi32>
    %div3A_0 = arith.divsi %iota3A, %div3A : vector<128x128xi32>
    %sign3A = arith.constant 0 : i32
    %sign3A_1 = vector.broadcast %sign3A : i32 to vector<128x128xi32>
    %sign3A_2 = arith.cmpi sgt, %iota3A, %sign3A_1 : vector<128x128xi32>
    %sign3A_3 = arith.extui %sign3A_2 : vector<128x128xi1> to vector<128x128xi32>
    %sign3A_4 = arith.constant 0 : i32
    %sign3A_5 = vector.broadcast %sign3A_4 : i32 to vector<128x128xi32>
    %sign3A_6 = arith.cmpi slt, %iota3A, %sign3A_5 : vector<128x128xi32>
    %sign3A_7 = arith.extui %sign3A_6 : vector<128x128xi1> to vector<128x128xi32>
    %sign3A_8 = arith.subi %sign3A_3, %sign3A_7 : vector<128x128xi32>
    %sign3A_9 = arith.constant 0 : i32
    %sign3A_10 = arith.cmpi sgt, %jit3A, %sign3A_9 : i32
    %sign3A_11 = arith.extui %sign3A_10 : i1 to i32
    %sign3A_12 = arith.constant 0 : i32
    %sign3A_13 = arith.cmpi slt, %jit3A, %sign3A_12 : i32
    %sign3A_14 = arith.extui %sign3A_13 : i1 to i32
    %sign3A_15 = arith.subi %sign3A_11, %sign3A_14 : i32
    %ne3A = vector.broadcast %sign3A_15 : i32 to vector<128x128xi32>
    %ne3A_16 = arith.cmpi ne, %sign3A_8, %ne3A : vector<128x128xi32>
    %rem3A = vector.broadcast %jit3A : i32 to vector<128x128xi32>
    %rem3A_17 = arith.remsi %iota3A, %rem3A : vector<128x128xi32>
    %ne3A_18 = arith.constant 0 : i32
    %ne3A_19 = vector.broadcast %ne3A_18 : i32 to vector<128x128xi32>
    %ne3A_20 = arith.cmpi ne, %rem3A_17, %ne3A_19 : vector<128x128xi32>
    %and3A = arith.andi %ne3A_16, %ne3A_20 : vector<128x128xi1>
    %sub3A = arith.constant 1 : i32
    %sub3A_21 = vector.broadcast %sub3A : i32 to vector<128x128xi32>
    %sub3A_22 = arith.subi %div3A_0, %sub3A_21 : vector<128x128xi32>
    %select_n3A = arith.select %and3A, %sub3A_22, %div3A_0 : vector<128x128xi1>, vector<128x128xi32>
    %iota3A_23 = tpu.iota {dimensions = array<i32: 1>} : vector<128x128xi32>
    %jit3A_24 = arith.constant 8 : i32
    %div3A_25 = vector.broadcast %jit3A_24 : i32 to vector<128x128xi32>
    %div3A_26 = arith.divsi %iota3A_23, %div3A_25 : vector<128x128xi32>
    %sign3A_27 = arith.constant 0 : i32
    %sign3A_28 = vector.broadcast %sign3A_27 : i32 to vector<128x128xi32>
    %sign3A_29 = arith.cmpi sgt, %iota3A_23, %sign3A_28 : vector<128x128xi32>
    %sign3A_30 = arith.extui %sign3A_29 : vector<128x128xi1> to vector<128x128xi32>
    %sign3A_31 = arith.constant 0 : i32
    %sign3A_32 = vector.broadcast %sign3A_31 : i32 to vector<128x128xi32>
    %sign3A_33 = arith.cmpi slt, %iota3A_23, %sign3A_32 : vector<128x128xi32>
    %sign3A_34 = arith.extui %sign3A_33 : vector<128x128xi1> to vector<128x128xi32>
    %sign3A_35 = arith.subi %sign3A_30, %sign3A_34 : vector<128x128xi32>
    %sign3A_36 = arith.constant 0 : i32
    %sign3A_37 = arith.cmpi sgt, %jit3A_24, %sign3A_36 : i32
    %sign3A_38 = arith.extui %sign3A_37 : i1 to i32
    %sign3A_39 = arith.constant 0 : i32
    %sign3A_40 = arith.cmpi slt, %jit3A_24, %sign3A_39 : i32
    %sign3A_41 = arith.extui %sign3A_40 : i1 to i32
    %sign3A_42 = arith.subi %sign3A_38, %sign3A_41 : i32
    %ne3A_43 = vector.broadcast %sign3A_42 : i32 to vector<128x128xi32>
    %ne3A_44 = arith.cmpi ne, %sign3A_35, %ne3A_43 : vector<128x128xi32>
    %rem3A_45 = vector.broadcast %jit3A_24 : i32 to vector<128x128xi32>
    %rem3A_46 = arith.remsi %iota3A_23, %rem3A_45 : vector<128x128xi32>
    %ne3A_47 = arith.constant 0 : i32
    %ne3A_48 = vector.broadcast %ne3A_47 : i32 to vector<128x128xi32>
    %ne3A_49 = arith.cmpi ne, %rem3A_46, %ne3A_48 : vector<128x128xi32>
    %and3A_50 = arith.andi %ne3A_44, %ne3A_49 : vector<128x128xi1>
    %sub3A_51 = arith.constant 1 : i32
    %sub3A_52 = vector.broadcast %sub3A_51 : i32 to vector<128x128xi32>
    %sub3A_53 = arith.subi %div3A_26, %sub3A_52 : vector<128x128xi32>
    %select_n3A_54 = arith.select %and3A_50, %sub3A_53, %div3A_26 : vector<128x128xi1>, vector<128x128xi32>
    %eq3A = arith.cmpi eq, %select_n3A, %select_n3A_54 : vector<128x128xi32>
    %convert_element_type3A = arith.extui %eq3A : vector<128x128xi1> to vector<128x128xi32>
    %convert_element_type3A_55 = arith.sitofp %convert_element_type3A : vector<128x128xi32> to vector<128x128xf32>
    %get3A = arith.constant 0 : index
    %get3A_56 = arith.constant 0 : index
    %get3A_57 = vector.load %arg2[%get3A, %get3A_56] : memref<1x128xf32, #tpu.memory_space<vmem>>, vector<1x128xf32>
    %dot_general3A = arith.constant dense<0.000000e+00> : vector<1x128xf32>
    %dot_general3A_58 = tpu.matmul %get3A_57, %convert_element_type3A_55, %dot_general3A {dimension_numbers = #tpu.dot_dimension_numbers<[1], [0], [0], [1], [0, 0, 1, 1], [], []>, transpose_lhs_hint = false} : vector<1x128xf32>, vector<128x128xf32>, vector<1x128xf32> -> vector<1x128xf32>
    %get3A_59 = arith.constant 0 : index
    %get3A_60 = arith.constant 0 : index
    %get3A_61 = vector.load %arg3[%get3A_59, %get3A_60] : memref<1x128xf32, #tpu.memory_space<vmem>>, vector<1x128xf32>
    %dot_general3A_62 = arith.constant dense<0.000000e+00> : vector<1x128xf32>
    %dot_general3A_63 = tpu.matmul %get3A_61, %convert_element_type3A_55, %dot_general3A_62 {dimension_numbers = #tpu.dot_dimension_numbers<[1], [0], [0], [1], [0, 0, 1, 1], [], []>, transpose_lhs_hint = false} : vector<1x128xf32>, vector<128x128xf32>, vector<1x128xf32> -> vector<1x128xf32>
    %div3A_64 = arith.constant 3.932160e+05 : f32
    %div3A_65 = vector.broadcast %div3A_64 : f32 to vector<1x128xf32>
    %div3A_66 = arith.divf %dot_general3A_58, %div3A_65 : vector<1x128xf32>
    %div3A_67 = arith.constant 3.932160e+05 : f32
    %div3A_68 = vector.broadcast %div3A_67 : f32 to vector<1x128xf32>
    %div3A_69 = arith.divf %dot_general3A_63, %div3A_68 : vector<1x128xf32>
    %mul3A = arith.mulf %div3A_66, %div3A_66 : vector<1x128xf32>
    %sub3A_70 = arith.subf %div3A_69, %mul3A : vector<1x128xf32>
    %add3A = arith.constant 9.99999974E-6 : f32
    %add3A_71 = vector.broadcast %add3A : f32 to vector<1x128xf32>
    %add3A_72 = arith.addf %sub3A_70, %add3A_71 : vector<1x128xf32>
    %rsqrt3A = math.rsqrt %add3A_72 : vector<1x128xf32>
    %get3A_73 = arith.constant 0 : index
    %get3A_74 = arith.constant 0 : index
    %get3A_75 = vector.load %arg4[%get3A_73, %get3A_74] : memref<1x128xf32, #tpu.memory_space<vmem>>, vector<1x128xf32>
    %mul3A_76 = arith.mulf %rsqrt3A, %get3A_75 : vector<1x128xf32>
    %get3A_77 = arith.constant 0 : index
    %get3A_78 = arith.constant 0 : index
    %get3A_79 = vector.load %arg5[%get3A_77, %get3A_78] : memref<1x128xf32, #tpu.memory_space<vmem>>, vector<1x128xf32>
    %mul3A_80 = arith.mulf %div3A_66, %mul3A_76 : vector<1x128xf32>
    %sub3A_81 = arith.subf %get3A_79, %mul3A_80 : vector<1x128xf32>
    %get3A_82 = arith.constant 0 : index
    %get3A_83 = arith.constant 0 : index
    %get3A_84 = vector.load %arg1[%get3A_82, %get3A_83] : memref<2048x128xf32, #tpu.memory_space<vmem>>, vector<2048x128xf32>
    %mul3A_85 = vector.broadcast %mul3A_76 : vector<1x128xf32> to vector<2048x128xf32>
    %mul3A_86 = arith.mulf %get3A_84, %mul3A_85 : vector<2048x128xf32>
    %add3A_87 = vector.broadcast %sub3A_81 : vector<1x128xf32> to vector<2048x128xf32>
    %add3A_88 = arith.addf %mul3A_86, %add3A_87 : vector<2048x128xf32>
    %max3A = arith.constant 0.000000e+00 : f32
    %max3A_89 = vector.broadcast %max3A : f32 to vector<2048x128xf32>
    %max3A_90 = arith.maximumf %add3A_88, %max3A_89 : vector<2048x128xf32>
    %swap3A = arith.constant 0 : index
    %swap3A_91 = arith.constant 0 : index
    %swap3A_92 = vector.load %arg6[%swap3A, %swap3A_91] : memref<2048x128xf32, #tpu.memory_space<vmem>>, vector<2048x128xf32>
    tpu.vector_store %arg6[%swap3A, %swap3A_91], %max3A_90 {strides = array<i32>} : memref<2048x128xf32, #tpu.memory_space<vmem>>, vector<2048x128xf32>,
    return
  }
  func.func @transform_0(%arg0: i32) -> (i32, i32) {
    %c0_i32 = arith.constant 0 : i32
    %c0_i32_0 = arith.constant 0 : i32
    return %arg0, %c0_i32 : i32, i32
  }
  func.func @transform_1(%arg0: i32) -> (i32, i32) {
    %c0_i32 = arith.constant 0 : i32
    %c0_i32_0 = arith.constant 0 : i32
    %c0_i32_1 = arith.constant 0 : i32
    return %c0_i32, %c0_i32_0 : i32, i32
  }
  func.func @transform_2(%arg0: i32) -> (i32, i32) {
    %c0_i32 = arith.constant 0 : i32
    %c0_i32_0 = arith.constant 0 : i32
    %c0_i32_1 = arith.constant 0 : i32
    return %c0_i32, %c0_i32_0 : i32, i32
  }
  func.func @transform_3(%arg0: i32) -> (i32, i32) {
    %c0_i32 = arith.constant 0 : i32
    %c0_i32_0 = arith.constant 0 : i32
    %c0_i32_1 = arith.constant 0 : i32
    return %c0_i32, %c0_i32_0 : i32, i32
  }
  func.func @transform_4(%arg0: i32) -> (i32, i32) {
    %c0_i32 = arith.constant 0 : i32
    %c0_i32_0 = arith.constant 0 : i32
    %c0_i32_1 = arith.constant 0 : i32
    return %c0_i32, %c0_i32_0 : i32, i32
  }
  func.func @transform_5(%arg0: i32) -> (i32, i32) {
    %c0_i32 = arith.constant 0 : i32
    %c0_i32_0 = arith.constant 0 : i32
    return %arg0, %c0_i32 : i32, i32
  }
}

</mosaic_0001>

<sc_bundles>
// kernel: kernel.6.cloned.1.call-start
scs
__scs_entry_jumppad:
0x0: {  	(pc) =	sbr.rel $0x88, $3  }
0x1: {  	(tag) =	ssettag $0x0;
	lr =	simm.s32 $0x1  }
0x2: {  	[smem:$0x3F9A] =	sst lr;
	_ =	strace $0xD0000000  }
0x3: {  	_ = 	snop  }
0x4: {  	_ = 	snop  }
0x5: {  	_ = 	snop  }
0x6: {  	_ = 	snop  }
0x7: {  	_ = 	snop  }
__scs_overlays_trampoline_lowered:
0x8: {  	[smem:$0x3FA9] =	sst s0  }
0x9: {  	[smem:$0x3FAA] =	sst s1  }
0xa: {  	[smem:$0x3FAB] =	sst s2  }
0xb: {  	[smem:$0x3FAC] =	sst s3  }
0xc: {  	[smem:$0x3FAD] =	sst s4  }
0xd: {  	[smem:$0x3FAE] =	sst s5  }
0xe: {  	[smem:$0x3FAF] =	sst s6  }
0xf: {  	[smem:$0x3FB0] =	sst s7  }
0x10: {  	[smem:$0x3FB1] =	sst s8  }
0x11: {  	[smem:$0x3FB2] =	sst s9;
	s0 =	simm.s32 @!p0 $0x0  }
0x12: {  	s1 =	sld [smem:$0x3F98];
	s0 =	simm.s32 @p0 $0x1  }
0x13: {  	[smem:$0x3FB3] =	sst s0;
	s0 =	simm.s32 @!p1 $0x0  }
0x14: {  	s2 =	sld [smem:$0x3F97];
	s0 =	simm.s32 @p1 $0x1  }
0x15: {  	[smem:$0x3FB4] =	sst s0;
	s0 =	simm.s32 @!p2 $0x0  }
0x16: {  	s3 =	sld [smem:$0x3FDB];
	s0 =	simm.s32 @p2 $0x1  }
0x17: {  	s4 =	simm.s32 $0x1BF5;
	[smem:$0x3FB6] =	sst s0  }
0x18: {  	s0 =	sld [smem:$0x3F99];
	_ =	swait.ge [sflag:s4], $0x0  }
0x19: {  	s7 =	sld [smem:$0x3F9A]  }
0x1a: {  	s8 =	sadd.s32 $0xFFFFE003, lr  }
0x1b: {  	s9 =	sadd.s32 $0xFFFFFEF7, lr;
	s5 =	simm.s32 $0xFFFFFFFF;
	p2 =	slt.u32 s8, $0xFFFFF086  }
0x1c: {  	p1 =	slt.u32 s9, $0xF7A;
	s5 =	simm.s32 @!p2 $0x0  }
0x1d: {  	s5 =	simm.s32 @p1 $0x1;
	p0 =	seq.s32 s7, s2  }
0x1e: {  	s7 =	smul.u32 @!p0 $0xF7A, s2;
	p2 =	seq.s32 @!p0 s5, $0x0  }
0x1f: {  	s9 =	smul.u32 $0xF7A, s1;
	s8 =	simm.s32 @!p0 $0x1BF5;
	p2 =	por !p2, p0  }
0x20: {  	[sflag:s8] =	ssyncset.s32 @!p0 $0xFFFFF086;
	s6 =	sadd.s32 @!p0 s3, s7;
	s7 =	simm.s32 @!p0 $0x108  }
0x21: {  	s3 =	sadd.s32 s3, s9;
	s6 =	sadd.s32 @!p0 $0x88, s6;
	s7 =	simm.s32 @p2 $0x1082  }
0x22: {  	[simem:s7], [sflag:s8] =	dma.local @!p0 [hbm:s6], $0xF7A  }
0x23: {  	s9 =	sor.u32 $0xD0000000, s2;
	s6 =	simm.s32 $0x108;
	_ =	swait.ge @!p0 [sflag:s8], $0x0  }
0x24: {  	s3 =	sadd.s32 $0x88, s3;
	s6 =	simm.s32 @!p1 $0x1082;
	[sflag:s4] =	ssyncset.s32 $0xFFFFF086  }
0x25: {  	[simem:s6], [sflag:s4] =	dma.local [hbm:s3], $0xF7A  }
0x26: {  	[smem:$0x3F9A] =	sst s1;
	(tag) =	ssettag s2;
	_ =	strace s9  }
0x27: {  	s1 =	sld [smem:$0x3FAA]  }
0x28: {  	s2 =	sld [smem:$0x3FAB]  }
0x29: {  	s4 =	sld [smem:$0x3FAD]  }
0x2a: {  	p0 =	seq.s32 s5, $0x0;
	s5 =	sld [smem:$0x3FAE]  }
0x2b: {  	s6 =	sld [smem:$0x3FAF]  }
0x2c: {  	s7 =	sld [smem:$0x3FB0]  }
0x2d: {  	s3 =	simm.s32 $0x108;
	s8 =	sld [smem:$0x3FB1]  }
0x2e: {  	s3 =	simm.s32 @!p0 $0x1082;
	s9 =	sld [smem:$0x3FB2]  }
0x2f: {  	lr =	sadd.s32 s0, s3;
	s0 =	sld [smem:$0x3FA9]  }
0x30: {  	s3 =	sld [smem:$0x3FAC]  }
0x31: {  	[smem:$0x3FB5] =	sst s10  }
0x32: {  	s10 =	sld [smem:$0x3FB3];
	_ =	sdelay $0x3  }
0x33: {  	p0 =	seq.s32 s10, $0x1;
	s10 =	sld [smem:$0x3FB5];
	_ =	sdelay $0x3  }
0x34: {  	[smem:$0x3FB5] =	sst s10  }
0x35: {  	s10 =	sld [smem:$0x3FB4];
	_ =	sdelay $0x3  }
0x36: {  	p1 =	seq.s32 s10, $0x1;
	s10 =	sld [smem:$0x3FB5];
	_ =	sdelay $0x3  }
0x37: {  	[smem:$0x3FB5] =	sst s10  }
0x38: {  	s10 =	sld [smem:$0x3FB6]  }
0x39: {  	_ = 	snop;
	(pc) =	sbr.ind lr, $3  }
0x3a: {  	_ = 	snop  }
0x3b: {  	_ = 	snop  }
0x3c: {  	p2 =	seq.s32 s10, $0x1;
	s10 =	sld [smem:$0x3FB5]  }
0x3d: {  	_ =	shalt  }
0x3e: {  	_ =	shalt  }
0x3f: {  	_ =	shalt  }
0x40: {  	_ =	shalt  }
0x41: {  	_ =	shalt  }
0x42: {  	_ =	shalt  }
0x43: {  	_ =	shalt  }
0x44: {  	_ =	shalt  }
0x45: {  	_ =	shalt  }
0x46: {  	_ =	shalt  }
0x47: {  	_ =	shalt  }
0x48: {  	_ =	shalt  }
0x49: {  	_ =	shalt  }
0x4a: {  	_ =	shalt  }
0x4b: {  	_ =	shalt  }
0x4c: {  	_ =	shalt  }
0x4d: {  	_ =	shalt  }
0x4e: {  	_ =	shalt  }
0x4f: {  	_ =	shalt  }
0x50: {  	_ =	shalt  }
0x51: {  	_ =	shalt  }
0x52: {  	_ =	shalt  }
0x53: {  	_ =	shalt  }
0x54: {  	_ =	shalt  }
0x55: {  	_ =	shalt  }
0x56: {  	_ =	shalt  }
0x57: {  	_ =	shalt  }
0x58: {  	_ =	shalt  }
0x59: {  	_ =	shalt  }
0x5a: {  	_ =	shalt  }
0x5b: {  	_ =	shalt  }
0x5c: {  	_ =	shalt  }
0x5d: {  	_ =	shalt  }
0x5e: {  	_ =	shalt  }
0x5f: {  	_ =	shalt  }
0x60: {  	_ =	shalt  }
0x61: {  	_ =	shalt  }
0x62: {  	_ =	shalt  }
0x63: {  	_ =	shalt  }
0x64: {  	_ =	shalt  }
0x65: {  	_ =	shalt  }
0x66: {  	_ =	shalt  }
0x67: {  	_ =	shalt  }
0x68: {  	_ =	shalt  }
0x69: {  	_ =	shalt  }
0x6a: {  	_ =	shalt  }
0x6b: {  	_ =	shalt  }
0x6c: {  	_ =	shalt  }
0x6d: {  	_ =	shalt  }
0x6e: {  	_ =	shalt  }
0x6f: {  	_ =	shalt  }
0x70: {  	_ =	shalt  }
0x71: {  	_ =	shalt  }
0x72: {  	_ =	shalt  }
0x73: {  	_ =	shalt  }
0x74: {  	_ =	shalt  }
0x75: {  	_ =	shalt  }
0x76: {  	_ =	shalt  }
0x77: {  	_ =	shalt  }
0x78: {  	_ =	shalt  }
0x79: {  	_ =	shalt  }
0x7a: {  	_ =	shalt  }
0x7b: {  	_ =	shalt  }
0x7c: {  	_ =	shalt  }
0x7d: {  	_ =	shalt  }
0x7e: {  	_ =	shalt  }
0x7f: {  	_ =	shalt  }
0x80: {  	_ =	shalt  }
0x81: {  	_ =	shalt  }
0x82: {  	_ =	shalt  }
0x83: {  	_ =	shalt  }
0x84: {  	_ =	shalt  }
0x85: {  	_ =	shalt  }
0x86: {  	_ =	shalt  }
0x87: {  	_ =	shalt  }
.Lfunc_end0:
.L_simem_size_0:
called_computation_lowered:
.L_overlay_start_0:
0x88: {  	s2 =	sld [smem:$0x3FD9]  }
0x89: {  	s3 =	sld [smem:$0x3FFE];
	_ =	sdelay $0x1  }
0x8a: {  	s1 =	srdreg.scid  }
0x8b: {  	s0 =	sand.u32 $0x1, s1  }
0x8c: {  	s17 =	sshll.u32 s0, $0xA;
	s2 =	sadd.s32 s3, s2  }
0x8d: {  	s2 =	sadd.s32 s2, s17  }
0x8e: {  	[smem:$0x3FC1] =	sst s2  }
0x8f: {  	_ = 	snop  }
0x90: {  	s2 =	sld [smem:$0x3FC9]  }
0x91: {  	s18 =	sld [smem:$0x3FC7];
	(tm) =	ssettm $0x1  }
0x92: {  	s4 =	sld [smem:$0x3FFB];
	_ =	sdelay $0x3  }
0x93: {  	_ =	strace s4  }
0x94: {  	s4 =	sld [smem:$0x3FFC];
	_ =	sdelay $0x3  }
0x95: {  	_ =	strace s4  }
0x96: {  	s4 =	sld [smem:$0x3FFD];
	_ =	sdelay $0x3  }
0x97: {  	_ =	strace s4  }
0x98: {  	_ =	strace $0x8FFFFFFF  }
0x99: {  	s19 =	sld [smem:$0x3FDB];
	_ =	sdelay $0x1  }
0x9a: {  	s5 =	simm.s32 $_scs_section_size  }
0x9b: {  	s6 =	simm.s32 $_size__tile_overlayer_lowered;
	s7 =	simm.s32 $_tile_overlayer_lowered  }
0x9c: {  	s22 =	simm.s32 $0x1BFF;
	s21 =	sshll.u32 s7, $0x1;
	s4 =	sadd.s32 s5, s19  }
0x9d: {  	s8 =	simm.s32 $0x0;
	s20 =	sshll.u32 s6, $0x1;
	s6 =	sadd.s32 s21, s4  }
0x9e: {  	[timem:s8], [sflag:s22] =	dma.local [hbm:s6], s20  }
0x9f: {  	_ =	swait.ge [sflag:s22], s20  }
0xa0: {  	s5 =	ssub.s32 $0x0, s20;
	[sflag:s22] =	ssyncset.done $0x0  }
0xa1: {  	[sflag:s22] =	ssyncadd.s32 s5;
	_ =	sdelay $0x1  }
0xa2: {  	s23 =	simm.s32 $0x1B8B  }
0xa3: {  	_ =	swait.ge [sflag:s23], $0x1  }
0xa4: {  	[sflag:s23] =	ssyncset.done $0x0  }
0xa5: {  	s25 =	simm.s32 $0x1B8E;
	s24 =	sld [smem:$0x3FFE];
	[sflag:s23] =	ssyncadd.s32 $0xFFFFFFFF  }
0xa6: {  	s26 =	simm.s32 $execute0_lowered;
	[smem:$0x3FD2] =	sst s25  }
0xa7: {  	s6 =	sshll.u32 s26, $0x1;
	_ =	strace $0x80000046;
	[dreg:$0x1] =	wrdreg $0xFFFFFFFF  }
0xa8: {  	s28 =	simm.s32 $_size_execute0_lowered;
	s4 =	sadd.s32 s4, s6;
	[dreg:$0x0] =	wrdreg $0x0  }
0xa9: {  	s6 =	sshll.u32 s28, $0x1;
	[dreg:$0x2] =	wrdreg s4  }
0xaa: {  	[dreg:$0x3] =	wrdreg s6  }
0xab: {  	[dreg:$0x4] =	wrdreg $0xC0  }
0xac: {  	_ =	task [dreg:s8], $0x5FFFF  }
0xad: {  	[dreg:$0x1] =	wrdreg $0xFFFFFFFF  }
0xae: {  	[dreg:$0x0] =	wrdreg $0x60  }
0xaf: {  	[dreg:$0x2] =	wrdreg s2  }
0xb0: {  	[dreg:$0x3] =	wrdreg s24  }
0xb1: {  	[dreg:$0x4] =	wrdreg s18  }
0xb2: {  	[dreg:$0x5] =	wrdreg $0x48000  }
0xb3: {  	[dreg:$0x6] =	wrdreg $0x9  }
0xb4: {  	_ =	task.clear_ibuf [dreg:s8], $0x7FFFF;
	_ =	strace $0x90000046  }
0xb5: {  	s29 =	simm.s32 $0x9;
	_ =	strace $0x80000048  }
0xb6: {  	_ =	swait.ge [sflag:s29], $0x1  }
0xb7: {  	[sflag:s29] =	ssyncadd.s32 $0xFFFFFFFF  }
0xb8: {  	_ =	strace $0x90000048  }
0xb9: {  	_ =	sfence  }
0xba: {  	s30 =	sld [smem:$0x0];
	_ =	sdelay $0x2  }
0xbb: {  	s31 =	sshll.u32 s1, $0xD;
	s1 =	sshrl.u32 s1, $0x2  }
0xbc: {  	s3 =	sand.u32 $0x4000, s31;
	s1 =	sadd.s32 s1, s30  }
0xbd: {  	s0 =	sor.u32 s3, s0;
	s1 =	sshll.u32 s1, $0x11  }
0xbe: {  	s0 =	sor.u32 s1, s0  }
0xbf: {  	s0 =	sadd.s32 $0x8F2B, s0  }
0xc0: {  	[sflag:s0] =	ssyncadd.remote.s32 $0x1  }
0xc1: {  	_ =	sfence.sel $0xFFFF  }
0xc2: {  	[dreg:$0x0] =	wrdreg $0xFFFFFFFF;
	(pc) =	sbr.abs _section_cstart, $3  }
0xc3: {  	[dreg:$0x1] =	wrdreg $0xFFFFFFFF  }
0xc4: {  	_ =	task.clear_ibuf [dreg:s8], $0x2FFFF;
	_ =	strace $0x9FFFFFFF  }
0xc5: {  	(tm) =	ssettm $0x7FFFFFFF  }
tec
execute0_lowered:
.L_overlay_start_1:
0x0: {  	(tag) =	ssettag $0x1  }
0x1: {  	s1 =	rddreg [dreg:$0x0]  }
0x2: {  	s0 =	rddreg [dreg:$0x1]  }
0x3: {  	s2 =	rddreg [dreg:$0x2]  }
0x4: {  	s3 =	rddreg [dreg:$0x3];
	s4 =	simm.s32 $0x0  }
0x5: {  	s16 =	stileid.u32;
	s5 =	srdreg.scid;
	s17 =	simm.s32 $0x600  }
0x6: {  	s18 =	simm.s32 $0x200;
	s19 =	simm.s32 $0x800;
	s20 =	simm.s32 $0x1  }
0x7: {  	s21 =	simm.s32 $0x80;
	s22 =	simm.s32 $0x480;
	s23 =	simm.s32 $0x1800  }
0x8: {  	s24 =	simm.s32 $0x500;
	s26 =	simm.s32 $0x580;
	s28 =	simm.s32 $0x3800  }
0x9: {  	[smem:$0x7FF] =	sst s4;
	s6 =	sadd.s32 $0xF000, s0;
	s7 =	sadd.s32 $0x1800, s0  }
0xa: {  	s8 =	sadd.s32 $0x1C800, s0;
	s9 =	smul.u32 $0xC00, s16;
	s0 =	sadd.s32 $0x1F800, s0  }
0xb: {  	s5 =	sand.u32 $0x1, s5;
	s10 =	smul.u32 $0x60000, s16;
	s30 =	sshll.u32 s16, $0x6  }
0xc: {  	_ =	strace $0x80000047;
	s11 =	ssub.s32 $0x2, s5;
	s12 =	smul.u32 $0x18000, s5  }
0xd: {  	s25 =	sshllo.u32 s5, $0x1;
	s5 =	sshll.u32 s5, $0x1;
	s13 =	sshrl.u32 s11, $0x1  }
0xe: {  	s10 =	sshrl.u32 s10, $0x2;
	s14 =	smul.u32 $0xC000, s25;
	v1 =	vmov s25;
	s25 =	simm.s32 $0x2800  }
0xf: {  	s11 =	ssub.s32 s11, s13;
	s15 =	sadd.s32 s10, s3;
	s12 =	sadd.s32 s9, s12  }
0x10: {  	s10 =	smul.u32 $0x6C00, s16;
	s16 =	simm.s32 $0x400;
	s31 =	sadd.s32 s9, s14  }
0x11: {  	s9 =	sor.u32 $0x1C02, s30;
	s12 =	sshll.u32 s12, $0x2;
	s14 =	sshrl.u32 s15, $0x3  }
0x12: {  	s15 =	simm.s32 $0x2;
	s13 =	sshll.u32 s31, $0x2;
	s12 =	sadd.s32 s0, s12  }
0x13: {  	v0 =	vmov s5;
	[dreg:$0x5] =	wrdreg s12;
	s12 =	sadd.s32 s0, s13;
	s13 =	smax.u32 s11, $0x1  }
.LBB2_1:
0x14: {  	[spmem:s14], [sflag:s9] =	dma.local [hbm:s8], $0x3000  }
0x15: {  	_ =	swait.ge [sflag:s15], $0x3000  }
0x16: {  	[sflag:s15] =	ssyncset.done $0x0  }
0x17: {  	[sflag:s15] =	ssyncadd.s32 $0xFFFFD000  }
0x18: {  	s29 =	simm.s32 $0x0;
	[bflag:$0x0] =	sbarrier.arrive $0xFFFF  }
.LBB2_2:
0x19: {  	s0 =	sshll.u32 s29, $0x9  }
0x1a: {  	s0 =	sadd.s32 s10, s0  }
0x1b: {  	s0 =	sshrl.u32 s0, $0x3  }
0x1c: {  	s11 =	simm.s32 $0x0;
	s5 =	sadd.s32 s6, s0  }
0x1d: {  	[tilespmem:s11], [sflag:$0x2] =	stream.linear.gather [hbm4b:s5+s11], $0x200, $0x38;
	[tilespmem:$0x1C800] =	vst v63  }
0x1e: {  	_ =	swait.ge [sflag:s15], $0x200  }
0x1f: {  	[sflag:s15] =	ssyncset.done $0x0  }
0x20: {  	s31 =	sadd.s32 s7, s0;
	[sflag:s15] =	ssyncadd.s32 $0xFFFFFE00  }
0x21: {  	[tilespmem:s16], [sflag:$0x2] =	stream.linear.gather [hbm4b:s31+s11], $0x200, $0x38;
	[tilespmem:$0x1C800] =	vst v63  }
0x22: {  	_ =	swait.ge [sflag:s15], $0x200  }
0x23: {  	[sflag:s15] =	ssyncset.done $0x0  }
0x24: {  	s0 =	sadd.s32 s2, s0;
	[sflag:s15] =	ssyncadd.s32 $0xFFFFFE00  }
0x25: {  	[tilespmem:s17], [sflag:$0x2] =	stream.linear.gather [hbm4b:s0+s11], $0x200, $0x38;
	[tilespmem:$0x1C800] =	vst v63  }
0x26: {  	_ =	swait.ge [sflag:s15], $0x200  }
0x27: {  	[sflag:s15] =	ssyncset.done $0x0  }
0x28: {  	s0 =	simm.s32 $0x0;
	[sflag:s15] =	ssyncadd.s32 $0xFFFFFE00  }
0x29: {  	v2 =	vld [tilespmem:s0+$0x0]  }
0x2a: {  	s5 =	simm.s32 $0x40  }
.LBB2_3:
0x2b: {  	p0 =	sne.s32 s5, $0x7C0  }
.Ltmp0:
0x2c: {  	_ = 	snop;
	(pc) =	sbr.rel @p0 .LBB2_3-.Ltmp0, $4  }
0x2d: {  	_ = 	snop  }
0x2e: {  	s11 =	sshra.s32 s5, $0x2;
	s5 =	sadd.s32 $0x40, s5;
	v3 =	vshll.u32 v2, $0x2  }
0x2f: {  	v2 =	vld [tilespmem:s11+$0x0];
	v3 =	vor.u32 v0, v3  }
0x30: {  	[tilespmem:s0+$0x200] =	vst v3;
	s0 =	smov.u32 s11  }
0x31: {  	_ =	sdelay $0x2  }
0x32: {  	v2 =	vshll.u32 v2, $0x2  }
0x33: {  	v2 =	vor.u32 v0, v2  }
0x34: {  	[tilespmem:s0+$0x200] =	vst v2  }
0x35: {  	[tilespmem:s19], [sflag:$0x1] =	stream.indirect.gather [hbm4b:s1+s18], $0x20, s18, s18, $0xb8;
	[tilespmem:$0x1C800] =	vst v63  }
0x36: {  	_ =	swait.ge [sflag:s20], $0x4000  }
0x37: {  	[sflag:s20] =	ssyncset.done $0x0  }
0x38: {  	s30 =	simm.s32 $0x900;
	[sflag:s20] =	ssyncadd.s32 $0xFFFFC000  }
0x39: {  	v7 =	vld [tilespmem:s30+$0xFFFFFFA0]  }
0x3a: {  	v5 =	vld [tilespmem:s30+$0xFFFFFFF0]  }
0x3b: {  	v2 =	vld [tilespmem:s30+$0xFFFFFF60]  }
0x3c: {  	v8 =	vld [tilespmem:s30+$0xFFFFFFD0]  }
0x3d: {  	v9 =	vld [tilespmem:s30+$0x80]  }
0x3e: {  	v12 =	vld [tilespmem:s30+$0xFFFFFF10]  }
0x3f: {  	v16 =	vld [tilespmem:s30+$0xE0]  }
0x40: {  	v11 =	vld [tilespmem:s30+$0xFFFFFF40]  }
0x41: {  	s11 =	simm.s32 $0x0;
	v3 =	vld [tilespmem:s30+$0xFFFFFF90]  }
0x42: {  	v4 =	vld [tilespmem:s11+$0x600]  }
0x43: {  	v10 =	vld [tilespmem:s30+$0xFFFFFFC0]  }
0x44: {  	v13 =	vld [tilespmem:s30+$0xFFFFFF00]  }
0x45: {  	v14 =	vld [tilespmem:s30+$0xD0]  }
0x46: {  	v23 =	vld [tilespmem:s30+$0xC0]  }
0x47: {  	v21 =	vld [tilespmem:s30+$0x90];
	v19 =	vbroadcast v4, $0x0;
	v6 =	vbroadcast v4, $0xF  }
0x48: {  	v22 =	vld [tilespmem:s30+$0xFFFFFF50];
	v20 =	vbroadcast v4, $0x2;
	v18 =	vbroadcast v4, $0xE  }
0x49: {  	v17 =	vld [tilespmem:s30+$0xB0];
	v15 =	vbroadcast v4, $0xC;
	v25 =	vmul.f32 v19, v13  }
0x4a: {  	s31 =	simm.s32 $0x40;
	s0 =	simm.s32 $0x900;
	v13 =	vbroadcast v4, $0xD;
	v24 =	vmul.f32 v11, v20;
	v11 =	vld [tilespmem:s30+$0x60]  }
.LBB2_5:
0x4b: {  	p0 =	sne.s32 s31, $0x7C0  }
0x4c: {  	[tilespmem:s30+$0xFFFFFF00] =	vst v25;
	v25 =	vld [tilespmem:s30+$0xFFFFFFB0];
	v23 =	vmul.f32 v23, v18;
	v16 =	vmul.f32 v16, v6;
	s0 =	sadd.s32 $0x200, s0;
	s5 =	smov.u32 s31;
	s31 =	sadd.s32 $0x40, s31  }
0x4d: {  	[tilespmem:s30+$0xFFFFFF40] =	vst v24;
	v24 =	vbroadcast v4, $0xA;
	v21 =	vmul.f32 v21, v15;
	v26 =	vld [tilespmem:s30+$0xA0]  }
0x4e: {  	v12 =	vmul.f32 v12, v19;
	v19 =	vmul.f32 v22, v20;
	v20 =	vld [tilespmem:s30+$0x70];
	[tilespmem:s30+$0xE0] =	vst v16  }
0x4f: {  	v16 =	vbroadcast v4, $0x5;
	v22 =	vld [tilespmem:s30+$0xFFFFFFE0];
	v17 =	vmul.f32 v17, v13;
	[tilespmem:s30+$0xC0] =	vst v23  }
0x50: {  	v14 =	vmul.f32 v14, v18;
	[tilespmem:s30+$0xFFFFFF10] =	vst v12;
	v12 =	vbroadcast v4, $0x6;
	v23 =	vld [tilespmem:s30+$0x40]  }
0x51: {  	v27 =	vbroadcast v4, $0xB;
	v7 =	vmul.f32 v7, v16;
	v18 =	vld [tilespmem:s30+$0xFFFFFF20];
	[tilespmem:s30+$0x90] =	vst v21  }
0x52: {  	v21 =	vbroadcast v4, $0x9;
	[tilespmem:s30+$0xFFFFFF50] =	vst v19;
	v19 =	vld [tilespmem:s30+$0x20];
	v13 =	vmul.f32 v26, v13  }
0x53: {  	v16 =	vmul.f32 v25, v16;
	v25 =	vld [tilespmem:s30+$0x50];
	v20 =	vmul.f32 v20, v27;
	[tilespmem:s30+$0xD0] =	vst v14  }
0x54: {  	v9 =	vmul.f32 v9, v15;
	v14 =	vbroadcast v4, $0x7;
	v26 =	vld [tilespmem:s30+$0x30];
	[tilespmem:s30+$0xA0] =	vst v13  }
0x55: {  	v10 =	vmul.f32 v10, v12;
	v13 =	vbroadcast v4, $0x3;
	v15 =	vld [tilespmem:s30+$0x0];
	[tilespmem:s30+$0x70] =	vst v20  }
0x56: {  	v11 =	vmul.f32 v11, v27;
	v8 =	vmul.f32 v8, v12;
	v12 =	vld [tilespmem:s30+$0x10];
	[tilespmem:s30+$0x80] =	vst v9  }
0x57: {  	v20 =	vbroadcast v4, $0x8;
	v23 =	vmul.f32 v23, v24;
	v9 =	vld [tilespmem:s30+$0xFFFFFF30];
	[tilespmem:s30+$0xB0] =	vst v17  }
0x58: {  	v17 =	vbroadcast v4, $0x1;
	v27 =	vld [tilespmem:s30+$0xFFFFFF70];
	[tilespmem:s30+$0xFFFFFFD0] =	vst v8;
	v24 =	vmul.f32 v25, v24  }
0x59: {  	v5 =	vmul.f32 v5, v14;
	v8 =	vmul.f32 v22, v14;
	[tilespmem:s30+$0xFFFFFFC0] =	vst v10;
	v10 =	vld [tilespmem:s30+$0xF0]  }
0x5a: {  	v22 =	vmul.f32 v26, v21;
	v14 =	vld [tilespmem:s30+$0xFFFFFF80];
	[tilespmem:s30+$0xFFFFFFA0] =	vst v7;
	v15 =	vmul.f32 v15, v20  }
0x5b: {  	v7 =	vld [tilespmem:s0+$0xFFFFFFA0];
	[tilespmem:s30+$0xFFFFFFF0] =	vst v5;
	v20 =	vmul.f32 v12, v20;
	v12 =	vmul.f32 v19, v21  }
0x5c: {  	v5 =	vmul.f32 v18, v17;
	v17 =	vmul.f32 v9, v17;
	[tilespmem:s30+$0x60] =	vst v11  }
0x5d: {  	v2 =	vmul.f32 v2, v13;
	v9 =	vmul.f32 v27, v13;
	[tilespmem:s30+$0xFFFFFFB0] =	vst v16  }
0x5e: {  	v4 =	vbroadcast v4, $0x4;
	[tilespmem:s30+$0xFFFFFF20] =	vst v5;
	v5 =	vmul.f32 v10, v6  }
0x5f: {  	[tilespmem:s30+$0xFFFFFF60] =	vst v2  }
0x60: {  	v6 =	vmul.f32 v14, v4;
	v2 =	vmul.f32 v3, v4;
	[tilespmem:s30+$0x40] =	vst v23  }
0x61: {  	[tilespmem:s30+$0xFFFFFFE0] =	vst v8  }
0x62: {  	[tilespmem:s30+$0xF0] =	vst v5  }
0x63: {  	[tilespmem:s30+$0xFFFFFF90] =	vst v2  }
0x64: {  	v5 =	vld [tilespmem:s0+$0xFFFFFFF0];
	[tilespmem:s30+$0xFFFFFF70] =	vst v9  }
0x65: {  	v2 =	vld [tilespmem:s0+$0xFFFFFF60];
	[tilespmem:s30+$0x20] =	vst v12  }
0x66: {  	v8 =	vld [tilespmem:s0+$0xFFFFFFD0];
	[tilespmem:s30+$0x30] =	vst v22  }
0x67: {  	v9 =	vld [tilespmem:s0+$0x80];
	[tilespmem:s30+$0xFFFFFF80] =	vst v6  }
0x68: {  	v12 =	vld [tilespmem:s0+$0xFFFFFF10];
	[tilespmem:s30+$0x50] =	vst v24  }
0x69: {  	v16 =	vld [tilespmem:s0+$0xE0];
	[tilespmem:s30+$0x0] =	vst v15  }
0x6a: {  	v11 =	vld [tilespmem:s0+$0xFFFFFF40];
	[tilespmem:s30+$0xFFFFFF30] =	vst v17  }
0x6b: {  	s5 =	sshra.s32 s5, $0x2;
	v3 =	vld [tilespmem:s0+$0xFFFFFF90];
	[tilespmem:s30+$0x10] =	vst v20;
	s30 =	smov.u32 s0  }
0x6c: {  	v4 =	vld [tilespmem:s5+$0x600]  }
0x6d: {  	v10 =	vld [tilespmem:s0+$0xFFFFFFC0]  }
0x6e: {  	v13 =	vld [tilespmem:s0+$0xFFFFFF00]  }
0x6f: {  	v14 =	vld [tilespmem:s0+$0xD0]  }
.Ltmp1:
0x70: {  	v23 =	vld [tilespmem:s0+$0xC0];
	(pc) =	sbr.rel @p0 .LBB2_5-.Ltmp1, $4  }
0x71: {  	v19 =	vbroadcast v4, $0x0;
	v21 =	vld [tilespmem:s0+$0x90];
	v6 =	vbroadcast v4, $0xF  }
0x72: {  	v20 =	vbroadcast v4, $0x2;
	v18 =	vbroadcast v4, $0xE;
	v22 =	vld [tilespmem:s0+$0xFFFFFF50]  }
0x73: {  	v25 =	vmul.f32 v19, v13;
	v13 =	vbroadcast v4, $0xD;
	v17 =	vld [tilespmem:s0+$0xB0]  }
0x74: {  	v15 =	vbroadcast v4, $0xC;
	v24 =	vmul.f32 v11, v20;
	v11 =	vld [tilespmem:s0+$0x60]  }
0x75: {  	[tilespmem:s30+$0xFFFFFF00] =	vst v25;
	v16 =	vmul.f32 v16, v6  }
0x76: {  	v23 =	vmul.f32 v23, v18;
	[tilespmem:s30+$0xFFFFFF40] =	vst v24  }
0x77: {  	v12 =	vmul.f32 v12, v19;
	[tilespmem:s30+$0xE0] =	vst v16  }
0x78: {  	v34 =	vmul.f32 v14, v18;
	[tilespmem:s30+$0xC0] =	vst v23  }
0x79: {  	v32 =	vmul.f32 v21, v15;
	[tilespmem:s30+$0xFFFFFF10] =	vst v12  }
0x7a: {  	v40 =	vbroadcast v4, $0x6;
	v9 =	vmul.f32 v9, v15;
	[tilespmem:s30+$0xD0] =	vst v34  }
0x7b: {  	v20 =	vmul.f32 v22, v20;
	[tilespmem:s30+$0x90] =	vst v32  }
0x7c: {  	v44 =	vbroadcast v4, $0x5;
	v8 =	vmul.f32 v8, v40;
	[tilespmem:s30+$0x80] =	vst v9  }
0x7d: {  	v46 =	vbroadcast v4, $0x7;
	v10 =	vmul.f32 v10, v40;
	[tilespmem:s30+$0xFFFFFF50] =	vst v20  }
0x7e: {  	v53 =	vbroadcast v4, $0x3;
	v7 =	vmul.f32 v7, v44;
	[tilespmem:s30+$0xFFFFFFD0] =	vst v8  }
0x7f: {  	v30 =	vld [tilespmem:s30+$0xA0];
	v58 =	vbroadcast v4, $0x4;
	v5 =	vmul.f32 v5, v46;
	[tilespmem:s30+$0xFFFFFFC0] =	vst v10  }
0x80: {  	v31 =	vld [tilespmem:s30+$0x70];
	v2 =	vmul.f32 v2, v53;
	[tilespmem:s30+$0xFFFFFFA0] =	vst v7  }
0x81: {  	v33 =	vld [tilespmem:s30+$0xFFFFFFB0];
	v36 =	vbroadcast v4, $0xB;
	v3 =	vmul.f32 v3, v58;
	[tilespmem:s30+$0xFFFFFFF0] =	vst v5  }
0x82: {  	v35 =	vld [tilespmem:s30+$0xFFFFFF20];
	v42 =	vmul.f32 v17, v13;
	[tilespmem:s30+$0xFFFFFF60] =	vst v2  }
0x83: {  	v39 =	vld [tilespmem:s30+$0x40];
	v11 =	vmul.f32 v11, v36;
	[tilespmem:s30+$0xFFFFFF90] =	vst v3  }
0x84: {  	v37 =	vld [tilespmem:s30+$0xFFFFFFE0];
	v38 =	vmul.f32 v30, v13;
	[tilespmem:s30+$0xB0] =	vst v42  }
0x85: {  	v51 =	vbroadcast v4, $0x1;
	v54 =	vld [tilespmem:s30+$0xF0];
	v19 =	vmul.f32 v31, v36;
	[tilespmem:s30+$0x60] =	vst v11  }
0x86: {  	v48 =	vld [tilespmem:s30+$0xFFFFFF70];
	v55 =	vbroadcast v4, $0xA;
	v52 =	vmul.f32 v33, v44;
	[tilespmem:s30+$0xA0] =	vst v38  }
0x87: {  	v45 =	vld [tilespmem:s30+$0x30];
	v14 =	vmul.f32 v35, v51;
	[tilespmem:s30+$0x70] =	vst v19  }
0x88: {  	v49 =	vld [tilespmem:s30+$0xFFFFFF80];
	v57 =	vmul.f32 v39, v55;
	[tilespmem:s30+$0xFFFFFFB0] =	vst v52  }
0x89: {  	v43 =	vld [tilespmem:s30+$0x20];
	v9 =	vmul.f32 v37, v46;
	[tilespmem:s30+$0xFFFFFF20] =	vst v14  }
0x8a: {  	v56 =	vld [tilespmem:s30+$0xFFFFFF30];
	v59 =	vbroadcast v4, $0x9;
	v2 =	vmul.f32 v54, v6;
	[tilespmem:s30+$0x40] =	vst v57  }
0x8b: {  	v41 =	vld [tilespmem:s30+$0x50];
	v60 =	vmul.f32 v48, v53;
	[tilespmem:s30+$0xFFFFFFE0] =	vst v9  }
0x8c: {  	v47 =	vld [tilespmem:s30+$0x0];
	v3 =	vmul.f32 v45, v59;
	[tilespmem:s30+$0xF0] =	vst v2  }
0x8d: {  	v50 =	vld [tilespmem:s30+$0x10];
	v62 =	vmul.f32 v49, v58;
	[tilespmem:s30+$0xFFFFFF70] =	vst v60  }
0x8e: {  	v2 =	vmul.f32 v43, v59;
	[tilespmem:s30+$0x30] =	vst v3  }
0x8f: {  	v61 =	vbroadcast v4, $0x8;
	v63 =	vmul.f32 v56, v51;
	[tilespmem:s30+$0xFFFFFF80] =	vst v62  }
0x90: {  	[tilespmem:s30+$0x20] =	vst v2;
	v2 =	vmul.f32 v41, v55  }
0x91: {  	v3 =	vmul.f32 v47, v61;
	[tilespmem:s30+$0xFFFFFF30] =	vst v63  }
0x92: {  	[tilespmem:s30+$0x50] =	vst v2;
	v2 =	vmul.f32 v50, v61  }
0x93: {  	[tilespmem:s30+$0x0] =	vst v3  }
0x94: {  	[tilespmem:s30+$0x10] =	vst v2  }
0x95: {  	[spmem:s3] =	stream.indirect.scatter.add.f32 [tilespmem:s19], [sflag:$0x2], $0x20, s16, s21, $0xb8;
	[tilespmem:$0x1C800] =	vst v63  }
0x96: {  	_ =	swait.ge [sflag:s15], $0x1000  }
0x97: {  	[sflag:s15] =	ssyncset.done $0x0  }
0x98: {  	[sflag:s15] =	ssyncadd.s32 $0xFFFFF000  }
0x99: {  	[spmem:s3] =	stream.indirect.scatter.add.f32 [tilespmem:s23], [sflag:$0x2], $0x20, s22, s21, $0xb8;
	[tilespmem:$0x1C800] =	vst v63  }
0x9a: {  	_ =	swait.ge [sflag:s15], $0x1000  }
0x9b: {  	[sflag:s15] =	ssyncset.done $0x0  }
0x9c: {  	[sflag:s15] =	ssyncadd.s32 $0xFFFFF000  }
0x9d: {  	[spmem:s3] =	stream.indirect.scatter.add.f32 [tilespmem:s25], [sflag:$0x2], $0x20, s24, s21, $0xb8;
	[tilespmem:$0x1C800] =	vst v63  }
0x9e: {  	s29 =	sadd.s32 $0x1, s29;
	_ =	swait.ge [sflag:s15], $0x1000  }
0x9f: {  	p0 =	sne.s32 s29, $0x36;
	[sflag:s15] =	ssyncset.done $0x0  }
.Ltmp2:
0xa0: {  	[sflag:s15] =	ssyncadd.s32 $0xFFFFF000;
	(pc) =	sbr.rel @p0 .LBB2_2-.Ltmp2, $4  }
0xa1: {  	[spmem:s3] =	stream.indirect.scatter.add.f32 [tilespmem:s28], [sflag:$0x2], $0x20, s26, s21, $0xb8;
	[tilespmem:$0x1C800] =	vst v63  }
0xa2: {  	_ =	swait.ge [sflag:s15], $0x1000  }
0xa3: {  	[sflag:s15] =	ssyncset.done $0x0  }
0xa4: {  	[sflag:s15] =	ssyncadd.s32 $0xFFFFF000  }
0xa5: {  	[bflag:$0x0] =	sbarrier.arrive $0xFFFF  }
0xa6: {  	s0 =	rddreg [dreg:$0x5]  }
0xa7: {  	[hbm:s0], [sflag:s9] =	dma.local [spmem:s14], $0x3000  }
0xa8: {  	_ =	swait.ge [sflag:s15], $0x3000  }
0xa9: {  	[sflag:s15] =	ssyncset.done $0x0  }
0xaa: {  	[sflag:s15] =	ssyncadd.s32 $0xFFFFD000  }
0xab: {  	[bflag:$0x0] =	sbarrier.arrive $0xFFFF  }
0xac: {  	[spmem:s14], [sflag:s9] =	dma.local [hbm:s8], $0x3000  }
0xad: {  	_ =	swait.ge [sflag:s15], $0x3000  }
0xae: {  	[sflag:s15] =	ssyncset.done $0x0  }
0xaf: {  	[sflag:s15] =	ssyncadd.s32 $0xFFFFD000  }
0xb0: {  	s29 =	simm.s32 $0x0;
	s30 =	simm.s32 $0x0;
	[bflag:$0x0] =	sbarrier.arrive $0xFFFF  }
.LBB2_8:
0xb1: {  	s0 =	sshll.u32 s30, $0x9  }
0xb2: {  	s0 =	sadd.s32 s10, s0  }
0xb3: {  	s0 =	sshrl.u32 s0, $0x3  }
0xb4: {  	s5 =	sadd.s32 s6, s0  }
0xb5: {  	[tilespmem:s29], [sflag:$0x2] =	stream.linear.gather [hbm4b:s5+s29], $0x200, $0x38;
	[tilespmem:$0x1C800] =	vst v63  }
0xb6: {  	_ =	swait.ge [sflag:s15], $0x200  }
0xb7: {  	[sflag:s15] =	ssyncset.done $0x0  }
0xb8: {  	s31 =	sadd.s32 s7, s0;
	[sflag:s15] =	ssyncadd.s32 $0xFFFFFE00  }
0xb9: {  	[tilespmem:s16], [sflag:$0x2] =	stream.linear.gather [hbm4b:s31+s29], $0x200, $0x38;
	[tilespmem:$0x1C800] =	vst v63  }
0xba: {  	_ =	swait.ge [sflag:s15], $0x200  }
0xbb: {  	[sflag:s15] =	ssyncset.done $0x0  }
0xbc: {  	s0 =	sadd.s32 s2, s0;
	[sflag:s15] =	ssyncadd.s32 $0xFFFFFE00  }
0xbd: {  	[tilespmem:s17], [sflag:$0x2] =	stream.linear.gather [hbm4b:s0+s29], $0x200, $0x38;
	[tilespmem:$0x1C800] =	vst v63  }
0xbe: {  	_ =	swait.ge [sflag:s15], $0x200  }
0xbf: {  	[sflag:s15] =	ssyncset.done $0x0  }
0xc0: {  	s0 =	simm.s32 $0x0;
	[sflag:s15] =	ssyncadd.s32 $0xFFFFFE00  }
0xc1: {  	v2 =	vld [tilespmem:s0+$0x0]  }
0xc2: {  	s5 =	simm.s32 $0x40  }
.LBB2_9:
0xc3: {  	p0 =	sne.s32 s5, $0x7C0  }
.Ltmp3:
0xc4: {  	_ = 	snop;
	(pc) =	sbr.rel @p0 .LBB2_9-.Ltmp3, $4  }
0xc5: {  	_ = 	snop  }
0xc6: {  	s11 =	sshra.s32 s5, $0x2;
	s5 =	sadd.s32 $0x40, s5;
	v3 =	vshll.u32 v2, $0x2  }
0xc7: {  	v2 =	vld [tilespmem:s11+$0x0];
	v3 =	vor.u32 v1, v3  }
0xc8: {  	[tilespmem:s0+$0x200] =	vst v3;
	s0 =	smov.u32 s11  }
0xc9: {  	_ =	sdelay $0x2  }
0xca: {  	v2 =	vshll.u32 v2, $0x2  }
0xcb: {  	v2 =	vor.u32 v1, v2  }
0xcc: {  	[tilespmem:s0+$0x200] =	vst v2  }
0xcd: {  	[tilespmem:s19], [sflag:$0x1] =	stream.indirect.gather [hbm4b:s1+s18], $0x20, s18, s18, $0xb8;
	[tilespmem:$0x1C800] =	vst v63  }
0xce: {  	_ =	swait.ge [sflag:s20], $0x4000  }
0xcf: {  	[sflag:s20] =	ssyncset.done $0x0  }
0xd0: {  	s31 =	simm.s32 $0x900;
	[sflag:s20] =	ssyncadd.s32 $0xFFFFC000  }
0xd1: {  	v7 =	vld [tilespmem:s31+$0xFFFFFFA0]  }
0xd2: {  	v5 =	vld [tilespmem:s31+$0xFFFFFFF0]  }
0xd3: {  	v2 =	vld [tilespmem:s31+$0xFFFFFF60]  }
0xd4: {  	v8 =	vld [tilespmem:s31+$0xFFFFFFD0]  }
0xd5: {  	v9 =	vld [tilespmem:s31+$0x80]  }
0xd6: {  	v12 =	vld [tilespmem:s31+$0xFFFFFF10]  }
0xd7: {  	v16 =	vld [tilespmem:s31+$0xE0]  }
0xd8: {  	v11 =	vld [tilespmem:s31+$0xFFFFFF40]  }
0xd9: {  	s11 =	simm.s32 $0x0;
	v3 =	vld [tilespmem:s31+$0xFFFFFF90]  }
0xda: {  	v4 =	vld [tilespmem:s11+$0x600]  }
0xdb: {  	v10 =	vld [tilespmem:s31+$0xFFFFFFC0]  }
0xdc: {  	v13 =	vld [tilespmem:s31+$0xFFFFFF00]  }
0xdd: {  	v14 =	vld [tilespmem:s31+$0xD0]  }
0xde: {  	v23 =	vld [tilespmem:s31+$0xC0]  }
0xdf: {  	v21 =	vld [tilespmem:s31+$0x90];
	v19 =	vbroadcast v4, $0x0;
	v6 =	vbroadcast v4, $0xF  }
0xe0: {  	v22 =	vld [tilespmem:s31+$0xFFFFFF50];
	v20 =	vbroadcast v4, $0x2;
	v18 =	vbroadcast v4, $0xE  }
0xe1: {  	v17 =	vld [tilespmem:s31+$0xB0];
	v15 =	vbroadcast v4, $0xC;
	v25 =	vmul.f32 v19, v13  }
0xe2: {  	s5 =	simm.s32 $0x900;
	s0 =	simm.s32 $0x40;
	v13 =	vbroadcast v4, $0xD;
	v24 =	vmul.f32 v11, v20;
	v11 =	vld [tilespmem:s31+$0x60]  }
.LBB2_11:
0xe3: {  	p0 =	sne.s32 s0, $0x7C0  }
0xe4: {  	[tilespmem:s31+$0xFFFFFF00] =	vst v25;
	v25 =	vld [tilespmem:s31+$0xFFFFFFB0];
	v23 =	vmul.f32 v23, v18;
	v16 =	vmul.f32 v16, v6;
	s5 =	sadd.s32 $0x200, s5;
	s11 =	smov.u32 s0;
	s0 =	sadd.s32 $0x40, s0  }
0xe5: {  	[tilespmem:s31+$0xFFFFFF40] =	vst v24;
	v24 =	vbroadcast v4, $0xA;
	v21 =	vmul.f32 v21, v15;
	v26 =	vld [tilespmem:s31+$0xA0]  }
0xe6: {  	v12 =	vmul.f32 v12, v19;
	v19 =	vmul.f32 v22, v20;
	v20 =	vld [tilespmem:s31+$0x70];
	[tilespmem:s31+$0xE0] =	vst v16  }
0xe7: {  	v16 =	vbroadcast v4, $0x5;
	v22 =	vld [tilespmem:s31+$0xFFFFFFE0];
	v17 =	vmul.f32 v17, v13;
	[tilespmem:s31+$0xC0] =	vst v23  }
0xe8: {  	v14 =	vmul.f32 v14, v18;
	[tilespmem:s31+$0xFFFFFF10] =	vst v12;
	v12 =	vbroadcast v4, $0x6;
	v23 =	vld [tilespmem:s31+$0x40]  }
0xe9: {  	v27 =	vbroadcast v4, $0xB;
	v7 =	vmul.f32 v7, v16;
	v18 =	vld [tilespmem:s31+$0xFFFFFF20];
	[tilespmem:s31+$0x90] =	vst v21  }
0xea: {  	v21 =	vbroadcast v4, $0x9;
	[tilespmem:s31+$0xFFFFFF50] =	vst v19;
	v19 =	vld [tilespmem:s31+$0x20];
	v13 =	vmul.f32 v26, v13  }
0xeb: {  	v16 =	vmul.f32 v25, v16;
	v25 =	vld [tilespmem:s31+$0x50];
	v20 =	vmul.f32 v20, v27;
	[tilespmem:s31+$0xD0] =	vst v14  }
0xec: {  	v9 =	vmul.f32 v9, v15;
	v14 =	vbroadcast v4, $0x7;
	v26 =	vld [tilespmem:s31+$0x30];
	[tilespmem:s31+$0xA0] =	vst v13  }
0xed: {  	v10 =	vmul.f32 v10, v12;
	v13 =	vbroadcast v4, $0x3;
	v15 =	vld [tilespmem:s31+$0x0];
	[tilespmem:s31+$0x70] =	vst v20  }
0xee: {  	v11 =	vmul.f32 v11, v27;
	v8 =	vmul.f32 v8, v12;
	v12 =	vld [tilespmem:s31+$0x10];
	[tilespmem:s31+$0x80] =	vst v9  }
0xef: {  	v20 =	vbroadcast v4, $0x8;
	v23 =	vmul.f32 v23, v24;
	v9 =	vld [tilespmem:s31+$0xFFFFFF30];
	[tilespmem:s31+$0xB0] =	vst v17  }
0xf0: {  	v17 =	vbroadcast v4, $0x1;
	v27 =	vld [tilespmem:s31+$0xFFFFFF70];
	[tilespmem:s31+$0xFFFFFFD0] =	vst v8;
	v24 =	vmul.f32 v25, v24  }
0xf1: {  	v5 =	vmul.f32 v5, v14;
	v8 =	vmul.f32 v22, v14;
	[tilespmem:s31+$0xFFFFFFC0] =	vst v10;
	v10 =	vld [tilespmem:s31+$0xF0]  }
0xf2: {  	v22 =	vmul.f32 v26, v21;
	v14 =	vld [tilespmem:s31+$0xFFFFFF80];
	[tilespmem:s31+$0xFFFFFFA0] =	vst v7;
	v15 =	vmul.f32 v15, v20  }
0xf3: {  	v7 =	vld [tilespmem:s5+$0xFFFFFFA0];
	[tilespmem:s31+$0xFFFFFFF0] =	vst v5;
	v20 =	vmul.f32 v12, v20;
	v12 =	vmul.f32 v19, v21  }
0xf4: {  	v5 =	vmul.f32 v18, v17;
	v17 =	vmul.f32 v9, v17;
	[tilespmem:s31+$0x60] =	vst v11  }
0xf5: {  	v2 =	vmul.f32 v2, v13;
	v9 =	vmul.f32 v27, v13;
	[tilespmem:s31+$0xFFFFFFB0] =	vst v16  }
0xf6: {  	v4 =	vbroadcast v4, $0x4;
	[tilespmem:s31+$0xFFFFFF20] =	vst v5;
	v5 =	vmul.f32 v10, v6  }
0xf7: {  	[tilespmem:s31+$0xFFFFFF60] =	vst v2  }
0xf8: {  	v6 =	vmul.f32 v14, v4;
	v2 =	vmul.f32 v3, v4;
	[tilespmem:s31+$0x40] =	vst v23  }
0xf9: {  	[tilespmem:s31+$0xFFFFFFE0] =	vst v8  }
0xfa: {  	[tilespmem:s31+$0xF0] =	vst v5  }
0xfb: {  	[tilespmem:s31+$0xFFFFFF90] =	vst v2  }
0xfc: {  	v5 =	vld [tilespmem:s5+$0xFFFFFFF0];
	[tilespmem:s31+$0xFFFFFF70] =	vst v9  }
0xfd: {  	v2 =	vld [tilespmem:s5+$0xFFFFFF60];
	[tilespmem:s31+$0x20] =	vst v12  }
0xfe: {  	v8 =	vld [tilespmem:s5+$0xFFFFFFD0];
	[tilespmem:s31+$0x30] =	vst v22  }
0xff: {  	v9 =	vld [tilespmem:s5+$0x80];
	[tilespmem:s31+$0xFFFFFF80] =	vst v6  }
0x100: {  	v12 =	vld [tilespmem:s5+$0xFFFFFF10];
	[tilespmem:s31+$0x50] =	vst v24  }
0x101: {  	v16 =	vld [tilespmem:s5+$0xE0];
	[tilespmem:s31+$0x0] =	vst v15  }
0x102: {  	v11 =	vld [tilespmem:s5+$0xFFFFFF40];
	[tilespmem:s31+$0xFFFFFF30] =	vst v17  }
0x103: {  	s11 =	sshra.s32 s11, $0x2;
	v3 =	vld [tilespmem:s5+$0xFFFFFF90];
	[tilespmem:s31+$0x10] =	vst v20;
	s31 =	smov.u32 s5  }
0x104: {  	v4 =	vld [tilespmem:s11+$0x600]  }
0x105: {  	v10 =	vld [tilespmem:s5+$0xFFFFFFC0]  }
0x106: {  	v13 =	vld [tilespmem:s5+$0xFFFFFF00]  }
0x107: {  	v14 =	vld [tilespmem:s5+$0xD0]  }
.Ltmp4:
0x108: {  	v23 =	vld [tilespmem:s5+$0xC0];
	(pc) =	sbr.rel @p0 .LBB2_11-.Ltmp4, $4  }
0x109: {  	v19 =	vbroadcast v4, $0x0;
	v21 =	vld [tilespmem:s5+$0x90];
	v6 =	vbroadcast v4, $0xF  }
0x10a: {  	v20 =	vbroadcast v4, $0x2;
	v18 =	vbroadcast v4, $0xE;
	v22 =	vld [tilespmem:s5+$0xFFFFFF50]  }
0x10b: {  	v25 =	vmul.f32 v19, v13;
	v13 =	vbroadcast v4, $0xD;
	v17 =	vld [tilespmem:s5+$0xB0]  }
0x10c: {  	v15 =	vbroadcast v4, $0xC;
	v24 =	vmul.f32 v11, v20;
	v11 =	vld [tilespmem:s5+$0x60]  }
0x10d: {  	[tilespmem:s31+$0xFFFFFF00] =	vst v25;
	v16 =	vmul.f32 v16, v6  }
0x10e: {  	v23 =	vmul.f32 v23, v18;
	[tilespmem:s31+$0xFFFFFF40] =	vst v24  }
0x10f: {  	v12 =	vmul.f32 v12, v19;
	[tilespmem:s31+$0xE0] =	vst v16  }
0x110: {  	v34 =	vmul.f32 v14, v18;
	[tilespmem:s31+$0xC0] =	vst v23  }
0x111: {  	v32 =	vmul.f32 v21, v15;
	[tilespmem:s31+$0xFFFFFF10] =	vst v12  }
0x112: {  	v40 =	vbroadcast v4, $0x6;
	v9 =	vmul.f32 v9, v15;
	[tilespmem:s31+$0xD0] =	vst v34  }
0x113: {  	v20 =	vmul.f32 v22, v20;
	[tilespmem:s31+$0x90] =	vst v32  }
0x114: {  	v44 =	vbroadcast v4, $0x5;
	v8 =	vmul.f32 v8, v40;
	[tilespmem:s31+$0x80] =	vst v9  }
0x115: {  	v46 =	vbroadcast v4, $0x7;
	v10 =	vmul.f32 v10, v40;
	[tilespmem:s31+$0xFFFFFF50] =	vst v20  }
0x116: {  	v53 =	vbroadcast v4, $0x3;
	v7 =	vmul.f32 v7, v44;
	[tilespmem:s31+$0xFFFFFFD0] =	vst v8  }
0x117: {  	v30 =	vld [tilespmem:s31+$0xA0];
	v58 =	vbroadcast v4, $0x4;
	v5 =	vmul.f32 v5, v46;
	[tilespmem:s31+$0xFFFFFFC0] =	vst v10  }
0x118: {  	v31 =	vld [tilespmem:s31+$0x70];
	v2 =	vmul.f32 v2, v53;
	[tilespmem:s31+$0xFFFFFFA0] =	vst v7  }
0x119: {  	v33 =	vld [tilespmem:s31+$0xFFFFFFB0];
	v36 =	vbroadcast v4, $0xB;
	v3 =	vmul.f32 v3, v58;
	[tilespmem:s31+$0xFFFFFFF0] =	vst v5  }
0x11a: {  	v35 =	vld [tilespmem:s31+$0xFFFFFF20];
	v42 =	vmul.f32 v17, v13;
	[tilespmem:s31+$0xFFFFFF60] =	vst v2  }
0x11b: {  	v39 =	vld [tilespmem:s31+$0x40];
	v11 =	vmul.f32 v11, v36;
	[tilespmem:s31+$0xFFFFFF90] =	vst v3  }
0x11c: {  	v37 =	vld [tilespmem:s31+$0xFFFFFFE0];
	v38 =	vmul.f32 v30, v13;
	[tilespmem:s31+$0xB0] =	vst v42  }
0x11d: {  	v51 =	vbroadcast v4, $0x1;
	v54 =	vld [tilespmem:s31+$0xF0];
	v19 =	vmul.f32 v31, v36;
	[tilespmem:s31+$0x60] =	vst v11  }
0x11e: {  	v48 =	vld [tilespmem:s31+$0xFFFFFF70];
	v55 =	vbroadcast v4, $0xA;
	v52 =	vmul.f32 v33, v44;
	[tilespmem:s31+$0xA0] =	vst v38  }
0x11f: {  	v45 =	vld [tilespmem:s31+$0x30];
	v14 =	vmul.f32 v35, v51;
	[tilespmem:s31+$0x70] =	vst v19  }
0x120: {  	v49 =	vld [tilespmem:s31+$0xFFFFFF80];
	v57 =	vmul.f32 v39, v55;
	[tilespmem:s31+$0xFFFFFFB0] =	vst v52  }
0x121: {  	v43 =	vld [tilespmem:s31+$0x20];
	v9 =	vmul.f32 v37, v46;
	[tilespmem:s31+$0xFFFFFF20] =	vst v14  }
0x122: {  	v56 =	vld [tilespmem:s31+$0xFFFFFF30];
	v59 =	vbroadcast v4, $0x9;
	v2 =	vmul.f32 v54, v6;
	[tilespmem:s31+$0x40] =	vst v57  }
0x123: {  	v41 =	vld [tilespmem:s31+$0x50];
	v60 =	vmul.f32 v48, v53;
	[tilespmem:s31+$0xFFFFFFE0] =	vst v9  }
0x124: {  	v47 =	vld [tilespmem:s31+$0x0];
	v3 =	vmul.f32 v45, v59;
	[tilespmem:s31+$0xF0] =	vst v2  }
0x125: {  	v50 =	vld [tilespmem:s31+$0x10];
	v62 =	vmul.f32 v49, v58;
	[tilespmem:s31+$0xFFFFFF70] =	vst v60  }
0x126: {  	v2 =	vmul.f32 v43, v59;
	[tilespmem:s31+$0x30] =	vst v3  }
0x127: {  	v61 =	vbroadcast v4, $0x8;
	v63 =	vmul.f32 v56, v51;
	[tilespmem:s31+$0xFFFFFF80] =	vst v62  }
0x128: {  	[tilespmem:s31+$0x20] =	vst v2;
	v2 =	vmul.f32 v41, v55  }
0x129: {  	v3 =	vmul.f32 v47, v61;
	[tilespmem:s31+$0xFFFFFF30] =	vst v63  }
0x12a: {  	[tilespmem:s31+$0x50] =	vst v2;
	v2 =	vmul.f32 v50, v61  }
0x12b: {  	[tilespmem:s31+$0x0] =	vst v3  }
0x12c: {  	[tilespmem:s31+$0x10] =	vst v2  }
0x12d: {  	[spmem:s3] =	stream.indirect.scatter.add.f32 [tilespmem:s19], [sflag:$0x2], $0x20, s16, s21, $0xb8;
	[tilespmem:$0x1C800] =	vst v63  }
0x12e: {  	_ =	swait.ge [sflag:s15], $0x1000  }
0x12f: {  	[sflag:s15] =	ssyncset.done $0x0  }
0x130: {  	[sflag:s15] =	ssyncadd.s32 $0xFFFFF000  }
0x131: {  	[spmem:s3] =	stream.indirect.scatter.add.f32 [tilespmem:s23], [sflag:$0x2], $0x20, s22, s21, $0xb8;
	[tilespmem:$0x1C800] =	vst v63  }
0x132: {  	_ =	swait.ge [sflag:s15], $0x1000  }
0x133: {  	[sflag:s15] =	ssyncset.done $0x0  }
0x134: {  	[sflag:s15] =	ssyncadd.s32 $0xFFFFF000  }
0x135: {  	[spmem:s3] =	stream.indirect.scatter.add.f32 [tilespmem:s25], [sflag:$0x2], $0x20, s24, s21, $0xb8;
	[tilespmem:$0x1C800] =	vst v63  }
0x136: {  	s30 =	sadd.s32 $0x1, s30;
	_ =	swait.ge [sflag:s15], $0x1000  }
0x137: {  	p0 =	sne.s32 s30, $0x36;
	[sflag:s15] =	ssyncset.done $0x0  }
.Ltmp5:
0x138: {  	[sflag:s15] =	ssyncadd.s32 $0xFFFFF000;
	(pc) =	sbr.rel @p0 .LBB2_8-.Ltmp5, $4  }
0x139: {  	[spmem:s3] =	stream.indirect.scatter.add.f32 [tilespmem:s28], [sflag:$0x2], $0x20, s26, s21, $0xb8;
	[tilespmem:$0x1C800] =	vst v63  }
0x13a: {  	_ =	swait.ge [sflag:s15], $0x1000  }
0x13b: {  	[sflag:s15] =	ssyncset.done $0x0  }
0x13c: {  	[sflag:s15] =	ssyncadd.s32 $0xFFFFF000  }
0x13d: {  	[bflag:$0x0] =	sbarrier.arrive $0xFFFF;
	s4 =	sadd.s32 $0x1, s4  }
0x13e: {  	[hbm:s12], [sflag:s9] =	dma.local [spmem:s14], $0x3000  }
0x13f: {  	p0 =	sne.s32 s4, s13  }
.Ltmp6:
0x140: {  	_ =	swait.ge [sflag:s15], $0x3000;
	(pc) =	sbr.rel @p0 .LBB2_1-.Ltmp6, $3  }
0x141: {  	[sflag:s15] =	ssyncset.done $0x0  }
0x142: {  	[sflag:s15] =	ssyncadd.s32 $0xFFFFD000  }
0x143: {  	[bflag:$0x0] =	sbarrier.arrive $0xFFFF;
	_ =	sdelay $0x1  }
0x144: {  	_ =	sfence.sel $0x180000  }
0x145: {  	[bflag:$0x0] =	sbarrier.arrive $0xFFFF  }
0x146: {  	_ =	strace $0x90000047  }
0x147: {  	s0 =	stileid.u32;
	[bflag:$0x2] =	sbarrier.arrive $0xFFFF  }
0x148: {  	p0 =	sne.s32 s0, $0x0;
	s0 =	rddreg [dreg:$0x4]  }
0x149: {  	s0 =	sadd.s32 @!p0 $0x100000, s0  }
0x14a: {  	[sflag:s0] =	ssyncadd.tile.s32 @!p0 $0x1;
	_ =	shalt  }
.Lfunc_end2:
_tile_overlayer_lowered:
.L_overlay_start_2:
0x14b: {  	(tag) =	ssettag $0x2  }
0x14c: {  	s0 =	rddreg [dreg:$0x0];
	s2 =	stileid.u32  }
0x14d: {  	s1 =	rddreg [dreg:$0x1];
	p0 =	sne.s32 s2, $0x0  }
0x14e: {  	s3 =	rddreg [dreg:$0x2];
	[bflag:$0x3] =	sbarrier.arrive $0xFFFF;
	s2 =	simm.s32 @!p0 $0x1C02  }
0x14f: {  	[timem:s3], [sflag:s2] =	dma.local @!p0 [hbm:s0], s1  }
0x150: {  	s0 =	simm.s32 @!p0 $0x2  }
0x151: {  	_ =	swait.ge @!p0 [sflag:s0], s1  }
0x152: {  	s1 =	ssub.s32 @!p0 $0x0, s1;
	[sflag:s0] =	ssyncset.done @!p0 $0x0  }
0x153: {  	[sflag:s0] =	ssyncadd.s32 @!p0 s1  }
0x154: {  	[bflag:$0x3] =	sbarrier.arrive $0xFFFF  }
0x155: {  	_ =	shalt  }

// kernel: kernel.9.cloned.1.call-start
scs
__scs_entry_jumppad:
0x0: {  	(pc) =	sbr.rel $0x88, $3  }
0x1: {  	(tag) =	ssettag $0x0;
	lr =	simm.s32 $0x1  }
0x2: {  	[smem:$0x3F9A] =	sst lr;
	_ =	strace $0xD0000000  }
0x3: {  	_ = 	snop  }
0x4: {  	_ = 	snop  }
0x5: {  	_ = 	snop  }
0x6: {  	_ = 	snop  }
0x7: {  	_ = 	snop  }
__scs_overlays_trampoline_lowered:
0x8: {  	[smem:$0x3FA9] =	sst s0  }
0x9: {  	[smem:$0x3FAA] =	sst s1  }
0xa: {  	[smem:$0x3FAB] =	sst s2  }
0xb: {  	[smem:$0x3FAC] =	sst s3  }
0xc: {  	[smem:$0x3FAD] =	sst s4  }
0xd: {  	[smem:$0x3FAE] =	sst s5  }
0xe: {  	[smem:$0x3FAF] =	sst s6  }
0xf: {  	[smem:$0x3FB0] =	sst s7  }
0x10: {  	[smem:$0x3FB1] =	sst s8  }
0x11: {  	[smem:$0x3FB2] =	sst s9;
	s0 =	simm.s32 @!p0 $0x0  }
0x12: {  	s1 =	sld [smem:$0x3F98];
	s0 =	simm.s32 @p0 $0x1  }
0x13: {  	[smem:$0x3FB3] =	sst s0;
	s0 =	simm.s32 @!p1 $0x0  }
0x14: {  	s2 =	sld [smem:$0x3F97];
	s0 =	simm.s32 @p1 $0x1  }
0x15: {  	[smem:$0x3FB4] =	sst s0;
	s0 =	simm.s32 @!p2 $0x0  }
0x16: {  	s3 =	sld [smem:$0x3FDB];
	s0 =	simm.s32 @p2 $0x1  }
0x17: {  	s4 =	simm.s32 $0x1BF5;
	[smem:$0x3FB6] =	sst s0  }
0x18: {  	s0 =	sld [smem:$0x3F99];
	_ =	swait.ge [sflag:s4], $0x0  }
0x19: {  	s7 =	sld [smem:$0x3F9A]  }
0x1a: {  	s8 =	sadd.s32 $0xFFFFE003, lr  }
0x1b: {  	s9 =	sadd.s32 $0xFFFFFEF7, lr;
	s5 =	simm.s32 $0xFFFFFFFF;
	p2 =	slt.u32 s8, $0xFFFFF086  }
0x1c: {  	p1 =	slt.u32 s9, $0xF7A;
	s5 =	simm.s32 @!p2 $0x0  }
0x1d: {  	s5 =	simm.s32 @p1 $0x1;
	p0 =	seq.s32 s7, s2  }
0x1e: {  	s7 =	smul.u32 @!p0 $0xF7A, s2;
	p2 =	seq.s32 @!p0 s5, $0x0  }
0x1f: {  	s9 =	smul.u32 $0xF7A, s1;
	s8 =	simm.s32 @!p0 $0x1BF5;
	p2 =	por !p2, p0  }
0x20: {  	[sflag:s8] =	ssyncset.s32 @!p0 $0xFFFFF086;
	s6 =	sadd.s32 @!p0 s3, s7;
	s7 =	simm.s32 @!p0 $0x108  }
0x21: {  	s3 =	sadd.s32 s3, s9;
	s6 =	sadd.s32 @!p0 $0x88, s6;
	s7 =	simm.s32 @p2 $0x1082  }
0x22: {  	[simem:s7], [sflag:s8] =	dma.local @!p0 [hbm:s6], $0xF7A  }
0x23: {  	s9 =	sor.u32 $0xD0000000, s2;
	s6 =	simm.s32 $0x108;
	_ =	swait.ge @!p0 [sflag:s8], $0x0  }
0x24: {  	s3 =	sadd.s32 $0x88, s3;
	s6 =	simm.s32 @!p1 $0x1082;
	[sflag:s4] =	ssyncset.s32 $0xFFFFF086  }
0x25: {  	[simem:s6], [sflag:s4] =	dma.local [hbm:s3], $0xF7A  }
0x26: {  	[smem:$0x3F9A] =	sst s1;
	(tag) =	ssettag s2;
	_ =	strace s9  }
0x27: {  	s1 =	sld [smem:$0x3FAA]  }
0x28: {  	s2 =	sld [smem:$0x3FAB]  }
0x29: {  	s4 =	sld [smem:$0x3FAD]  }
0x2a: {  	p0 =	seq.s32 s5, $0x0;
	s5 =	sld [smem:$0x3FAE]  }
0x2b: {  	s6 =	sld [smem:$0x3FAF]  }
0x2c: {  	s7 =	sld [smem:$0x3FB0]  }
0x2d: {  	s3 =	simm.s32 $0x108;
	s8 =	sld [smem:$0x3FB1]  }
0x2e: {  	s3 =	simm.s32 @!p0 $0x1082;
	s9 =	sld [smem:$0x3FB2]  }
0x2f: {  	lr =	sadd.s32 s0, s3;
	s0 =	sld [smem:$0x3FA9]  }
0x30: {  	s3 =	sld [smem:$0x3FAC]  }
0x31: {  	[smem:$0x3FB5] =	sst s10  }
0x32: {  	s10 =	sld [smem:$0x3FB3];
	_ =	sdelay $0x3  }
0x33: {  	p0 =	seq.s32 s10, $0x1;
	s10 =	sld [smem:$0x3FB5];
	_ =	sdelay $0x3  }
0x34: {  	[smem:$0x3FB5] =	sst s10  }
0x35: {  	s10 =	sld [smem:$0x3FB4];
	_ =	sdelay $0x3  }
0x36: {  	p1 =	seq.s32 s10, $0x1;
	s10 =	sld [smem:$0x3FB5];
	_ =	sdelay $0x3  }
0x37: {  	[smem:$0x3FB5] =	sst s10  }
0x38: {  	s10 =	sld [smem:$0x3FB6]  }
0x39: {  	_ = 	snop;
	(pc) =	sbr.ind lr, $3  }
0x3a: {  	_ = 	snop  }
0x3b: {  	_ = 	snop  }
0x3c: {  	p2 =	seq.s32 s10, $0x1;
	s10 =	sld [smem:$0x3FB5]  }
0x3d: {  	_ =	shalt  }
0x3e: {  	_ =	shalt  }
0x3f: {  	_ =	shalt  }
0x40: {  	_ =	shalt  }
0x41: {  	_ =	shalt  }
0x42: {  	_ =	shalt  }
0x43: {  	_ =	shalt  }
0x44: {  	_ =	shalt  }
0x45: {  	_ =	shalt  }
0x46: {  	_ =	shalt  }
0x47: {  	_ =	shalt  }
0x48: {  	_ =	shalt  }
0x49: {  	_ =	shalt  }
0x4a: {  	_ =	shalt  }
0x4b: {  	_ =	shalt  }
0x4c: {  	_ =	shalt  }
0x4d: {  	_ =	shalt  }
0x4e: {  	_ =	shalt  }
0x4f: {  	_ =	shalt  }
0x50: {  	_ =	shalt  }
0x51: {  	_ =	shalt  }
0x52: {  	_ =	shalt  }
0x53: {  	_ =	shalt  }
0x54: {  	_ =	shalt  }
0x55: {  	_ =	shalt  }
0x56: {  	_ =	shalt  }
0x57: {  	_ =	shalt  }
0x58: {  	_ =	shalt  }
0x59: {  	_ =	shalt  }
0x5a: {  	_ =	shalt  }
0x5b: {  	_ =	shalt  }
0x5c: {  	_ =	shalt  }
0x5d: {  	_ =	shalt  }
0x5e: {  	_ =	shalt  }
0x5f: {  	_ =	shalt  }
0x60: {  	_ =	shalt  }
0x61: {  	_ =	shalt  }
0x62: {  	_ =	shalt  }
0x63: {  	_ =	shalt  }
0x64: {  	_ =	shalt  }
0x65: {  	_ =	shalt  }
0x66: {  	_ =	shalt  }
0x67: {  	_ =	shalt  }
0x68: {  	_ =	shalt  }
0x69: {  	_ =	shalt  }
0x6a: {  	_ =	shalt  }
0x6b: {  	_ =	shalt  }
0x6c: {  	_ =	shalt  }
0x6d: {  	_ =	shalt  }
0x6e: {  	_ =	shalt  }
0x6f: {  	_ =	shalt  }
0x70: {  	_ =	shalt  }
0x71: {  	_ =	shalt  }
0x72: {  	_ =	shalt  }
0x73: {  	_ =	shalt  }
0x74: {  	_ =	shalt  }
0x75: {  	_ =	shalt  }
0x76: {  	_ =	shalt  }
0x77: {  	_ =	shalt  }
0x78: {  	_ =	shalt  }
0x79: {  	_ =	shalt  }
0x7a: {  	_ =	shalt  }
0x7b: {  	_ =	shalt  }
0x7c: {  	_ =	shalt  }
0x7d: {  	_ =	shalt  }
0x7e: {  	_ =	shalt  }
0x7f: {  	_ =	shalt  }
0x80: {  	_ =	shalt  }
0x81: {  	_ =	shalt  }
0x82: {  	_ =	shalt  }
0x83: {  	_ =	shalt  }
0x84: {  	_ =	shalt  }
0x85: {  	_ =	shalt  }
0x86: {  	_ =	shalt  }
0x87: {  	_ =	shalt  }
.Lfunc_end0:
.L_simem_size_0:
called_computation.1_lowered:
.L_overlay_start_0:
0x88: {  	s2 =	sld [smem:$0x3FD9]  }
0x89: {  	s3 =	sld [smem:$0x3FFE];
	_ =	sdelay $0x1  }
0x8a: {  	s1 =	srdreg.scid  }
0x8b: {  	s0 =	sand.u32 $0x1, s1  }
0x8c: {  	s17 =	sshll.u32 s0, $0xA;
	s2 =	sadd.s32 s3, s2  }
0x8d: {  	s2 =	sadd.s32 s2, s17  }
0x8e: {  	[smem:$0x3FC1] =	sst s2  }
0x8f: {  	_ = 	snop  }
0x90: {  	s2 =	sld [smem:$0x3FC7]  }
0x91: {  	s18 =	sld [smem:$0x3FD0];
	(tm) =	ssettm $0x1  }
0x92: {  	s4 =	sld [smem:$0x3FFB];
	_ =	sdelay $0x3  }
0x93: {  	_ =	strace s4  }
0x94: {  	s4 =	sld [smem:$0x3FFC];
	_ =	sdelay $0x3  }
0x95: {  	_ =	strace s4  }
0x96: {  	s4 =	sld [smem:$0x3FFD];
	_ =	sdelay $0x3  }
0x97: {  	_ =	strace s4  }
0x98: {  	_ =	strace $0x8FFFFFFF  }
0x99: {  	s19 =	sld [smem:$0x3FDB];
	_ =	sdelay $0x1  }
0x9a: {  	s5 =	simm.s32 $_scs_section_size  }
0x9b: {  	s6 =	simm.s32 $_size__tile_overlayer_lowered;
	s7 =	simm.s32 $_tile_overlayer_lowered  }
0x9c: {  	s22 =	simm.s32 $0x1BFF;
	s21 =	sshll.u32 s7, $0x1;
	s4 =	sadd.s32 s5, s19  }
0x9d: {  	s8 =	simm.s32 $0x0;
	s20 =	sshll.u32 s6, $0x1;
	s6 =	sadd.s32 s21, s4  }
0x9e: {  	[timem:s8], [sflag:s22] =	dma.local [hbm:s6], s20  }
0x9f: {  	_ =	swait.ge [sflag:s22], s20  }
0xa0: {  	s5 =	ssub.s32 $0x0, s20;
	[sflag:s22] =	ssyncset.done $0x0  }
0xa1: {  	[sflag:s22] =	ssyncadd.s32 s5;
	_ =	sdelay $0x1  }
0xa2: {  	s23 =	simm.s32 $0x1B8B  }
0xa3: {  	_ =	swait.ge [sflag:s23], $0x1  }
0xa4: {  	[sflag:s23] =	ssyncset.done $0x0  }
0xa5: {  	s25 =	simm.s32 $0x1B8E;
	s24 =	sld [smem:$0x3FFE];
	[sflag:s23] =	ssyncadd.s32 $0xFFFFFFFF  }
0xa6: {  	s26 =	simm.s32 $execute0_lowered;
	[smem:$0x3FD2] =	sst s25  }
0xa7: {  	s6 =	sshll.u32 s26, $0x1;
	_ =	strace $0x80000049;
	[dreg:$0x1] =	wrdreg $0xFFFFFFFF  }
0xa8: {  	s28 =	simm.s32 $_size_execute0_lowered;
	s4 =	sadd.s32 s4, s6;
	[dreg:$0x0] =	wrdreg $0x0  }
0xa9: {  	s6 =	sshll.u32 s28, $0x1;
	[dreg:$0x2] =	wrdreg s4  }
0xaa: {  	[dreg:$0x3] =	wrdreg s6  }
0xab: {  	[dreg:$0x4] =	wrdreg $0xC0  }
0xac: {  	_ =	task [dreg:s8], $0x5FFFF  }
0xad: {  	[dreg:$0x1] =	wrdreg $0xFFFFFFFF  }
0xae: {  	[dreg:$0x0] =	wrdreg $0x60  }
0xaf: {  	[dreg:$0x2] =	wrdreg s24  }
0xb0: {  	[dreg:$0x3] =	wrdreg s2  }
0xb1: {  	[dreg:$0x4] =	wrdreg s18  }
0xb2: {  	[dreg:$0x5] =	wrdreg $0x48000  }
0xb3: {  	[dreg:$0x6] =	wrdreg $0x9  }
0xb4: {  	_ =	task.clear_ibuf [dreg:s8], $0x7FFFF;
	_ =	strace $0x90000049  }
0xb5: {  	s29 =	simm.s32 $0x9;
	_ =	strace $0x8000004B  }
0xb6: {  	_ =	swait.ge [sflag:s29], $0x1  }
0xb7: {  	[sflag:s29] =	ssyncadd.s32 $0xFFFFFFFF  }
0xb8: {  	_ =	strace $0x9000004B  }
0xb9: {  	_ =	sfence  }
0xba: {  	s30 =	sld [smem:$0x0];
	_ =	sdelay $0x2  }
0xbb: {  	s31 =	sshll.u32 s1, $0xD;
	s1 =	sshrl.u32 s1, $0x2  }
0xbc: {  	s3 =	sand.u32 $0x4000, s31;
	s1 =	sadd.s32 s1, s30  }
0xbd: {  	s0 =	sor.u32 s3, s0;
	s1 =	sshll.u32 s1, $0x11  }
0xbe: {  	s0 =	sor.u32 s1, s0  }
0xbf: {  	s0 =	sadd.s32 $0x8F2B, s0  }
0xc0: {  	[sflag:s0] =	ssyncadd.remote.s32 $0x1  }
0xc1: {  	_ =	sfence.sel $0xFFFF  }
0xc2: {  	[dreg:$0x0] =	wrdreg $0xFFFFFFFF;
	(pc) =	sbr.abs _section_cstart, $3  }
0xc3: {  	[dreg:$0x1] =	wrdreg $0xFFFFFFFF  }
0xc4: {  	_ =	task.clear_ibuf [dreg:s8], $0x2FFFF;
	_ =	strace $0x9FFFFFFF  }
0xc5: {  	(tm) =	ssettm $0x7FFFFFFF  }
tec
execute0_lowered:
.L_overlay_start_1:
0x0: {  	(tag) =	ssettag $0x1  }
0x1: {  	s0 =	rddreg [dreg:$0x0]  }
0x2: {  	s1 =	rddreg [dreg:$0x1]  }
0x3: {  	s4 =	rddreg [dreg:$0x2]  }
0x4: {  	s2 =	rddreg [dreg:$0x3];
	s3 =	simm.s32 $0x0;
	s8 =	srdreg.scid  }
0x5: {  	s15 =	stileid.u32;
	s16 =	simm.s32 $0x400;
	s17 =	simm.s32 $0x600  }
0x6: {  	s18 =	simm.s32 $0x200;
	s19 =	simm.s32 $0x800;
	s20 =	simm.s32 $0x1  }
0x7: {  	s21 =	simm.s32 $0x80;
	s22 =	simm.s32 $0x480;
	s23 =	simm.s32 $0x1800  }
0x8: {  	s24 =	simm.s32 $0x500;
	s28 =	simm.s32 $0x3800;
	[smem:$0x7FF] =	sst s3  }
0x9: {  	s5 =	sadd.s32 $0x1F800, s0;
	s6 =	sadd.s32 $0xF000, s0;
	s7 =	sadd.s32 $0x1800, s0  }
0xa: {  	s9 =	sand.u32 $0x1, s8;
	s10 =	smul.u32 $0x60000, s15;
	s8 =	sadd.s32 $0x1C800, s0  }
0xb: {  	s12 =	smul.u32 $0xC00, s15;
	s30 =	sshll.u32 s15, $0x6;
	s26 =	ssub.s32 $0x2, s9  }
0xc: {  	_ =	strace $0x8000004A;
	s11 =	smul.u32 $0x18000, s9;
	s29 =	sshrl.u32 s26, $0x1  }
0xd: {  	s9 =	sor.u32 $0x1C02, s30;
	s10 =	sshrl.u32 s10, $0x2;
	s0 =	ssub.s32 s26, s29  }
0xe: {  	s14 =	sadd.s32 s10, s2;
	s25 =	sadd.s32 $0xC000, s11;
	s31 =	sadd.s32 s12, s11  }
0xf: {  	s10 =	smul.u32 $0x6C00, s15;
	s15 =	simm.s32 $0x2;
	s26 =	simm.s32 $0x580  }
0x10: {  	s12 =	sadd.s32 s12, s25;
	s13 =	sshll.u32 s31, $0x2;
	s14 =	sshrl.u32 s14, $0x3  }
0x11: {  	v1 =	vmov s25;
	s25 =	simm.s32 $0x2800;
	s12 =	sshll.u32 s12, $0x2;
	s13 =	sadd.s32 s4, s13  }
0x12: {  	v0 =	vmov s11;
	[dreg:$0x5] =	wrdreg s13;
	s12 =	sadd.s32 s4, s12;
	s13 =	smax.u32 s0, $0x1  }
.LBB2_1:
0x13: {  	[spmem:s14], [sflag:s9] =	dma.local [hbm:s8], $0x3000  }
0x14: {  	_ =	swait.ge [sflag:s15], $0x3000  }
0x15: {  	[sflag:s15] =	ssyncset.done $0x0  }
0x16: {  	[sflag:s15] =	ssyncadd.s32 $0xFFFFD000  }
0x17: {  	s29 =	simm.s32 $0x0;
	[bflag:$0x0] =	sbarrier.arrive $0xFFFF  }
.LBB2_2:
0x18: {  	s0 =	sshll.u32 s29, $0x9  }
0x19: {  	s0 =	sadd.s32 s10, s0  }
0x1a: {  	s0 =	sshrl.u32 s0, $0x3  }
0x1b: {  	s11 =	simm.s32 $0x0;
	s4 =	sadd.s32 s6, s0  }
0x1c: {  	[tilespmem:s11], [sflag:$0x2] =	stream.linear.gather [hbm4b:s4+s11], $0x200, $0x38;
	[tilespmem:$0x1C800] =	vst v63  }
0x1d: {  	_ =	swait.ge [sflag:s15], $0x200  }
0x1e: {  	[sflag:s15] =	ssyncset.done $0x0  }
0x1f: {  	s31 =	sadd.s32 s7, s0;
	[sflag:s15] =	ssyncadd.s32 $0xFFFFFE00  }
0x20: {  	[tilespmem:s16], [sflag:$0x2] =	stream.linear.gather [hbm4b:s31+s11], $0x200, $0x38;
	[tilespmem:$0x1C800] =	vst v63  }
0x21: {  	_ =	swait.ge [sflag:s15], $0x200  }
0x22: {  	[sflag:s15] =	ssyncset.done $0x0  }
0x23: {  	s0 =	sadd.s32 s1, s0;
	[sflag:s15] =	ssyncadd.s32 $0xFFFFFE00  }
0x24: {  	[tilespmem:s17], [sflag:$0x2] =	stream.linear.gather [hbm4b:s0+s11], $0x200, $0x38;
	[tilespmem:$0x1C800] =	vst v63  }
0x25: {  	_ =	swait.ge [sflag:s15], $0x200  }
0x26: {  	[sflag:s15] =	ssyncset.done $0x0  }
0x27: {  	s0 =	simm.s32 $0x0;
	[sflag:s15] =	ssyncadd.s32 $0xFFFFFE00  }
0x28: {  	s4 =	simm.s32 $0x40;
	v2 =	vld [tilespmem:s0+$0x0]  }
.LBB2_3:
0x29: {  	p0 =	sne.s32 s4, $0x7C0  }
.Ltmp0:
0x2a: {  	_ = 	snop;
	(pc) =	sbr.rel @p0 .LBB2_3-.Ltmp0, $3  }
0x2b: {  	_ =	sdelay $0x1  }
0x2c: {  	s11 =	sshra.s32 s4, $0x2;
	s4 =	sadd.s32 $0x40, s4;
	v3 =	vadd.s32 v0, v2  }
0x2d: {  	v2 =	vld [tilespmem:s11+$0x0];
	[tilespmem:s0+$0x200] =	vst v3;
	s0 =	smov.u32 s11  }
0x2e: {  	_ =	sdelay $0x3  }
0x2f: {  	v2 =	vadd.s32 v0, v2  }
0x30: {  	[tilespmem:s0+$0x200] =	vst v2  }
0x31: {  	[tilespmem:s19], [sflag:$0x1] =	stream.indirect.gather [hbm4b:s5+s18], $0x20, s18, s18, $0xb8;
	[tilespmem:$0x1C800] =	vst v63  }
0x32: {  	_ =	swait.ge [sflag:s20], $0x4000  }
0x33: {  	[sflag:s20] =	ssyncset.done $0x0  }
0x34: {  	s30 =	simm.s32 $0x900;
	[sflag:s20] =	ssyncadd.s32 $0xFFFFC000  }
0x35: {  	v7 =	vld [tilespmem:s30+$0xFFFFFFA0]  }
0x36: {  	v5 =	vld [tilespmem:s30+$0xFFFFFFF0]  }
0x37: {  	v2 =	vld [tilespmem:s30+$0xFFFFFF60]  }
0x38: {  	v8 =	vld [tilespmem:s30+$0xFFFFFFD0]  }
0x39: {  	v9 =	vld [tilespmem:s30+$0x80]  }
0x3a: {  	v12 =	vld [tilespmem:s30+$0xFFFFFF10]  }
0x3b: {  	v16 =	vld [tilespmem:s30+$0xE0]  }
0x3c: {  	v11 =	vld [tilespmem:s30+$0xFFFFFF40]  }
0x3d: {  	s11 =	simm.s32 $0x0;
	v3 =	vld [tilespmem:s30+$0xFFFFFF90]  }
0x3e: {  	v4 =	vld [tilespmem:s11+$0x600]  }
0x3f: {  	v10 =	vld [tilespmem:s30+$0xFFFFFFC0]  }
0x40: {  	v13 =	vld [tilespmem:s30+$0xFFFFFF00]  }
0x41: {  	v14 =	vld [tilespmem:s30+$0xD0]  }
0x42: {  	v23 =	vld [tilespmem:s30+$0xC0]  }
0x43: {  	v21 =	vld [tilespmem:s30+$0x90];
	v19 =	vbroadcast v4, $0x0;
	v6 =	vbroadcast v4, $0xF  }
0x44: {  	v22 =	vld [tilespmem:s30+$0xFFFFFF50];
	v20 =	vbroadcast v4, $0x2;
	v18 =	vbroadcast v4, $0xE  }
0x45: {  	v17 =	vld [tilespmem:s30+$0xB0];
	v15 =	vbroadcast v4, $0xC;
	v25 =	vmul.f32 v19, v13  }
0x46: {  	s31 =	simm.s32 $0x40;
	s0 =	simm.s32 $0x900;
	v13 =	vbroadcast v4, $0xD;
	v24 =	vmul.f32 v11, v20;
	v11 =	vld [tilespmem:s30+$0x60]  }
.LBB2_5:
0x47: {  	p0 =	sne.s32 s31, $0x7C0  }
0x48: {  	[tilespmem:s30+$0xFFFFFF00] =	vst v25;
	v25 =	vld [tilespmem:s30+$0xFFFFFFB0];
	v23 =	vmul.f32 v23, v18;
	v16 =	vmul.f32 v16, v6;
	s0 =	sadd.s32 $0x200, s0;
	s4 =	smov.u32 s31;
	s31 =	sadd.s32 $0x40, s31  }
0x49: {  	[tilespmem:s30+$0xFFFFFF40] =	vst v24;
	v24 =	vbroadcast v4, $0xA;
	v21 =	vmul.f32 v21, v15;
	v26 =	vld [tilespmem:s30+$0xA0]  }
0x4a: {  	v12 =	vmul.f32 v12, v19;
	v19 =	vmul.f32 v22, v20;
	v20 =	vld [tilespmem:s30+$0x70];
	[tilespmem:s30+$0xE0] =	vst v16  }
0x4b: {  	v16 =	vbroadcast v4, $0x5;
	v22 =	vld [tilespmem:s30+$0xFFFFFFE0];
	v17 =	vmul.f32 v17, v13;
	[tilespmem:s30+$0xC0] =	vst v23  }
0x4c: {  	v14 =	vmul.f32 v14, v18;
	[tilespmem:s30+$0xFFFFFF10] =	vst v12;
	v12 =	vbroadcast v4, $0x6;
	v23 =	vld [tilespmem:s30+$0x40]  }
0x4d: {  	v27 =	vbroadcast v4, $0xB;
	v7 =	vmul.f32 v7, v16;
	v18 =	vld [tilespmem:s30+$0xFFFFFF20];
	[tilespmem:s30+$0x90] =	vst v21  }
0x4e: {  	v21 =	vbroadcast v4, $0x9;
	[tilespmem:s30+$0xFFFFFF50] =	vst v19;
	v19 =	vld [tilespmem:s30+$0x20];
	v13 =	vmul.f32 v26, v13  }
0x4f: {  	v16 =	vmul.f32 v25, v16;
	v25 =	vld [tilespmem:s30+$0x50];
	v20 =	vmul.f32 v20, v27;
	[tilespmem:s30+$0xD0] =	vst v14  }
0x50: {  	v9 =	vmul.f32 v9, v15;
	v14 =	vbroadcast v4, $0x7;
	v26 =	vld [tilespmem:s30+$0x30];
	[tilespmem:s30+$0xA0] =	vst v13  }
0x51: {  	v10 =	vmul.f32 v10, v12;
	v13 =	vbroadcast v4, $0x3;
	v15 =	vld [tilespmem:s30+$0x0];
	[tilespmem:s30+$0x70] =	vst v20  }
0x52: {  	v11 =	vmul.f32 v11, v27;
	v8 =	vmul.f32 v8, v12;
	v12 =	vld [tilespmem:s30+$0x10];
	[tilespmem:s30+$0x80] =	vst v9  }
0x53: {  	v20 =	vbroadcast v4, $0x8;
	v23 =	vmul.f32 v23, v24;
	v9 =	vld [tilespmem:s30+$0xFFFFFF30];
	[tilespmem:s30+$0xB0] =	vst v17  }
0x54: {  	v17 =	vbroadcast v4, $0x1;
	v27 =	vld [tilespmem:s30+$0xFFFFFF70];
	[tilespmem:s30+$0xFFFFFFD0] =	vst v8;
	v24 =	vmul.f32 v25, v24  }
0x55: {  	v5 =	vmul.f32 v5, v14;
	v8 =	vmul.f32 v22, v14;
	[tilespmem:s30+$0xFFFFFFC0] =	vst v10;
	v10 =	vld [tilespmem:s30+$0xF0]  }
0x56: {  	v22 =	vmul.f32 v26, v21;
	v14 =	vld [tilespmem:s30+$0xFFFFFF80];
	[tilespmem:s30+$0xFFFFFFA0] =	vst v7;
	v15 =	vmul.f32 v15, v20  }
0x57: {  	v7 =	vld [tilespmem:s0+$0xFFFFFFA0];
	[tilespmem:s30+$0xFFFFFFF0] =	vst v5;
	v20 =	vmul.f32 v12, v20;
	v12 =	vmul.f32 v19, v21  }
0x58: {  	v5 =	vmul.f32 v18, v17;
	v17 =	vmul.f32 v9, v17;
	[tilespmem:s30+$0x60] =	vst v11  }
0x59: {  	v2 =	vmul.f32 v2, v13;
	v9 =	vmul.f32 v27, v13;
	[tilespmem:s30+$0xFFFFFFB0] =	vst v16  }
0x5a: {  	v4 =	vbroadcast v4, $0x4;
	[tilespmem:s30+$0xFFFFFF20] =	vst v5;
	v5 =	vmul.f32 v10, v6  }
0x5b: {  	[tilespmem:s30+$0xFFFFFF60] =	vst v2  }
0x5c: {  	v6 =	vmul.f32 v14, v4;
	v2 =	vmul.f32 v3, v4;
	[tilespmem:s30+$0x40] =	vst v23  }
0x5d: {  	[tilespmem:s30+$0xFFFFFFE0] =	vst v8  }
0x5e: {  	[tilespmem:s30+$0xF0] =	vst v5  }
0x5f: {  	[tilespmem:s30+$0xFFFFFF90] =	vst v2  }
0x60: {  	v5 =	vld [tilespmem:s0+$0xFFFFFFF0];
	[tilespmem:s30+$0xFFFFFF70] =	vst v9  }
0x61: {  	v2 =	vld [tilespmem:s0+$0xFFFFFF60];
	[tilespmem:s30+$0x20] =	vst v12  }
0x62: {  	v8 =	vld [tilespmem:s0+$0xFFFFFFD0];
	[tilespmem:s30+$0x30] =	vst v22  }
0x63: {  	v9 =	vld [tilespmem:s0+$0x80];
	[tilespmem:s30+$0xFFFFFF80] =	vst v6  }
0x64: {  	v12 =	vld [tilespmem:s0+$0xFFFFFF10];
	[tilespmem:s30+$0x50] =	vst v24  }
0x65: {  	v16 =	vld [tilespmem:s0+$0xE0];
	[tilespmem:s30+$0x0] =	vst v15  }
0x66: {  	v11 =	vld [tilespmem:s0+$0xFFFFFF40];
	[tilespmem:s30+$0xFFFFFF30] =	vst v17  }
0x67: {  	s4 =	sshra.s32 s4, $0x2;
	v3 =	vld [tilespmem:s0+$0xFFFFFF90];
	[tilespmem:s30+$0x10] =	vst v20;
	s30 =	smov.u32 s0  }
0x68: {  	v4 =	vld [tilespmem:s4+$0x600]  }
0x69: {  	v10 =	vld [tilespmem:s0+$0xFFFFFFC0]  }
0x6a: {  	v13 =	vld [tilespmem:s0+$0xFFFFFF00]  }
0x6b: {  	v14 =	vld [tilespmem:s0+$0xD0]  }
.Ltmp1:
0x6c: {  	v23 =	vld [tilespmem:s0+$0xC0];
	(pc) =	sbr.rel @p0 .LBB2_5-.Ltmp1, $4  }
0x6d: {  	v19 =	vbroadcast v4, $0x0;
	v21 =	vld [tilespmem:s0+$0x90];
	v6 =	vbroadcast v4, $0xF  }
0x6e: {  	v20 =	vbroadcast v4, $0x2;
	v18 =	vbroadcast v4, $0xE;
	v22 =	vld [tilespmem:s0+$0xFFFFFF50]  }
0x6f: {  	v25 =	vmul.f32 v19, v13;
	v13 =	vbroadcast v4, $0xD;
	v17 =	vld [tilespmem:s0+$0xB0]  }
0x70: {  	v15 =	vbroadcast v4, $0xC;
	v24 =	vmul.f32 v11, v20;
	v11 =	vld [tilespmem:s0+$0x60]  }
0x71: {  	[tilespmem:s30+$0xFFFFFF00] =	vst v25;
	v16 =	vmul.f32 v16, v6  }
0x72: {  	v23 =	vmul.f32 v23, v18;
	[tilespmem:s30+$0xFFFFFF40] =	vst v24  }
0x73: {  	v12 =	vmul.f32 v12, v19;
	[tilespmem:s30+$0xE0] =	vst v16  }
0x74: {  	v34 =	vmul.f32 v14, v18;
	[tilespmem:s30+$0xC0] =	vst v23  }
0x75: {  	v32 =	vmul.f32 v21, v15;
	[tilespmem:s30+$0xFFFFFF10] =	vst v12  }
0x76: {  	v40 =	vbroadcast v4, $0x6;
	v9 =	vmul.f32 v9, v15;
	[tilespmem:s30+$0xD0] =	vst v34  }
0x77: {  	v20 =	vmul.f32 v22, v20;
	[tilespmem:s30+$0x90] =	vst v32  }
0x78: {  	v44 =	vbroadcast v4, $0x5;
	v8 =	vmul.f32 v8, v40;
	[tilespmem:s30+$0x80] =	vst v9  }
0x79: {  	v46 =	vbroadcast v4, $0x7;
	v10 =	vmul.f32 v10, v40;
	[tilespmem:s30+$0xFFFFFF50] =	vst v20  }
0x7a: {  	v53 =	vbroadcast v4, $0x3;
	v7 =	vmul.f32 v7, v44;
	[tilespmem:s30+$0xFFFFFFD0] =	vst v8  }
0x7b: {  	v30 =	vld [tilespmem:s30+$0xA0];
	v58 =	vbroadcast v4, $0x4;
	v5 =	vmul.f32 v5, v46;
	[tilespmem:s30+$0xFFFFFFC0] =	vst v10  }
0x7c: {  	v31 =	vld [tilespmem:s30+$0x70];
	v2 =	vmul.f32 v2, v53;
	[tilespmem:s30+$0xFFFFFFA0] =	vst v7  }
0x7d: {  	v33 =	vld [tilespmem:s30+$0xFFFFFFB0];
	v36 =	vbroadcast v4, $0xB;
	v3 =	vmul.f32 v3, v58;
	[tilespmem:s30+$0xFFFFFFF0] =	vst v5  }
0x7e: {  	v35 =	vld [tilespmem:s30+$0xFFFFFF20];
	v42 =	vmul.f32 v17, v13;
	[tilespmem:s30+$0xFFFFFF60] =	vst v2  }
0x7f: {  	v39 =	vld [tilespmem:s30+$0x40];
	v11 =	vmul.f32 v11, v36;
	[tilespmem:s30+$0xFFFFFF90] =	vst v3  }
0x80: {  	v37 =	vld [tilespmem:s30+$0xFFFFFFE0];
	v38 =	vmul.f32 v30, v13;
	[tilespmem:s30+$0xB0] =	vst v42  }
0x81: {  	v51 =	vbroadcast v4, $0x1;
	v54 =	vld [tilespmem:s30+$0xF0];
	v19 =	vmul.f32 v31, v36;
	[tilespmem:s30+$0x60] =	vst v11  }
0x82: {  	v48 =	vld [tilespmem:s30+$0xFFFFFF70];
	v55 =	vbroadcast v4, $0xA;
	v52 =	vmul.f32 v33, v44;
	[tilespmem:s30+$0xA0] =	vst v38  }
0x83: {  	v45 =	vld [tilespmem:s30+$0x30];
	v14 =	vmul.f32 v35, v51;
	[tilespmem:s30+$0x70] =	vst v19  }
0x84: {  	v49 =	vld [tilespmem:s30+$0xFFFFFF80];
	v57 =	vmul.f32 v39, v55;
	[tilespmem:s30+$0xFFFFFFB0] =	vst v52  }
0x85: {  	v43 =	vld [tilespmem:s30+$0x20];
	v9 =	vmul.f32 v37, v46;
	[tilespmem:s30+$0xFFFFFF20] =	vst v14  }
0x86: {  	v56 =	vld [tilespmem:s30+$0xFFFFFF30];
	v59 =	vbroadcast v4, $0x9;
	v2 =	vmul.f32 v54, v6;
	[tilespmem:s30+$0x40] =	vst v57  }
0x87: {  	v41 =	vld [tilespmem:s30+$0x50];
	v60 =	vmul.f32 v48, v53;
	[tilespmem:s30+$0xFFFFFFE0] =	vst v9  }
0x88: {  	v47 =	vld [tilespmem:s30+$0x0];
	v3 =	vmul.f32 v45, v59;
	[tilespmem:s30+$0xF0] =	vst v2  }
0x89: {  	v50 =	vld [tilespmem:s30+$0x10];
	v62 =	vmul.f32 v49, v58;
	[tilespmem:s30+$0xFFFFFF70] =	vst v60  }
0x8a: {  	v2 =	vmul.f32 v43, v59;
	[tilespmem:s30+$0x30] =	vst v3  }
0x8b: {  	v61 =	vbroadcast v4, $0x8;
	v63 =	vmul.f32 v56, v51;
	[tilespmem:s30+$0xFFFFFF80] =	vst v62  }
0x8c: {  	[tilespmem:s30+$0x20] =	vst v2;
	v2 =	vmul.f32 v41, v55  }
0x8d: {  	v3 =	vmul.f32 v47, v61;
	[tilespmem:s30+$0xFFFFFF30] =	vst v63  }
0x8e: {  	[tilespmem:s30+$0x50] =	vst v2;
	v2 =	vmul.f32 v50, v61  }
0x8f: {  	[tilespmem:s30+$0x0] =	vst v3  }
0x90: {  	[tilespmem:s30+$0x10] =	vst v2  }
0x91: {  	[spmem:s2] =	stream.indirect.scatter.add.f32 [tilespmem:s19], [sflag:$0x2], $0x20, s16, s21, $0xb8;
	[tilespmem:$0x1C800] =	vst v63  }
0x92: {  	_ =	swait.ge [sflag:s15], $0x1000  }
0x93: {  	[sflag:s15] =	ssyncset.done $0x0  }
0x94: {  	[sflag:s15] =	ssyncadd.s32 $0xFFFFF000  }
0x95: {  	[spmem:s2] =	stream.indirect.scatter.add.f32 [tilespmem:s23], [sflag:$0x2], $0x20, s22, s21, $0xb8;
	[tilespmem:$0x1C800] =	vst v63  }
0x96: {  	_ =	swait.ge [sflag:s15], $0x1000  }
0x97: {  	[sflag:s15] =	ssyncset.done $0x0  }
0x98: {  	[sflag:s15] =	ssyncadd.s32 $0xFFFFF000  }
0x99: {  	[spmem:s2] =	stream.indirect.scatter.add.f32 [tilespmem:s25], [sflag:$0x2], $0x20, s24, s21, $0xb8;
	[tilespmem:$0x1C800] =	vst v63  }
0x9a: {  	s29 =	sadd.s32 $0x1, s29;
	_ =	swait.ge [sflag:s15], $0x1000  }
0x9b: {  	p0 =	sne.s32 s29, $0x36;
	[sflag:s15] =	ssyncset.done $0x0  }
.Ltmp2:
0x9c: {  	[sflag:s15] =	ssyncadd.s32 $0xFFFFF000;
	(pc) =	sbr.rel @p0 .LBB2_2-.Ltmp2, $4  }
0x9d: {  	[spmem:s2] =	stream.indirect.scatter.add.f32 [tilespmem:s28], [sflag:$0x2], $0x20, s26, s21, $0xb8;
	[tilespmem:$0x1C800] =	vst v63  }
0x9e: {  	_ =	swait.ge [sflag:s15], $0x1000  }
0x9f: {  	[sflag:s15] =	ssyncset.done $0x0  }
0xa0: {  	[sflag:s15] =	ssyncadd.s32 $0xFFFFF000  }
0xa1: {  	[bflag:$0x0] =	sbarrier.arrive $0xFFFF  }
0xa2: {  	s0 =	rddreg [dreg:$0x5]  }
0xa3: {  	[hbm:s0], [sflag:s9] =	dma.local [spmem:s14], $0x3000  }
0xa4: {  	_ =	swait.ge [sflag:s15], $0x3000  }
0xa5: {  	[sflag:s15] =	ssyncset.done $0x0  }
0xa6: {  	[sflag:s15] =	ssyncadd.s32 $0xFFFFD000  }
0xa7: {  	[bflag:$0x0] =	sbarrier.arrive $0xFFFF  }
0xa8: {  	[spmem:s14], [sflag:s9] =	dma.local [hbm:s8], $0x3000  }
0xa9: {  	_ =	swait.ge [sflag:s15], $0x3000  }
0xaa: {  	[sflag:s15] =	ssyncset.done $0x0  }
0xab: {  	[sflag:s15] =	ssyncadd.s32 $0xFFFFD000  }
0xac: {  	s29 =	simm.s32 $0x0;
	s30 =	simm.s32 $0x0;
	[bflag:$0x0] =	sbarrier.arrive $0xFFFF  }
.LBB2_8:
0xad: {  	s0 =	sshll.u32 s30, $0x9  }
0xae: {  	s0 =	sadd.s32 s10, s0  }
0xaf: {  	s0 =	sshrl.u32 s0, $0x3  }
0xb0: {  	s4 =	sadd.s32 s6, s0  }
0xb1: {  	[tilespmem:s29], [sflag:$0x2] =	stream.linear.gather [hbm4b:s4+s29], $0x200, $0x38;
	[tilespmem:$0x1C800] =	vst v63  }
0xb2: {  	_ =	swait.ge [sflag:s15], $0x200  }
0xb3: {  	[sflag:s15] =	ssyncset.done $0x0  }
0xb4: {  	s31 =	sadd.s32 s7, s0;
	[sflag:s15] =	ssyncadd.s32 $0xFFFFFE00  }
0xb5: {  	[tilespmem:s16], [sflag:$0x2] =	stream.linear.gather [hbm4b:s31+s29], $0x200, $0x38;
	[tilespmem:$0x1C800] =	vst v63  }
0xb6: {  	_ =	swait.ge [sflag:s15], $0x200  }
0xb7: {  	[sflag:s15] =	ssyncset.done $0x0  }
0xb8: {  	s0 =	sadd.s32 s1, s0;
	[sflag:s15] =	ssyncadd.s32 $0xFFFFFE00  }
0xb9: {  	[tilespmem:s17], [sflag:$0x2] =	stream.linear.gather [hbm4b:s0+s29], $0x200, $0x38;
	[tilespmem:$0x1C800] =	vst v63  }
0xba: {  	_ =	swait.ge [sflag:s15], $0x200  }
0xbb: {  	[sflag:s15] =	ssyncset.done $0x0  }
0xbc: {  	s0 =	simm.s32 $0x0;
	[sflag:s15] =	ssyncadd.s32 $0xFFFFFE00  }
0xbd: {  	s4 =	simm.s32 $0x40;
	v2 =	vld [tilespmem:s0+$0x0]  }
.LBB2_9:
0xbe: {  	p0 =	sne.s32 s4, $0x7C0  }
.Ltmp3:
0xbf: {  	_ = 	snop;
	(pc) =	sbr.rel @p0 .LBB2_9-.Ltmp3, $3  }
0xc0: {  	_ =	sdelay $0x1  }
0xc1: {  	s11 =	sshra.s32 s4, $0x2;
	s4 =	sadd.s32 $0x40, s4;
	v3 =	vadd.s32 v1, v2  }
0xc2: {  	v2 =	vld [tilespmem:s11+$0x0];
	[tilespmem:s0+$0x200] =	vst v3;
	s0 =	smov.u32 s11  }
0xc3: {  	_ =	sdelay $0x3  }
0xc4: {  	v2 =	vadd.s32 v1, v2  }
0xc5: {  	[tilespmem:s0+$0x200] =	vst v2  }
0xc6: {  	[tilespmem:s19], [sflag:$0x1] =	stream.indirect.gather [hbm4b:s5+s18], $0x20, s18, s18, $0xb8;
	[tilespmem:$0x1C800] =	vst v63  }
0xc7: {  	_ =	swait.ge [sflag:s20], $0x4000  }
0xc8: {  	[sflag:s20] =	ssyncset.done $0x0  }
0xc9: {  	s31 =	simm.s32 $0x900;
	[sflag:s20] =	ssyncadd.s32 $0xFFFFC000  }
0xca: {  	v7 =	vld [tilespmem:s31+$0xFFFFFFA0]  }
0xcb: {  	v5 =	vld [tilespmem:s31+$0xFFFFFFF0]  }
0xcc: {  	v2 =	vld [tilespmem:s31+$0xFFFFFF60]  }
0xcd: {  	v8 =	vld [tilespmem:s31+$0xFFFFFFD0]  }
0xce: {  	v9 =	vld [tilespmem:s31+$0x80]  }
0xcf: {  	v12 =	vld [tilespmem:s31+$0xFFFFFF10]  }
0xd0: {  	v16 =	vld [tilespmem:s31+$0xE0]  }
0xd1: {  	v11 =	vld [tilespmem:s31+$0xFFFFFF40]  }
0xd2: {  	s11 =	simm.s32 $0x0;
	v3 =	vld [tilespmem:s31+$0xFFFFFF90]  }
0xd3: {  	v4 =	vld [tilespmem:s11+$0x600]  }
0xd4: {  	v10 =	vld [tilespmem:s31+$0xFFFFFFC0]  }
0xd5: {  	v13 =	vld [tilespmem:s31+$0xFFFFFF00]  }
0xd6: {  	v14 =	vld [tilespmem:s31+$0xD0]  }
0xd7: {  	v23 =	vld [tilespmem:s31+$0xC0]  }
0xd8: {  	v21 =	vld [tilespmem:s31+$0x90];
	v19 =	vbroadcast v4, $0x0;
	v6 =	vbroadcast v4, $0xF  }
0xd9: {  	v22 =	vld [tilespmem:s31+$0xFFFFFF50];
	v20 =	vbroadcast v4, $0x2;
	v18 =	vbroadcast v4, $0xE  }
0xda: {  	v17 =	vld [tilespmem:s31+$0xB0];
	v15 =	vbroadcast v4, $0xC;
	v25 =	vmul.f32 v19, v13  }
0xdb: {  	s4 =	simm.s32 $0x900;
	s0 =	simm.s32 $0x40;
	v13 =	vbroadcast v4, $0xD;
	v24 =	vmul.f32 v11, v20;
	v11 =	vld [tilespmem:s31+$0x60]  }
.LBB2_11:
0xdc: {  	p0 =	sne.s32 s0, $0x7C0  }
0xdd: {  	[tilespmem:s31+$0xFFFFFF00] =	vst v25;
	v25 =	vld [tilespmem:s31+$0xFFFFFFB0];
	v23 =	vmul.f32 v23, v18;
	v16 =	vmul.f32 v16, v6;
	s4 =	sadd.s32 $0x200, s4;
	s11 =	smov.u32 s0;
	s0 =	sadd.s32 $0x40, s0  }
0xde: {  	[tilespmem:s31+$0xFFFFFF40] =	vst v24;
	v24 =	vbroadcast v4, $0xA;
	v21 =	vmul.f32 v21, v15;
	v26 =	vld [tilespmem:s31+$0xA0]  }
0xdf: {  	v12 =	vmul.f32 v12, v19;
	v19 =	vmul.f32 v22, v20;
	v20 =	vld [tilespmem:s31+$0x70];
	[tilespmem:s31+$0xE0] =	vst v16  }
0xe0: {  	v16 =	vbroadcast v4, $0x5;
	v22 =	vld [tilespmem:s31+$0xFFFFFFE0];
	v17 =	vmul.f32 v17, v13;
	[tilespmem:s31+$0xC0] =	vst v23  }
0xe1: {  	v14 =	vmul.f32 v14, v18;
	[tilespmem:s31+$0xFFFFFF10] =	vst v12;
	v12 =	vbroadcast v4, $0x6;
	v23 =	vld [tilespmem:s31+$0x40]  }
0xe2: {  	v27 =	vbroadcast v4, $0xB;
	v7 =	vmul.f32 v7, v16;
	v18 =	vld [tilespmem:s31+$0xFFFFFF20];
	[tilespmem:s31+$0x90] =	vst v21  }
0xe3: {  	v21 =	vbroadcast v4, $0x9;
	[tilespmem:s31+$0xFFFFFF50] =	vst v19;
	v19 =	vld [tilespmem:s31+$0x20];
	v13 =	vmul.f32 v26, v13  }
0xe4: {  	v16 =	vmul.f32 v25, v16;
	v25 =	vld [tilespmem:s31+$0x50];
	v20 =	vmul.f32 v20, v27;
	[tilespmem:s31+$0xD0] =	vst v14  }
0xe5: {  	v9 =	vmul.f32 v9, v15;
	v14 =	vbroadcast v4, $0x7;
	v26 =	vld [tilespmem:s31+$0x30];
	[tilespmem:s31+$0xA0] =	vst v13  }
0xe6: {  	v10 =	vmul.f32 v10, v12;
	v13 =	vbroadcast v4, $0x3;
	v15 =	vld [tilespmem:s31+$0x0];
	[tilespmem:s31+$0x70] =	vst v20  }
0xe7: {  	v11 =	vmul.f32 v11, v27;
	v8 =	vmul.f32 v8, v12;
	v12 =	vld [tilespmem:s31+$0x10];
	[tilespmem:s31+$0x80] =	vst v9  }
0xe8: {  	v20 =	vbroadcast v4, $0x8;
	v23 =	vmul.f32 v23, v24;
	v9 =	vld [tilespmem:s31+$0xFFFFFF30];
	[tilespmem:s31+$0xB0] =	vst v17  }
0xe9: {  	v17 =	vbroadcast v4, $0x1;
	v27 =	vld [tilespmem:s31+$0xFFFFFF70];
	[tilespmem:s31+$0xFFFFFFD0] =	vst v8;
	v24 =	vmul.f32 v25, v24  }
0xea: {  	v5 =	vmul.f32 v5, v14;
	v8 =	vmul.f32 v22, v14;
	[tilespmem:s31+$0xFFFFFFC0] =	vst v10;
	v10 =	vld [tilespmem:s31+$0xF0]  }
0xeb: {  	v22 =	vmul.f32 v26, v21;
	v14 =	vld [tilespmem:s31+$0xFFFFFF80];
	[tilespmem:s31+$0xFFFFFFA0] =	vst v7;
	v15 =	vmul.f32 v15, v20  }
0xec: {  	v7 =	vld [tilespmem:s4+$0xFFFFFFA0];
	[tilespmem:s31+$0xFFFFFFF0] =	vst v5;
	v20 =	vmul.f32 v12, v20;
	v12 =	vmul.f32 v19, v21  }
0xed: {  	v5 =	vmul.f32 v18, v17;
	v17 =	vmul.f32 v9, v17;
	[tilespmem:s31+$0x60] =	vst v11  }
0xee: {  	v2 =	vmul.f32 v2, v13;
	v9 =	vmul.f32 v27, v13;
	[tilespmem:s31+$0xFFFFFFB0] =	vst v16  }
0xef: {  	v4 =	vbroadcast v4, $0x4;
	[tilespmem:s31+$0xFFFFFF20] =	vst v5;
	v5 =	vmul.f32 v10, v6  }
0xf0: {  	[tilespmem:s31+$0xFFFFFF60] =	vst v2  }
0xf1: {  	v6 =	vmul.f32 v14, v4;
	v2 =	vmul.f32 v3, v4;
	[tilespmem:s31+$0x40] =	vst v23  }
0xf2: {  	[tilespmem:s31+$0xFFFFFFE0] =	vst v8  }
0xf3: {  	[tilespmem:s31+$0xF0] =	vst v5  }
0xf4: {  	[tilespmem:s31+$0xFFFFFF90] =	vst v2  }
0xf5: {  	v5 =	vld [tilespmem:s4+$0xFFFFFFF0];
	[tilespmem:s31+$0xFFFFFF70] =	vst v9  }
0xf6: {  	v2 =	vld [tilespmem:s4+$0xFFFFFF60];
	[tilespmem:s31+$0x20] =	vst v12  }
0xf7: {  	v8 =	vld [tilespmem:s4+$0xFFFFFFD0];
	[tilespmem:s31+$0x30] =	vst v22  }
0xf8: {  	v9 =	vld [tilespmem:s4+$0x80];
	[tilespmem:s31+$0xFFFFFF80] =	vst v6  }
0xf9: {  	v12 =	vld [tilespmem:s4+$0xFFFFFF10];
	[tilespmem:s31+$0x50] =	vst v24  }
0xfa: {  	v16 =	vld [tilespmem:s4+$0xE0];
	[tilespmem:s31+$0x0] =	vst v15  }
0xfb: {  	v11 =	vld [tilespmem:s4+$0xFFFFFF40];
	[tilespmem:s31+$0xFFFFFF30] =	vst v17  }
0xfc: {  	s11 =	sshra.s32 s11, $0x2;
	v3 =	vld [tilespmem:s4+$0xFFFFFF90];
	[tilespmem:s31+$0x10] =	vst v20;
	s31 =	smov.u32 s4  }
0xfd: {  	v4 =	vld [tilespmem:s11+$0x600]  }
0xfe: {  	v10 =	vld [tilespmem:s4+$0xFFFFFFC0]  }
0xff: {  	v13 =	vld [tilespmem:s4+$0xFFFFFF00]  }
0x100: {  	v14 =	vld [tilespmem:s4+$0xD0]  }
.Ltmp4:
0x101: {  	v23 =	vld [tilespmem:s4+$0xC0];
	(pc) =	sbr.rel @p0 .LBB2_11-.Ltmp4, $4  }
0x102: {  	v19 =	vbroadcast v4, $0x0;
	v21 =	vld [tilespmem:s4+$0x90];
	v6 =	vbroadcast v4, $0xF  }
0x103: {  	v20 =	vbroadcast v4, $0x2;
	v18 =	vbroadcast v4, $0xE;
	v22 =	vld [tilespmem:s4+$0xFFFFFF50]  }
0x104: {  	v25 =	vmul.f32 v19, v13;
	v13 =	vbroadcast v4, $0xD;
	v17 =	vld [tilespmem:s4+$0xB0]  }
0x105: {  	v15 =	vbroadcast v4, $0xC;
	v24 =	vmul.f32 v11, v20;
	v11 =	vld [tilespmem:s4+$0x60]  }
0x106: {  	[tilespmem:s31+$0xFFFFFF00] =	vst v25;
	v16 =	vmul.f32 v16, v6  }
0x107: {  	v23 =	vmul.f32 v23, v18;
	[tilespmem:s31+$0xFFFFFF40] =	vst v24  }
0x108: {  	v12 =	vmul.f32 v12, v19;
	[tilespmem:s31+$0xE0] =	vst v16  }
0x109: {  	v34 =	vmul.f32 v14, v18;
	[tilespmem:s31+$0xC0] =	vst v23  }
0x10a: {  	v32 =	vmul.f32 v21, v15;
	[tilespmem:s31+$0xFFFFFF10] =	vst v12  }
0x10b: {  	v40 =	vbroadcast v4, $0x6;
	v9 =	vmul.f32 v9, v15;
	[tilespmem:s31+$0xD0] =	vst v34  }
0x10c: {  	v20 =	vmul.f32 v22, v20;
	[tilespmem:s31+$0x90] =	vst v32  }
0x10d: {  	v44 =	vbroadcast v4, $0x5;
	v8 =	vmul.f32 v8, v40;
	[tilespmem:s31+$0x80] =	vst v9  }
0x10e: {  	v46 =	vbroadcast v4, $0x7;
	v10 =	vmul.f32 v10, v40;
	[tilespmem:s31+$0xFFFFFF50] =	vst v20  }
0x10f: {  	v53 =	vbroadcast v4, $0x3;
	v7 =	vmul.f32 v7, v44;
	[tilespmem:s31+$0xFFFFFFD0] =	vst v8  }
0x110: {  	v30 =	vld [tilespmem:s31+$0xA0];
	v58 =	vbroadcast v4, $0x4;
	v5 =	vmul.f32 v5, v46;
	[tilespmem:s31+$0xFFFFFFC0] =	vst v10  }
0x111: {  	v31 =	vld [tilespmem:s31+$0x70];
	v2 =	vmul.f32 v2, v53;
	[tilespmem:s31+$0xFFFFFFA0] =	vst v7  }
0x112: {  	v33 =	vld [tilespmem:s31+$0xFFFFFFB0];
	v36 =	vbroadcast v4, $0xB;
	v3 =	vmul.f32 v3, v58;
	[tilespmem:s31+$0xFFFFFFF0] =	vst v5  }
0x113: {  	v35 =	vld [tilespmem:s31+$0xFFFFFF20];
	v42 =	vmul.f32 v17, v13;
	[tilespmem:s31+$0xFFFFFF60] =	vst v2  }
0x114: {  	v39 =	vld [tilespmem:s31+$0x40];
	v11 =	vmul.f32 v11, v36;
	[tilespmem:s31+$0xFFFFFF90] =	vst v3  }
0x115: {  	v37 =	vld [tilespmem:s31+$0xFFFFFFE0];
	v38 =	vmul.f32 v30, v13;
	[tilespmem:s31+$0xB0] =	vst v42  }
0x116: {  	v51 =	vbroadcast v4, $0x1;
	v54 =	vld [tilespmem:s31+$0xF0];
	v19 =	vmul.f32 v31, v36;
	[tilespmem:s31+$0x60] =	vst v11  }
0x117: {  	v48 =	vld [tilespmem:s31+$0xFFFFFF70];
	v55 =	vbroadcast v4, $0xA;
	v52 =	vmul.f32 v33, v44;
	[tilespmem:s31+$0xA0] =	vst v38  }
0x118: {  	v45 =	vld [tilespmem:s31+$0x30];
	v14 =	vmul.f32 v35, v51;
	[tilespmem:s31+$0x70] =	vst v19  }
0x119: {  	v49 =	vld [tilespmem:s31+$0xFFFFFF80];
	v57 =	vmul.f32 v39, v55;
	[tilespmem:s31+$0xFFFFFFB0] =	vst v52  }
0x11a: {  	v43 =	vld [tilespmem:s31+$0x20];
	v9 =	vmul.f32 v37, v46;
	[tilespmem:s31+$0xFFFFFF20] =	vst v14  }
0x11b: {  	v56 =	vld [tilespmem:s31+$0xFFFFFF30];
	v59 =	vbroadcast v4, $0x9;
	v2 =	vmul.f32 v54, v6;
	[tilespmem:s31+$0x40] =	vst v57  }
0x11c: {  	v41 =	vld [tilespmem:s31+$0x50];
	v60 =	vmul.f32 v48, v53;
	[tilespmem:s31+$0xFFFFFFE0] =	vst v9  }
0x11d: {  	v47 =	vld [tilespmem:s31+$0x0];
	v3 =	vmul.f32 v45, v59;
	[tilespmem:s31+$0xF0] =	vst v2  }
0x11e: {  	v50 =	vld [tilespmem:s31+$0x10];
	v62 =	vmul.f32 v49, v58;
	[tilespmem:s31+$0xFFFFFF70] =	vst v60  }
0x11f: {  	v2 =	vmul.f32 v43, v59;
	[tilespmem:s31+$0x30] =	vst v3  }
0x120: {  	v61 =	vbroadcast v4, $0x8;
	v63 =	vmul.f32 v56, v51;
	[tilespmem:s31+$0xFFFFFF80] =	vst v62  }
0x121: {  	[tilespmem:s31+$0x20] =	vst v2;
	v2 =	vmul.f32 v41, v55  }
0x122: {  	v3 =	vmul.f32 v47, v61;
	[tilespmem:s31+$0xFFFFFF30] =	vst v63  }
0x123: {  	[tilespmem:s31+$0x50] =	vst v2;
	v2 =	vmul.f32 v50, v61  }
0x124: {  	[tilespmem:s31+$0x0] =	vst v3  }
0x125: {  	[tilespmem:s31+$0x10] =	vst v2  }
0x126: {  	[spmem:s2] =	stream.indirect.scatter.add.f32 [tilespmem:s19], [sflag:$0x2], $0x20, s16, s21, $0xb8;
	[tilespmem:$0x1C800] =	vst v63  }
0x127: {  	_ =	swait.ge [sflag:s15], $0x1000  }
0x128: {  	[sflag:s15] =	ssyncset.done $0x0  }
0x129: {  	[sflag:s15] =	ssyncadd.s32 $0xFFFFF000  }
0x12a: {  	[spmem:s2] =	stream.indirect.scatter.add.f32 [tilespmem:s23], [sflag:$0x2], $0x20, s22, s21, $0xb8;
	[tilespmem:$0x1C800] =	vst v63  }
0x12b: {  	_ =	swait.ge [sflag:s15], $0x1000  }
0x12c: {  	[sflag:s15] =	ssyncset.done $0x0  }
0x12d: {  	[sflag:s15] =	ssyncadd.s32 $0xFFFFF000  }
0x12e: {  	[spmem:s2] =	stream.indirect.scatter.add.f32 [tilespmem:s25], [sflag:$0x2], $0x20, s24, s21, $0xb8;
	[tilespmem:$0x1C800] =	vst v63  }
0x12f: {  	s30 =	sadd.s32 $0x1, s30;
	_ =	swait.ge [sflag:s15], $0x1000  }
0x130: {  	p0 =	sne.s32 s30, $0x36;
	[sflag:s15] =	ssyncset.done $0x0  }
.Ltmp5:
0x131: {  	[sflag:s15] =	ssyncadd.s32 $0xFFFFF000;
	(pc) =	sbr.rel @p0 .LBB2_8-.Ltmp5, $4  }
0x132: {  	[spmem:s2] =	stream.indirect.scatter.add.f32 [tilespmem:s28], [sflag:$0x2], $0x20, s26, s21, $0xb8;
	[tilespmem:$0x1C800] =	vst v63  }
0x133: {  	_ =	swait.ge [sflag:s15], $0x1000  }
0x134: {  	[sflag:s15] =	ssyncset.done $0x0  }
0x135: {  	[sflag:s15] =	ssyncadd.s32 $0xFFFFF000  }
0x136: {  	[bflag:$0x0] =	sbarrier.arrive $0xFFFF;
	s3 =	sadd.s32 $0x1, s3  }
0x137: {  	[hbm:s12], [sflag:s9] =	dma.local [spmem:s14], $0x3000  }
0x138: {  	p0 =	sne.s32 s3, s13  }
.Ltmp6:
0x139: {  	_ =	swait.ge [sflag:s15], $0x3000;
	(pc) =	sbr.rel @p0 .LBB2_1-.Ltmp6, $3  }
0x13a: {  	[sflag:s15] =	ssyncset.done $0x0  }
0x13b: {  	[sflag:s15] =	ssyncadd.s32 $0xFFFFD000  }
0x13c: {  	[bflag:$0x0] =	sbarrier.arrive $0xFFFF;
	_ =	sdelay $0x1  }
0x13d: {  	_ =	sfence.sel $0x180000  }
0x13e: {  	[bflag:$0x0] =	sbarrier.arrive $0xFFFF  }
0x13f: {  	_ =	strace $0x9000004A  }
0x140: {  	s0 =	stileid.u32;
	[bflag:$0x2] =	sbarrier.arrive $0xFFFF  }
0x141: {  	p0 =	sne.s32 s0, $0x0;
	s0 =	rddreg [dreg:$0x4]  }
0x142: {  	s0 =	sadd.s32 @!p0 $0x100000, s0  }
0x143: {  	[sflag:s0] =	ssyncadd.tile.s32 @!p0 $0x1;
	_ =	shalt  }
.Lfunc_end2:
_tile_overlayer_lowered:
.L_overlay_start_2:
0x144: {  	(tag) =	ssettag $0x2  }
0x145: {  	s0 =	rddreg [dreg:$0x0];
	s2 =	stileid.u32  }
0x146: {  	s1 =	rddreg [dreg:$0x1];
	p0 =	sne.s32 s2, $0x0  }
0x147: {  	s3 =	rddreg [dreg:$0x2];
	[bflag:$0x3] =	sbarrier.arrive $0xFFFF;
	s2 =	simm.s32 @!p0 $0x1C02  }
0x148: {  	[timem:s3], [sflag:s2] =	dma.local @!p0 [hbm:s0], s1  }
0x149: {  	s0 =	simm.s32 @!p0 $0x2  }
0x14a: {  	_ =	swait.ge @!p0 [sflag:s0], s1  }
0x14b: {  	s1 =	ssub.s32 @!p0 $0x0, s1;
	[sflag:s0] =	ssyncset.done @!p0 $0x0  }
0x14c: {  	[sflag:s0] =	ssyncadd.s32 @!p0 s1  }
0x14d: {  	[bflag:$0x3] =	sbarrier.arrive $0xFFFF  }
0x14e: {  	_ =	shalt  }

</sc_bundles>
